<compile_context>
chip_gen: v7x
topology: tpu7x:2x2x1
jax: 0.10.2.dev20260603
libtpu: 0.0.44.dev20260713+nightly
codegen_flags: <defaults>
</compile_context>

<pallas_src>
import functools

import jax
import jax.numpy as jnp
from jax import lax
from jax.experimental import pallas as pl
from jax.experimental.pallas import tpu as pltpu
from jax.experimental.pallas import tpu_sc as plsc

N = 10000
E = 320000
D = 128

NC = 2
NS = 16
NW = NC * NS

N_PAD = 10240
E_PAD = 327680
E_CHUNKS = E_PAD // 64
CH_PER_TILE = E_PAD // NC // NS // 64
NODES_PER_TILE = N_PAD // NS

_mesh = plsc.VectorSubcoreMesh(core_axis_name="c", subcore_axis_name="s",
                               num_cores=NC, num_subcores=NS)
_sc_params = pltpu.CompilerParams(use_tc_tiling_on_sc=False)


@functools.partial(
    pl.kernel,
    out_type=jax.ShapeDtypeStruct((NC, N_PAD), jnp.float32),
    mesh=_mesh,
    scratch_types=[
        pltpu.VMEM((4, 64), jnp.int32),
        pltpu.VMEM((64,), jnp.float32),
        pltpu.VMEM((NODES_PER_TILE,), jnp.float32),
        pltpu.SemaphoreType.DMA,
        pltpu.SemaphoreType.DMA,
        pltpu.SemaphoreType.DMA,
        pltpu.SemaphoreType.DMA,
        pltpu.SemaphoreType.DMA,
        pltpu.SemaphoreType.DMA,
        pltpu.SemaphoreType.DMA,
        pltpu.SemaphoreType.DMA,
        pltpu.VMEM_SHARED((N_PAD,), jnp.float32),
    ],
    compiler_params=_sc_params,
)
def _sc_deg(dst2d, degp_out, idx_v, ones_v, buf_v,
            g0, g1, g2, g3, s0, s1, s2, s3, deg_sh):
    c = lax.axis_index("c")
    s = lax.axis_index("s")
    gs = (g0, g1, g2, g3)
    ss = (s0, s1, s2, s3)

    def fill_ones(i, _):
        ones_v[pl.ds(i * 16, 16)] = jnp.full((16,), 1.0, jnp.float32)
        return 0
    lax.fori_loop(0, 4, fill_ones, 0)

    def fill_half(i, _):
        buf_v[pl.ds(i * 16, 16)] = jnp.full((16,), 0.5, jnp.float32)
        return 0
    lax.fori_loop(0, NODES_PER_TILE // 16, fill_half, 0)
    pltpu.sync_copy(buf_v, deg_sh.at[pl.ds(s * NODES_PER_TILE, NODES_PER_TILE)])
    plsc.subcore_barrier()

    base = c * (NS * CH_PER_TILE) + s * CH_PER_TILE

    def iload(j, k):
        pltpu.async_copy(dst2d.at[base + j], idx_v.at[k], gs[k])

    def iwait(k):
        pltpu.make_async_copy(dst2d.at[base], idx_v.at[k], gs[k]).wait()

    def scat(k):
        pltpu.async_copy(ones_v, deg_sh.at[idx_v.at[k]], ss[k], add=True)

    def swaitd(k):
        pltpu.make_async_copy(ones_v, deg_sh.at[idx_v.at[k]], ss[k]).wait()

    for k in range(4):
        iload(k, k)

    def grp(g, _):
        j0 = 4 * g
        for k in range(4):
            iwait(k)
            scat(k)
        for k in range(4):
            swaitd(k)
            iload(j0 + 4 + k, k)
        return 0
    lax.fori_loop(0, CH_PER_TILE // 4 - 1, grp, 0)

    for k in range(4):
        iwait(k)
        scat(k)
    for k in range(4):
        swaitd(k)
    plsc.subcore_barrier()

    pltpu.sync_copy(deg_sh.at[pl.ds(s * NODES_PER_TILE, NODES_PER_TILE)], buf_v)
    pltpu.sync_copy(buf_v, degp_out.at[c, pl.ds(s * NODES_PER_TILE, NODES_PER_TILE)])


def _agg_pass(tab, out_slot, c, s, src_v, dst_v, bufs, zbuf, gs, ss, acc_sh):
    nbase = s * NODES_PER_TILE

    def zcopy(k, _):
        pltpu.sync_copy(zbuf, acc_sh.at[pl.ds(nbase + k * 128, 128)])
        return 0
    lax.fori_loop(0, NODES_PER_TILE // 128, zcopy, 0)
    plsc.subcore_barrier()

    def gather(j, k):
        pltpu.async_copy(tab.at[src_v.at[j]], bufs.at[k], gs[k])

    def gwait(k):
        pltpu.make_async_copy(tab.at[src_v.at[0]], bufs.at[k], gs[k]).wait()

    def scatter(j, k):
        pltpu.async_copy(bufs.at[k], acc_sh.at[dst_v.at[j]], ss[k], add=True)

    def swait(k):
        pltpu.make_async_copy(bufs.at[k], acc_sh.at[dst_v.at[0]], ss[k]).wait()

    for k in range(4):
        gather(k, k)

    def grp(g, _):
        j0 = 4 * g
        for k in range(4):
            gwait(k)
            scatter(j0 + k, k)
        for k in range(4):
            swait(k)
            gather(j0 + 4 + k, k)
        return 0
    lax.fori_loop(0, CH_PER_TILE // 4 - 1, grp, 0)

    j0 = CH_PER_TILE - 4
    for k in range(4):
        gwait(k)
        scatter(j0 + k, k)
    for k in range(4):
        swait(k)

    plsc.subcore_barrier()

    def wb(k, _):
        pltpu.sync_copy(acc_sh.at[pl.ds(nbase + k * 64, 64)], bufs.at[0])
        pltpu.sync_copy(bufs.at[0], out_slot.at[pl.ds(nbase + k * 64, 64)])
        return 0
    lax.fori_loop(0, NODES_PER_TILE // 64, wb, 0)


_AGG_SCRATCH = [
    pltpu.VMEM((CH_PER_TILE, 64), jnp.int32),
    pltpu.VMEM((CH_PER_TILE, 64), jnp.int32),
    pltpu.VMEM((4, 64, D), jnp.bfloat16),
    pltpu.VMEM((128, D), jnp.bfloat16),
    pltpu.SemaphoreType.DMA,
    pltpu.SemaphoreType.DMA,
    pltpu.SemaphoreType.DMA,
    pltpu.SemaphoreType.DMA,
    pltpu.SemaphoreType.DMA,
    pltpu.SemaphoreType.DMA,
    pltpu.SemaphoreType.DMA,
    pltpu.SemaphoreType.DMA,
    pltpu.VMEM_SHARED((N_PAD, D), jnp.bfloat16),
]


def _agg_prologue(c, s, src2d, dst2d, src_v, dst_v, zbuf):
    def zfill(i, _):
        for jj in range(D // 32):
            zbuf[i, pl.ds(jj * 32, 32)] = jnp.zeros((32,), jnp.bfloat16)
        return 0
    lax.fori_loop(0, 128, zfill, 0)

    ebase = c * (NS * CH_PER_TILE) + s * CH_PER_TILE
    pltpu.sync_copy(src2d.at[pl.ds(ebase, CH_PER_TILE)], src_v)
    pltpu.sync_copy(dst2d.at[pl.ds(ebase, CH_PER_TILE)], dst_v)


@functools.partial(
    pl.kernel,
    out_type=jax.ShapeDtypeStruct((NC, N_PAD, D), jnp.bfloat16),
    mesh=_mesh,
    scratch_types=_AGG_SCRATCH,
    compiler_params=_sc_params,
)
def _sc_agg1(tab, src2d, dst2d, out, src_v, dst_v, bufs, zbuf,
             g0, g1, g2, g3, s0, s1, s2, s3, acc_sh):
    c = lax.axis_index("c")
    s = lax.axis_index("s")
    _agg_prologue(c, s, src2d, dst2d, src_v, dst_v, zbuf)
    _agg_pass(tab, out.at[c], c, s, src_v, dst_v, bufs, zbuf,
              (g0, g1, g2, g3), (s0, s1, s2, s3), acc_sh)


@functools.partial(
    pl.kernel,
    out_type=jax.ShapeDtypeStruct((NC, 2, N_PAD, D), jnp.bfloat16),
    mesh=_mesh,
    scratch_types=_AGG_SCRATCH,
    compiler_params=_sc_params,
)
def _sc_agg2(taba, tabb, src2d, dst2d, out, src_v, dst_v, bufs, zbuf,
             g0, g1, g2, g3, s0, s1, s2, s3, acc_sh):
    c = lax.axis_index("c")
    s = lax.axis_index("s")
    _agg_prologue(c, s, src2d, dst2d, src_v, dst_v, zbuf)
    for half, tab in ((0, taba), (1, tabb)):
        _agg_pass(tab, out.at[c, half], c, s, src_v, dst_v, bufs, zbuf,
                  (g0, g1, g2, g3), (s0, s1, s2, s3), acc_sh)


_BM = 512
_GRID = N_PAD // _BM


def _f32(x):
    return x.astype(jnp.float32)


def _tc_prep_body(degt_ref, x_ref, dis_ref, t1_ref):
    deg = degt_ref[:, 0:1] + degt_ref[:, 1:2]
    dis = lax.rsqrt(deg)
    dis_ref[...] = dis
    t1_ref[...] = (x_ref[...] * dis).astype(jnp.bfloat16)


def _tc_prep(degt, x_pad):
    return pl.pallas_call(
        _tc_prep_body,
        grid=(_GRID,),
        in_specs=[
            pl.BlockSpec((_BM, 2), lambda m: (m, 0)),
            pl.BlockSpec((_BM, D), lambda m: (m, 0)),
        ],
        out_specs=[
            pl.BlockSpec((_BM, 1), lambda m: (m, 0)),
            pl.BlockSpec((_BM, D), lambda m: (m, 0)),
        ],
        out_shape=[
            jax.ShapeDtypeStruct((N_PAD, 1), jnp.float32),
            jax.ShapeDtypeStruct((N_PAD, D), jnp.bfloat16),
        ],
    )(degt, x_pad)


def _tc_layer1_body(p_ref, t1_ref, dis_ref, w1_ref, b1_ref, t2a_ref, t2b_ref):
    dis = dis_ref[...]
    u = (_f32(p_ref[0]) + _f32(p_ref[1]) + _f32(t1_ref[...])) * dis
    h = jnp.dot(u, w1_ref[...], preferred_element_type=jnp.float32) + b1_ref[...]
    h = jnp.maximum(h, 0.0)
    t2a_ref[...] = (h[:, :D] * dis).astype(jnp.bfloat16)
    t2b_ref[...] = (h[:, D:] * dis).astype(jnp.bfloat16)


def _tc_layer1(p, t1, dis, w1, b1):
    hspec = pl.BlockSpec((_BM, D), lambda m: (m, 0))
    hshape = jax.ShapeDtypeStruct((N_PAD, D), jnp.bfloat16)
    return pl.pallas_call(
        _tc_layer1_body,
        grid=(_GRID,),
        in_specs=[
            pl.BlockSpec((NC, _BM, D), lambda m: (0, m, 0)),
            hspec,
            pl.BlockSpec((_BM, 1), lambda m: (m, 0)),
            pl.BlockSpec((D, 2 * D), lambda m: (0, 0)),
            pl.BlockSpec((1, 2 * D), lambda m: (0, 0)),
        ],
        out_specs=[hspec, hspec],
        out_shape=[hshape, hshape],
    )(p, t1, dis, w1, b1)


def _tc_out_body(q_ref, t2a_ref, t2b_ref, dis_ref,
                 wmu_ref, bmu_ref, wls_ref, bls_ref, mu_ref, ls_ref):
    dis = dis_ref[...]
    va = (_f32(q_ref[0, 0]) + _f32(q_ref[1, 0]) + _f32(t2a_ref[...])) * dis
    vb = (_f32(q_ref[0, 1]) + _f32(q_ref[1, 1]) + _f32(t2b_ref[...])) * dis

    def mm(w_ref, b_ref):
        return (jnp.dot(va, w_ref[0], preferred_element_type=jnp.float32)
                + jnp.dot(vb, w_ref[1], preferred_element_type=jnp.float32)
                + b_ref[...])

    mu_ref[...] = mm(wmu_ref, bmu_ref)
    ls_ref[...] = mm(wls_ref, bls_ref)


def _tc_out(q, t2a, t2b, dis, wmu, bmu, wls, bls):
    hspec = pl.BlockSpec((_BM, D), lambda m: (m, 0))
    wspec = pl.BlockSpec((2, D, D), lambda m: (0, 0, 0))
    bspec = pl.BlockSpec((1, D), lambda m: (0, 0))
    return pl.pallas_call(
        _tc_out_body,
        grid=(_GRID,),
        in_specs=[
            pl.BlockSpec((NC, 2, _BM, D), lambda m: (0, 0, m, 0)),
            hspec,
            hspec,
            pl.BlockSpec((_BM, 1), lambda m: (m, 0)),
            wspec, bspec, wspec, bspec,
        ],
        out_specs=[hspec, hspec],
        out_shape=[
            jax.ShapeDtypeStruct((N_PAD, D), jnp.float32),
            jax.ShapeDtypeStruct((N_PAD, D), jnp.float32),
        ],
    )(q, t2a, t2b, dis, wmu, bmu, wls, bls)


def kernel(x, edge_index, W1, b1, Wmu, bmu, Wls, bls):
    src = edge_index[0]
    dst = edge_index[1]
    pad = E_PAD - E
    src_pad = jnp.concatenate([src, jnp.zeros((pad,), jnp.int32)])
    dst_pad = jnp.concatenate([dst, jnp.full((pad,), N, jnp.int32)])
    src2d = src_pad.reshape(E_CHUNKS, 64)
    dst2d = dst_pad.reshape(E_CHUNKS, 64)
    x_pad = jnp.concatenate([x, jnp.zeros((N_PAD - N, D), x.dtype)])

    degp = _sc_deg(dst2d)
    dis, t1 = _tc_prep(degp.T, x_pad)

    p = _sc_agg1(t1, src2d, dst2d)
    t2a, t2b = _tc_layer1(p, t1, dis, W1, b1.reshape(1, 2 * D))

    q = _sc_agg2(t2a, t2b, src2d, dst2d)
    mu, ls = _tc_out(q, t2a, t2b, dis,
                     Wmu.reshape(2, D, D), bmu.reshape(1, D),
                     Wls.reshape(2, D, D), bls.reshape(1, D))
    return (mu[:N], ls[:N])

# --- scband reference (transcript-rebuilt; emitter-appended) ---
"""Pipeline reference for scband-variational-gcnencoder-46445776338975 (READ-ONLY COPY).

The authoritative reference and input builder live on the scoring server;
editing this copy changes nothing except your own understanding.
"""

import jax, jax.numpy as jnp
import numpy as np

N = 10000
E = 320000
D_IN = 128
D_OUT = 128
D_HID = 2 * D_OUT


def setup_inputs(seed: int = 0) -> dict:
    key = jax.random.key(seed)
    ks = jax.random.split(key, 8)
    x = jax.random.normal(ks[0], (N, D_IN), dtype=jnp.float32)
    edge_index = jax.random.randint(ks[1], (2, E), 0, N, dtype=jnp.int32)
    W1 = jax.random.normal(ks[2], (D_IN, D_HID), dtype=jnp.float32) * (1.0 / np.sqrt(D_IN))
    b1 = jnp.zeros((D_HID,), dtype=jnp.float32)
    Wmu = jax.random.normal(ks[3], (D_HID, D_OUT), dtype=jnp.float32) * (1.0 / np.sqrt(D_HID))
    bmu = jnp.zeros((D_OUT,), dtype=jnp.float32)
    Wls = jax.random.normal(ks[4], (D_HID, D_OUT), dtype=jnp.float32) * (1.0 / np.sqrt(D_HID))
    bls = jnp.zeros((D_OUT,), dtype=jnp.float32)
    return {"x": x, "edge_index": edge_index, "W1": W1, "b1": b1,
            "Wmu": Wmu, "bmu": bmu, "Wls": Wls, "bls": bls}


def _gcn_conv(x, W, b, src, dst):
    # Faithful PyG GCNConv: add self-loops, symmetric normalization, linear, scatter-add, bias.
    n = x.shape[0]
    loop = jnp.arange(n, dtype=src.dtype)
    s = jnp.concatenate([src, loop])
    d = jnp.concatenate([dst, loop])
    ew = jnp.ones(s.shape[0], dtype=x.dtype)
    deg = jnp.zeros((n,), dtype=x.dtype).at[d].add(ew)
    deg_inv_sqrt = jnp.where(deg > 0, deg ** -0.5, 0.0)
    norm = deg_inv_sqrt[s] * deg_inv_sqrt[d]
    h = x @ W
    msg = h[s] * norm[:, None]
    out = jax.ops.segment_sum(msg, d, num_segments=n)
    return out + b


def reference(x, edge_index, W1, b1, Wmu, bmu, Wls, bls):
    src = edge_index[0]
    dst = edge_index[1]
    h = jax.nn.relu(_gcn_conv(x, W1, b1, src, dst))
    mu = _gcn_conv(h, Wmu, bmu, src, dst)
    logstd = _gcn_conv(h, Wls, bls, src, dst)
    return (mu, logstd)

if __name__ == "__main__":
    import jax
    _d = setup_inputs()
    print(jax.jit(kernel)(*tuple(_d.values())))

</pallas_src>

<mosaic_0001>
#map = affine_map<(d0, d1) -> (0, 0)>
#map1 = affine_map<(d0, d1) -> (0, 0, 0)>
module attributes {stable_mosaic.version = 14 : i64} {
  func.func @_sc_agg1(%arg0: i32, %arg1: i32, %arg2: memref<10240x128xbf16, #tpu.memory_space<hbm>>, %arg3: memref<5120x64xi32, #tpu.memory_space<hbm>>, %arg4: memref<5120x64xi32, #tpu.memory_space<hbm>>, %arg5: memref<2x10240x128xbf16, #tpu.memory_space<hbm>>, %arg6: memref<160x64xi32, #tpu.memory_space<vmem>>, %arg7: memref<160x64xi32, #tpu.memory_space<vmem>>, %arg8: memref<4x64x128xbf16, #tpu.memory_space<vmem>>, %arg9: memref<128x128xbf16, #tpu.memory_space<vmem>>, %arg10: memref<!tpu.dma_semaphore, #tpu.memory_space<semaphore_mem>>, %arg11: memref<!tpu.dma_semaphore, #tpu.memory_space<semaphore_mem>>, %arg12: memref<!tpu.dma_semaphore, #tpu.memory_space<semaphore_mem>>, %arg13: memref<!tpu.dma_semaphore, #tpu.memory_space<semaphore_mem>>, %arg14: memref<!tpu.dma_semaphore, #tpu.memory_space<semaphore_mem>>, %arg15: memref<!tpu.dma_semaphore, #tpu.memory_space<semaphore_mem>>, %arg16: memref<!tpu.dma_semaphore, #tpu.memory_space<semaphore_mem>>, %arg17: memref<!tpu.dma_semaphore, #tpu.memory_space<semaphore_mem>>, %arg18: memref<10240x128xbf16, #tpu.memory_space<vmem_shared>>) attributes {dimension_semantics = [#tpu.dimension_semantics<core_parallel>, #tpu.dimension_semantics<subcore_parallel>], iteration_bounds = array<i64: 2, 16>, scalar_prefetch = 0 : i64, scratch_operands = 13 : i64, tpu.core_type = #tpu.core_type<sc_vector_subcore>, window_params = [{transform_indices = #map}, {transform_indices = #map}, {transform_indices = #map}, {transform_indices = #map1}]} {
    %scan3A = arith.constant 0 : i32
    %scan3A_0 = arith.constant 0 : i32
    %scan3A_1 = arith.constant 128 : i32
    %scan3A_2 = arith.addi %scan3A_0, %scan3A_1 : i32
    %scan3A_3 = arith.constant 1 : i32
    %scan3A_4 = scf.for %scan3A_223 = %scan3A_0 to %scan3A_2 step %scan3A_3 iter_args(%scan3A_224 = %scan3A) -> (i32)  : i32 {
      %broadcast_in_dim3A = arith.constant 0.000000e+00 : bf16
      %broadcast_in_dim3A_225 = vector.broadcast %broadcast_in_dim3A : bf16 to vector<32xbf16>
      %swap3A = arith.index_cast %scan3A_223 : i32 to index
      %swap3A_226 = arith.constant 0 : index
      %swap3A_227 = tpu.vector_load %arg9[%swap3A, %swap3A_226] {strides = array<i32>} : memref<128x128xbf16, #tpu.memory_space<vmem>>, vector<1x32xbf16>,
      %swap3A_228 = vector.shape_cast %swap3A_227 : vector<1x32xbf16> to vector<32xbf16>
      %swap3A_229 = vector.shape_cast %broadcast_in_dim3A_225 : vector<32xbf16> to vector<1x32xbf16>
      tpu.vector_store %arg9[%swap3A, %swap3A_226], %swap3A_229 {strides = array<i32>} : memref<128x128xbf16, #tpu.memory_space<vmem>>, vector<1x32xbf16>,
      %broadcast_in_dim3A_230 = arith.constant 0.000000e+00 : bf16
      %broadcast_in_dim3A_231 = vector.broadcast %broadcast_in_dim3A_230 : bf16 to vector<32xbf16>
      %swap3A_232 = arith.index_cast %scan3A_223 : i32 to index
      %swap3A_233 = arith.constant 32 : index
      %swap3A_234 = tpu.vector_load %arg9[%swap3A_232, %swap3A_233] {strides = array<i32>} : memref<128x128xbf16, #tpu.memory_space<vmem>>, vector<1x32xbf16>,
      %swap3A_235 = vector.shape_cast %swap3A_234 : vector<1x32xbf16> to vector<32xbf16>
      %swap3A_236 = vector.shape_cast %broadcast_in_dim3A_231 : vector<32xbf16> to vector<1x32xbf16>
      tpu.vector_store %arg9[%swap3A_232, %swap3A_233], %swap3A_236 {strides = array<i32>} : memref<128x128xbf16, #tpu.memory_space<vmem>>, vector<1x32xbf16>,
      %broadcast_in_dim3A_237 = arith.constant 0.000000e+00 : bf16
      %broadcast_in_dim3A_238 = vector.broadcast %broadcast_in_dim3A_237 : bf16 to vector<32xbf16>
      %swap3A_239 = arith.index_cast %scan3A_223 : i32 to index
      %swap3A_240 = arith.constant 64 : index
      %swap3A_241 = tpu.vector_load %arg9[%swap3A_239, %swap3A_240] {strides = array<i32>} : memref<128x128xbf16, #tpu.memory_space<vmem>>, vector<1x32xbf16>,
      %swap3A_242 = vector.shape_cast %swap3A_241 : vector<1x32xbf16> to vector<32xbf16>
      %swap3A_243 = vector.shape_cast %broadcast_in_dim3A_238 : vector<32xbf16> to vector<1x32xbf16>
      tpu.vector_store %arg9[%swap3A_239, %swap3A_240], %swap3A_243 {strides = array<i32>} : memref<128x128xbf16, #tpu.memory_space<vmem>>, vector<1x32xbf16>,
      %broadcast_in_dim3A_244 = arith.constant 0.000000e+00 : bf16
      %broadcast_in_dim3A_245 = vector.broadcast %broadcast_in_dim3A_244 : bf16 to vector<32xbf16>
      %swap3A_246 = arith.index_cast %scan3A_223 : i32 to index
      %swap3A_247 = arith.constant 96 : index
      %swap3A_248 = tpu.vector_load %arg9[%swap3A_246, %swap3A_247] {strides = array<i32>} : memref<128x128xbf16, #tpu.memory_space<vmem>>, vector<1x32xbf16>,
      %swap3A_249 = vector.shape_cast %swap3A_248 : vector<1x32xbf16> to vector<32xbf16>
      %swap3A_250 = vector.shape_cast %broadcast_in_dim3A_245 : vector<32xbf16> to vector<1x32xbf16>
      tpu.vector_store %arg9[%swap3A_246, %swap3A_247], %swap3A_250 {strides = array<i32>} : memref<128x128xbf16, #tpu.memory_space<vmem>>, vector<1x32xbf16>,
      %scan3A_251 = arith.constant 0 : i32
      scf.yield %scan3A_251 : i32
    }
    %scan3A_5 = arith.constant 128 : i32
    %mul3A = arith.constant 2560 : i32
    %mul3A_6 = arith.muli %arg0, %mul3A : i32
    %mul3A_7 = arith.constant 160 : i32
    %mul3A_8 = arith.muli %arg1, %mul3A_7 : i32
    %add3A = arith.addi %mul3A_6, %mul3A_8 : i32
    "tpu.region"() ({
      %run_scoped3A = tpu.sem_alloc : memref<!tpu.dma_semaphore, #tpu.memory_space<semaphore_mem>>
      %dma_start3A_223 = arith.constant 0 : i32
      %dma_start3A_224 = tpu.memref_slice %arg3[%add3A, %dma_start3A_223] : memref<5120x64xi32, #tpu.memory_space<hbm>> -> memref<160x64xi32, #tpu.memory_space<hbm>>
      %dma_start3A_225 = arith.constant 0 : i32
      %dma_start3A_226 = tpu.memref_slice %arg3[%add3A, %dma_start3A_225] : memref<5120x64xi32, #tpu.memory_space<hbm>> -> memref<160x64xi32, #tpu.memory_space<hbm>>
      tpu.enqueue_dma source(%dma_start3A_226 : memref<160x64xi32, #tpu.memory_space<hbm>>) target(%arg6 : memref<160x64xi32, #tpu.memory_space<vmem>>) target_semaphore(%run_scoped3A : memref<!tpu.dma_semaphore, #tpu.memory_space<semaphore_mem>>)
      %dma_wait3A_227 = arith.constant 0 : i32
      %dma_wait3A_228 = tpu.memref_slice %arg3[%add3A, %dma_wait3A_227] : memref<5120x64xi32, #tpu.memory_space<hbm>> -> memref<160x64xi32, #tpu.memory_space<hbm>>
      %dma_wait3A_229 = arith.constant 0 : i32
      %dma_wait3A_230 = tpu.memref_slice %arg3[%add3A, %dma_wait3A_229] : memref<5120x64xi32, #tpu.memory_space<hbm>> -> memref<160x64xi32, #tpu.memory_space<hbm>>
      tpu.wait_dma2 semaphore(%run_scoped3A : memref<!tpu.dma_semaphore, #tpu.memory_space<semaphore_mem>>) src(%dma_wait3A_230 : memref<160x64xi32, #tpu.memory_space<hbm>>) dst(%arg6 : memref<160x64xi32, #tpu.memory_space<vmem>>)
      tpu.yield
    }) : () -> ()
    "tpu.region"() ({
      %run_scoped3A = tpu.sem_alloc : memref<!tpu.dma_semaphore, #tpu.memory_space<semaphore_mem>>
      %dma_start3A_223 = arith.constant 0 : i32
      %dma_start3A_224 = tpu.memref_slice %arg4[%add3A, %dma_start3A_223] : memref<5120x64xi32, #tpu.memory_space<hbm>> -> memref<160x64xi32, #tpu.memory_space<hbm>>
      %dma_start3A_225 = arith.constant 0 : i32
      %dma_start3A_226 = tpu.memref_slice %arg4[%add3A, %dma_start3A_225] : memref<5120x64xi32, #tpu.memory_space<hbm>> -> memref<160x64xi32, #tpu.memory_space<hbm>>
      tpu.enqueue_dma source(%dma_start3A_226 : memref<160x64xi32, #tpu.memory_space<hbm>>) target(%arg7 : memref<160x64xi32, #tpu.memory_space<vmem>>) target_semaphore(%run_scoped3A : memref<!tpu.dma_semaphore, #tpu.memory_space<semaphore_mem>>)
      %dma_wait3A_227 = arith.constant 0 : i32
      %dma_wait3A_228 = tpu.memref_slice %arg4[%add3A, %dma_wait3A_227] : memref<5120x64xi32, #tpu.memory_space<hbm>> -> memref<160x64xi32, #tpu.memory_space<hbm>>
      %dma_wait3A_229 = arith.constant 0 : i32
      %dma_wait3A_230 = tpu.memref_slice %arg4[%add3A, %dma_wait3A_229] : memref<5120x64xi32, #tpu.memory_space<hbm>> -> memref<160x64xi32, #tpu.memory_space<hbm>>
      tpu.wait_dma2 semaphore(%run_scoped3A : memref<!tpu.dma_semaphore, #tpu.memory_space<semaphore_mem>>) src(%dma_wait3A_230 : memref<160x64xi32, #tpu.memory_space<hbm>>) dst(%arg7 : memref<160x64xi32, #tpu.memory_space<vmem>>)
      tpu.yield
    }) : () -> ()
    %mul3A_9 = arith.constant 640 : i32
    %mul3A_10 = arith.muli %arg1, %mul3A_9 : i32
    %scan3A_11 = arith.constant 0 : i32
    %scan3A_12 = arith.constant 0 : i32
    %scan3A_13 = arith.constant 5 : i32
    %scan3A_14 = arith.addi %scan3A_12, %scan3A_13 : i32
    %scan3A_15 = arith.constant 1 : i32
    %scan3A_16 = scf.for %scan3A_223 = %scan3A_12 to %scan3A_14 step %scan3A_15 iter_args(%scan3A_224 = %scan3A_11) -> (i32)  : i32 {
      %mul3A_225 = arith.constant 128 : i32
      %mul3A_226 = arith.muli %scan3A_223, %mul3A_225 : i32
      %add3A_227 = arith.addi %mul3A_10, %mul3A_226 : i32
      "tpu.region"() ({
        %run_scoped3A = tpu.sem_alloc : memref<!tpu.dma_semaphore, #tpu.memory_space<semaphore_mem>>
        %dma_start3A_229 = arith.constant 0 : i32
        %dma_start3A_230 = tpu.memref_slice %arg18[%add3A_227, %dma_start3A_229] : memref<10240x128xbf16, #tpu.memory_space<vmem_shared>> -> memref<128x128xbf16, #tpu.memory_space<vmem_shared>>
        %dma_start3A_231 = arith.constant 0 : i32
        %dma_start3A_232 = tpu.memref_slice %arg18[%add3A_227, %dma_start3A_231] : memref<10240x128xbf16, #tpu.memory_space<vmem_shared>> -> memref<128x128xbf16, #tpu.memory_space<vmem_shared>>
        tpu.enqueue_dma source(%arg9 : memref<128x128xbf16, #tpu.memory_space<vmem>>) target(%dma_start3A_232 : memref<128x128xbf16, #tpu.memory_space<vmem_shared>>) target_semaphore(%run_scoped3A : memref<!tpu.dma_semaphore, #tpu.memory_space<semaphore_mem>>)
        %dma_wait3A_233 = arith.constant 0 : i32
        %dma_wait3A_234 = tpu.memref_slice %arg18[%add3A_227, %dma_wait3A_233] : memref<10240x128xbf16, #tpu.memory_space<vmem_shared>> -> memref<128x128xbf16, #tpu.memory_space<vmem_shared>>
        %dma_wait3A_235 = arith.constant 0 : i32
        %dma_wait3A_236 = tpu.memref_slice %arg18[%add3A_227, %dma_wait3A_235] : memref<10240x128xbf16, #tpu.memory_space<vmem_shared>> -> memref<128x128xbf16, #tpu.memory_space<vmem_shared>>
        tpu.wait_dma2 semaphore(%run_scoped3A : memref<!tpu.dma_semaphore, #tpu.memory_space<semaphore_mem>>) src(%arg9 : memref<128x128xbf16, #tpu.memory_space<vmem>>) dst(%dma_wait3A_236 : memref<128x128xbf16, #tpu.memory_space<vmem_shared>>)
        tpu.yield
      }) : () -> ()
      %scan3A_228 = arith.constant 0 : i32
      scf.yield %scan3A_228 : i32
    }
    %scan3A_17 = arith.constant 5 : i32
    %barrier3A = arith.constant 0 : index
    tpu.barrier barrier_id(%barrier3A)
    %dma_start3A = arith.constant 0 : i32
    %dma_start3A_18 = arith.constant 0 : i32
    %dma_start3A_19 = arith.constant 0 : i32
    %dma_start3A_20 = arith.constant 0 : i32
    %dma_start3A_21 = tpu.memref_slice %arg8[%dma_start3A_18, %dma_start3A_19, %dma_start3A_20] : memref<4x64x128xbf16, #tpu.memory_space<vmem>> -> memref<1x64x128xbf16, #tpu.memory_space<vmem>>
    %dma_start3A_22 = tpu.memref_squeeze %dma_start3A_21 : memref<1x64x128xbf16, #tpu.memory_space<vmem>> -> memref<64x128xbf16, #tpu.memory_space<vmem>>
    %dma_start3A_23 = arith.constant 0 : i32
    %dma_start3A_24 = tpu.memref_slice %arg6[%dma_start3A, %dma_start3A_23] : memref<160x64xi32, #tpu.memory_space<vmem>> -> memref<1x64xi32, #tpu.memory_space<vmem>>
    %dma_start3A_25 = tpu.memref_squeeze %dma_start3A_24 : memref<1x64xi32, #tpu.memory_space<vmem>> -> memref<64xi32, #tpu.memory_space<vmem>>
    %dma_start3A_26 = arith.constant 0 : i32
    %dma_start3A_27 = arith.constant 0 : i32
    %dma_start3A_28 = tpu.memref_slice %arg2[%dma_start3A_26, %dma_start3A_27] : memref<10240x128xbf16, #tpu.memory_space<hbm>> -> memref<10240x128xbf16, #tpu.memory_space<hbm>>
    tpu.enqueue_indirect_dma source(%dma_start3A_28 : memref<10240x128xbf16, #tpu.memory_space<hbm>>) target(%dma_start3A_22 : memref<64x128xbf16, #tpu.memory_space<vmem>>) offsets(%dma_start3A_25 : memref<64xi32, #tpu.memory_space<vmem>>) semaphore(%arg10 : memref<!tpu.dma_semaphore, #tpu.memory_space<semaphore_mem>>)
    %dma_start3A_29 = arith.constant 1 : i32
    %dma_start3A_30 = arith.constant 1 : i32
    %dma_start3A_31 = arith.constant 0 : i32
    %dma_start3A_32 = arith.constant 0 : i32
    %dma_start3A_33 = tpu.memref_slice %arg8[%dma_start3A_30, %dma_start3A_31, %dma_start3A_32] : memref<4x64x128xbf16, #tpu.memory_space<vmem>> -> memref<1x64x128xbf16, #tpu.memory_space<vmem>>
    %dma_start3A_34 = tpu.memref_squeeze %dma_start3A_33 : memref<1x64x128xbf16, #tpu.memory_space<vmem>> -> memref<64x128xbf16, #tpu.memory_space<vmem>>
    %dma_start3A_35 = arith.constant 0 : i32
    %dma_start3A_36 = tpu.memref_slice %arg6[%dma_start3A_29, %dma_start3A_35] : memref<160x64xi32, #tpu.memory_space<vmem>> -> memref<1x64xi32, #tpu.memory_space<vmem>>
    %dma_start3A_37 = tpu.memref_squeeze %dma_start3A_36 : memref<1x64xi32, #tpu.memory_space<vmem>> -> memref<64xi32, #tpu.memory_space<vmem>>
    %dma_start3A_38 = arith.constant 0 : i32
    %dma_start3A_39 = arith.constant 0 : i32
    %dma_start3A_40 = tpu.memref_slice %arg2[%dma_start3A_38, %dma_start3A_39] : memref<10240x128xbf16, #tpu.memory_space<hbm>> -> memref<10240x128xbf16, #tpu.memory_space<hbm>>
    tpu.enqueue_indirect_dma source(%dma_start3A_40 : memref<10240x128xbf16, #tpu.memory_space<hbm>>) target(%dma_start3A_34 : memref<64x128xbf16, #tpu.memory_space<vmem>>) offsets(%dma_start3A_37 : memref<64xi32, #tpu.memory_space<vmem>>) semaphore(%arg11 : memref<!tpu.dma_semaphore, #tpu.memory_space<semaphore_mem>>)
    %dma_start3A_41 = arith.constant 2 : i32
    %dma_start3A_42 = arith.constant 2 : i32
    %dma_start3A_43 = arith.constant 0 : i32
    %dma_start3A_44 = arith.constant 0 : i32
    %dma_start3A_45 = tpu.memref_slice %arg8[%dma_start3A_42, %dma_start3A_43, %dma_start3A_44] : memref<4x64x128xbf16, #tpu.memory_space<vmem>> -> memref<1x64x128xbf16, #tpu.memory_space<vmem>>
    %dma_start3A_46 = tpu.memref_squeeze %dma_start3A_45 : memref<1x64x128xbf16, #tpu.memory_space<vmem>> -> memref<64x128xbf16, #tpu.memory_space<vmem>>
    %dma_start3A_47 = arith.constant 0 : i32
    %dma_start3A_48 = tpu.memref_slice %arg6[%dma_start3A_41, %dma_start3A_47] : memref<160x64xi32, #tpu.memory_space<vmem>> -> memref<1x64xi32, #tpu.memory_space<vmem>>
    %dma_start3A_49 = tpu.memref_squeeze %dma_start3A_48 : memref<1x64xi32, #tpu.memory_space<vmem>> -> memref<64xi32, #tpu.memory_space<vmem>>
    %dma_start3A_50 = arith.constant 0 : i32
    %dma_start3A_51 = arith.constant 0 : i32
    %dma_start3A_52 = tpu.memref_slice %arg2[%dma_start3A_50, %dma_start3A_51] : memref<10240x128xbf16, #tpu.memory_space<hbm>> -> memref<10240x128xbf16, #tpu.memory_space<hbm>>
    tpu.enqueue_indirect_dma source(%dma_start3A_52 : memref<10240x128xbf16, #tpu.memory_space<hbm>>) target(%dma_start3A_46 : memref<64x128xbf16, #tpu.memory_space<vmem>>) offsets(%dma_start3A_49 : memref<64xi32, #tpu.memory_space<vmem>>) semaphore(%arg12 : memref<!tpu.dma_semaphore, #tpu.memory_space<semaphore_mem>>)
    %dma_start3A_53 = arith.constant 3 : i32
    %dma_start3A_54 = arith.constant 3 : i32
    %dma_start3A_55 = arith.constant 0 : i32
    %dma_start3A_56 = arith.constant 0 : i32
    %dma_start3A_57 = tpu.memref_slice %arg8[%dma_start3A_54, %dma_start3A_55, %dma_start3A_56] : memref<4x64x128xbf16, #tpu.memory_space<vmem>> -> memref<1x64x128xbf16, #tpu.memory_space<vmem>>
    %dma_start3A_58 = tpu.memref_squeeze %dma_start3A_57 : memref<1x64x128xbf16, #tpu.memory_space<vmem>> -> memref<64x128xbf16, #tpu.memory_space<vmem>>
    %dma_start3A_59 = arith.constant 0 : i32
    %dma_start3A_60 = tpu.memref_slice %arg6[%dma_start3A_53, %dma_start3A_59] : memref<160x64xi32, #tpu.memory_space<vmem>> -> memref<1x64xi32, #tpu.memory_space<vmem>>
    %dma_start3A_61 = tpu.memref_squeeze %dma_start3A_60 : memref<1x64xi32, #tpu.memory_space<vmem>> -> memref<64xi32, #tpu.memory_space<vmem>>
    %dma_start3A_62 = arith.constant 0 : i32
    %dma_start3A_63 = arith.constant 0 : i32
    %dma_start3A_64 = tpu.memref_slice %arg2[%dma_start3A_62, %dma_start3A_63] : memref<10240x128xbf16, #tpu.memory_space<hbm>> -> memref<10240x128xbf16, #tpu.memory_space<hbm>>
    tpu.enqueue_indirect_dma source(%dma_start3A_64 : memref<10240x128xbf16, #tpu.memory_space<hbm>>) target(%dma_start3A_58 : memref<64x128xbf16, #tpu.memory_space<vmem>>) offsets(%dma_start3A_61 : memref<64xi32, #tpu.memory_space<vmem>>) semaphore(%arg13 : memref<!tpu.dma_semaphore, #tpu.memory_space<semaphore_mem>>)
    %scan3A_65 = arith.constant 0 : i32
    %scan3A_66 = arith.constant 0 : i32
    %scan3A_67 = arith.constant 39 : i32
    %scan3A_68 = arith.addi %scan3A_66, %scan3A_67 : i32
    %scan3A_69 = arith.constant 1 : i32
    %scan3A_70 = scf.for %scan3A_223 = %scan3A_66 to %scan3A_68 step %scan3A_69 iter_args(%scan3A_224 = %scan3A_65) -> (i32)  : i32 {
      %mul3A_225 = arith.constant 4 : i32
      %mul3A_226 = arith.muli %mul3A_225, %scan3A_223 : i32
      %dma_wait3A_227 = arith.constant 0 : i32
      %dma_wait3A_228 = arith.constant 0 : i32
      %dma_wait3A_229 = arith.constant 0 : i32
      %dma_wait3A_230 = arith.constant 0 : i32
      %dma_wait3A_231 = tpu.memref_slice %arg8[%dma_wait3A_228, %dma_wait3A_229, %dma_wait3A_230] : memref<4x64x128xbf16, #tpu.memory_space<vmem>> -> memref<1x64x128xbf16, #tpu.memory_space<vmem>>
      %dma_wait3A_232 = tpu.memref_squeeze %dma_wait3A_231 : memref<1x64x128xbf16, #tpu.memory_space<vmem>> -> memref<64x128xbf16, #tpu.memory_space<vmem>>
      %dma_wait3A_233 = arith.constant 0 : i32
      %dma_wait3A_234 = tpu.memref_slice %arg6[%dma_wait3A_227, %dma_wait3A_233] : memref<160x64xi32, #tpu.memory_space<vmem>> -> memref<1x64xi32, #tpu.memory_space<vmem>>
      %dma_wait3A_235 = tpu.memref_squeeze %dma_wait3A_234 : memref<1x64xi32, #tpu.memory_space<vmem>> -> memref<64xi32, #tpu.memory_space<vmem>>
      %dma_wait3A_236 = arith.constant 0 : i32
      %dma_wait3A_237 = arith.constant 0 : i32
      %dma_wait3A_238 = tpu.memref_slice %arg2[%dma_wait3A_236, %dma_wait3A_237] : memref<10240x128xbf16, #tpu.memory_space<hbm>> -> memref<10240x128xbf16, #tpu.memory_space<hbm>>
      tpu.wait_indirect_dma semaphore(%arg10 : memref<!tpu.dma_semaphore, #tpu.memory_space<semaphore_mem>>) src(%dma_wait3A_238 : memref<10240x128xbf16, #tpu.memory_space<hbm>>) dst(%dma_wait3A_232 : memref<64x128xbf16, #tpu.memory_space<vmem>>)
      %add3A_239 = arith.constant 0 : i32
      %add3A_240 = arith.addi %mul3A_226, %add3A_239 : i32
      %dma_start3A_241 = arith.constant 0 : i32
      %dma_start3A_242 = arith.constant 0 : i32
      %dma_start3A_243 = arith.constant 0 : i32
      %dma_start3A_244 = tpu.memref_slice %arg8[%dma_start3A_241, %dma_start3A_242, %dma_start3A_243] : memref<4x64x128xbf16, #tpu.memory_space<vmem>> -> memref<1x64x128xbf16, #tpu.memory_space<vmem>>
      %dma_start3A_245 = tpu.memref_squeeze %dma_start3A_244 : memref<1x64x128xbf16, #tpu.memory_space<vmem>> -> memref<64x128xbf16, #tpu.memory_space<vmem>>
      %dma_start3A_246 = arith.constant 0 : i32
      %dma_start3A_247 = tpu.memref_slice %arg7[%add3A_240, %dma_start3A_246] : memref<160x64xi32, #tpu.memory_space<vmem>> -> memref<1x64xi32, #tpu.memory_space<vmem>>
      %dma_start3A_248 = tpu.memref_squeeze %dma_start3A_247 : memref<1x64xi32, #tpu.memory_space<vmem>> -> memref<64xi32, #tpu.memory_space<vmem>>
      %dma_start3A_249 = arith.constant 0 : i32
      %dma_start3A_250 = arith.constant 0 : i32
      %dma_start3A_251 = tpu.memref_slice %arg18[%dma_start3A_249, %dma_start3A_250] : memref<10240x128xbf16, #tpu.memory_space<vmem_shared>> -> memref<10240x128xbf16, #tpu.memory_space<vmem_shared>>
      tpu.enqueue_indirect_dma source(%dma_start3A_245 : memref<64x128xbf16, #tpu.memory_space<vmem>>) target(%dma_start3A_251 : memref<10240x128xbf16, #tpu.memory_space<vmem_shared>>) offsets(%dma_start3A_248 : memref<64xi32, #tpu.memory_space<vmem>>) semaphore(%arg14 : memref<!tpu.dma_semaphore, #tpu.memory_space<semaphore_mem>>) {add = true}
      %dma_wait3A_252 = arith.constant 0 : i32
      %dma_wait3A_253 = arith.constant 1 : i32
      %dma_wait3A_254 = arith.constant 0 : i32
      %dma_wait3A_255 = arith.constant 0 : i32
      %dma_wait3A_256 = tpu.memref_slice %arg8[%dma_wait3A_253, %dma_wait3A_254, %dma_wait3A_255] : memref<4x64x128xbf16, #tpu.memory_space<vmem>> -> memref<1x64x128xbf16, #tpu.memory_space<vmem>>
      %dma_wait3A_257 = tpu.memref_squeeze %dma_wait3A_256 : memref<1x64x128xbf16, #tpu.memory_space<vmem>> -> memref<64x128xbf16, #tpu.memory_space<vmem>>
      %dma_wait3A_258 = arith.constant 0 : i32
      %dma_wait3A_259 = tpu.memref_slice %arg6[%dma_wait3A_252, %dma_wait3A_258] : memref<160x64xi32, #tpu.memory_space<vmem>> -> memref<1x64xi32, #tpu.memory_space<vmem>>
      %dma_wait3A_260 = tpu.memref_squeeze %dma_wait3A_259 : memref<1x64xi32, #tpu.memory_space<vmem>> -> memref<64xi32, #tpu.memory_space<vmem>>
      %dma_wait3A_261 = arith.constant 0 : i32
      %dma_wait3A_262 = arith.constant 0 : i32
      %dma_wait3A_263 = tpu.memref_slice %arg2[%dma_wait3A_261, %dma_wait3A_262] : memref<10240x128xbf16, #tpu.memory_space<hbm>> -> memref<10240x128xbf16, #tpu.memory_space<hbm>>
      tpu.wait_indirect_dma semaphore(%arg11 : memref<!tpu.dma_semaphore, #tpu.memory_space<semaphore_mem>>) src(%dma_wait3A_263 : memref<10240x128xbf16, #tpu.memory_space<hbm>>) dst(%dma_wait3A_257 : memref<64x128xbf16, #tpu.memory_space<vmem>>)
      %add3A_264 = arith.constant 1 : i32
      %add3A_265 = arith.addi %mul3A_226, %add3A_264 : i32
      %dma_start3A_266 = arith.constant 1 : i32
      %dma_start3A_267 = arith.constant 0 : i32
      %dma_start3A_268 = arith.constant 0 : i32
      %dma_start3A_269 = tpu.memref_slice %arg8[%dma_start3A_266, %dma_start3A_267, %dma_start3A_268] : memref<4x64x128xbf16, #tpu.memory_space<vmem>> -> memref<1x64x128xbf16, #tpu.memory_space<vmem>>
      %dma_start3A_270 = tpu.memref_squeeze %dma_start3A_269 : memref<1x64x128xbf16, #tpu.memory_space<vmem>> -> memref<64x128xbf16, #tpu.memory_space<vmem>>
      %dma_start3A_271 = arith.constant 0 : i32
      %dma_start3A_272 = tpu.memref_slice %arg7[%add3A_265, %dma_start3A_271] : memref<160x64xi32, #tpu.memory_space<vmem>> -> memref<1x64xi32, #tpu.memory_space<vmem>>
      %dma_start3A_273 = tpu.memref_squeeze %dma_start3A_272 : memref<1x64xi32, #tpu.memory_space<vmem>> -> memref<64xi32, #tpu.memory_space<vmem>>
      %dma_start3A_274 = arith.constant 0 : i32
      %dma_start3A_275 = arith.constant 0 : i32
      %dma_start3A_276 = tpu.memref_slice %arg18[%dma_start3A_274, %dma_start3A_275] : memref<10240x128xbf16, #tpu.memory_space<vmem_shared>> -> memref<10240x128xbf16, #tpu.memory_space<vmem_shared>>
      tpu.enqueue_indirect_dma source(%dma_start3A_270 : memref<64x128xbf16, #tpu.memory_space<vmem>>) target(%dma_start3A_276 : memref<10240x128xbf16, #tpu.memory_space<vmem_shared>>) offsets(%dma_start3A_273 : memref<64xi32, #tpu.memory_space<vmem>>) semaphore(%arg15 : memref<!tpu.dma_semaphore, #tpu.memory_space<semaphore_mem>>) {add = true}
      %dma_wait3A_277 = arith.constant 0 : i32
      %dma_wait3A_278 = arith.constant 2 : i32
      %dma_wait3A_279 = arith.constant 0 : i32
      %dma_wait3A_280 = arith.constant 0 : i32
      %dma_wait3A_281 = tpu.memref_slice %arg8[%dma_wait3A_278, %dma_wait3A_279, %dma_wait3A_280] : memref<4x64x128xbf16, #tpu.memory_space<vmem>> -> memref<1x64x128xbf16, #tpu.memory_space<vmem>>
      %dma_wait3A_282 = tpu.memref_squeeze %dma_wait3A_281 : memref<1x64x128xbf16, #tpu.memory_space<vmem>> -> memref<64x128xbf16, #tpu.memory_space<vmem>>
      %dma_wait3A_283 = arith.constant 0 : i32
      %dma_wait3A_284 = tpu.memref_slice %arg6[%dma_wait3A_277, %dma_wait3A_283] : memref<160x64xi32, #tpu.memory_space<vmem>> -> memref<1x64xi32, #tpu.memory_space<vmem>>
      %dma_wait3A_285 = tpu.memref_squeeze %dma_wait3A_284 : memref<1x64xi32, #tpu.memory_space<vmem>> -> memref<64xi32, #tpu.memory_space<vmem>>
      %dma_wait3A_286 = arith.constant 0 : i32
      %dma_wait3A_287 = arith.constant 0 : i32
      %dma_wait3A_288 = tpu.memref_slice %arg2[%dma_wait3A_286, %dma_wait3A_287] : memref<10240x128xbf16, #tpu.memory_space<hbm>> -> memref<10240x128xbf16, #tpu.memory_space<hbm>>
      tpu.wait_indirect_dma semaphore(%arg12 : memref<!tpu.dma_semaphore, #tpu.memory_space<semaphore_mem>>) src(%dma_wait3A_288 : memref<10240x128xbf16, #tpu.memory_space<hbm>>) dst(%dma_wait3A_282 : memref<64x128xbf16, #tpu.memory_space<vmem>>)
      %add3A_289 = arith.constant 2 : i32
      %add3A_290 = arith.addi %mul3A_226, %add3A_289 : i32
      %dma_start3A_291 = arith.constant 2 : i32
      %dma_start3A_292 = arith.constant 0 : i32
      %dma_start3A_293 = arith.constant 0 : i32
      %dma_start3A_294 = tpu.memref_slice %arg8[%dma_start3A_291, %dma_start3A_292, %dma_start3A_293] : memref<4x64x128xbf16, #tpu.memory_space<vmem>> -> memref<1x64x128xbf16, #tpu.memory_space<vmem>>
      %dma_start3A_295 = tpu.memref_squeeze %dma_start3A_294 : memref<1x64x128xbf16, #tpu.memory_space<vmem>> -> memref<64x128xbf16, #tpu.memory_space<vmem>>
      %dma_start3A_296 = arith.constant 0 : i32
      %dma_start3A_297 = tpu.memref_slice %arg7[%add3A_290, %dma_start3A_296] : memref<160x64xi32, #tpu.memory_space<vmem>> -> memref<1x64xi32, #tpu.memory_space<vmem>>
      %dma_start3A_298 = tpu.memref_squeeze %dma_start3A_297 : memref<1x64xi32, #tpu.memory_space<vmem>> -> memref<64xi32, #tpu.memory_space<vmem>>
      %dma_start3A_299 = arith.constant 0 : i32
      %dma_start3A_300 = arith.constant 0 : i32
      %dma_start3A_301 = tpu.memref_slice %arg18[%dma_start3A_299, %dma_start3A_300] : memref<10240x128xbf16, #tpu.memory_space<vmem_shared>> -> memref<10240x128xbf16, #tpu.memory_space<vmem_shared>>
      tpu.enqueue_indirect_dma source(%dma_start3A_295 : memref<64x128xbf16, #tpu.memory_space<vmem>>) target(%dma_start3A_301 : memref<10240x128xbf16, #tpu.memory_space<vmem_shared>>) offsets(%dma_start3A_298 : memref<64xi32, #tpu.memory_space<vmem>>) semaphore(%arg16 : memref<!tpu.dma_semaphore, #tpu.memory_space<semaphore_mem>>) {add = true}
      %dma_wait3A_302 = arith.constant 0 : i32
      %dma_wait3A_303 = arith.constant 3 : i32
      %dma_wait3A_304 = arith.constant 0 : i32
      %dma_wait3A_305 = arith.constant 0 : i32
      %dma_wait3A_306 = tpu.memref_slice %arg8[%dma_wait3A_303, %dma_wait3A_304, %dma_wait3A_305] : memref<4x64x128xbf16, #tpu.memory_space<vmem>> -> memref<1x64x128xbf16, #tpu.memory_space<vmem>>
      %dma_wait3A_307 = tpu.memref_squeeze %dma_wait3A_306 : memref<1x64x128xbf16, #tpu.memory_space<vmem>> -> memref<64x128xbf16, #tpu.memory_space<vmem>>
      %dma_wait3A_308 = arith.constant 0 : i32
      %dma_wait3A_309 = tpu.memref_slice %arg6[%dma_wait3A_302, %dma_wait3A_308] : memref<160x64xi32, #tpu.memory_space<vmem>> -> memref<1x64xi32, #tpu.memory_space<vmem>>
      %dma_wait3A_310 = tpu.memref_squeeze %dma_wait3A_309 : memref<1x64xi32, #tpu.memory_space<vmem>> -> memref<64xi32, #tpu.memory_space<vmem>>
      %dma_wait3A_311 = arith.constant 0 : i32
      %dma_wait3A_312 = arith.constant 0 : i32
      %dma_wait3A_313 = tpu.memref_slice %arg2[%dma_wait3A_311, %dma_wait3A_312] : memref<10240x128xbf16, #tpu.memory_space<hbm>> -> memref<10240x128xbf16, #tpu.memory_space<hbm>>
      tpu.wait_indirect_dma semaphore(%arg13 : memref<!tpu.dma_semaphore, #tpu.memory_space<semaphore_mem>>) src(%dma_wait3A_313 : memref<10240x128xbf16, #tpu.memory_space<hbm>>) dst(%dma_wait3A_307 : memref<64x128xbf16, #tpu.memory_space<vmem>>)
      %add3A_314 = arith.constant 3 : i32
      %add3A_315 = arith.addi %mul3A_226, %add3A_314 : i32
      %dma_start3A_316 = arith.constant 3 : i32
      %dma_start3A_317 = arith.constant 0 : i32
      %dma_start3A_318 = arith.constant 0 : i32
      %dma_start3A_319 = tpu.memref_slice %arg8[%dma_start3A_316, %dma_start3A_317, %dma_start3A_318] : memref<4x64x128xbf16, #tpu.memory_space<vmem>> -> memref<1x64x128xbf16, #tpu.memory_space<vmem>>
      %dma_start3A_320 = tpu.memref_squeeze %dma_start3A_319 : memref<1x64x128xbf16, #tpu.memory_space<vmem>> -> memref<64x128xbf16, #tpu.memory_space<vmem>>
      %dma_start3A_321 = arith.constant 0 : i32
      %dma_start3A_322 = tpu.memref_slice %arg7[%add3A_315, %dma_start3A_321] : memref<160x64xi32, #tpu.memory_space<vmem>> -> memref<1x64xi32, #tpu.memory_space<vmem>>
      %dma_start3A_323 = tpu.memref_squeeze %dma_start3A_322 : memref<1x64xi32, #tpu.memory_space<vmem>> -> memref<64xi32, #tpu.memory_space<vmem>>
      %dma_start3A_324 = arith.constant 0 : i32
      %dma_start3A_325 = arith.constant 0 : i32
      %dma_start3A_326 = tpu.memref_slice %arg18[%dma_start3A_324, %dma_start3A_325] : memref<10240x128xbf16, #tpu.memory_space<vmem_shared>> -> memref<10240x128xbf16, #tpu.memory_space<vmem_shared>>
      tpu.enqueue_indirect_dma source(%dma_start3A_320 : memref<64x128xbf16, #tpu.memory_space<vmem>>) target(%dma_start3A_326 : memref<10240x128xbf16, #tpu.memory_space<vmem_shared>>) offsets(%dma_start3A_323 : memref<64xi32, #tpu.memory_space<vmem>>) semaphore(%arg17 : memref<!tpu.dma_semaphore, #tpu.memory_space<semaphore_mem>>) {add = true}
      %dma_wait3A_327 = arith.constant 0 : i32
      %dma_wait3A_328 = arith.constant 0 : i32
      %dma_wait3A_329 = arith.constant 0 : i32
      %dma_wait3A_330 = arith.constant 0 : i32
      %dma_wait3A_331 = tpu.memref_slice %arg8[%dma_wait3A_327, %dma_wait3A_329, %dma_wait3A_330] : memref<4x64x128xbf16, #tpu.memory_space<vmem>> -> memref<1x64x128xbf16, #tpu.memory_space<vmem>>
      %dma_wait3A_332 = tpu.memref_squeeze %dma_wait3A_331 : memref<1x64x128xbf16, #tpu.memory_space<vmem>> -> memref<64x128xbf16, #tpu.memory_space<vmem>>
      %dma_wait3A_333 = arith.constant 0 : i32
      %dma_wait3A_334 = tpu.memref_slice %arg7[%dma_wait3A_328, %dma_wait3A_333] : memref<160x64xi32, #tpu.memory_space<vmem>> -> memref<1x64xi32, #tpu.memory_space<vmem>>
      %dma_wait3A_335 = tpu.memref_squeeze %dma_wait3A_334 : memref<1x64xi32, #tpu.memory_space<vmem>> -> memref<64xi32, #tpu.memory_space<vmem>>
      %dma_wait3A_336 = arith.constant 0 : i32
      %dma_wait3A_337 = arith.constant 0 : i32
      %dma_wait3A_338 = tpu.memref_slice %arg18[%dma_wait3A_336, %dma_wait3A_337] : memref<10240x128xbf16, #tpu.memory_space<vmem_shared>> -> memref<10240x128xbf16, #tpu.memory_space<vmem_shared>>
      tpu.wait_indirect_dma semaphore(%arg14 : memref<!tpu.dma_semaphore, #tpu.memory_space<semaphore_mem>>) src(%dma_wait3A_332 : memref<64x128xbf16, #tpu.memory_space<vmem>>) dst(%dma_wait3A_338 : memref<10240x128xbf16, #tpu.memory_space<vmem_shared>>)
      %add3A_339 = arith.constant 4 : i32
      %add3A_340 = arith.addi %mul3A_226, %add3A_339 : i32
      %add3A_341 = arith.constant 0 : i32
      %add3A_342 = arith.addi %add3A_340, %add3A_341 : i32
      %dma_start3A_343 = arith.constant 0 : i32
      %dma_start3A_344 = arith.constant 0 : i32
      %dma_start3A_345 = arith.constant 0 : i32
      %dma_start3A_346 = tpu.memref_slice %arg8[%dma_start3A_343, %dma_start3A_344, %dma_start3A_345] : memref<4x64x128xbf16, #tpu.memory_space<vmem>> -> memref<1x64x128xbf16, #tpu.memory_space<vmem>>
      %dma_start3A_347 = tpu.memref_squeeze %dma_start3A_346 : memref<1x64x128xbf16, #tpu.memory_space<vmem>> -> memref<64x128xbf16, #tpu.memory_space<vmem>>
      %dma_start3A_348 = arith.constant 0 : i32
      %dma_start3A_349 = tpu.memref_slice %arg6[%add3A_342, %dma_start3A_348] : memref<160x64xi32, #tpu.memory_space<vmem>> -> memref<1x64xi32, #tpu.memory_space<vmem>>
      %dma_start3A_350 = tpu.memref_squeeze %dma_start3A_349 : memref<1x64xi32, #tpu.memory_space<vmem>> -> memref<64xi32, #tpu.memory_space<vmem>>
      %dma_start3A_351 = arith.constant 0 : i32
      %dma_start3A_352 = arith.constant 0 : i32
      %dma_start3A_353 = tpu.memref_slice %arg2[%dma_start3A_351, %dma_start3A_352] : memref<10240x128xbf16, #tpu.memory_space<hbm>> -> memref<10240x128xbf16, #tpu.memory_space<hbm>>
      tpu.enqueue_indirect_dma source(%dma_start3A_353 : memref<10240x128xbf16, #tpu.memory_space<hbm>>) target(%dma_start3A_347 : memref<64x128xbf16, #tpu.memory_space<vmem>>) offsets(%dma_start3A_350 : memref<64xi32, #tpu.memory_space<vmem>>) semaphore(%arg10 : memref<!tpu.dma_semaphore, #tpu.memory_space<semaphore_mem>>)
      %dma_wait3A_354 = arith.constant 1 : i32
      %dma_wait3A_355 = arith.constant 0 : i32
      %dma_wait3A_356 = arith.constant 0 : i32
      %dma_wait3A_357 = arith.constant 0 : i32
      %dma_wait3A_358 = tpu.memref_slice %arg8[%dma_wait3A_354, %dma_wait3A_356, %dma_wait3A_357] : memref<4x64x128xbf16, #tpu.memory_space<vmem>> -> memref<1x64x128xbf16, #tpu.memory_space<vmem>>
      %dma_wait3A_359 = tpu.memref_squeeze %dma_wait3A_358 : memref<1x64x128xbf16, #tpu.memory_space<vmem>> -> memref<64x128xbf16, #tpu.memory_space<vmem>>
      %dma_wait3A_360 = arith.constant 0 : i32
      %dma_wait3A_361 = tpu.memref_slice %arg7[%dma_wait3A_355, %dma_wait3A_360] : memref<160x64xi32, #tpu.memory_space<vmem>> -> memref<1x64xi32, #tpu.memory_space<vmem>>
      %dma_wait3A_362 = tpu.memref_squeeze %dma_wait3A_361 : memref<1x64xi32, #tpu.memory_space<vmem>> -> memref<64xi32, #tpu.memory_space<vmem>>
      %dma_wait3A_363 = arith.constant 0 : i32
      %dma_wait3A_364 = arith.constant 0 : i32
      %dma_wait3A_365 = tpu.memref_slice %arg18[%dma_wait3A_363, %dma_wait3A_364] : memref<10240x128xbf16, #tpu.memory_space<vmem_shared>> -> memref<10240x128xbf16, #tpu.memory_space<vmem_shared>>
      tpu.wait_indirect_dma semaphore(%arg15 : memref<!tpu.dma_semaphore, #tpu.memory_space<semaphore_mem>>) src(%dma_wait3A_359 : memref<64x128xbf16, #tpu.memory_space<vmem>>) dst(%dma_wait3A_365 : memref<10240x128xbf16, #tpu.memory_space<vmem_shared>>)
      %add3A_366 = arith.constant 4 : i32
      %add3A_367 = arith.addi %mul3A_226, %add3A_366 : i32
      %add3A_368 = arith.constant 1 : i32
      %add3A_369 = arith.addi %add3A_367, %add3A_368 : i32
      %dma_start3A_370 = arith.constant 1 : i32
      %dma_start3A_371 = arith.constant 0 : i32
      %dma_start3A_372 = arith.constant 0 : i32
      %dma_start3A_373 = tpu.memref_slice %arg8[%dma_start3A_370, %dma_start3A_371, %dma_start3A_372] : memref<4x64x128xbf16, #tpu.memory_space<vmem>> -> memref<1x64x128xbf16, #tpu.memory_space<vmem>>
      %dma_start3A_374 = tpu.memref_squeeze %dma_start3A_373 : memref<1x64x128xbf16, #tpu.memory_space<vmem>> -> memref<64x128xbf16, #tpu.memory_space<vmem>>
      %dma_start3A_375 = arith.constant 0 : i32
      %dma_start3A_376 = tpu.memref_slice %arg6[%add3A_369, %dma_start3A_375] : memref<160x64xi32, #tpu.memory_space<vmem>> -> memref<1x64xi32, #tpu.memory_space<vmem>>
      %dma_start3A_377 = tpu.memref_squeeze %dma_start3A_376 : memref<1x64xi32, #tpu.memory_space<vmem>> -> memref<64xi32, #tpu.memory_space<vmem>>
      %dma_start3A_378 = arith.constant 0 : i32
      %dma_start3A_379 = arith.constant 0 : i32
      %dma_start3A_380 = tpu.memref_slice %arg2[%dma_start3A_378, %dma_start3A_379] : memref<10240x128xbf16, #tpu.memory_space<hbm>> -> memref<10240x128xbf16, #tpu.memory_space<hbm>>
      tpu.enqueue_indirect_dma source(%dma_start3A_380 : memref<10240x128xbf16, #tpu.memory_space<hbm>>) target(%dma_start3A_374 : memref<64x128xbf16, #tpu.memory_space<vmem>>) offsets(%dma_start3A_377 : memref<64xi32, #tpu.memory_space<vmem>>) semaphore(%arg11 : memref<!tpu.dma_semaphore, #tpu.memory_space<semaphore_mem>>)
      %dma_wait3A_381 = arith.constant 2 : i32
      %dma_wait3A_382 = arith.constant 0 : i32
      %dma_wait3A_383 = arith.constant 0 : i32
      %dma_wait3A_384 = arith.constant 0 : i32
      %dma_wait3A_385 = tpu.memref_slice %arg8[%dma_wait3A_381, %dma_wait3A_383, %dma_wait3A_384] : memref<4x64x128xbf16, #tpu.memory_space<vmem>> -> memref<1x64x128xbf16, #tpu.memory_space<vmem>>
      %dma_wait3A_386 = tpu.memref_squeeze %dma_wait3A_385 : memref<1x64x128xbf16, #tpu.memory_space<vmem>> -> memref<64x128xbf16, #tpu.memory_space<vmem>>
      %dma_wait3A_387 = arith.constant 0 : i32
      %dma_wait3A_388 = tpu.memref_slice %arg7[%dma_wait3A_382, %dma_wait3A_387] : memref<160x64xi32, #tpu.memory_space<vmem>> -> memref<1x64xi32, #tpu.memory_space<vmem>>
      %dma_wait3A_389 = tpu.memref_squeeze %dma_wait3A_388 : memref<1x64xi32, #tpu.memory_space<vmem>> -> memref<64xi32, #tpu.memory_space<vmem>>
      %dma_wait3A_390 = arith.constant 0 : i32
      %dma_wait3A_391 = arith.constant 0 : i32
      %dma_wait3A_392 = tpu.memref_slice %arg18[%dma_wait3A_390, %dma_wait3A_391] : memref<10240x128xbf16, #tpu.memory_space<vmem_shared>> -> memref<10240x128xbf16, #tpu.memory_space<vmem_shared>>
      tpu.wait_indirect_dma semaphore(%arg16 : memref<!tpu.dma_semaphore, #tpu.memory_space<semaphore_mem>>) src(%dma_wait3A_386 : memref<64x128xbf16, #tpu.memory_space<vmem>>) dst(%dma_wait3A_392 : memref<10240x128xbf16, #tpu.memory_space<vmem_shared>>)
      %add3A_393 = arith.constant 4 : i32
      %add3A_394 = arith.addi %mul3A_226, %add3A_393 : i32
      %add3A_395 = arith.constant 2 : i32
      %add3A_396 = arith.addi %add3A_394, %add3A_395 : i32
      %dma_start3A_397 = arith.constant 2 : i32
      %dma_start3A_398 = arith.constant 0 : i32
      %dma_start3A_399 = arith.constant 0 : i32
      %dma_start3A_400 = tpu.memref_slice %arg8[%dma_start3A_397, %dma_start3A_398, %dma_start3A_399] : memref<4x64x128xbf16, #tpu.memory_space<vmem>> -> memref<1x64x128xbf16, #tpu.memory_space<vmem>>
      %dma_start3A_401 = tpu.memref_squeeze %dma_start3A_400 : memref<1x64x128xbf16, #tpu.memory_space<vmem>> -> memref<64x128xbf16, #tpu.memory_space<vmem>>
      %dma_start3A_402 = arith.constant 0 : i32
      %dma_start3A_403 = tpu.memref_slice %arg6[%add3A_396, %dma_start3A_402] : memref<160x64xi32, #tpu.memory_space<vmem>> -> memref<1x64xi32, #tpu.memory_space<vmem>>
      %dma_start3A_404 = tpu.memref_squeeze %dma_start3A_403 : memref<1x64xi32, #tpu.memory_space<vmem>> -> memref<64xi32, #tpu.memory_space<vmem>>
      %dma_start3A_405 = arith.constant 0 : i32
      %dma_start3A_406 = arith.constant 0 : i32
      %dma_start3A_407 = tpu.memref_slice %arg2[%dma_start3A_405, %dma_start3A_406] : memref<10240x128xbf16, #tpu.memory_space<hbm>> -> memref<10240x128xbf16, #tpu.memory_space<hbm>>
      tpu.enqueue_indirect_dma source(%dma_start3A_407 : memref<10240x128xbf16, #tpu.memory_space<hbm>>) target(%dma_start3A_401 : memref<64x128xbf16, #tpu.memory_space<vmem>>) offsets(%dma_start3A_404 : memref<64xi32, #tpu.memory_space<vmem>>) semaphore(%arg12 : memref<!tpu.dma_semaphore, #tpu.memory_space<semaphore_mem>>)
      %dma_wait3A_408 = arith.constant 3 : i32
      %dma_wait3A_409 = arith.constant 0 : i32
      %dma_wait3A_410 = arith.constant 0 : i32
      %dma_wait3A_411 = arith.constant 0 : i32
      %dma_wait3A_412 = tpu.memref_slice %arg8[%dma_wait3A_408, %dma_wait3A_410, %dma_wait3A_411] : memref<4x64x128xbf16, #tpu.memory_space<vmem>> -> memref<1x64x128xbf16, #tpu.memory_space<vmem>>
      %dma_wait3A_413 = tpu.memref_squeeze %dma_wait3A_412 : memref<1x64x128xbf16, #tpu.memory_space<vmem>> -> memref<64x128xbf16, #tpu.memory_space<vmem>>
      %dma_wait3A_414 = arith.constant 0 : i32
      %dma_wait3A_415 = tpu.memref_slice %arg7[%dma_wait3A_409, %dma_wait3A_414] : memref<160x64xi32, #tpu.memory_space<vmem>> -> memref<1x64xi32, #tpu.memory_space<vmem>>
      %dma_wait3A_416 = tpu.memref_squeeze %dma_wait3A_415 : memref<1x64xi32, #tpu.memory_space<vmem>> -> memref<64xi32, #tpu.memory_space<vmem>>
      %dma_wait3A_417 = arith.constant 0 : i32
      %dma_wait3A_418 = arith.constant 0 : i32
      %dma_wait3A_419 = tpu.memref_slice %arg18[%dma_wait3A_417, %dma_wait3A_418] : memref<10240x128xbf16, #tpu.memory_space<vmem_shared>> -> memref<10240x128xbf16, #tpu.memory_space<vmem_shared>>
      tpu.wait_indirect_dma semaphore(%arg17 : memref<!tpu.dma_semaphore, #tpu.memory_space<semaphore_mem>>) src(%dma_wait3A_413 : memref<64x128xbf16, #tpu.memory_space<vmem>>) dst(%dma_wait3A_419 : memref<10240x128xbf16, #tpu.memory_space<vmem_shared>>)
      %add3A_420 = arith.constant 4 : i32
      %add3A_421 = arith.addi %mul3A_226, %add3A_420 : i32
      %add3A_422 = arith.constant 3 : i32
      %add3A_423 = arith.addi %add3A_421, %add3A_422 : i32
      %dma_start3A_424 = arith.constant 3 : i32
      %dma_start3A_425 = arith.constant 0 : i32
      %dma_start3A_426 = arith.constant 0 : i32
      %dma_start3A_427 = tpu.memref_slice %arg8[%dma_start3A_424, %dma_start3A_425, %dma_start3A_426] : memref<4x64x128xbf16, #tpu.memory_space<vmem>> -> memref<1x64x128xbf16, #tpu.memory_space<vmem>>
      %dma_start3A_428 = tpu.memref_squeeze %dma_start3A_427 : memref<1x64x128xbf16, #tpu.memory_space<vmem>> -> memref<64x128xbf16, #tpu.memory_space<vmem>>
      %dma_start3A_429 = arith.constant 0 : i32
      %dma_start3A_430 = tpu.memref_slice %arg6[%add3A_423, %dma_start3A_429] : memref<160x64xi32, #tpu.memory_space<vmem>> -> memref<1x64xi32, #tpu.memory_space<vmem>>
      %dma_start3A_431 = tpu.memref_squeeze %dma_start3A_430 : memref<1x64xi32, #tpu.memory_space<vmem>> -> memref<64xi32, #tpu.memory_space<vmem>>
      %dma_start3A_432 = arith.constant 0 : i32
      %dma_start3A_433 = arith.constant 0 : i32
      %dma_start3A_434 = tpu.memref_slice %arg2[%dma_start3A_432, %dma_start3A_433] : memref<10240x128xbf16, #tpu.memory_space<hbm>> -> memref<10240x128xbf16, #tpu.memory_space<hbm>>
      tpu.enqueue_indirect_dma source(%dma_start3A_434 : memref<10240x128xbf16, #tpu.memory_space<hbm>>) target(%dma_start3A_428 : memref<64x128xbf16, #tpu.memory_space<vmem>>) offsets(%dma_start3A_431 : memref<64xi32, #tpu.memory_space<vmem>>) semaphore(%arg13 : memref<!tpu.dma_semaphore, #tpu.memory_space<semaphore_mem>>)
      %scan3A_435 = arith.constant 0 : i32
      scf.yield %scan3A_435 : i32
    }
    %scan3A_71 = arith.constant 39 : i32
    %dma_wait3A = arith.constant 0 : i32
    %dma_wait3A_72 = arith.constant 0 : i32
    %dma_wait3A_73 = arith.constant 0 : i32
    %dma_wait3A_74 = arith.constant 0 : i32
    %dma_wait3A_75 = tpu.memref_slice %arg8[%dma_wait3A_72, %dma_wait3A_73, %dma_wait3A_74] : memref<4x64x128xbf16, #tpu.memory_space<vmem>> -> memref<1x64x128xbf16, #tpu.memory_space<vmem>>
    %dma_wait3A_76 = tpu.memref_squeeze %dma_wait3A_75 : memref<1x64x128xbf16, #tpu.memory_space<vmem>> -> memref<64x128xbf16, #tpu.memory_space<vmem>>
    %dma_wait3A_77 = arith.constant 0 : i32
    %dma_wait3A_78 = tpu.memref_slice %arg6[%dma_wait3A, %dma_wait3A_77] : memref<160x64xi32, #tpu.memory_space<vmem>> -> memref<1x64xi32, #tpu.memory_space<vmem>>
    %dma_wait3A_79 = tpu.memref_squeeze %dma_wait3A_78 : memref<1x64xi32, #tpu.memory_space<vmem>> -> memref<64xi32, #tpu.memory_space<vmem>>
    %dma_wait3A_80 = arith.constant 0 : i32
    %dma_wait3A_81 = arith.constant 0 : i32
    %dma_wait3A_82 = tpu.memref_slice %arg2[%dma_wait3A_80, %dma_wait3A_81] : memref<10240x128xbf16, #tpu.memory_space<hbm>> -> memref<10240x128xbf16, #tpu.memory_space<hbm>>
    tpu.wait_indirect_dma semaphore(%arg10 : memref<!tpu.dma_semaphore, #tpu.memory_space<semaphore_mem>>) src(%dma_wait3A_82 : memref<10240x128xbf16, #tpu.memory_space<hbm>>) dst(%dma_wait3A_76 : memref<64x128xbf16, #tpu.memory_space<vmem>>)
    %dma_start3A_83 = arith.constant 0 : i32
    %dma_start3A_84 = arith.constant 156 : i32
    %dma_start3A_85 = arith.constant 0 : i32
    %dma_start3A_86 = arith.constant 0 : i32
    %dma_start3A_87 = tpu.memref_slice %arg8[%dma_start3A_83, %dma_start3A_85, %dma_start3A_86] : memref<4x64x128xbf16, #tpu.memory_space<vmem>> -> memref<1x64x128xbf16, #tpu.memory_space<vmem>>
    %dma_start3A_88 = tpu.memref_squeeze %dma_start3A_87 : memref<1x64x128xbf16, #tpu.memory_space<vmem>> -> memref<64x128xbf16, #tpu.memory_space<vmem>>
    %dma_start3A_89 = arith.constant 0 : i32
    %dma_start3A_90 = tpu.memref_slice %arg7[%dma_start3A_84, %dma_start3A_89] : memref<160x64xi32, #tpu.memory_space<vmem>> -> memref<1x64xi32, #tpu.memory_space<vmem>>
    %dma_start3A_91 = tpu.memref_squeeze %dma_start3A_90 : memref<1x64xi32, #tpu.memory_space<vmem>> -> memref<64xi32, #tpu.memory_space<vmem>>
    %dma_start3A_92 = arith.constant 0 : i32
    %dma_start3A_93 = arith.constant 0 : i32
    %dma_start3A_94 = tpu.memref_slice %arg18[%dma_start3A_92, %dma_start3A_93] : memref<10240x128xbf16, #tpu.memory_space<vmem_shared>> -> memref<10240x128xbf16, #tpu.memory_space<vmem_shared>>
    tpu.enqueue_indirect_dma source(%dma_start3A_88 : memref<64x128xbf16, #tpu.memory_space<vmem>>) target(%dma_start3A_94 : memref<10240x128xbf16, #tpu.memory_space<vmem_shared>>) offsets(%dma_start3A_91 : memref<64xi32, #tpu.memory_space<vmem>>) semaphore(%arg14 : memref<!tpu.dma_semaphore, #tpu.memory_space<semaphore_mem>>) {add = true}
    %dma_wait3A_95 = arith.constant 0 : i32
    %dma_wait3A_96 = arith.constant 1 : i32
    %dma_wait3A_97 = arith.constant 0 : i32
    %dma_wait3A_98 = arith.constant 0 : i32
    %dma_wait3A_99 = tpu.memref_slice %arg8[%dma_wait3A_96, %dma_wait3A_97, %dma_wait3A_98] : memref<4x64x128xbf16, #tpu.memory_space<vmem>> -> memref<1x64x128xbf16, #tpu.memory_space<vmem>>
    %dma_wait3A_100 = tpu.memref_squeeze %dma_wait3A_99 : memref<1x64x128xbf16, #tpu.memory_space<vmem>> -> memref<64x128xbf16, #tpu.memory_space<vmem>>
    %dma_wait3A_101 = arith.constant 0 : i32
    %dma_wait3A_102 = tpu.memref_slice %arg6[%dma_wait3A_95, %dma_wait3A_101] : memref<160x64xi32, #tpu.memory_space<vmem>> -> memref<1x64xi32, #tpu.memory_space<vmem>>
    %dma_wait3A_103 = tpu.memref_squeeze %dma_wait3A_102 : memref<1x64xi32, #tpu.memory_space<vmem>> -> memref<64xi32, #tpu.memory_space<vmem>>
    %dma_wait3A_104 = arith.constant 0 : i32
    %dma_wait3A_105 = arith.constant 0 : i32
    %dma_wait3A_106 = tpu.memref_slice %arg2[%dma_wait3A_104, %dma_wait3A_105] : memref<10240x128xbf16, #tpu.memory_space<hbm>> -> memref<10240x128xbf16, #tpu.memory_space<hbm>>
    tpu.wait_indirect_dma semaphore(%arg11 : memref<!tpu.dma_semaphore, #tpu.memory_space<semaphore_mem>>) src(%dma_wait3A_106 : memref<10240x128xbf16, #tpu.memory_space<hbm>>) dst(%dma_wait3A_100 : memref<64x128xbf16, #tpu.memory_space<vmem>>)
    %dma_start3A_107 = arith.constant 1 : i32
    %dma_start3A_108 = arith.constant 157 : i32
    %dma_start3A_109 = arith.constant 0 : i32
    %dma_start3A_110 = arith.constant 0 : i32
    %dma_start3A_111 = tpu.memref_slice %arg8[%dma_start3A_107, %dma_start3A_109, %dma_start3A_110] : memref<4x64x128xbf16, #tpu.memory_space<vmem>> -> memref<1x64x128xbf16, #tpu.memory_space<vmem>>
    %dma_start3A_112 = tpu.memref_squeeze %dma_start3A_111 : memref<1x64x128xbf16, #tpu.memory_space<vmem>> -> memref<64x128xbf16, #tpu.memory_space<vmem>>
    %dma_start3A_113 = arith.constant 0 : i32
    %dma_start3A_114 = tpu.memref_slice %arg7[%dma_start3A_108, %dma_start3A_113] : memref<160x64xi32, #tpu.memory_space<vmem>> -> memref<1x64xi32, #tpu.memory_space<vmem>>
    %dma_start3A_115 = tpu.memref_squeeze %dma_start3A_114 : memref<1x64xi32, #tpu.memory_space<vmem>> -> memref<64xi32, #tpu.memory_space<vmem>>
    %dma_start3A_116 = arith.constant 0 : i32
    %dma_start3A_117 = arith.constant 0 : i32
    %dma_start3A_118 = tpu.memref_slice %arg18[%dma_start3A_116, %dma_start3A_117] : memref<10240x128xbf16, #tpu.memory_space<vmem_shared>> -> memref<10240x128xbf16, #tpu.memory_space<vmem_shared>>
    tpu.enqueue_indirect_dma source(%dma_start3A_112 : memref<64x128xbf16, #tpu.memory_space<vmem>>) target(%dma_start3A_118 : memref<10240x128xbf16, #tpu.memory_space<vmem_shared>>) offsets(%dma_start3A_115 : memref<64xi32, #tpu.memory_space<vmem>>) semaphore(%arg15 : memref<!tpu.dma_semaphore, #tpu.memory_space<semaphore_mem>>) {add = true}
    %dma_wait3A_119 = arith.constant 0 : i32
    %dma_wait3A_120 = arith.constant 2 : i32
    %dma_wait3A_121 = arith.constant 0 : i32
    %dma_wait3A_122 = arith.constant 0 : i32
    %dma_wait3A_123 = tpu.memref_slice %arg8[%dma_wait3A_120, %dma_wait3A_121, %dma_wait3A_122] : memref<4x64x128xbf16, #tpu.memory_space<vmem>> -> memref<1x64x128xbf16, #tpu.memory_space<vmem>>
    %dma_wait3A_124 = tpu.memref_squeeze %dma_wait3A_123 : memref<1x64x128xbf16, #tpu.memory_space<vmem>> -> memref<64x128xbf16, #tpu.memory_space<vmem>>
    %dma_wait3A_125 = arith.constant 0 : i32
    %dma_wait3A_126 = tpu.memref_slice %arg6[%dma_wait3A_119, %dma_wait3A_125] : memref<160x64xi32, #tpu.memory_space<vmem>> -> memref<1x64xi32, #tpu.memory_space<vmem>>
    %dma_wait3A_127 = tpu.memref_squeeze %dma_wait3A_126 : memref<1x64xi32, #tpu.memory_space<vmem>> -> memref<64xi32, #tpu.memory_space<vmem>>
    %dma_wait3A_128 = arith.constant 0 : i32
    %dma_wait3A_129 = arith.constant 0 : i32
    %dma_wait3A_130 = tpu.memref_slice %arg2[%dma_wait3A_128, %dma_wait3A_129] : memref<10240x128xbf16, #tpu.memory_space<hbm>> -> memref<10240x128xbf16, #tpu.memory_space<hbm>>
    tpu.wait_indirect_dma semaphore(%arg12 : memref<!tpu.dma_semaphore, #tpu.memory_space<semaphore_mem>>) src(%dma_wait3A_130 : memref<10240x128xbf16, #tpu.memory_space<hbm>>) dst(%dma_wait3A_124 : memref<64x128xbf16, #tpu.memory_space<vmem>>)
    %dma_start3A_131 = arith.constant 2 : i32
    %dma_start3A_132 = arith.constant 158 : i32
    %dma_start3A_133 = arith.constant 0 : i32
    %dma_start3A_134 = arith.constant 0 : i32
    %dma_start3A_135 = tpu.memref_slice %arg8[%dma_start3A_131, %dma_start3A_133, %dma_start3A_134] : memref<4x64x128xbf16, #tpu.memory_space<vmem>> -> memref<1x64x128xbf16, #tpu.memory_space<vmem>>
    %dma_start3A_136 = tpu.memref_squeeze %dma_start3A_135 : memref<1x64x128xbf16, #tpu.memory_space<vmem>> -> memref<64x128xbf16, #tpu.memory_space<vmem>>
    %dma_start3A_137 = arith.constant 0 : i32
    %dma_start3A_138 = tpu.memref_slice %arg7[%dma_start3A_132, %dma_start3A_137] : memref<160x64xi32, #tpu.memory_space<vmem>> -> memref<1x64xi32, #tpu.memory_space<vmem>>
    %dma_start3A_139 = tpu.memref_squeeze %dma_start3A_138 : memref<1x64xi32, #tpu.memory_space<vmem>> -> memref<64xi32, #tpu.memory_space<vmem>>
    %dma_start3A_140 = arith.constant 0 : i32
    %dma_start3A_141 = arith.constant 0 : i32
    %dma_start3A_142 = tpu.memref_slice %arg18[%dma_start3A_140, %dma_start3A_141] : memref<10240x128xbf16, #tpu.memory_space<vmem_shared>> -> memref<10240x128xbf16, #tpu.memory_space<vmem_shared>>
    tpu.enqueue_indirect_dma source(%dma_start3A_136 : memref<64x128xbf16, #tpu.memory_space<vmem>>) target(%dma_start3A_142 : memref<10240x128xbf16, #tpu.memory_space<vmem_shared>>) offsets(%dma_start3A_139 : memref<64xi32, #tpu.memory_space<vmem>>) semaphore(%arg16 : memref<!tpu.dma_semaphore, #tpu.memory_space<semaphore_mem>>) {add = true}
    %dma_wait3A_143 = arith.constant 0 : i32
    %dma_wait3A_144 = arith.constant 3 : i32
    %dma_wait3A_145 = arith.constant 0 : i32
    %dma_wait3A_146 = arith.constant 0 : i32
    %dma_wait3A_147 = tpu.memref_slice %arg8[%dma_wait3A_144, %dma_wait3A_145, %dma_wait3A_146] : memref<4x64x128xbf16, #tpu.memory_space<vmem>> -> memref<1x64x128xbf16, #tpu.memory_space<vmem>>
    %dma_wait3A_148 = tpu.memref_squeeze %dma_wait3A_147 : memref<1x64x128xbf16, #tpu.memory_space<vmem>> -> memref<64x128xbf16, #tpu.memory_space<vmem>>
    %dma_wait3A_149 = arith.constant 0 : i32
    %dma_wait3A_150 = tpu.memref_slice %arg6[%dma_wait3A_143, %dma_wait3A_149] : memref<160x64xi32, #tpu.memory_space<vmem>> -> memref<1x64xi32, #tpu.memory_space<vmem>>
    %dma_wait3A_151 = tpu.memref_squeeze %dma_wait3A_150 : memref<1x64xi32, #tpu.memory_space<vmem>> -> memref<64xi32, #tpu.memory_space<vmem>>
    %dma_wait3A_152 = arith.constant 0 : i32
    %dma_wait3A_153 = arith.constant 0 : i32
    %dma_wait3A_154 = tpu.memref_slice %arg2[%dma_wait3A_152, %dma_wait3A_153] : memref<10240x128xbf16, #tpu.memory_space<hbm>> -> memref<10240x128xbf16, #tpu.memory_space<hbm>>
    tpu.wait_indirect_dma semaphore(%arg13 : memref<!tpu.dma_semaphore, #tpu.memory_space<semaphore_mem>>) src(%dma_wait3A_154 : memref<10240x128xbf16, #tpu.memory_space<hbm>>) dst(%dma_wait3A_148 : memref<64x128xbf16, #tpu.memory_space<vmem>>)
    %dma_start3A_155 = arith.constant 3 : i32
    %dma_start3A_156 = arith.constant 159 : i32
    %dma_start3A_157 = arith.constant 0 : i32
    %dma_start3A_158 = arith.constant 0 : i32
    %dma_start3A_159 = tpu.memref_slice %arg8[%dma_start3A_155, %dma_start3A_157, %dma_start3A_158] : memref<4x64x128xbf16, #tpu.memory_space<vmem>> -> memref<1x64x128xbf16, #tpu.memory_space<vmem>>
    %dma_start3A_160 = tpu.memref_squeeze %dma_start3A_159 : memref<1x64x128xbf16, #tpu.memory_space<vmem>> -> memref<64x128xbf16, #tpu.memory_space<vmem>>
    %dma_start3A_161 = arith.constant 0 : i32
    %dma_start3A_162 = tpu.memref_slice %arg7[%dma_start3A_156, %dma_start3A_161] : memref<160x64xi32, #tpu.memory_space<vmem>> -> memref<1x64xi32, #tpu.memory_space<vmem>>
    %dma_start3A_163 = tpu.memref_squeeze %dma_start3A_162 : memref<1x64xi32, #tpu.memory_space<vmem>> -> memref<64xi32, #tpu.memory_space<vmem>>
    %dma_start3A_164 = arith.constant 0 : i32
    %dma_start3A_165 = arith.constant 0 : i32
    %dma_start3A_166 = tpu.memref_slice %arg18[%dma_start3A_164, %dma_start3A_165] : memref<10240x128xbf16, #tpu.memory_space<vmem_shared>> -> memref<10240x128xbf16, #tpu.memory_space<vmem_shared>>
    tpu.enqueue_indirect_dma source(%dma_start3A_160 : memref<64x128xbf16, #tpu.memory_space<vmem>>) target(%dma_start3A_166 : memref<10240x128xbf16, #tpu.memory_space<vmem_shared>>) offsets(%dma_start3A_163 : memref<64xi32, #tpu.memory_space<vmem>>) semaphore(%arg17 : memref<!tpu.dma_semaphore, #tpu.memory_space<semaphore_mem>>) {add = true}
    %dma_wait3A_167 = arith.constant 0 : i32
    %dma_wait3A_168 = arith.constant 0 : i32
    %dma_wait3A_169 = arith.constant 0 : i32
    %dma_wait3A_170 = arith.constant 0 : i32
    %dma_wait3A_171 = tpu.memref_slice %arg8[%dma_wait3A_167, %dma_wait3A_169, %dma_wait3A_170] : memref<4x64x128xbf16, #tpu.memory_space<vmem>> -> memref<1x64x128xbf16, #tpu.memory_space<vmem>>
    %dma_wait3A_172 = tpu.memref_squeeze %dma_wait3A_171 : memref<1x64x128xbf16, #tpu.memory_space<vmem>> -> memref<64x128xbf16, #tpu.memory_space<vmem>>
    %dma_wait3A_173 = arith.constant 0 : i32
    %dma_wait3A_174 = tpu.memref_slice %arg7[%dma_wait3A_168, %dma_wait3A_173] : memref<160x64xi32, #tpu.memory_space<vmem>> -> memref<1x64xi32, #tpu.memory_space<vmem>>
    %dma_wait3A_175 = tpu.memref_squeeze %dma_wait3A_174 : memref<1x64xi32, #tpu.memory_space<vmem>> -> memref<64xi32, #tpu.memory_space<vmem>>
    %dma_wait3A_176 = arith.constant 0 : i32
    %dma_wait3A_177 = arith.constant 0 : i32
    %dma_wait3A_178 = tpu.memref_slice %arg18[%dma_wait3A_176, %dma_wait3A_177] : memref<10240x128xbf16, #tpu.memory_space<vmem_shared>> -> memref<10240x128xbf16, #tpu.memory_space<vmem_shared>>
    tpu.wait_indirect_dma semaphore(%arg14 : memref<!tpu.dma_semaphore, #tpu.memory_space<semaphore_mem>>) src(%dma_wait3A_172 : memref<64x128xbf16, #tpu.memory_space<vmem>>) dst(%dma_wait3A_178 : memref<10240x128xbf16, #tpu.memory_space<vmem_shared>>)
    %dma_wait3A_179 = arith.constant 1 : i32
    %dma_wait3A_180 = arith.constant 0 : i32
    %dma_wait3A_181 = arith.constant 0 : i32
    %dma_wait3A_182 = arith.constant 0 : i32
    %dma_wait3A_183 = tpu.memref_slice %arg8[%dma_wait3A_179, %dma_wait3A_181, %dma_wait3A_182] : memref<4x64x128xbf16, #tpu.memory_space<vmem>> -> memref<1x64x128xbf16, #tpu.memory_space<vmem>>
    %dma_wait3A_184 = tpu.memref_squeeze %dma_wait3A_183 : memref<1x64x128xbf16, #tpu.memory_space<vmem>> -> memref<64x128xbf16, #tpu.memory_space<vmem>>
    %dma_wait3A_185 = arith.constant 0 : i32
    %dma_wait3A_186 = tpu.memref_slice %arg7[%dma_wait3A_180, %dma_wait3A_185] : memref<160x64xi32, #tpu.memory_space<vmem>> -> memref<1x64xi32, #tpu.memory_space<vmem>>
    %dma_wait3A_187 = tpu.memref_squeeze %dma_wait3A_186 : memref<1x64xi32, #tpu.memory_space<vmem>> -> memref<64xi32, #tpu.memory_space<vmem>>
    %dma_wait3A_188 = arith.constant 0 : i32
    %dma_wait3A_189 = arith.constant 0 : i32
    %dma_wait3A_190 = tpu.memref_slice %arg18[%dma_wait3A_188, %dma_wait3A_189] : memref<10240x128xbf16, #tpu.memory_space<vmem_shared>> -> memref<10240x128xbf16, #tpu.memory_space<vmem_shared>>
    tpu.wait_indirect_dma semaphore(%arg15 : memref<!tpu.dma_semaphore, #tpu.memory_space<semaphore_mem>>) src(%dma_wait3A_184 : memref<64x128xbf16, #tpu.memory_space<vmem>>) dst(%dma_wait3A_190 : memref<10240x128xbf16, #tpu.memory_space<vmem_shared>>)
    %dma_wait3A_191 = arith.constant 2 : i32
    %dma_wait3A_192 = arith.constant 0 : i32
    %dma_wait3A_193 = arith.constant 0 : i32
    %dma_wait3A_194 = arith.constant 0 : i32
    %dma_wait3A_195 = tpu.memref_slice %arg8[%dma_wait3A_191, %dma_wait3A_193, %dma_wait3A_194] : memref<4x64x128xbf16, #tpu.memory_space<vmem>> -> memref<1x64x128xbf16, #tpu.memory_space<vmem>>
    %dma_wait3A_196 = tpu.memref_squeeze %dma_wait3A_195 : memref<1x64x128xbf16, #tpu.memory_space<vmem>> -> memref<64x128xbf16, #tpu.memory_space<vmem>>
    %dma_wait3A_197 = arith.constant 0 : i32
    %dma_wait3A_198 = tpu.memref_slice %arg7[%dma_wait3A_192, %dma_wait3A_197] : memref<160x64xi32, #tpu.memory_space<vmem>> -> memref<1x64xi32, #tpu.memory_space<vmem>>
    %dma_wait3A_199 = tpu.memref_squeeze %dma_wait3A_198 : memref<1x64xi32, #tpu.memory_space<vmem>> -> memref<64xi32, #tpu.memory_space<vmem>>
    %dma_wait3A_200 = arith.constant 0 : i32
    %dma_wait3A_201 = arith.constant 0 : i32
    %dma_wait3A_202 = tpu.memref_slice %arg18[%dma_wait3A_200, %dma_wait3A_201] : memref<10240x128xbf16, #tpu.memory_space<vmem_shared>> -> memref<10240x128xbf16, #tpu.memory_space<vmem_shared>>
    tpu.wait_indirect_dma semaphore(%arg16 : memref<!tpu.dma_semaphore, #tpu.memory_space<semaphore_mem>>) src(%dma_wait3A_196 : memref<64x128xbf16, #tpu.memory_space<vmem>>) dst(%dma_wait3A_202 : memref<10240x128xbf16, #tpu.memory_space<vmem_shared>>)
    %dma_wait3A_203 = arith.constant 3 : i32
    %dma_wait3A_204 = arith.constant 0 : i32
    %dma_wait3A_205 = arith.constant 0 : i32
    %dma_wait3A_206 = arith.constant 0 : i32
    %dma_wait3A_207 = tpu.memref_slice %arg8[%dma_wait3A_203, %dma_wait3A_205, %dma_wait3A_206] : memref<4x64x128xbf16, #tpu.memory_space<vmem>> -> memref<1x64x128xbf16, #tpu.memory_space<vmem>>
    %dma_wait3A_208 = tpu.memref_squeeze %dma_wait3A_207 : memref<1x64x128xbf16, #tpu.memory_space<vmem>> -> memref<64x128xbf16, #tpu.memory_space<vmem>>
    %dma_wait3A_209 = arith.constant 0 : i32
    %dma_wait3A_210 = tpu.memref_slice %arg7[%dma_wait3A_204, %dma_wait3A_209] : memref<160x64xi32, #tpu.memory_space<vmem>> -> memref<1x64xi32, #tpu.memory_space<vmem>>
    %dma_wait3A_211 = tpu.memref_squeeze %dma_wait3A_210 : memref<1x64xi32, #tpu.memory_space<vmem>> -> memref<64xi32, #tpu.memory_space<vmem>>
    %dma_wait3A_212 = arith.constant 0 : i32
    %dma_wait3A_213 = arith.constant 0 : i32
    %dma_wait3A_214 = tpu.memref_slice %arg18[%dma_wait3A_212, %dma_wait3A_213] : memref<10240x128xbf16, #tpu.memory_space<vmem_shared>> -> memref<10240x128xbf16, #tpu.memory_space<vmem_shared>>
    tpu.wait_indirect_dma semaphore(%arg17 : memref<!tpu.dma_semaphore, #tpu.memory_space<semaphore_mem>>) src(%dma_wait3A_208 : memref<64x128xbf16, #tpu.memory_space<vmem>>) dst(%dma_wait3A_214 : memref<10240x128xbf16, #tpu.memory_space<vmem_shared>>)
    %barrier3A_215 = arith.constant 0 : index
    tpu.barrier barrier_id(%barrier3A_215)
    %scan3A_216 = arith.constant 0 : i32
    %scan3A_217 = arith.constant 0 : i32
    %scan3A_218 = arith.constant 10 : i32
    %scan3A_219 = arith.addi %scan3A_217, %scan3A_218 : i32
    %scan3A_220 = arith.constant 1 : i32
    %scan3A_221 = scf.for %scan3A_223 = %scan3A_217 to %scan3A_219 step %scan3A_220 iter_args(%scan3A_224 = %scan3A_216) -> (i32)  : i32 {
      %mul3A_225 = arith.constant 64 : i32
      %mul3A_226 = arith.muli %scan3A_223, %mul3A_225 : i32
      %add3A_227 = arith.addi %mul3A_10, %mul3A_226 : i32
      %run_scoped3A = arith.constant 0 : i32
      "tpu.region"() ({
        %run_scoped3A_233 = tpu.sem_alloc : memref<!tpu.dma_semaphore, #tpu.memory_space<semaphore_mem>>
        %dma_start3A_234 = arith.constant 0 : i32
        %dma_start3A_235 = arith.constant 0 : i32
        %dma_start3A_236 = tpu.memref_slice %arg8[%run_scoped3A, %dma_start3A_234, %dma_start3A_235] : memref<4x64x128xbf16, #tpu.memory_space<vmem>> -> memref<1x64x128xbf16, #tpu.memory_space<vmem>>
        %dma_start3A_237 = tpu.memref_squeeze %dma_start3A_236 : memref<1x64x128xbf16, #tpu.memory_space<vmem>> -> memref<64x128xbf16, #tpu.memory_space<vmem>>
        %dma_start3A_238 = arith.constant 0 : i32
        %dma_start3A_239 = tpu.memref_slice %arg18[%add3A_227, %dma_start3A_238] : memref<10240x128xbf16, #tpu.memory_space<vmem_shared>> -> memref<64x128xbf16, #tpu.memory_space<vmem_shared>>
        %dma_start3A_240 = arith.constant 0 : i32
        %dma_start3A_241 = arith.constant 0 : i32
        %dma_start3A_242 = tpu.memref_slice %arg8[%run_scoped3A, %dma_start3A_240, %dma_start3A_241] : memref<4x64x128xbf16, #tpu.memory_space<vmem>> -> memref<1x64x128xbf16, #tpu.memory_space<vmem>>
        %dma_start3A_243 = tpu.memref_squeeze %dma_start3A_242 : memref<1x64x128xbf16, #tpu.memory_space<vmem>> -> memref<64x128xbf16, #tpu.memory_space<vmem>>
        %dma_start3A_244 = arith.constant 0 : i32
        %dma_start3A_245 = tpu.memref_slice %arg18[%add3A_227, %dma_start3A_244] : memref<10240x128xbf16, #tpu.memory_space<vmem_shared>> -> memref<64x128xbf16, #tpu.memory_space<vmem_shared>>
        tpu.enqueue_dma source(%dma_start3A_245 : memref<64x128xbf16, #tpu.memory_space<vmem_shared>>) target(%dma_start3A_243 : memref<64x128xbf16, #tpu.memory_space<vmem>>) target_semaphore(%run_scoped3A_233 : memref<!tpu.dma_semaphore, #tpu.memory_space<semaphore_mem>>)
        %dma_wait3A_246 = arith.constant 0 : i32
        %dma_wait3A_247 = arith.constant 0 : i32
        %dma_wait3A_248 = tpu.memref_slice %arg8[%run_scoped3A, %dma_wait3A_246, %dma_wait3A_247] : memref<4x64x128xbf16, #tpu.memory_space<vmem>> -> memref<1x64x128xbf16, #tpu.memory_space<vmem>>
        %dma_wait3A_249 = tpu.memref_squeeze %dma_wait3A_248 : memref<1x64x128xbf16, #tpu.memory_space<vmem>> -> memref<64x128xbf16, #tpu.memory_space<vmem>>
        %dma_wait3A_250 = arith.constant 0 : i32
        %dma_wait3A_251 = tpu.memref_slice %arg18[%add3A_227, %dma_wait3A_250] : memref<10240x128xbf16, #tpu.memory_space<vmem_shared>> -> memref<64x128xbf16, #tpu.memory_space<vmem_shared>>
        %dma_wait3A_252 = arith.constant 0 : i32
        %dma_wait3A_253 = arith.constant 0 : i32
        %dma_wait3A_254 = tpu.memref_slice %arg8[%run_scoped3A, %dma_wait3A_252, %dma_wait3A_253] : memref<4x64x128xbf16, #tpu.memory_space<vmem>> -> memref<1x64x128xbf16, #tpu.memory_space<vmem>>
        %dma_wait3A_255 = tpu.memref_squeeze %dma_wait3A_254 : memref<1x64x128xbf16, #tpu.memory_space<vmem>> -> memref<64x128xbf16, #tpu.memory_space<vmem>>
        %dma_wait3A_256 = arith.constant 0 : i32
        %dma_wait3A_257 = tpu.memref_slice %arg18[%add3A_227, %dma_wait3A_256] : memref<10240x128xbf16, #tpu.memory_space<vmem_shared>> -> memref<64x128xbf16, #tpu.memory_space<vmem_shared>>
        tpu.wait_dma2 semaphore(%run_scoped3A_233 : memref<!tpu.dma_semaphore, #tpu.memory_space<semaphore_mem>>) src(%dma_wait3A_257 : memref<64x128xbf16, #tpu.memory_space<vmem_shared>>) dst(%dma_wait3A_255 : memref<64x128xbf16, #tpu.memory_space<vmem>>)
        tpu.yield
      }) : () -> ()
      %mul3A_228 = arith.constant 64 : i32
      %mul3A_229 = arith.muli %scan3A_223, %mul3A_228 : i32
      %add3A_230 = arith.addi %mul3A_10, %mul3A_229 : i32
      %run_scoped3A_231 = arith.constant 0 : i32
      "tpu.region"() ({
        %run_scoped3A_233 = tpu.sem_alloc : memref<!tpu.dma_semaphore, #tpu.memory_space<semaphore_mem>>
        %dma_start3A_234 = arith.constant 0 : i32
        %dma_start3A_235 = arith.constant 0 : i32
        %dma_start3A_236 = tpu.memref_slice %arg8[%run_scoped3A_231, %dma_start3A_234, %dma_start3A_235] : memref<4x64x128xbf16, #tpu.memory_space<vmem>> -> memref<1x64x128xbf16, #tpu.memory_space<vmem>>
        %dma_start3A_237 = tpu.memref_squeeze %dma_start3A_236 : memref<1x64x128xbf16, #tpu.memory_space<vmem>> -> memref<64x128xbf16, #tpu.memory_space<vmem>>
        %dma_start3A_238 = arith.constant 0 : i32
        %dma_start3A_239 = arith.constant 0 : i32
        %dma_start3A_240 = tpu.memref_slice %arg5[%arg0, %dma_start3A_238, %dma_start3A_239] : memref<2x10240x128xbf16, #tpu.memory_space<hbm>> -> memref<1x10240x128xbf16, #tpu.memory_space<hbm>>
        %dma_start3A_241 = tpu.memref_squeeze %dma_start3A_240 : memref<1x10240x128xbf16, #tpu.memory_space<hbm>> -> memref<10240x128xbf16, #tpu.memory_space<hbm>>
        %dma_start3A_242 = arith.constant 0 : i32
        %dma_start3A_243 = tpu.memref_slice %dma_start3A_241[%add3A_230, %dma_start3A_242] : memref<10240x128xbf16, #tpu.memory_space<hbm>> -> memref<64x128xbf16, #tpu.memory_space<hbm>>
        %dma_start3A_244 = arith.constant 0 : i32
        %dma_start3A_245 = arith.constant 0 : i32
        %dma_start3A_246 = tpu.memref_slice %arg5[%arg0, %dma_start3A_244, %dma_start3A_245] : memref<2x10240x128xbf16, #tpu.memory_space<hbm>> -> memref<1x10240x128xbf16, #tpu.memory_space<hbm>>
        %dma_start3A_247 = tpu.memref_squeeze %dma_start3A_246 : memref<1x10240x128xbf16, #tpu.memory_space<hbm>> -> memref<10240x128xbf16, #tpu.memory_space<hbm>>
        %dma_start3A_248 = arith.constant 0 : i32
        %dma_start3A_249 = tpu.memref_slice %dma_start3A_247[%add3A_230, %dma_start3A_248] : memref<10240x128xbf16, #tpu.memory_space<hbm>> -> memref<64x128xbf16, #tpu.memory_space<hbm>>
        %dma_start3A_250 = arith.constant 0 : i32
        %dma_start3A_251 = arith.constant 0 : i32
        %dma_start3A_252 = tpu.memref_slice %arg8[%run_scoped3A_231, %dma_start3A_250, %dma_start3A_251] : memref<4x64x128xbf16, #tpu.memory_space<vmem>> -> memref<1x64x128xbf16, #tpu.memory_space<vmem>>
        %dma_start3A_253 = tpu.memref_squeeze %dma_start3A_252 : memref<1x64x128xbf16, #tpu.memory_space<vmem>> -> memref<64x128xbf16, #tpu.memory_space<vmem>>
        tpu.enqueue_dma source(%dma_start3A_253 : memref<64x128xbf16, #tpu.memory_space<vmem>>) target(%dma_start3A_249 : memref<64x128xbf16, #tpu.memory_space<hbm>>) target_semaphore(%run_scoped3A_233 : memref<!tpu.dma_semaphore, #tpu.memory_space<semaphore_mem>>)
        %dma_wait3A_254 = arith.constant 0 : i32
        %dma_wait3A_255 = arith.constant 0 : i32
        %dma_wait3A_256 = tpu.memref_slice %arg8[%run_scoped3A_231, %dma_wait3A_254, %dma_wait3A_255] : memref<4x64x128xbf16, #tpu.memory_space<vmem>> -> memref<1x64x128xbf16, #tpu.memory_space<vmem>>
        %dma_wait3A_257 = tpu.memref_squeeze %dma_wait3A_256 : memref<1x64x128xbf16, #tpu.memory_space<vmem>> -> memref<64x128xbf16, #tpu.memory_space<vmem>>
        %dma_wait3A_258 = arith.constant 0 : i32
        %dma_wait3A_259 = arith.constant 0 : i32
        %dma_wait3A_260 = tpu.memref_slice %arg5[%arg0, %dma_wait3A_258, %dma_wait3A_259] : memref<2x10240x128xbf16, #tpu.memory_space<hbm>> -> memref<1x10240x128xbf16, #tpu.memory_space<hbm>>
        %dma_wait3A_261 = tpu.memref_squeeze %dma_wait3A_260 : memref<1x10240x128xbf16, #tpu.memory_space<hbm>> -> memref<10240x128xbf16, #tpu.memory_space<hbm>>
        %dma_wait3A_262 = arith.constant 0 : i32
        %dma_wait3A_263 = tpu.memref_slice %dma_wait3A_261[%add3A_230, %dma_wait3A_262] : memref<10240x128xbf16, #tpu.memory_space<hbm>> -> memref<64x128xbf16, #tpu.memory_space<hbm>>
        %dma_wait3A_264 = arith.constant 0 : i32
        %dma_wait3A_265 = arith.constant 0 : i32
        %dma_wait3A_266 = tpu.memref_slice %arg5[%arg0, %dma_wait3A_264, %dma_wait3A_265] : memref<2x10240x128xbf16, #tpu.memory_space<hbm>> -> memref<1x10240x128xbf16, #tpu.memory_space<hbm>>
        %dma_wait3A_267 = tpu.memref_squeeze %dma_wait3A_266 : memref<1x10240x128xbf16, #tpu.memory_space<hbm>> -> memref<10240x128xbf16, #tpu.memory_space<hbm>>
        %dma_wait3A_268 = arith.constant 0 : i32
        %dma_wait3A_269 = tpu.memref_slice %dma_wait3A_267[%add3A_230, %dma_wait3A_268] : memref<10240x128xbf16, #tpu.memory_space<hbm>> -> memref<64x128xbf16, #tpu.memory_space<hbm>>
        %dma_wait3A_270 = arith.constant 0 : i32
        %dma_wait3A_271 = arith.constant 0 : i32
        %dma_wait3A_272 = tpu.memref_slice %arg8[%run_scoped3A_231, %dma_wait3A_270, %dma_wait3A_271] : memref<4x64x128xbf16, #tpu.memory_space<vmem>> -> memref<1x64x128xbf16, #tpu.memory_space<vmem>>
        %dma_wait3A_273 = tpu.memref_squeeze %dma_wait3A_272 : memref<1x64x128xbf16, #tpu.memory_space<vmem>> -> memref<64x128xbf16, #tpu.memory_space<vmem>>
        tpu.wait_dma2 semaphore(%run_scoped3A_233 : memref<!tpu.dma_semaphore, #tpu.memory_space<semaphore_mem>>) src(%dma_wait3A_273 : memref<64x128xbf16, #tpu.memory_space<vmem>>) dst(%dma_wait3A_269 : memref<64x128xbf16, #tpu.memory_space<hbm>>)
        tpu.yield
      }) : () -> ()
      %scan3A_232 = arith.constant 0 : i32
      scf.yield %scan3A_232 : i32
    }
    %scan3A_222 = arith.constant 10 : i32
    return
  }
}

#map = affine_map<(d0, d1) -> (0, 0)>
#map1 = affine_map<(d0, d1) -> (0, 0, 0, 0)>
module attributes {stable_mosaic.version = 14 : i64} {
  func.func @_sc_agg2(%arg0: i32, %arg1: i32, %arg2: memref<10240x128xbf16, #tpu.memory_space<hbm>>, %arg3: memref<10240x128xbf16, #tpu.memory_space<hbm>>, %arg4: memref<5120x64xi32, #tpu.memory_space<hbm>>, %arg5: memref<5120x64xi32, #tpu.memory_space<hbm>>, %arg6: memref<2x2x10240x128xbf16, #tpu.memory_space<hbm>>, %arg7: memref<160x64xi32, #tpu.memory_space<vmem>>, %arg8: memref<160x64xi32, #tpu.memory_space<vmem>>, %arg9: memref<4x64x128xbf16, #tpu.memory_space<vmem>>, %arg10: memref<128x128xbf16, #tpu.memory_space<vmem>>, %arg11: memref<!tpu.dma_semaphore, #tpu.memory_space<semaphore_mem>>, %arg12: memref<!tpu.dma_semaphore, #tpu.memory_space<semaphore_mem>>, %arg13: memref<!tpu.dma_semaphore, #tpu.memory_space<semaphore_mem>>, %arg14: memref<!tpu.dma_semaphore, #tpu.memory_space<semaphore_mem>>, %arg15: memref<!tpu.dma_semaphore, #tpu.memory_space<semaphore_mem>>, %arg16: memref<!tpu.dma_semaphore, #tpu.memory_space<semaphore_mem>>, %arg17: memref<!tpu.dma_semaphore, #tpu.memory_space<semaphore_mem>>, %arg18: memref<!tpu.dma_semaphore, #tpu.memory_space<semaphore_mem>>, %arg19: memref<10240x128xbf16, #tpu.memory_space<vmem_shared>>) attributes {dimension_semantics = [#tpu.dimension_semantics<core_parallel>, #tpu.dimension_semantics<subcore_parallel>], iteration_bounds = array<i64: 2, 16>, scalar_prefetch = 0 : i64, scratch_operands = 13 : i64, tpu.core_type = #tpu.core_type<sc_vector_subcore>, window_params = [{transform_indices = #map}, {transform_indices = #map}, {transform_indices = #map}, {transform_indices = #map}, {transform_indices = #map1}]} {
    %scan3A = arith.constant 0 : i32
    %scan3A_0 = arith.constant 0 : i32
    %scan3A_1 = arith.constant 128 : i32
    %scan3A_2 = arith.addi %scan3A_0, %scan3A_1 : i32
    %scan3A_3 = arith.constant 1 : i32
    %scan3A_4 = scf.for %scan3A_442 = %scan3A_0 to %scan3A_2 step %scan3A_3 iter_args(%scan3A_443 = %scan3A) -> (i32)  : i32 {
      %broadcast_in_dim3A = arith.constant 0.000000e+00 : bf16
      %broadcast_in_dim3A_444 = vector.broadcast %broadcast_in_dim3A : bf16 to vector<32xbf16>
      %swap3A = arith.index_cast %scan3A_442 : i32 to index
      %swap3A_445 = arith.constant 0 : index
      %swap3A_446 = tpu.vector_load %arg10[%swap3A, %swap3A_445] {strides = array<i32>} : memref<128x128xbf16, #tpu.memory_space<vmem>>, vector<1x32xbf16>,
      %swap3A_447 = vector.shape_cast %swap3A_446 : vector<1x32xbf16> to vector<32xbf16>
      %swap3A_448 = vector.shape_cast %broadcast_in_dim3A_444 : vector<32xbf16> to vector<1x32xbf16>
      tpu.vector_store %arg10[%swap3A, %swap3A_445], %swap3A_448 {strides = array<i32>} : memref<128x128xbf16, #tpu.memory_space<vmem>>, vector<1x32xbf16>,
      %broadcast_in_dim3A_449 = arith.constant 0.000000e+00 : bf16
      %broadcast_in_dim3A_450 = vector.broadcast %broadcast_in_dim3A_449 : bf16 to vector<32xbf16>
      %swap3A_451 = arith.index_cast %scan3A_442 : i32 to index
      %swap3A_452 = arith.constant 32 : index
      %swap3A_453 = tpu.vector_load %arg10[%swap3A_451, %swap3A_452] {strides = array<i32>} : memref<128x128xbf16, #tpu.memory_space<vmem>>, vector<1x32xbf16>,
      %swap3A_454 = vector.shape_cast %swap3A_453 : vector<1x32xbf16> to vector<32xbf16>
      %swap3A_455 = vector.shape_cast %broadcast_in_dim3A_450 : vector<32xbf16> to vector<1x32xbf16>
      tpu.vector_store %arg10[%swap3A_451, %swap3A_452], %swap3A_455 {strides = array<i32>} : memref<128x128xbf16, #tpu.memory_space<vmem>>, vector<1x32xbf16>,
      %broadcast_in_dim3A_456 = arith.constant 0.000000e+00 : bf16
      %broadcast_in_dim3A_457 = vector.broadcast %broadcast_in_dim3A_456 : bf16 to vector<32xbf16>
      %swap3A_458 = arith.index_cast %scan3A_442 : i32 to index
      %swap3A_459 = arith.constant 64 : index
      %swap3A_460 = tpu.vector_load %arg10[%swap3A_458, %swap3A_459] {strides = array<i32>} : memref<128x128xbf16, #tpu.memory_space<vmem>>, vector<1x32xbf16>,
      %swap3A_461 = vector.shape_cast %swap3A_460 : vector<1x32xbf16> to vector<32xbf16>
      %swap3A_462 = vector.shape_cast %broadcast_in_dim3A_457 : vector<32xbf16> to vector<1x32xbf16>
      tpu.vector_store %arg10[%swap3A_458, %swap3A_459], %swap3A_462 {strides = array<i32>} : memref<128x128xbf16, #tpu.memory_space<vmem>>, vector<1x32xbf16>,
      %broadcast_in_dim3A_463 = arith.constant 0.000000e+00 : bf16
      %broadcast_in_dim3A_464 = vector.broadcast %broadcast_in_dim3A_463 : bf16 to vector<32xbf16>
      %swap3A_465 = arith.index_cast %scan3A_442 : i32 to index
      %swap3A_466 = arith.constant 96 : index
      %swap3A_467 = tpu.vector_load %arg10[%swap3A_465, %swap3A_466] {strides = array<i32>} : memref<128x128xbf16, #tpu.memory_space<vmem>>, vector<1x32xbf16>,
      %swap3A_468 = vector.shape_cast %swap3A_467 : vector<1x32xbf16> to vector<32xbf16>
      %swap3A_469 = vector.shape_cast %broadcast_in_dim3A_464 : vector<32xbf16> to vector<1x32xbf16>
      tpu.vector_store %arg10[%swap3A_465, %swap3A_466], %swap3A_469 {strides = array<i32>} : memref<128x128xbf16, #tpu.memory_space<vmem>>, vector<1x32xbf16>,
      %scan3A_470 = arith.constant 0 : i32
      scf.yield %scan3A_470 : i32
    }
    %scan3A_5 = arith.constant 128 : i32
    %mul3A = arith.constant 2560 : i32
    %mul3A_6 = arith.muli %arg0, %mul3A : i32
    %mul3A_7 = arith.constant 160 : i32
    %mul3A_8 = arith.muli %arg1, %mul3A_7 : i32
    %add3A = arith.addi %mul3A_6, %mul3A_8 : i32
    "tpu.region"() ({
      %run_scoped3A = tpu.sem_alloc : memref<!tpu.dma_semaphore, #tpu.memory_space<semaphore_mem>>
      %dma_start3A_442 = arith.constant 0 : i32
      %dma_start3A_443 = tpu.memref_slice %arg4[%add3A, %dma_start3A_442] : memref<5120x64xi32, #tpu.memory_space<hbm>> -> memref<160x64xi32, #tpu.memory_space<hbm>>
      %dma_start3A_444 = arith.constant 0 : i32
      %dma_start3A_445 = tpu.memref_slice %arg4[%add3A, %dma_start3A_444] : memref<5120x64xi32, #tpu.memory_space<hbm>> -> memref<160x64xi32, #tpu.memory_space<hbm>>
      tpu.enqueue_dma source(%dma_start3A_445 : memref<160x64xi32, #tpu.memory_space<hbm>>) target(%arg7 : memref<160x64xi32, #tpu.memory_space<vmem>>) target_semaphore(%run_scoped3A : memref<!tpu.dma_semaphore, #tpu.memory_space<semaphore_mem>>)
      %dma_wait3A_446 = arith.constant 0 : i32
      %dma_wait3A_447 = tpu.memref_slice %arg4[%add3A, %dma_wait3A_446] : memref<5120x64xi32, #tpu.memory_space<hbm>> -> memref<160x64xi32, #tpu.memory_space<hbm>>
      %dma_wait3A_448 = arith.constant 0 : i32
      %dma_wait3A_449 = tpu.memref_slice %arg4[%add3A, %dma_wait3A_448] : memref<5120x64xi32, #tpu.memory_space<hbm>> -> memref<160x64xi32, #tpu.memory_space<hbm>>
      tpu.wait_dma2 semaphore(%run_scoped3A : memref<!tpu.dma_semaphore, #tpu.memory_space<semaphore_mem>>) src(%dma_wait3A_449 : memref<160x64xi32, #tpu.memory_space<hbm>>) dst(%arg7 : memref<160x64xi32, #tpu.memory_space<vmem>>)
      tpu.yield
    }) : () -> ()
    "tpu.region"() ({
      %run_scoped3A = tpu.sem_alloc : memref<!tpu.dma_semaphore, #tpu.memory_space<semaphore_mem>>
      %dma_start3A_442 = arith.constant 0 : i32
      %dma_start3A_443 = tpu.memref_slice %arg5[%add3A, %dma_start3A_442] : memref<5120x64xi32, #tpu.memory_space<hbm>> -> memref<160x64xi32, #tpu.memory_space<hbm>>
      %dma_start3A_444 = arith.constant 0 : i32
      %dma_start3A_445 = tpu.memref_slice %arg5[%add3A, %dma_start3A_444] : memref<5120x64xi32, #tpu.memory_space<hbm>> -> memref<160x64xi32, #tpu.memory_space<hbm>>
      tpu.enqueue_dma source(%dma_start3A_445 : memref<160x64xi32, #tpu.memory_space<hbm>>) target(%arg8 : memref<160x64xi32, #tpu.memory_space<vmem>>) target_semaphore(%run_scoped3A : memref<!tpu.dma_semaphore, #tpu.memory_space<semaphore_mem>>)
      %dma_wait3A_446 = arith.constant 0 : i32
      %dma_wait3A_447 = tpu.memref_slice %arg5[%add3A, %dma_wait3A_446] : memref<5120x64xi32, #tpu.memory_space<hbm>> -> memref<160x64xi32, #tpu.memory_space<hbm>>
      %dma_wait3A_448 = arith.constant 0 : i32
      %dma_wait3A_449 = tpu.memref_slice %arg5[%add3A, %dma_wait3A_448] : memref<5120x64xi32, #tpu.memory_space<hbm>> -> memref<160x64xi32, #tpu.memory_space<hbm>>
      tpu.wait_dma2 semaphore(%run_scoped3A : memref<!tpu.dma_semaphore, #tpu.memory_space<semaphore_mem>>) src(%dma_wait3A_449 : memref<160x64xi32, #tpu.memory_space<hbm>>) dst(%arg8 : memref<160x64xi32, #tpu.memory_space<vmem>>)
      tpu.yield
    }) : () -> ()
    %mul3A_9 = arith.constant 640 : i32
    %mul3A_10 = arith.muli %arg1, %mul3A_9 : i32
    %scan3A_11 = arith.constant 0 : i32
    %scan3A_12 = arith.constant 0 : i32
    %scan3A_13 = arith.constant 5 : i32
    %scan3A_14 = arith.addi %scan3A_12, %scan3A_13 : i32
    %scan3A_15 = arith.constant 1 : i32
    %scan3A_16 = scf.for %scan3A_442 = %scan3A_12 to %scan3A_14 step %scan3A_15 iter_args(%scan3A_443 = %scan3A_11) -> (i32)  : i32 {
      %mul3A_444 = arith.constant 128 : i32
      %mul3A_445 = arith.muli %scan3A_442, %mul3A_444 : i32
      %add3A_446 = arith.addi %mul3A_10, %mul3A_445 : i32
      "tpu.region"() ({
        %run_scoped3A = tpu.sem_alloc : memref<!tpu.dma_semaphore, #tpu.memory_space<semaphore_mem>>
        %dma_start3A_448 = arith.constant 0 : i32
        %dma_start3A_449 = tpu.memref_slice %arg19[%add3A_446, %dma_start3A_448] : memref<10240x128xbf16, #tpu.memory_space<vmem_shared>> -> memref<128x128xbf16, #tpu.memory_space<vmem_shared>>
        %dma_start3A_450 = arith.constant 0 : i32
        %dma_start3A_451 = tpu.memref_slice %arg19[%add3A_446, %dma_start3A_450] : memref<10240x128xbf16, #tpu.memory_space<vmem_shared>> -> memref<128x128xbf16, #tpu.memory_space<vmem_shared>>
        tpu.enqueue_dma source(%arg10 : memref<128x128xbf16, #tpu.memory_space<vmem>>) target(%dma_start3A_451 : memref<128x128xbf16, #tpu.memory_space<vmem_shared>>) target_semaphore(%run_scoped3A : memref<!tpu.dma_semaphore, #tpu.memory_space<semaphore_mem>>)
        %dma_wait3A_452 = arith.constant 0 : i32
        %dma_wait3A_453 = tpu.memref_slice %arg19[%add3A_446, %dma_wait3A_452] : memref<10240x128xbf16, #tpu.memory_space<vmem_shared>> -> memref<128x128xbf16, #tpu.memory_space<vmem_shared>>
        %dma_wait3A_454 = arith.constant 0 : i32
        %dma_wait3A_455 = tpu.memref_slice %arg19[%add3A_446, %dma_wait3A_454] : memref<10240x128xbf16, #tpu.memory_space<vmem_shared>> -> memref<128x128xbf16, #tpu.memory_space<vmem_shared>>
        tpu.wait_dma2 semaphore(%run_scoped3A : memref<!tpu.dma_semaphore, #tpu.memory_space<semaphore_mem>>) src(%arg10 : memref<128x128xbf16, #tpu.memory_space<vmem>>) dst(%dma_wait3A_455 : memref<128x128xbf16, #tpu.memory_space<vmem_shared>>)
        tpu.yield
      }) : () -> ()
      %scan3A_447 = arith.constant 0 : i32
      scf.yield %scan3A_447 : i32
    }
    %scan3A_17 = arith.constant 5 : i32
    %barrier3A = arith.constant 0 : index
    tpu.barrier barrier_id(%barrier3A)
    %dma_start3A = arith.constant 0 : i32
    %dma_start3A_18 = arith.constant 0 : i32
    %dma_start3A_19 = arith.constant 0 : i32
    %dma_start3A_20 = arith.constant 0 : i32
    %dma_start3A_21 = tpu.memref_slice %arg9[%dma_start3A_18, %dma_start3A_19, %dma_start3A_20] : memref<4x64x128xbf16, #tpu.memory_space<vmem>> -> memref<1x64x128xbf16, #tpu.memory_space<vmem>>
    %dma_start3A_22 = tpu.memref_squeeze %dma_start3A_21 : memref<1x64x128xbf16, #tpu.memory_space<vmem>> -> memref<64x128xbf16, #tpu.memory_space<vmem>>
    %dma_start3A_23 = arith.constant 0 : i32
    %dma_start3A_24 = tpu.memref_slice %arg7[%dma_start3A, %dma_start3A_23] : memref<160x64xi32, #tpu.memory_space<vmem>> -> memref<1x64xi32, #tpu.memory_space<vmem>>
    %dma_start3A_25 = tpu.memref_squeeze %dma_start3A_24 : memref<1x64xi32, #tpu.memory_space<vmem>> -> memref<64xi32, #tpu.memory_space<vmem>>
    %dma_start3A_26 = arith.constant 0 : i32
    %dma_start3A_27 = arith.constant 0 : i32
    %dma_start3A_28 = tpu.memref_slice %arg2[%dma_start3A_26, %dma_start3A_27] : memref<10240x128xbf16, #tpu.memory_space<hbm>> -> memref<10240x128xbf16, #tpu.memory_space<hbm>>
    tpu.enqueue_indirect_dma source(%dma_start3A_28 : memref<10240x128xbf16, #tpu.memory_space<hbm>>) target(%dma_start3A_22 : memref<64x128xbf16, #tpu.memory_space<vmem>>) offsets(%dma_start3A_25 : memref<64xi32, #tpu.memory_space<vmem>>) semaphore(%arg11 : memref<!tpu.dma_semaphore, #tpu.memory_space<semaphore_mem>>)
    %dma_start3A_29 = arith.constant 1 : i32
    %dma_start3A_30 = arith.constant 1 : i32
    %dma_start3A_31 = arith.constant 0 : i32
    %dma_start3A_32 = arith.constant 0 : i32
    %dma_start3A_33 = tpu.memref_slice %arg9[%dma_start3A_30, %dma_start3A_31, %dma_start3A_32] : memref<4x64x128xbf16, #tpu.memory_space<vmem>> -> memref<1x64x128xbf16, #tpu.memory_space<vmem>>
    %dma_start3A_34 = tpu.memref_squeeze %dma_start3A_33 : memref<1x64x128xbf16, #tpu.memory_space<vmem>> -> memref<64x128xbf16, #tpu.memory_space<vmem>>
    %dma_start3A_35 = arith.constant 0 : i32
    %dma_start3A_36 = tpu.memref_slice %arg7[%dma_start3A_29, %dma_start3A_35] : memref<160x64xi32, #tpu.memory_space<vmem>> -> memref<1x64xi32, #tpu.memory_space<vmem>>
    %dma_start3A_37 = tpu.memref_squeeze %dma_start3A_36 : memref<1x64xi32, #tpu.memory_space<vmem>> -> memref<64xi32, #tpu.memory_space<vmem>>
    %dma_start3A_38 = arith.constant 0 : i32
    %dma_start3A_39 = arith.constant 0 : i32
    %dma_start3A_40 = tpu.memref_slice %arg2[%dma_start3A_38, %dma_start3A_39] : memref<10240x128xbf16, #tpu.memory_space<hbm>> -> memref<10240x128xbf16, #tpu.memory_space<hbm>>
    tpu.enqueue_indirect_dma source(%dma_start3A_40 : memref<10240x128xbf16, #tpu.memory_space<hbm>>) target(%dma_start3A_34 : memref<64x128xbf16, #tpu.memory_space<vmem>>) offsets(%dma_start3A_37 : memref<64xi32, #tpu.memory_space<vmem>>) semaphore(%arg12 : memref<!tpu.dma_semaphore, #tpu.memory_space<semaphore_mem>>)
    %dma_start3A_41 = arith.constant 2 : i32
    %dma_start3A_42 = arith.constant 2 : i32
    %dma_start3A_43 = arith.constant 0 : i32
    %dma_start3A_44 = arith.constant 0 : i32
    %dma_start3A_45 = tpu.memref_slice %arg9[%dma_start3A_42, %dma_start3A_43, %dma_start3A_44] : memref<4x64x128xbf16, #tpu.memory_space<vmem>> -> memref<1x64x128xbf16, #tpu.memory_space<vmem>>
    %dma_start3A_46 = tpu.memref_squeeze %dma_start3A_45 : memref<1x64x128xbf16, #tpu.memory_space<vmem>> -> memref<64x128xbf16, #tpu.memory_space<vmem>>
    %dma_start3A_47 = arith.constant 0 : i32
    %dma_start3A_48 = tpu.memref_slice %arg7[%dma_start3A_41, %dma_start3A_47] : memref<160x64xi32, #tpu.memory_space<vmem>> -> memref<1x64xi32, #tpu.memory_space<vmem>>
    %dma_start3A_49 = tpu.memref_squeeze %dma_start3A_48 : memref<1x64xi32, #tpu.memory_space<vmem>> -> memref<64xi32, #tpu.memory_space<vmem>>
    %dma_start3A_50 = arith.constant 0 : i32
    %dma_start3A_51 = arith.constant 0 : i32
    %dma_start3A_52 = tpu.memref_slice %arg2[%dma_start3A_50, %dma_start3A_51] : memref<10240x128xbf16, #tpu.memory_space<hbm>> -> memref<10240x128xbf16, #tpu.memory_space<hbm>>
    tpu.enqueue_indirect_dma source(%dma_start3A_52 : memref<10240x128xbf16, #tpu.memory_space<hbm>>) target(%dma_start3A_46 : memref<64x128xbf16, #tpu.memory_space<vmem>>) offsets(%dma_start3A_49 : memref<64xi32, #tpu.memory_space<vmem>>) semaphore(%arg13 : memref<!tpu.dma_semaphore, #tpu.memory_space<semaphore_mem>>)
    %dma_start3A_53 = arith.constant 3 : i32
    %dma_start3A_54 = arith.constant 3 : i32
    %dma_start3A_55 = arith.constant 0 : i32
    %dma_start3A_56 = arith.constant 0 : i32
    %dma_start3A_57 = tpu.memref_slice %arg9[%dma_start3A_54, %dma_start3A_55, %dma_start3A_56] : memref<4x64x128xbf16, #tpu.memory_space<vmem>> -> memref<1x64x128xbf16, #tpu.memory_space<vmem>>
    %dma_start3A_58 = tpu.memref_squeeze %dma_start3A_57 : memref<1x64x128xbf16, #tpu.memory_space<vmem>> -> memref<64x128xbf16, #tpu.memory_space<vmem>>
    %dma_start3A_59 = arith.constant 0 : i32
    %dma_start3A_60 = tpu.memref_slice %arg7[%dma_start3A_53, %dma_start3A_59] : memref<160x64xi32, #tpu.memory_space<vmem>> -> memref<1x64xi32, #tpu.memory_space<vmem>>
    %dma_start3A_61 = tpu.memref_squeeze %dma_start3A_60 : memref<1x64xi32, #tpu.memory_space<vmem>> -> memref<64xi32, #tpu.memory_space<vmem>>
    %dma_start3A_62 = arith.constant 0 : i32
    %dma_start3A_63 = arith.constant 0 : i32
    %dma_start3A_64 = tpu.memref_slice %arg2[%dma_start3A_62, %dma_start3A_63] : memref<10240x128xbf16, #tpu.memory_space<hbm>> -> memref<10240x128xbf16, #tpu.memory_space<hbm>>
    tpu.enqueue_indirect_dma source(%dma_start3A_64 : memref<10240x128xbf16, #tpu.memory_space<hbm>>) target(%dma_start3A_58 : memref<64x128xbf16, #tpu.memory_space<vmem>>) offsets(%dma_start3A_61 : memref<64xi32, #tpu.memory_space<vmem>>) semaphore(%arg14 : memref<!tpu.dma_semaphore, #tpu.memory_space<semaphore_mem>>)
    %scan3A_65 = arith.constant 0 : i32
    %scan3A_66 = arith.constant 0 : i32
    %scan3A_67 = arith.constant 39 : i32
    %scan3A_68 = arith.addi %scan3A_66, %scan3A_67 : i32
    %scan3A_69 = arith.constant 1 : i32
    %scan3A_70 = scf.for %scan3A_442 = %scan3A_66 to %scan3A_68 step %scan3A_69 iter_args(%scan3A_443 = %scan3A_65) -> (i32)  : i32 {
      %mul3A_444 = arith.constant 4 : i32
      %mul3A_445 = arith.muli %mul3A_444, %scan3A_442 : i32
      %dma_wait3A_446 = arith.constant 0 : i32
      %dma_wait3A_447 = arith.constant 0 : i32
      %dma_wait3A_448 = arith.constant 0 : i32
      %dma_wait3A_449 = arith.constant 0 : i32
      %dma_wait3A_450 = tpu.memref_slice %arg9[%dma_wait3A_447, %dma_wait3A_448, %dma_wait3A_449] : memref<4x64x128xbf16, #tpu.memory_space<vmem>> -> memref<1x64x128xbf16, #tpu.memory_space<vmem>>
      %dma_wait3A_451 = tpu.memref_squeeze %dma_wait3A_450 : memref<1x64x128xbf16, #tpu.memory_space<vmem>> -> memref<64x128xbf16, #tpu.memory_space<vmem>>
      %dma_wait3A_452 = arith.constant 0 : i32
      %dma_wait3A_453 = tpu.memref_slice %arg7[%dma_wait3A_446, %dma_wait3A_452] : memref<160x64xi32, #tpu.memory_space<vmem>> -> memref<1x64xi32, #tpu.memory_space<vmem>>
      %dma_wait3A_454 = tpu.memref_squeeze %dma_wait3A_453 : memref<1x64xi32, #tpu.memory_space<vmem>> -> memref<64xi32, #tpu.memory_space<vmem>>
      %dma_wait3A_455 = arith.constant 0 : i32
      %dma_wait3A_456 = arith.constant 0 : i32
      %dma_wait3A_457 = tpu.memref_slice %arg2[%dma_wait3A_455, %dma_wait3A_456] : memref<10240x128xbf16, #tpu.memory_space<hbm>> -> memref<10240x128xbf16, #tpu.memory_space<hbm>>
      tpu.wait_indirect_dma semaphore(%arg11 : memref<!tpu.dma_semaphore, #tpu.memory_space<semaphore_mem>>) src(%dma_wait3A_457 : memref<10240x128xbf16, #tpu.memory_space<hbm>>) dst(%dma_wait3A_451 : memref<64x128xbf16, #tpu.memory_space<vmem>>)
      %add3A_458 = arith.constant 0 : i32
      %add3A_459 = arith.addi %mul3A_445, %add3A_458 : i32
      %dma_start3A_460 = arith.constant 0 : i32
      %dma_start3A_461 = arith.constant 0 : i32
      %dma_start3A_462 = arith.constant 0 : i32
      %dma_start3A_463 = tpu.memref_slice %arg9[%dma_start3A_460, %dma_start3A_461, %dma_start3A_462] : memref<4x64x128xbf16, #tpu.memory_space<vmem>> -> memref<1x64x128xbf16, #tpu.memory_space<vmem>>
      %dma_start3A_464 = tpu.memref_squeeze %dma_start3A_463 : memref<1x64x128xbf16, #tpu.memory_space<vmem>> -> memref<64x128xbf16, #tpu.memory_space<vmem>>
      %dma_start3A_465 = arith.constant 0 : i32
      %dma_start3A_466 = tpu.memref_slice %arg8[%add3A_459, %dma_start3A_465] : memref<160x64xi32, #tpu.memory_space<vmem>> -> memref<1x64xi32, #tpu.memory_space<vmem>>
      %dma_start3A_467 = tpu.memref_squeeze %dma_start3A_466 : memref<1x64xi32, #tpu.memory_space<vmem>> -> memref<64xi32, #tpu.memory_space<vmem>>
      %dma_start3A_468 = arith.constant 0 : i32
      %dma_start3A_469 = arith.constant 0 : i32
      %dma_start3A_470 = tpu.memref_slice %arg19[%dma_start3A_468, %dma_start3A_469] : memref<10240x128xbf16, #tpu.memory_space<vmem_shared>> -> memref<10240x128xbf16, #tpu.memory_space<vmem_shared>>
      tpu.enqueue_indirect_dma source(%dma_start3A_464 : memref<64x128xbf16, #tpu.memory_space<vmem>>) target(%dma_start3A_470 : memref<10240x128xbf16, #tpu.memory_space<vmem_shared>>) offsets(%dma_start3A_467 : memref<64xi32, #tpu.memory_space<vmem>>) semaphore(%arg15 : memref<!tpu.dma_semaphore, #tpu.memory_space<semaphore_mem>>) {add = true}
      %dma_wait3A_471 = arith.constant 0 : i32
      %dma_wait3A_472 = arith.constant 1 : i32
      %dma_wait3A_473 = arith.constant 0 : i32
      %dma_wait3A_474 = arith.constant 0 : i32
      %dma_wait3A_475 = tpu.memref_slice %arg9[%dma_wait3A_472, %dma_wait3A_473, %dma_wait3A_474] : memref<4x64x128xbf16, #tpu.memory_space<vmem>> -> memref<1x64x128xbf16, #tpu.memory_space<vmem>>
      %dma_wait3A_476 = tpu.memref_squeeze %dma_wait3A_475 : memref<1x64x128xbf16, #tpu.memory_space<vmem>> -> memref<64x128xbf16, #tpu.memory_space<vmem>>
      %dma_wait3A_477 = arith.constant 0 : i32
      %dma_wait3A_478 = tpu.memref_slice %arg7[%dma_wait3A_471, %dma_wait3A_477] : memref<160x64xi32, #tpu.memory_space<vmem>> -> memref<1x64xi32, #tpu.memory_space<vmem>>
      %dma_wait3A_479 = tpu.memref_squeeze %dma_wait3A_478 : memref<1x64xi32, #tpu.memory_space<vmem>> -> memref<64xi32, #tpu.memory_space<vmem>>
      %dma_wait3A_480 = arith.constant 0 : i32
      %dma_wait3A_481 = arith.constant 0 : i32
      %dma_wait3A_482 = tpu.memref_slice %arg2[%dma_wait3A_480, %dma_wait3A_481] : memref<10240x128xbf16, #tpu.memory_space<hbm>> -> memref<10240x128xbf16, #tpu.memory_space<hbm>>
      tpu.wait_indirect_dma semaphore(%arg12 : memref<!tpu.dma_semaphore, #tpu.memory_space<semaphore_mem>>) src(%dma_wait3A_482 : memref<10240x128xbf16, #tpu.memory_space<hbm>>) dst(%dma_wait3A_476 : memref<64x128xbf16, #tpu.memory_space<vmem>>)
      %add3A_483 = arith.constant 1 : i32
      %add3A_484 = arith.addi %mul3A_445, %add3A_483 : i32
      %dma_start3A_485 = arith.constant 1 : i32
      %dma_start3A_486 = arith.constant 0 : i32
      %dma_start3A_487 = arith.constant 0 : i32
      %dma_start3A_488 = tpu.memref_slice %arg9[%dma_start3A_485, %dma_start3A_486, %dma_start3A_487] : memref<4x64x128xbf16, #tpu.memory_space<vmem>> -> memref<1x64x128xbf16, #tpu.memory_space<vmem>>
      %dma_start3A_489 = tpu.memref_squeeze %dma_start3A_488 : memref<1x64x128xbf16, #tpu.memory_space<vmem>> -> memref<64x128xbf16, #tpu.memory_space<vmem>>
      %dma_start3A_490 = arith.constant 0 : i32
      %dma_start3A_491 = tpu.memref_slice %arg8[%add3A_484, %dma_start3A_490] : memref<160x64xi32, #tpu.memory_space<vmem>> -> memref<1x64xi32, #tpu.memory_space<vmem>>
      %dma_start3A_492 = tpu.memref_squeeze %dma_start3A_491 : memref<1x64xi32, #tpu.memory_space<vmem>> -> memref<64xi32, #tpu.memory_space<vmem>>
      %dma_start3A_493 = arith.constant 0 : i32
      %dma_start3A_494 = arith.constant 0 : i32
      %dma_start3A_495 = tpu.memref_slice %arg19[%dma_start3A_493, %dma_start3A_494] : memref<10240x128xbf16, #tpu.memory_space<vmem_shared>> -> memref<10240x128xbf16, #tpu.memory_space<vmem_shared>>
      tpu.enqueue_indirect_dma source(%dma_start3A_489 : memref<64x128xbf16, #tpu.memory_space<vmem>>) target(%dma_start3A_495 : memref<10240x128xbf16, #tpu.memory_space<vmem_shared>>) offsets(%dma_start3A_492 : memref<64xi32, #tpu.memory_space<vmem>>) semaphore(%arg16 : memref<!tpu.dma_semaphore, #tpu.memory_space<semaphore_mem>>) {add = true}
      %dma_wait3A_496 = arith.constant 0 : i32
      %dma_wait3A_497 = arith.constant 2 : i32
      %dma_wait3A_498 = arith.constant 0 : i32
      %dma_wait3A_499 = arith.constant 0 : i32
      %dma_wait3A_500 = tpu.memref_slice %arg9[%dma_wait3A_497, %dma_wait3A_498, %dma_wait3A_499] : memref<4x64x128xbf16, #tpu.memory_space<vmem>> -> memref<1x64x128xbf16, #tpu.memory_space<vmem>>
      %dma_wait3A_501 = tpu.memref_squeeze %dma_wait3A_500 : memref<1x64x128xbf16, #tpu.memory_space<vmem>> -> memref<64x128xbf16, #tpu.memory_space<vmem>>
      %dma_wait3A_502 = arith.constant 0 : i32
      %dma_wait3A_503 = tpu.memref_slice %arg7[%dma_wait3A_496, %dma_wait3A_502] : memref<160x64xi32, #tpu.memory_space<vmem>> -> memref<1x64xi32, #tpu.memory_space<vmem>>
      %dma_wait3A_504 = tpu.memref_squeeze %dma_wait3A_503 : memref<1x64xi32, #tpu.memory_space<vmem>> -> memref<64xi32, #tpu.memory_space<vmem>>
      %dma_wait3A_505 = arith.constant 0 : i32
      %dma_wait3A_506 = arith.constant 0 : i32
      %dma_wait3A_507 = tpu.memref_slice %arg2[%dma_wait3A_505, %dma_wait3A_506] : memref<10240x128xbf16, #tpu.memory_space<hbm>> -> memref<10240x128xbf16, #tpu.memory_space<hbm>>
      tpu.wait_indirect_dma semaphore(%arg13 : memref<!tpu.dma_semaphore, #tpu.memory_space<semaphore_mem>>) src(%dma_wait3A_507 : memref<10240x128xbf16, #tpu.memory_space<hbm>>) dst(%dma_wait3A_501 : memref<64x128xbf16, #tpu.memory_space<vmem>>)
      %add3A_508 = arith.constant 2 : i32
      %add3A_509 = arith.addi %mul3A_445, %add3A_508 : i32
      %dma_start3A_510 = arith.constant 2 : i32
      %dma_start3A_511 = arith.constant 0 : i32
      %dma_start3A_512 = arith.constant 0 : i32
      %dma_start3A_513 = tpu.memref_slice %arg9[%dma_start3A_510, %dma_start3A_511, %dma_start3A_512] : memref<4x64x128xbf16, #tpu.memory_space<vmem>> -> memref<1x64x128xbf16, #tpu.memory_space<vmem>>
      %dma_start3A_514 = tpu.memref_squeeze %dma_start3A_513 : memref<1x64x128xbf16, #tpu.memory_space<vmem>> -> memref<64x128xbf16, #tpu.memory_space<vmem>>
      %dma_start3A_515 = arith.constant 0 : i32
      %dma_start3A_516 = tpu.memref_slice %arg8[%add3A_509, %dma_start3A_515] : memref<160x64xi32, #tpu.memory_space<vmem>> -> memref<1x64xi32, #tpu.memory_space<vmem>>
      %dma_start3A_517 = tpu.memref_squeeze %dma_start3A_516 : memref<1x64xi32, #tpu.memory_space<vmem>> -> memref<64xi32, #tpu.memory_space<vmem>>
      %dma_start3A_518 = arith.constant 0 : i32
      %dma_start3A_519 = arith.constant 0 : i32
      %dma_start3A_520 = tpu.memref_slice %arg19[%dma_start3A_518, %dma_start3A_519] : memref<10240x128xbf16, #tpu.memory_space<vmem_shared>> -> memref<10240x128xbf16, #tpu.memory_space<vmem_shared>>
      tpu.enqueue_indirect_dma source(%dma_start3A_514 : memref<64x128xbf16, #tpu.memory_space<vmem>>) target(%dma_start3A_520 : memref<10240x128xbf16, #tpu.memory_space<vmem_shared>>) offsets(%dma_start3A_517 : memref<64xi32, #tpu.memory_space<vmem>>) semaphore(%arg17 : memref<!tpu.dma_semaphore, #tpu.memory_space<semaphore_mem>>) {add = true}
      %dma_wait3A_521 = arith.constant 0 : i32
      %dma_wait3A_522 = arith.constant 3 : i32
      %dma_wait3A_523 = arith.constant 0 : i32
      %dma_wait3A_524 = arith.constant 0 : i32
      %dma_wait3A_525 = tpu.memref_slice %arg9[%dma_wait3A_522, %dma_wait3A_523, %dma_wait3A_524] : memref<4x64x128xbf16, #tpu.memory_space<vmem>> -> memref<1x64x128xbf16, #tpu.memory_space<vmem>>
      %dma_wait3A_526 = tpu.memref_squeeze %dma_wait3A_525 : memref<1x64x128xbf16, #tpu.memory_space<vmem>> -> memref<64x128xbf16, #tpu.memory_space<vmem>>
      %dma_wait3A_527 = arith.constant 0 : i32
      %dma_wait3A_528 = tpu.memref_slice %arg7[%dma_wait3A_521, %dma_wait3A_527] : memref<160x64xi32, #tpu.memory_space<vmem>> -> memref<1x64xi32, #tpu.memory_space<vmem>>
      %dma_wait3A_529 = tpu.memref_squeeze %dma_wait3A_528 : memref<1x64xi32, #tpu.memory_space<vmem>> -> memref<64xi32, #tpu.memory_space<vmem>>
      %dma_wait3A_530 = arith.constant 0 : i32
      %dma_wait3A_531 = arith.constant 0 : i32
      %dma_wait3A_532 = tpu.memref_slice %arg2[%dma_wait3A_530, %dma_wait3A_531] : memref<10240x128xbf16, #tpu.memory_space<hbm>> -> memref<10240x128xbf16, #tpu.memory_space<hbm>>
      tpu.wait_indirect_dma semaphore(%arg14 : memref<!tpu.dma_semaphore, #tpu.memory_space<semaphore_mem>>) src(%dma_wait3A_532 : memref<10240x128xbf16, #tpu.memory_space<hbm>>) dst(%dma_wait3A_526 : memref<64x128xbf16, #tpu.memory_space<vmem>>)
      %add3A_533 = arith.constant 3 : i32
      %add3A_534 = arith.addi %mul3A_445, %add3A_533 : i32
      %dma_start3A_535 = arith.constant 3 : i32
      %dma_start3A_536 = arith.constant 0 : i32
      %dma_start3A_537 = arith.constant 0 : i32
      %dma_start3A_538 = tpu.memref_slice %arg9[%dma_start3A_535, %dma_start3A_536, %dma_start3A_537] : memref<4x64x128xbf16, #tpu.memory_space<vmem>> -> memref<1x64x128xbf16, #tpu.memory_space<vmem>>
      %dma_start3A_539 = tpu.memref_squeeze %dma_start3A_538 : memref<1x64x128xbf16, #tpu.memory_space<vmem>> -> memref<64x128xbf16, #tpu.memory_space<vmem>>
      %dma_start3A_540 = arith.constant 0 : i32
      %dma_start3A_541 = tpu.memref_slice %arg8[%add3A_534, %dma_start3A_540] : memref<160x64xi32, #tpu.memory_space<vmem>> -> memref<1x64xi32, #tpu.memory_space<vmem>>
      %dma_start3A_542 = tpu.memref_squeeze %dma_start3A_541 : memref<1x64xi32, #tpu.memory_space<vmem>> -> memref<64xi32, #tpu.memory_space<vmem>>
      %dma_start3A_543 = arith.constant 0 : i32
      %dma_start3A_544 = arith.constant 0 : i32
      %dma_start3A_545 = tpu.memref_slice %arg19[%dma_start3A_543, %dma_start3A_544] : memref<10240x128xbf16, #tpu.memory_space<vmem_shared>> -> memref<10240x128xbf16, #tpu.memory_space<vmem_shared>>
      tpu.enqueue_indirect_dma source(%dma_start3A_539 : memref<64x128xbf16, #tpu.memory_space<vmem>>) target(%dma_start3A_545 : memref<10240x128xbf16, #tpu.memory_space<vmem_shared>>) offsets(%dma_start3A_542 : memref<64xi32, #tpu.memory_space<vmem>>) semaphore(%arg18 : memref<!tpu.dma_semaphore, #tpu.memory_space<semaphore_mem>>) {add = true}
      %dma_wait3A_546 = arith.constant 0 : i32
      %dma_wait3A_547 = arith.constant 0 : i32
      %dma_wait3A_548 = arith.constant 0 : i32
      %dma_wait3A_549 = arith.constant 0 : i32
      %dma_wait3A_550 = tpu.memref_slice %arg9[%dma_wait3A_546, %dma_wait3A_548, %dma_wait3A_549] : memref<4x64x128xbf16, #tpu.memory_space<vmem>> -> memref<1x64x128xbf16, #tpu.memory_space<vmem>>
      %dma_wait3A_551 = tpu.memref_squeeze %dma_wait3A_550 : memref<1x64x128xbf16, #tpu.memory_space<vmem>> -> memref<64x128xbf16, #tpu.memory_space<vmem>>
      %dma_wait3A_552 = arith.constant 0 : i32
      %dma_wait3A_553 = tpu.memref_slice %arg8[%dma_wait3A_547, %dma_wait3A_552] : memref<160x64xi32, #tpu.memory_space<vmem>> -> memref<1x64xi32, #tpu.memory_space<vmem>>
      %dma_wait3A_554 = tpu.memref_squeeze %dma_wait3A_553 : memref<1x64xi32, #tpu.memory_space<vmem>> -> memref<64xi32, #tpu.memory_space<vmem>>
      %dma_wait3A_555 = arith.constant 0 : i32
      %dma_wait3A_556 = arith.constant 0 : i32
      %dma_wait3A_557 = tpu.memref_slice %arg19[%dma_wait3A_555, %dma_wait3A_556] : memref<10240x128xbf16, #tpu.memory_space<vmem_shared>> -> memref<10240x128xbf16, #tpu.memory_space<vmem_shared>>
      tpu.wait_indirect_dma semaphore(%arg15 : memref<!tpu.dma_semaphore, #tpu.memory_space<semaphore_mem>>) src(%dma_wait3A_551 : memref<64x128xbf16, #tpu.memory_space<vmem>>) dst(%dma_wait3A_557 : memref<10240x128xbf16, #tpu.memory_space<vmem_shared>>)
      %add3A_558 = arith.constant 4 : i32
      %add3A_559 = arith.addi %mul3A_445, %add3A_558 : i32
      %add3A_560 = arith.constant 0 : i32
      %add3A_561 = arith.addi %add3A_559, %add3A_560 : i32
      %dma_start3A_562 = arith.constant 0 : i32
      %dma_start3A_563 = arith.constant 0 : i32
      %dma_start3A_564 = arith.constant 0 : i32
      %dma_start3A_565 = tpu.memref_slice %arg9[%dma_start3A_562, %dma_start3A_563, %dma_start3A_564] : memref<4x64x128xbf16, #tpu.memory_space<vmem>> -> memref<1x64x128xbf16, #tpu.memory_space<vmem>>
      %dma_start3A_566 = tpu.memref_squeeze %dma_start3A_565 : memref<1x64x128xbf16, #tpu.memory_space<vmem>> -> memref<64x128xbf16, #tpu.memory_space<vmem>>
      %dma_start3A_567 = arith.constant 0 : i32
      %dma_start3A_568 = tpu.memref_slice %arg7[%add3A_561, %dma_start3A_567] : memref<160x64xi32, #tpu.memory_space<vmem>> -> memref<1x64xi32, #tpu.memory_space<vmem>>
      %dma_start3A_569 = tpu.memref_squeeze %dma_start3A_568 : memref<1x64xi32, #tpu.memory_space<vmem>> -> memref<64xi32, #tpu.memory_space<vmem>>
      %dma_start3A_570 = arith.constant 0 : i32
      %dma_start3A_571 = arith.constant 0 : i32
      %dma_start3A_572 = tpu.memref_slice %arg2[%dma_start3A_570, %dma_start3A_571] : memref<10240x128xbf16, #tpu.memory_space<hbm>> -> memref<10240x128xbf16, #tpu.memory_space<hbm>>
      tpu.enqueue_indirect_dma source(%dma_start3A_572 : memref<10240x128xbf16, #tpu.memory_space<hbm>>) target(%dma_start3A_566 : memref<64x128xbf16, #tpu.memory_space<vmem>>) offsets(%dma_start3A_569 : memref<64xi32, #tpu.memory_space<vmem>>) semaphore(%arg11 : memref<!tpu.dma_semaphore, #tpu.memory_space<semaphore_mem>>)
      %dma_wait3A_573 = arith.constant 1 : i32
      %dma_wait3A_574 = arith.constant 0 : i32
      %dma_wait3A_575 = arith.constant 0 : i32
      %dma_wait3A_576 = arith.constant 0 : i32
      %dma_wait3A_577 = tpu.memref_slice %arg9[%dma_wait3A_573, %dma_wait3A_575, %dma_wait3A_576] : memref<4x64x128xbf16, #tpu.memory_space<vmem>> -> memref<1x64x128xbf16, #tpu.memory_space<vmem>>
      %dma_wait3A_578 = tpu.memref_squeeze %dma_wait3A_577 : memref<1x64x128xbf16, #tpu.memory_space<vmem>> -> memref<64x128xbf16, #tpu.memory_space<vmem>>
      %dma_wait3A_579 = arith.constant 0 : i32
      %dma_wait3A_580 = tpu.memref_slice %arg8[%dma_wait3A_574, %dma_wait3A_579] : memref<160x64xi32, #tpu.memory_space<vmem>> -> memref<1x64xi32, #tpu.memory_space<vmem>>
      %dma_wait3A_581 = tpu.memref_squeeze %dma_wait3A_580 : memref<1x64xi32, #tpu.memory_space<vmem>> -> memref<64xi32, #tpu.memory_space<vmem>>
      %dma_wait3A_582 = arith.constant 0 : i32
      %dma_wait3A_583 = arith.constant 0 : i32
      %dma_wait3A_584 = tpu.memref_slice %arg19[%dma_wait3A_582, %dma_wait3A_583] : memref<10240x128xbf16, #tpu.memory_space<vmem_shared>> -> memref<10240x128xbf16, #tpu.memory_space<vmem_shared>>
      tpu.wait_indirect_dma semaphore(%arg16 : memref<!tpu.dma_semaphore, #tpu.memory_space<semaphore_mem>>) src(%dma_wait3A_578 : memref<64x128xbf16, #tpu.memory_space<vmem>>) dst(%dma_wait3A_584 : memref<10240x128xbf16, #tpu.memory_space<vmem_shared>>)
      %add3A_585 = arith.constant 4 : i32
      %add3A_586 = arith.addi %mul3A_445, %add3A_585 : i32
      %add3A_587 = arith.constant 1 : i32
      %add3A_588 = arith.addi %add3A_586, %add3A_587 : i32
      %dma_start3A_589 = arith.constant 1 : i32
      %dma_start3A_590 = arith.constant 0 : i32
      %dma_start3A_591 = arith.constant 0 : i32
      %dma_start3A_592 = tpu.memref_slice %arg9[%dma_start3A_589, %dma_start3A_590, %dma_start3A_591] : memref<4x64x128xbf16, #tpu.memory_space<vmem>> -> memref<1x64x128xbf16, #tpu.memory_space<vmem>>
      %dma_start3A_593 = tpu.memref_squeeze %dma_start3A_592 : memref<1x64x128xbf16, #tpu.memory_space<vmem>> -> memref<64x128xbf16, #tpu.memory_space<vmem>>
      %dma_start3A_594 = arith.constant 0 : i32
      %dma_start3A_595 = tpu.memref_slice %arg7[%add3A_588, %dma_start3A_594] : memref<160x64xi32, #tpu.memory_space<vmem>> -> memref<1x64xi32, #tpu.memory_space<vmem>>
      %dma_start3A_596 = tpu.memref_squeeze %dma_start3A_595 : memref<1x64xi32, #tpu.memory_space<vmem>> -> memref<64xi32, #tpu.memory_space<vmem>>
      %dma_start3A_597 = arith.constant 0 : i32
      %dma_start3A_598 = arith.constant 0 : i32
      %dma_start3A_599 = tpu.memref_slice %arg2[%dma_start3A_597, %dma_start3A_598] : memref<10240x128xbf16, #tpu.memory_space<hbm>> -> memref<10240x128xbf16, #tpu.memory_space<hbm>>
      tpu.enqueue_indirect_dma source(%dma_start3A_599 : memref<10240x128xbf16, #tpu.memory_space<hbm>>) target(%dma_start3A_593 : memref<64x128xbf16, #tpu.memory_space<vmem>>) offsets(%dma_start3A_596 : memref<64xi32, #tpu.memory_space<vmem>>) semaphore(%arg12 : memref<!tpu.dma_semaphore, #tpu.memory_space<semaphore_mem>>)
      %dma_wait3A_600 = arith.constant 2 : i32
      %dma_wait3A_601 = arith.constant 0 : i32
      %dma_wait3A_602 = arith.constant 0 : i32
      %dma_wait3A_603 = arith.constant 0 : i32
      %dma_wait3A_604 = tpu.memref_slice %arg9[%dma_wait3A_600, %dma_wait3A_602, %dma_wait3A_603] : memref<4x64x128xbf16, #tpu.memory_space<vmem>> -> memref<1x64x128xbf16, #tpu.memory_space<vmem>>
      %dma_wait3A_605 = tpu.memref_squeeze %dma_wait3A_604 : memref<1x64x128xbf16, #tpu.memory_space<vmem>> -> memref<64x128xbf16, #tpu.memory_space<vmem>>
      %dma_wait3A_606 = arith.constant 0 : i32
      %dma_wait3A_607 = tpu.memref_slice %arg8[%dma_wait3A_601, %dma_wait3A_606] : memref<160x64xi32, #tpu.memory_space<vmem>> -> memref<1x64xi32, #tpu.memory_space<vmem>>
      %dma_wait3A_608 = tpu.memref_squeeze %dma_wait3A_607 : memref<1x64xi32, #tpu.memory_space<vmem>> -> memref<64xi32, #tpu.memory_space<vmem>>
      %dma_wait3A_609 = arith.constant 0 : i32
      %dma_wait3A_610 = arith.constant 0 : i32
      %dma_wait3A_611 = tpu.memref_slice %arg19[%dma_wait3A_609, %dma_wait3A_610] : memref<10240x128xbf16, #tpu.memory_space<vmem_shared>> -> memref<10240x128xbf16, #tpu.memory_space<vmem_shared>>
      tpu.wait_indirect_dma semaphore(%arg17 : memref<!tpu.dma_semaphore, #tpu.memory_space<semaphore_mem>>) src(%dma_wait3A_605 : memref<64x128xbf16, #tpu.memory_space<vmem>>) dst(%dma_wait3A_611 : memref<10240x128xbf16, #tpu.memory_space<vmem_shared>>)
      %add3A_612 = arith.constant 4 : i32
      %add3A_613 = arith.addi %mul3A_445, %add3A_612 : i32
      %add3A_614 = arith.constant 2 : i32
      %add3A_615 = arith.addi %add3A_613, %add3A_614 : i32
      %dma_start3A_616 = arith.constant 2 : i32
      %dma_start3A_617 = arith.constant 0 : i32
      %dma_start3A_618 = arith.constant 0 : i32
      %dma_start3A_619 = tpu.memref_slice %arg9[%dma_start3A_616, %dma_start3A_617, %dma_start3A_618] : memref<4x64x128xbf16, #tpu.memory_space<vmem>> -> memref<1x64x128xbf16, #tpu.memory_space<vmem>>
      %dma_start3A_620 = tpu.memref_squeeze %dma_start3A_619 : memref<1x64x128xbf16, #tpu.memory_space<vmem>> -> memref<64x128xbf16, #tpu.memory_space<vmem>>
      %dma_start3A_621 = arith.constant 0 : i32
      %dma_start3A_622 = tpu.memref_slice %arg7[%add3A_615, %dma_start3A_621] : memref<160x64xi32, #tpu.memory_space<vmem>> -> memref<1x64xi32, #tpu.memory_space<vmem>>
      %dma_start3A_623 = tpu.memref_squeeze %dma_start3A_622 : memref<1x64xi32, #tpu.memory_space<vmem>> -> memref<64xi32, #tpu.memory_space<vmem>>
      %dma_start3A_624 = arith.constant 0 : i32
      %dma_start3A_625 = arith.constant 0 : i32
      %dma_start3A_626 = tpu.memref_slice %arg2[%dma_start3A_624, %dma_start3A_625] : memref<10240x128xbf16, #tpu.memory_space<hbm>> -> memref<10240x128xbf16, #tpu.memory_space<hbm>>
      tpu.enqueue_indirect_dma source(%dma_start3A_626 : memref<10240x128xbf16, #tpu.memory_space<hbm>>) target(%dma_start3A_620 : memref<64x128xbf16, #tpu.memory_space<vmem>>) offsets(%dma_start3A_623 : memref<64xi32, #tpu.memory_space<vmem>>) semaphore(%arg13 : memref<!tpu.dma_semaphore, #tpu.memory_space<semaphore_mem>>)
      %dma_wait3A_627 = arith.constant 3 : i32
      %dma_wait3A_628 = arith.constant 0 : i32
      %dma_wait3A_629 = arith.constant 0 : i32
      %dma_wait3A_630 = arith.constant 0 : i32
      %dma_wait3A_631 = tpu.memref_slice %arg9[%dma_wait3A_627, %dma_wait3A_629, %dma_wait3A_630] : memref<4x64x128xbf16, #tpu.memory_space<vmem>> -> memref<1x64x128xbf16, #tpu.memory_space<vmem>>
      %dma_wait3A_632 = tpu.memref_squeeze %dma_wait3A_631 : memref<1x64x128xbf16, #tpu.memory_space<vmem>> -> memref<64x128xbf16, #tpu.memory_space<vmem>>
      %dma_wait3A_633 = arith.constant 0 : i32
      %dma_wait3A_634 = tpu.memref_slice %arg8[%dma_wait3A_628, %dma_wait3A_633] : memref<160x64xi32, #tpu.memory_space<vmem>> -> memref<1x64xi32, #tpu.memory_space<vmem>>
      %dma_wait3A_635 = tpu.memref_squeeze %dma_wait3A_634 : memref<1x64xi32, #tpu.memory_space<vmem>> -> memref<64xi32, #tpu.memory_space<vmem>>
      %dma_wait3A_636 = arith.constant 0 : i32
      %dma_wait3A_637 = arith.constant 0 : i32
      %dma_wait3A_638 = tpu.memref_slice %arg19[%dma_wait3A_636, %dma_wait3A_637] : memref<10240x128xbf16, #tpu.memory_space<vmem_shared>> -> memref<10240x128xbf16, #tpu.memory_space<vmem_shared>>
      tpu.wait_indirect_dma semaphore(%arg18 : memref<!tpu.dma_semaphore, #tpu.memory_space<semaphore_mem>>) src(%dma_wait3A_632 : memref<64x128xbf16, #tpu.memory_space<vmem>>) dst(%dma_wait3A_638 : memref<10240x128xbf16, #tpu.memory_space<vmem_shared>>)
      %add3A_639 = arith.constant 4 : i32
      %add3A_640 = arith.addi %mul3A_445, %add3A_639 : i32
      %add3A_641 = arith.constant 3 : i32
      %add3A_642 = arith.addi %add3A_640, %add3A_641 : i32
      %dma_start3A_643 = arith.constant 3 : i32
      %dma_start3A_644 = arith.constant 0 : i32
      %dma_start3A_645 = arith.constant 0 : i32
      %dma_start3A_646 = tpu.memref_slice %arg9[%dma_start3A_643, %dma_start3A_644, %dma_start3A_645] : memref<4x64x128xbf16, #tpu.memory_space<vmem>> -> memref<1x64x128xbf16, #tpu.memory_space<vmem>>
      %dma_start3A_647 = tpu.memref_squeeze %dma_start3A_646 : memref<1x64x128xbf16, #tpu.memory_space<vmem>> -> memref<64x128xbf16, #tpu.memory_space<vmem>>
      %dma_start3A_648 = arith.constant 0 : i32
      %dma_start3A_649 = tpu.memref_slice %arg7[%add3A_642, %dma_start3A_648] : memref<160x64xi32, #tpu.memory_space<vmem>> -> memref<1x64xi32, #tpu.memory_space<vmem>>
      %dma_start3A_650 = tpu.memref_squeeze %dma_start3A_649 : memref<1x64xi32, #tpu.memory_space<vmem>> -> memref<64xi32, #tpu.memory_space<vmem>>
      %dma_start3A_651 = arith.constant 0 : i32
      %dma_start3A_652 = arith.constant 0 : i32
      %dma_start3A_653 = tpu.memref_slice %arg2[%dma_start3A_651, %dma_start3A_652] : memref<10240x128xbf16, #tpu.memory_space<hbm>> -> memref<10240x128xbf16, #tpu.memory_space<hbm>>
      tpu.enqueue_indirect_dma source(%dma_start3A_653 : memref<10240x128xbf16, #tpu.memory_space<hbm>>) target(%dma_start3A_647 : memref<64x128xbf16, #tpu.memory_space<vmem>>) offsets(%dma_start3A_650 : memref<64xi32, #tpu.memory_space<vmem>>) semaphore(%arg14 : memref<!tpu.dma_semaphore, #tpu.memory_space<semaphore_mem>>)
      %scan3A_654 = arith.constant 0 : i32
      scf.yield %scan3A_654 : i32
    }
    %scan3A_71 = arith.constant 39 : i32
    %dma_wait3A = arith.constant 0 : i32
    %dma_wait3A_72 = arith.constant 0 : i32
    %dma_wait3A_73 = arith.constant 0 : i32
    %dma_wait3A_74 = arith.constant 0 : i32
    %dma_wait3A_75 = tpu.memref_slice %arg9[%dma_wait3A_72, %dma_wait3A_73, %dma_wait3A_74] : memref<4x64x128xbf16, #tpu.memory_space<vmem>> -> memref<1x64x128xbf16, #tpu.memory_space<vmem>>
    %dma_wait3A_76 = tpu.memref_squeeze %dma_wait3A_75 : memref<1x64x128xbf16, #tpu.memory_space<vmem>> -> memref<64x128xbf16, #tpu.memory_space<vmem>>
    %dma_wait3A_77 = arith.constant 0 : i32
    %dma_wait3A_78 = tpu.memref_slice %arg7[%dma_wait3A, %dma_wait3A_77] : memref<160x64xi32, #tpu.memory_space<vmem>> -> memref<1x64xi32, #tpu.memory_space<vmem>>
    %dma_wait3A_79 = tpu.memref_squeeze %dma_wait3A_78 : memref<1x64xi32, #tpu.memory_space<vmem>> -> memref<64xi32, #tpu.memory_space<vmem>>
    %dma_wait3A_80 = arith.constant 0 : i32
    %dma_wait3A_81 = arith.constant 0 : i32
    %dma_wait3A_82 = tpu.memref_slice %arg2[%dma_wait3A_80, %dma_wait3A_81] : memref<10240x128xbf16, #tpu.memory_space<hbm>> -> memref<10240x128xbf16, #tpu.memory_space<hbm>>
    tpu.wait_indirect_dma semaphore(%arg11 : memref<!tpu.dma_semaphore, #tpu.memory_space<semaphore_mem>>) src(%dma_wait3A_82 : memref<10240x128xbf16, #tpu.memory_space<hbm>>) dst(%dma_wait3A_76 : memref<64x128xbf16, #tpu.memory_space<vmem>>)
    %dma_start3A_83 = arith.constant 0 : i32
    %dma_start3A_84 = arith.constant 156 : i32
    %dma_start3A_85 = arith.constant 0 : i32
    %dma_start3A_86 = arith.constant 0 : i32
    %dma_start3A_87 = tpu.memref_slice %arg9[%dma_start3A_83, %dma_start3A_85, %dma_start3A_86] : memref<4x64x128xbf16, #tpu.memory_space<vmem>> -> memref<1x64x128xbf16, #tpu.memory_space<vmem>>
    %dma_start3A_88 = tpu.memref_squeeze %dma_start3A_87 : memref<1x64x128xbf16, #tpu.memory_space<vmem>> -> memref<64x128xbf16, #tpu.memory_space<vmem>>
    %dma_start3A_89 = arith.constant 0 : i32
    %dma_start3A_90 = tpu.memref_slice %arg8[%dma_start3A_84, %dma_start3A_89] : memref<160x64xi32, #tpu.memory_space<vmem>> -> memref<1x64xi32, #tpu.memory_space<vmem>>
    %dma_start3A_91 = tpu.memref_squeeze %dma_start3A_90 : memref<1x64xi32, #tpu.memory_space<vmem>> -> memref<64xi32, #tpu.memory_space<vmem>>
    %dma_start3A_92 = arith.constant 0 : i32
    %dma_start3A_93 = arith.constant 0 : i32
    %dma_start3A_94 = tpu.memref_slice %arg19[%dma_start3A_92, %dma_start3A_93] : memref<10240x128xbf16, #tpu.memory_space<vmem_shared>> -> memref<10240x128xbf16, #tpu.memory_space<vmem_shared>>
    tpu.enqueue_indirect_dma source(%dma_start3A_88 : memref<64x128xbf16, #tpu.memory_space<vmem>>) target(%dma_start3A_94 : memref<10240x128xbf16, #tpu.memory_space<vmem_shared>>) offsets(%dma_start3A_91 : memref<64xi32, #tpu.memory_space<vmem>>) semaphore(%arg15 : memref<!tpu.dma_semaphore, #tpu.memory_space<semaphore_mem>>) {add = true}
    %dma_wait3A_95 = arith.constant 0 : i32
    %dma_wait3A_96 = arith.constant 1 : i32
    %dma_wait3A_97 = arith.constant 0 : i32
    %dma_wait3A_98 = arith.constant 0 : i32
    %dma_wait3A_99 = tpu.memref_slice %arg9[%dma_wait3A_96, %dma_wait3A_97, %dma_wait3A_98] : memref<4x64x128xbf16, #tpu.memory_space<vmem>> -> memref<1x64x128xbf16, #tpu.memory_space<vmem>>
    %dma_wait3A_100 = tpu.memref_squeeze %dma_wait3A_99 : memref<1x64x128xbf16, #tpu.memory_space<vmem>> -> memref<64x128xbf16, #tpu.memory_space<vmem>>
    %dma_wait3A_101 = arith.constant 0 : i32
    %dma_wait3A_102 = tpu.memref_slice %arg7[%dma_wait3A_95, %dma_wait3A_101] : memref<160x64xi32, #tpu.memory_space<vmem>> -> memref<1x64xi32, #tpu.memory_space<vmem>>
    %dma_wait3A_103 = tpu.memref_squeeze %dma_wait3A_102 : memref<1x64xi32, #tpu.memory_space<vmem>> -> memref<64xi32, #tpu.memory_space<vmem>>
    %dma_wait3A_104 = arith.constant 0 : i32
    %dma_wait3A_105 = arith.constant 0 : i32
    %dma_wait3A_106 = tpu.memref_slice %arg2[%dma_wait3A_104, %dma_wait3A_105] : memref<10240x128xbf16, #tpu.memory_space<hbm>> -> memref<10240x128xbf16, #tpu.memory_space<hbm>>
    tpu.wait_indirect_dma semaphore(%arg12 : memref<!tpu.dma_semaphore, #tpu.memory_space<semaphore_mem>>) src(%dma_wait3A_106 : memref<10240x128xbf16, #tpu.memory_space<hbm>>) dst(%dma_wait3A_100 : memref<64x128xbf16, #tpu.memory_space<vmem>>)
    %dma_start3A_107 = arith.constant 1 : i32
    %dma_start3A_108 = arith.constant 157 : i32
    %dma_start3A_109 = arith.constant 0 : i32
    %dma_start3A_110 = arith.constant 0 : i32
    %dma_start3A_111 = tpu.memref_slice %arg9[%dma_start3A_107, %dma_start3A_109, %dma_start3A_110] : memref<4x64x128xbf16, #tpu.memory_space<vmem>> -> memref<1x64x128xbf16, #tpu.memory_space<vmem>>
    %dma_start3A_112 = tpu.memref_squeeze %dma_start3A_111 : memref<1x64x128xbf16, #tpu.memory_space<vmem>> -> memref<64x128xbf16, #tpu.memory_space<vmem>>
    %dma_start3A_113 = arith.constant 0 : i32
    %dma_start3A_114 = tpu.memref_slice %arg8[%dma_start3A_108, %dma_start3A_113] : memref<160x64xi32, #tpu.memory_space<vmem>> -> memref<1x64xi32, #tpu.memory_space<vmem>>
    %dma_start3A_115 = tpu.memref_squeeze %dma_start3A_114 : memref<1x64xi32, #tpu.memory_space<vmem>> -> memref<64xi32, #tpu.memory_space<vmem>>
    %dma_start3A_116 = arith.constant 0 : i32
    %dma_start3A_117 = arith.constant 0 : i32
    %dma_start3A_118 = tpu.memref_slice %arg19[%dma_start3A_116, %dma_start3A_117] : memref<10240x128xbf16, #tpu.memory_space<vmem_shared>> -> memref<10240x128xbf16, #tpu.memory_space<vmem_shared>>
    tpu.enqueue_indirect_dma source(%dma_start3A_112 : memref<64x128xbf16, #tpu.memory_space<vmem>>) target(%dma_start3A_118 : memref<10240x128xbf16, #tpu.memory_space<vmem_shared>>) offsets(%dma_start3A_115 : memref<64xi32, #tpu.memory_space<vmem>>) semaphore(%arg16 : memref<!tpu.dma_semaphore, #tpu.memory_space<semaphore_mem>>) {add = true}
    %dma_wait3A_119 = arith.constant 0 : i32
    %dma_wait3A_120 = arith.constant 2 : i32
    %dma_wait3A_121 = arith.constant 0 : i32
    %dma_wait3A_122 = arith.constant 0 : i32
    %dma_wait3A_123 = tpu.memref_slice %arg9[%dma_wait3A_120, %dma_wait3A_121, %dma_wait3A_122] : memref<4x64x128xbf16, #tpu.memory_space<vmem>> -> memref<1x64x128xbf16, #tpu.memory_space<vmem>>
    %dma_wait3A_124 = tpu.memref_squeeze %dma_wait3A_123 : memref<1x64x128xbf16, #tpu.memory_space<vmem>> -> memref<64x128xbf16, #tpu.memory_space<vmem>>
    %dma_wait3A_125 = arith.constant 0 : i32
    %dma_wait3A_126 = tpu.memref_slice %arg7[%dma_wait3A_119, %dma_wait3A_125] : memref<160x64xi32, #tpu.memory_space<vmem>> -> memref<1x64xi32, #tpu.memory_space<vmem>>
    %dma_wait3A_127 = tpu.memref_squeeze %dma_wait3A_126 : memref<1x64xi32, #tpu.memory_space<vmem>> -> memref<64xi32, #tpu.memory_space<vmem>>
    %dma_wait3A_128 = arith.constant 0 : i32
    %dma_wait3A_129 = arith.constant 0 : i32
    %dma_wait3A_130 = tpu.memref_slice %arg2[%dma_wait3A_128, %dma_wait3A_129] : memref<10240x128xbf16, #tpu.memory_space<hbm>> -> memref<10240x128xbf16, #tpu.memory_space<hbm>>
    tpu.wait_indirect_dma semaphore(%arg13 : memref<!tpu.dma_semaphore, #tpu.memory_space<semaphore_mem>>) src(%dma_wait3A_130 : memref<10240x128xbf16, #tpu.memory_space<hbm>>) dst(%dma_wait3A_124 : memref<64x128xbf16, #tpu.memory_space<vmem>>)
    %dma_start3A_131 = arith.constant 2 : i32
    %dma_start3A_132 = arith.constant 158 : i32
    %dma_start3A_133 = arith.constant 0 : i32
    %dma_start3A_134 = arith.constant 0 : i32
    %dma_start3A_135 = tpu.memref_slice %arg9[%dma_start3A_131, %dma_start3A_133, %dma_start3A_134] : memref<4x64x128xbf16, #tpu.memory_space<vmem>> -> memref<1x64x128xbf16, #tpu.memory_space<vmem>>
    %dma_start3A_136 = tpu.memref_squeeze %dma_start3A_135 : memref<1x64x128xbf16, #tpu.memory_space<vmem>> -> memref<64x128xbf16, #tpu.memory_space<vmem>>
    %dma_start3A_137 = arith.constant 0 : i32
    %dma_start3A_138 = tpu.memref_slice %arg8[%dma_start3A_132, %dma_start3A_137] : memref<160x64xi32, #tpu.memory_space<vmem>> -> memref<1x64xi32, #tpu.memory_space<vmem>>
    %dma_start3A_139 = tpu.memref_squeeze %dma_start3A_138 : memref<1x64xi32, #tpu.memory_space<vmem>> -> memref<64xi32, #tpu.memory_space<vmem>>
    %dma_start3A_140 = arith.constant 0 : i32
    %dma_start3A_141 = arith.constant 0 : i32
    %dma_start3A_142 = tpu.memref_slice %arg19[%dma_start3A_140, %dma_start3A_141] : memref<10240x128xbf16, #tpu.memory_space<vmem_shared>> -> memref<10240x128xbf16, #tpu.memory_space<vmem_shared>>
    tpu.enqueue_indirect_dma source(%dma_start3A_136 : memref<64x128xbf16, #tpu.memory_space<vmem>>) target(%dma_start3A_142 : memref<10240x128xbf16, #tpu.memory_space<vmem_shared>>) offsets(%dma_start3A_139 : memref<64xi32, #tpu.memory_space<vmem>>) semaphore(%arg17 : memref<!tpu.dma_semaphore, #tpu.memory_space<semaphore_mem>>) {add = true}
    %dma_wait3A_143 = arith.constant 0 : i32
    %dma_wait3A_144 = arith.constant 3 : i32
    %dma_wait3A_145 = arith.constant 0 : i32
    %dma_wait3A_146 = arith.constant 0 : i32
    %dma_wait3A_147 = tpu.memref_slice %arg9[%dma_wait3A_144, %dma_wait3A_145, %dma_wait3A_146] : memref<4x64x128xbf16, #tpu.memory_space<vmem>> -> memref<1x64x128xbf16, #tpu.memory_space<vmem>>
    %dma_wait3A_148 = tpu.memref_squeeze %dma_wait3A_147 : memref<1x64x128xbf16, #tpu.memory_space<vmem>> -> memref<64x128xbf16, #tpu.memory_space<vmem>>
    %dma_wait3A_149 = arith.constant 0 : i32
    %dma_wait3A_150 = tpu.memref_slice %arg7[%dma_wait3A_143, %dma_wait3A_149] : memref<160x64xi32, #tpu.memory_space<vmem>> -> memref<1x64xi32, #tpu.memory_space<vmem>>
    %dma_wait3A_151 = tpu.memref_squeeze %dma_wait3A_150 : memref<1x64xi32, #tpu.memory_space<vmem>> -> memref<64xi32, #tpu.memory_space<vmem>>
    %dma_wait3A_152 = arith.constant 0 : i32
    %dma_wait3A_153 = arith.constant 0 : i32
    %dma_wait3A_154 = tpu.memref_slice %arg2[%dma_wait3A_152, %dma_wait3A_153] : memref<10240x128xbf16, #tpu.memory_space<hbm>> -> memref<10240x128xbf16, #tpu.memory_space<hbm>>
    tpu.wait_indirect_dma semaphore(%arg14 : memref<!tpu.dma_semaphore, #tpu.memory_space<semaphore_mem>>) src(%dma_wait3A_154 : memref<10240x128xbf16, #tpu.memory_space<hbm>>) dst(%dma_wait3A_148 : memref<64x128xbf16, #tpu.memory_space<vmem>>)
    %dma_start3A_155 = arith.constant 3 : i32
    %dma_start3A_156 = arith.constant 159 : i32
    %dma_start3A_157 = arith.constant 0 : i32
    %dma_start3A_158 = arith.constant 0 : i32
    %dma_start3A_159 = tpu.memref_slice %arg9[%dma_start3A_155, %dma_start3A_157, %dma_start3A_158] : memref<4x64x128xbf16, #tpu.memory_space<vmem>> -> memref<1x64x128xbf16, #tpu.memory_space<vmem>>
    %dma_start3A_160 = tpu.memref_squeeze %dma_start3A_159 : memref<1x64x128xbf16, #tpu.memory_space<vmem>> -> memref<64x128xbf16, #tpu.memory_space<vmem>>
    %dma_start3A_161 = arith.constant 0 : i32
    %dma_start3A_162 = tpu.memref_slice %arg8[%dma_start3A_156, %dma_start3A_161] : memref<160x64xi32, #tpu.memory_space<vmem>> -> memref<1x64xi32, #tpu.memory_space<vmem>>
    %dma_start3A_163 = tpu.memref_squeeze %dma_start3A_162 : memref<1x64xi32, #tpu.memory_space<vmem>> -> memref<64xi32, #tpu.memory_space<vmem>>
    %dma_start3A_164 = arith.constant 0 : i32
    %dma_start3A_165 = arith.constant 0 : i32
    %dma_start3A_166 = tpu.memref_slice %arg19[%dma_start3A_164, %dma_start3A_165] : memref<10240x128xbf16, #tpu.memory_space<vmem_shared>> -> memref<10240x128xbf16, #tpu.memory_space<vmem_shared>>
    tpu.enqueue_indirect_dma source(%dma_start3A_160 : memref<64x128xbf16, #tpu.memory_space<vmem>>) target(%dma_start3A_166 : memref<10240x128xbf16, #tpu.memory_space<vmem_shared>>) offsets(%dma_start3A_163 : memref<64xi32, #tpu.memory_space<vmem>>) semaphore(%arg18 : memref<!tpu.dma_semaphore, #tpu.memory_space<semaphore_mem>>) {add = true}
    %dma_wait3A_167 = arith.constant 0 : i32
    %dma_wait3A_168 = arith.constant 0 : i32
    %dma_wait3A_169 = arith.constant 0 : i32
    %dma_wait3A_170 = arith.constant 0 : i32
    %dma_wait3A_171 = tpu.memref_slice %arg9[%dma_wait3A_167, %dma_wait3A_169, %dma_wait3A_170] : memref<4x64x128xbf16, #tpu.memory_space<vmem>> -> memref<1x64x128xbf16, #tpu.memory_space<vmem>>
    %dma_wait3A_172 = tpu.memref_squeeze %dma_wait3A_171 : memref<1x64x128xbf16, #tpu.memory_space<vmem>> -> memref<64x128xbf16, #tpu.memory_space<vmem>>
    %dma_wait3A_173 = arith.constant 0 : i32
    %dma_wait3A_174 = tpu.memref_slice %arg8[%dma_wait3A_168, %dma_wait3A_173] : memref<160x64xi32, #tpu.memory_space<vmem>> -> memref<1x64xi32, #tpu.memory_space<vmem>>
    %dma_wait3A_175 = tpu.memref_squeeze %dma_wait3A_174 : memref<1x64xi32, #tpu.memory_space<vmem>> -> memref<64xi32, #tpu.memory_space<vmem>>
    %dma_wait3A_176 = arith.constant 0 : i32
    %dma_wait3A_177 = arith.constant 0 : i32
    %dma_wait3A_178 = tpu.memref_slice %arg19[%dma_wait3A_176, %dma_wait3A_177] : memref<10240x128xbf16, #tpu.memory_space<vmem_shared>> -> memref<10240x128xbf16, #tpu.memory_space<vmem_shared>>
    tpu.wait_indirect_dma semaphore(%arg15 : memref<!tpu.dma_semaphore, #tpu.memory_space<semaphore_mem>>) src(%dma_wait3A_172 : memref<64x128xbf16, #tpu.memory_space<vmem>>) dst(%dma_wait3A_178 : memref<10240x128xbf16, #tpu.memory_space<vmem_shared>>)
    %dma_wait3A_179 = arith.constant 1 : i32
    %dma_wait3A_180 = arith.constant 0 : i32
    %dma_wait3A_181 = arith.constant 0 : i32
    %dma_wait3A_182 = arith.constant 0 : i32
    %dma_wait3A_183 = tpu.memref_slice %arg9[%dma_wait3A_179, %dma_wait3A_181, %dma_wait3A_182] : memref<4x64x128xbf16, #tpu.memory_space<vmem>> -> memref<1x64x128xbf16, #tpu.memory_space<vmem>>
    %dma_wait3A_184 = tpu.memref_squeeze %dma_wait3A_183 : memref<1x64x128xbf16, #tpu.memory_space<vmem>> -> memref<64x128xbf16, #tpu.memory_space<vmem>>
    %dma_wait3A_185 = arith.constant 0 : i32
    %dma_wait3A_186 = tpu.memref_slice %arg8[%dma_wait3A_180, %dma_wait3A_185] : memref<160x64xi32, #tpu.memory_space<vmem>> -> memref<1x64xi32, #tpu.memory_space<vmem>>
    %dma_wait3A_187 = tpu.memref_squeeze %dma_wait3A_186 : memref<1x64xi32, #tpu.memory_space<vmem>> -> memref<64xi32, #tpu.memory_space<vmem>>
    %dma_wait3A_188 = arith.constant 0 : i32
    %dma_wait3A_189 = arith.constant 0 : i32
    %dma_wait3A_190 = tpu.memref_slice %arg19[%dma_wait3A_188, %dma_wait3A_189] : memref<10240x128xbf16, #tpu.memory_space<vmem_shared>> -> memref<10240x128xbf16, #tpu.memory_space<vmem_shared>>
    tpu.wait_indirect_dma semaphore(%arg16 : memref<!tpu.dma_semaphore, #tpu.memory_space<semaphore_mem>>) src(%dma_wait3A_184 : memref<64x128xbf16, #tpu.memory_space<vmem>>) dst(%dma_wait3A_190 : memref<10240x128xbf16, #tpu.memory_space<vmem_shared>>)
    %dma_wait3A_191 = arith.constant 2 : i32
    %dma_wait3A_192 = arith.constant 0 : i32
    %dma_wait3A_193 = arith.constant 0 : i32
    %dma_wait3A_194 = arith.constant 0 : i32
    %dma_wait3A_195 = tpu.memref_slice %arg9[%dma_wait3A_191, %dma_wait3A_193, %dma_wait3A_194] : memref<4x64x128xbf16, #tpu.memory_space<vmem>> -> memref<1x64x128xbf16, #tpu.memory_space<vmem>>
    %dma_wait3A_196 = tpu.memref_squeeze %dma_wait3A_195 : memref<1x64x128xbf16, #tpu.memory_space<vmem>> -> memref<64x128xbf16, #tpu.memory_space<vmem>>
    %dma_wait3A_197 = arith.constant 0 : i32
    %dma_wait3A_198 = tpu.memref_slice %arg8[%dma_wait3A_192, %dma_wait3A_197] : memref<160x64xi32, #tpu.memory_space<vmem>> -> memref<1x64xi32, #tpu.memory_space<vmem>>
    %dma_wait3A_199 = tpu.memref_squeeze %dma_wait3A_198 : memref<1x64xi32, #tpu.memory_space<vmem>> -> memref<64xi32, #tpu.memory_space<vmem>>
    %dma_wait3A_200 = arith.constant 0 : i32
    %dma_wait3A_201 = arith.constant 0 : i32
    %dma_wait3A_202 = tpu.memref_slice %arg19[%dma_wait3A_200, %dma_wait3A_201] : memref<10240x128xbf16, #tpu.memory_space<vmem_shared>> -> memref<10240x128xbf16, #tpu.memory_space<vmem_shared>>
    tpu.wait_indirect_dma semaphore(%arg17 : memref<!tpu.dma_semaphore, #tpu.memory_space<semaphore_mem>>) src(%dma_wait3A_196 : memref<64x128xbf16, #tpu.memory_space<vmem>>) dst(%dma_wait3A_202 : memref<10240x128xbf16, #tpu.memory_space<vmem_shared>>)
    %dma_wait3A_203 = arith.constant 3 : i32
    %dma_wait3A_204 = arith.constant 0 : i32
    %dma_wait3A_205 = arith.constant 0 : i32
    %dma_wait3A_206 = arith.constant 0 : i32
    %dma_wait3A_207 = tpu.memref_slice %arg9[%dma_wait3A_203, %dma_wait3A_205, %dma_wait3A_206] : memref<4x64x128xbf16, #tpu.memory_space<vmem>> -> memref<1x64x128xbf16, #tpu.memory_space<vmem>>
    %dma_wait3A_208 = tpu.memref_squeeze %dma_wait3A_207 : memref<1x64x128xbf16, #tpu.memory_space<vmem>> -> memref<64x128xbf16, #tpu.memory_space<vmem>>
    %dma_wait3A_209 = arith.constant 0 : i32
    %dma_wait3A_210 = tpu.memref_slice %arg8[%dma_wait3A_204, %dma_wait3A_209] : memref<160x64xi32, #tpu.memory_space<vmem>> -> memref<1x64xi32, #tpu.memory_space<vmem>>
    %dma_wait3A_211 = tpu.memref_squeeze %dma_wait3A_210 : memref<1x64xi32, #tpu.memory_space<vmem>> -> memref<64xi32, #tpu.memory_space<vmem>>
    %dma_wait3A_212 = arith.constant 0 : i32
    %dma_wait3A_213 = arith.constant 0 : i32
    %dma_wait3A_214 = tpu.memref_slice %arg19[%dma_wait3A_212, %dma_wait3A_213] : memref<10240x128xbf16, #tpu.memory_space<vmem_shared>> -> memref<10240x128xbf16, #tpu.memory_space<vmem_shared>>
    tpu.wait_indirect_dma semaphore(%arg18 : memref<!tpu.dma_semaphore, #tpu.memory_space<semaphore_mem>>) src(%dma_wait3A_208 : memref<64x128xbf16, #tpu.memory_space<vmem>>) dst(%dma_wait3A_214 : memref<10240x128xbf16, #tpu.memory_space<vmem_shared>>)
    %barrier3A_215 = arith.constant 0 : index
    tpu.barrier barrier_id(%barrier3A_215)
    %scan3A_216 = arith.constant 0 : i32
    %scan3A_217 = arith.constant 0 : i32
    %scan3A_218 = arith.constant 0 : i32
    %scan3A_219 = arith.constant 10 : i32
    %scan3A_220 = arith.addi %scan3A_218, %scan3A_219 : i32
    %scan3A_221 = arith.constant 1 : i32
    %scan3A_222 = scf.for %scan3A_442 = %scan3A_218 to %scan3A_220 step %scan3A_221 iter_args(%scan3A_443 = %scan3A_217) -> (i32)  : i32 {
      %mul3A_444 = arith.constant 64 : i32
      %mul3A_445 = arith.muli %scan3A_442, %mul3A_444 : i32
      %add3A_446 = arith.addi %mul3A_10, %mul3A_445 : i32
      %run_scoped3A = arith.constant 0 : i32
      "tpu.region"() ({
        %run_scoped3A_452 = tpu.sem_alloc : memref<!tpu.dma_semaphore, #tpu.memory_space<semaphore_mem>>
        %dma_start3A_453 = arith.constant 0 : i32
        %dma_start3A_454 = arith.constant 0 : i32
        %dma_start3A_455 = tpu.memref_slice %arg9[%run_scoped3A, %dma_start3A_453, %dma_start3A_454] : memref<4x64x128xbf16, #tpu.memory_space<vmem>> -> memref<1x64x128xbf16, #tpu.memory_space<vmem>>
        %dma_start3A_456 = tpu.memref_squeeze %dma_start3A_455 : memref<1x64x128xbf16, #tpu.memory_space<vmem>> -> memref<64x128xbf16, #tpu.memory_space<vmem>>
        %dma_start3A_457 = arith.constant 0 : i32
        %dma_start3A_458 = tpu.memref_slice %arg19[%add3A_446, %dma_start3A_457] : memref<10240x128xbf16, #tpu.memory_space<vmem_shared>> -> memref<64x128xbf16, #tpu.memory_space<vmem_shared>>
        %dma_start3A_459 = arith.constant 0 : i32
        %dma_start3A_460 = arith.constant 0 : i32
        %dma_start3A_461 = tpu.memref_slice %arg9[%run_scoped3A, %dma_start3A_459, %dma_start3A_460] : memref<4x64x128xbf16, #tpu.memory_space<vmem>> -> memref<1x64x128xbf16, #tpu.memory_space<vmem>>
        %dma_start3A_462 = tpu.memref_squeeze %dma_start3A_461 : memref<1x64x128xbf16, #tpu.memory_space<vmem>> -> memref<64x128xbf16, #tpu.memory_space<vmem>>
        %dma_start3A_463 = arith.constant 0 : i32
        %dma_start3A_464 = tpu.memref_slice %arg19[%add3A_446, %dma_start3A_463] : memref<10240x128xbf16, #tpu.memory_space<vmem_shared>> -> memref<64x128xbf16, #tpu.memory_space<vmem_shared>>
        tpu.enqueue_dma source(%dma_start3A_464 : memref<64x128xbf16, #tpu.memory_space<vmem_shared>>) target(%dma_start3A_462 : memref<64x128xbf16, #tpu.memory_space<vmem>>) target_semaphore(%run_scoped3A_452 : memref<!tpu.dma_semaphore, #tpu.memory_space<semaphore_mem>>)
        %dma_wait3A_465 = arith.constant 0 : i32
        %dma_wait3A_466 = arith.constant 0 : i32
        %dma_wait3A_467 = tpu.memref_slice %arg9[%run_scoped3A, %dma_wait3A_465, %dma_wait3A_466] : memref<4x64x128xbf16, #tpu.memory_space<vmem>> -> memref<1x64x128xbf16, #tpu.memory_space<vmem>>
        %dma_wait3A_468 = tpu.memref_squeeze %dma_wait3A_467 : memref<1x64x128xbf16, #tpu.memory_space<vmem>> -> memref<64x128xbf16, #tpu.memory_space<vmem>>
        %dma_wait3A_469 = arith.constant 0 : i32
        %dma_wait3A_470 = tpu.memref_slice %arg19[%add3A_446, %dma_wait3A_469] : memref<10240x128xbf16, #tpu.memory_space<vmem_shared>> -> memref<64x128xbf16, #tpu.memory_space<vmem_shared>>
        %dma_wait3A_471 = arith.constant 0 : i32
        %dma_wait3A_472 = arith.constant 0 : i32
        %dma_wait3A_473 = tpu.memref_slice %arg9[%run_scoped3A, %dma_wait3A_471, %dma_wait3A_472] : memref<4x64x128xbf16, #tpu.memory_space<vmem>> -> memref<1x64x128xbf16, #tpu.memory_space<vmem>>
        %dma_wait3A_474 = tpu.memref_squeeze %dma_wait3A_473 : memref<1x64x128xbf16, #tpu.memory_space<vmem>> -> memref<64x128xbf16, #tpu.memory_space<vmem>>
        %dma_wait3A_475 = arith.constant 0 : i32
        %dma_wait3A_476 = tpu.memref_slice %arg19[%add3A_446, %dma_wait3A_475] : memref<10240x128xbf16, #tpu.memory_space<vmem_shared>> -> memref<64x128xbf16, #tpu.memory_space<vmem_shared>>
        tpu.wait_dma2 semaphore(%run_scoped3A_452 : memref<!tpu.dma_semaphore, #tpu.memory_space<semaphore_mem>>) src(%dma_wait3A_476 : memref<64x128xbf16, #tpu.memory_space<vmem_shared>>) dst(%dma_wait3A_474 : memref<64x128xbf16, #tpu.memory_space<vmem>>)
        tpu.yield
      }) : () -> ()
      %mul3A_447 = arith.constant 64 : i32
      %mul3A_448 = arith.muli %scan3A_442, %mul3A_447 : i32
      %add3A_449 = arith.addi %mul3A_10, %mul3A_448 : i32
      %run_scoped3A_450 = arith.constant 0 : i32
      "tpu.region"() ({
        %run_scoped3A_452 = tpu.sem_alloc : memref<!tpu.dma_semaphore, #tpu.memory_space<semaphore_mem>>
        %dma_start3A_453 = arith.constant 0 : i32
        %dma_start3A_454 = arith.constant 0 : i32
        %dma_start3A_455 = tpu.memref_slice %arg9[%run_scoped3A_450, %dma_start3A_453, %dma_start3A_454] : memref<4x64x128xbf16, #tpu.memory_space<vmem>> -> memref<1x64x128xbf16, #tpu.memory_space<vmem>>
        %dma_start3A_456 = tpu.memref_squeeze %dma_start3A_455 : memref<1x64x128xbf16, #tpu.memory_space<vmem>> -> memref<64x128xbf16, #tpu.memory_space<vmem>>
        %dma_start3A_457 = arith.constant 0 : i32
        %dma_start3A_458 = arith.constant 0 : i32
        %dma_start3A_459 = tpu.memref_slice %arg6[%arg0, %scan3A_216, %dma_start3A_457, %dma_start3A_458] : memref<2x2x10240x128xbf16, #tpu.memory_space<hbm>> -> memref<1x1x10240x128xbf16, #tpu.memory_space<hbm>>
        %dma_start3A_460 = tpu.memref_squeeze %dma_start3A_459 : memref<1x1x10240x128xbf16, #tpu.memory_space<hbm>> -> memref<10240x128xbf16, #tpu.memory_space<hbm>>
        %dma_start3A_461 = arith.constant 0 : i32
        %dma_start3A_462 = tpu.memref_slice %dma_start3A_460[%add3A_449, %dma_start3A_461] : memref<10240x128xbf16, #tpu.memory_space<hbm>> -> memref<64x128xbf16, #tpu.memory_space<hbm>>
        %dma_start3A_463 = arith.constant 0 : i32
        %dma_start3A_464 = arith.constant 0 : i32
        %dma_start3A_465 = tpu.memref_slice %arg6[%arg0, %scan3A_216, %dma_start3A_463, %dma_start3A_464] : memref<2x2x10240x128xbf16, #tpu.memory_space<hbm>> -> memref<1x1x10240x128xbf16, #tpu.memory_space<hbm>>
        %dma_start3A_466 = tpu.memref_squeeze %dma_start3A_465 : memref<1x1x10240x128xbf16, #tpu.memory_space<hbm>> -> memref<10240x128xbf16, #tpu.memory_space<hbm>>
        %dma_start3A_467 = arith.constant 0 : i32
        %dma_start3A_468 = tpu.memref_slice %dma_start3A_466[%add3A_449, %dma_start3A_467] : memref<10240x128xbf16, #tpu.memory_space<hbm>> -> memref<64x128xbf16, #tpu.memory_space<hbm>>
        %dma_start3A_469 = arith.constant 0 : i32
        %dma_start3A_470 = arith.constant 0 : i32
        %dma_start3A_471 = tpu.memref_slice %arg9[%run_scoped3A_450, %dma_start3A_469, %dma_start3A_470] : memref<4x64x128xbf16, #tpu.memory_space<vmem>> -> memref<1x64x128xbf16, #tpu.memory_space<vmem>>
        %dma_start3A_472 = tpu.memref_squeeze %dma_start3A_471 : memref<1x64x128xbf16, #tpu.memory_space<vmem>> -> memref<64x128xbf16, #tpu.memory_space<vmem>>
        tpu.enqueue_dma source(%dma_start3A_472 : memref<64x128xbf16, #tpu.memory_space<vmem>>) target(%dma_start3A_468 : memref<64x128xbf16, #tpu.memory_space<hbm>>) target_semaphore(%run_scoped3A_452 : memref<!tpu.dma_semaphore, #tpu.memory_space<semaphore_mem>>)
        %dma_wait3A_473 = arith.constant 0 : i32
        %dma_wait3A_474 = arith.constant 0 : i32
        %dma_wait3A_475 = tpu.memref_slice %arg9[%run_scoped3A_450, %dma_wait3A_473, %dma_wait3A_474] : memref<4x64x128xbf16, #tpu.memory_space<vmem>> -> memref<1x64x128xbf16, #tpu.memory_space<vmem>>
        %dma_wait3A_476 = tpu.memref_squeeze %dma_wait3A_475 : memref<1x64x128xbf16, #tpu.memory_space<vmem>> -> memref<64x128xbf16, #tpu.memory_space<vmem>>
        %dma_wait3A_477 = arith.constant 0 : i32
        %dma_wait3A_478 = arith.constant 0 : i32
        %dma_wait3A_479 = tpu.memref_slice %arg6[%arg0, %scan3A_216, %dma_wait3A_477, %dma_wait3A_478] : memref<2x2x10240x128xbf16, #tpu.memory_space<hbm>> -> memref<1x1x10240x128xbf16, #tpu.memory_space<hbm>>
        %dma_wait3A_480 = tpu.memref_squeeze %dma_wait3A_479 : memref<1x1x10240x128xbf16, #tpu.memory_space<hbm>> -> memref<10240x128xbf16, #tpu.memory_space<hbm>>
        %dma_wait3A_481 = arith.constant 0 : i32
        %dma_wait3A_482 = tpu.memref_slice %dma_wait3A_480[%add3A_449, %dma_wait3A_481] : memref<10240x128xbf16, #tpu.memory_space<hbm>> -> memref<64x128xbf16, #tpu.memory_space<hbm>>
        %dma_wait3A_483 = arith.constant 0 : i32
        %dma_wait3A_484 = arith.constant 0 : i32
        %dma_wait3A_485 = tpu.memref_slice %arg6[%arg0, %scan3A_216, %dma_wait3A_483, %dma_wait3A_484] : memref<2x2x10240x128xbf16, #tpu.memory_space<hbm>> -> memref<1x1x10240x128xbf16, #tpu.memory_space<hbm>>
        %dma_wait3A_486 = tpu.memref_squeeze %dma_wait3A_485 : memref<1x1x10240x128xbf16, #tpu.memory_space<hbm>> -> memref<10240x128xbf16, #tpu.memory_space<hbm>>
        %dma_wait3A_487 = arith.constant 0 : i32
        %dma_wait3A_488 = tpu.memref_slice %dma_wait3A_486[%add3A_449, %dma_wait3A_487] : memref<10240x128xbf16, #tpu.memory_space<hbm>> -> memref<64x128xbf16, #tpu.memory_space<hbm>>
        %dma_wait3A_489 = arith.constant 0 : i32
        %dma_wait3A_490 = arith.constant 0 : i32
        %dma_wait3A_491 = tpu.memref_slice %arg9[%run_scoped3A_450, %dma_wait3A_489, %dma_wait3A_490] : memref<4x64x128xbf16, #tpu.memory_space<vmem>> -> memref<1x64x128xbf16, #tpu.memory_space<vmem>>
        %dma_wait3A_492 = tpu.memref_squeeze %dma_wait3A_491 : memref<1x64x128xbf16, #tpu.memory_space<vmem>> -> memref<64x128xbf16, #tpu.memory_space<vmem>>
        tpu.wait_dma2 semaphore(%run_scoped3A_452 : memref<!tpu.dma_semaphore, #tpu.memory_space<semaphore_mem>>) src(%dma_wait3A_492 : memref<64x128xbf16, #tpu.memory_space<vmem>>) dst(%dma_wait3A_488 : memref<64x128xbf16, #tpu.memory_space<hbm>>)
        tpu.yield
      }) : () -> ()
      %scan3A_451 = arith.constant 0 : i32
      scf.yield %scan3A_451 : i32
    }
    %scan3A_223 = arith.constant 10 : i32
    %mul3A_224 = arith.constant 640 : i32
    %mul3A_225 = arith.muli %arg1, %mul3A_224 : i32
    %scan3A_226 = arith.constant 0 : i32
    %scan3A_227 = arith.constant 0 : i32
    %scan3A_228 = arith.constant 5 : i32
    %scan3A_229 = arith.addi %scan3A_227, %scan3A_228 : i32
    %scan3A_230 = arith.constant 1 : i32
    %scan3A_231 = scf.for %scan3A_442 = %scan3A_227 to %scan3A_229 step %scan3A_230 iter_args(%scan3A_443 = %scan3A_226) -> (i32)  : i32 {
      %mul3A_444 = arith.constant 128 : i32
      %mul3A_445 = arith.muli %scan3A_442, %mul3A_444 : i32
      %add3A_446 = arith.addi %mul3A_225, %mul3A_445 : i32
      "tpu.region"() ({
        %run_scoped3A = tpu.sem_alloc : memref<!tpu.dma_semaphore, #tpu.memory_space<semaphore_mem>>
        %dma_start3A_448 = arith.constant 0 : i32
        %dma_start3A_449 = tpu.memref_slice %arg19[%add3A_446, %dma_start3A_448] : memref<10240x128xbf16, #tpu.memory_space<vmem_shared>> -> memref<128x128xbf16, #tpu.memory_space<vmem_shared>>
        %dma_start3A_450 = arith.constant 0 : i32
        %dma_start3A_451 = tpu.memref_slice %arg19[%add3A_446, %dma_start3A_450] : memref<10240x128xbf16, #tpu.memory_space<vmem_shared>> -> memref<128x128xbf16, #tpu.memory_space<vmem_shared>>
        tpu.enqueue_dma source(%arg10 : memref<128x128xbf16, #tpu.memory_space<vmem>>) target(%dma_start3A_451 : memref<128x128xbf16, #tpu.memory_space<vmem_shared>>) target_semaphore(%run_scoped3A : memref<!tpu.dma_semaphore, #tpu.memory_space<semaphore_mem>>)
        %dma_wait3A_452 = arith.constant 0 : i32
        %dma_wait3A_453 = tpu.memref_slice %arg19[%add3A_446, %dma_wait3A_452] : memref<10240x128xbf16, #tpu.memory_space<vmem_shared>> -> memref<128x128xbf16, #tpu.memory_space<vmem_shared>>
        %dma_wait3A_454 = arith.constant 0 : i32
        %dma_wait3A_455 = tpu.memref_slice %arg19[%add3A_446, %dma_wait3A_454] : memref<10240x128xbf16, #tpu.memory_space<vmem_shared>> -> memref<128x128xbf16, #tpu.memory_space<vmem_shared>>
        tpu.wait_dma2 semaphore(%run_scoped3A : memref<!tpu.dma_semaphore, #tpu.memory_space<semaphore_mem>>) src(%arg10 : memref<128x128xbf16, #tpu.memory_space<vmem>>) dst(%dma_wait3A_455 : memref<128x128xbf16, #tpu.memory_space<vmem_shared>>)
        tpu.yield
      }) : () -> ()
      %scan3A_447 = arith.constant 0 : i32
      scf.yield %scan3A_447 : i32
    }
    %scan3A_232 = arith.constant 5 : i32
    %barrier3A_233 = arith.constant 0 : index
    tpu.barrier barrier_id(%barrier3A_233)
    %dma_start3A_234 = arith.constant 0 : i32
    %dma_start3A_235 = arith.constant 0 : i32
    %dma_start3A_236 = arith.constant 0 : i32
    %dma_start3A_237 = arith.constant 0 : i32
    %dma_start3A_238 = tpu.memref_slice %arg9[%dma_start3A_235, %dma_start3A_236, %dma_start3A_237] : memref<4x64x128xbf16, #tpu.memory_space<vmem>> -> memref<1x64x128xbf16, #tpu.memory_space<vmem>>
    %dma_start3A_239 = tpu.memref_squeeze %dma_start3A_238 : memref<1x64x128xbf16, #tpu.memory_space<vmem>> -> memref<64x128xbf16, #tpu.memory_space<vmem>>
    %dma_start3A_240 = arith.constant 0 : i32
    %dma_start3A_241 = tpu.memref_slice %arg7[%dma_start3A_234, %dma_start3A_240] : memref<160x64xi32, #tpu.memory_space<vmem>> -> memref<1x64xi32, #tpu.memory_space<vmem>>
    %dma_start3A_242 = tpu.memref_squeeze %dma_start3A_241 : memref<1x64xi32, #tpu.memory_space<vmem>> -> memref<64xi32, #tpu.memory_space<vmem>>
    %dma_start3A_243 = arith.constant 0 : i32
    %dma_start3A_244 = arith.constant 0 : i32
    %dma_start3A_245 = tpu.memref_slice %arg3[%dma_start3A_243, %dma_start3A_244] : memref<10240x128xbf16, #tpu.memory_space<hbm>> -> memref<10240x128xbf16, #tpu.memory_space<hbm>>
    tpu.enqueue_indirect_dma source(%dma_start3A_245 : memref<10240x128xbf16, #tpu.memory_space<hbm>>) target(%dma_start3A_239 : memref<64x128xbf16, #tpu.memory_space<vmem>>) offsets(%dma_start3A_242 : memref<64xi32, #tpu.memory_space<vmem>>) semaphore(%arg11 : memref<!tpu.dma_semaphore, #tpu.memory_space<semaphore_mem>>)
    %dma_start3A_246 = arith.constant 1 : i32
    %dma_start3A_247 = arith.constant 1 : i32
    %dma_start3A_248 = arith.constant 0 : i32
    %dma_start3A_249 = arith.constant 0 : i32
    %dma_start3A_250 = tpu.memref_slice %arg9[%dma_start3A_247, %dma_start3A_248, %dma_start3A_249] : memref<4x64x128xbf16, #tpu.memory_space<vmem>> -> memref<1x64x128xbf16, #tpu.memory_space<vmem>>
    %dma_start3A_251 = tpu.memref_squeeze %dma_start3A_250 : memref<1x64x128xbf16, #tpu.memory_space<vmem>> -> memref<64x128xbf16, #tpu.memory_space<vmem>>
    %dma_start3A_252 = arith.constant 0 : i32
    %dma_start3A_253 = tpu.memref_slice %arg7[%dma_start3A_246, %dma_start3A_252] : memref<160x64xi32, #tpu.memory_space<vmem>> -> memref<1x64xi32, #tpu.memory_space<vmem>>
    %dma_start3A_254 = tpu.memref_squeeze %dma_start3A_253 : memref<1x64xi32, #tpu.memory_space<vmem>> -> memref<64xi32, #tpu.memory_space<vmem>>
    %dma_start3A_255 = arith.constant 0 : i32
    %dma_start3A_256 = arith.constant 0 : i32
    %dma_start3A_257 = tpu.memref_slice %arg3[%dma_start3A_255, %dma_start3A_256] : memref<10240x128xbf16, #tpu.memory_space<hbm>> -> memref<10240x128xbf16, #tpu.memory_space<hbm>>
    tpu.enqueue_indirect_dma source(%dma_start3A_257 : memref<10240x128xbf16, #tpu.memory_space<hbm>>) target(%dma_start3A_251 : memref<64x128xbf16, #tpu.memory_space<vmem>>) offsets(%dma_start3A_254 : memref<64xi32, #tpu.memory_space<vmem>>) semaphore(%arg12 : memref<!tpu.dma_semaphore, #tpu.memory_space<semaphore_mem>>)
    %dma_start3A_258 = arith.constant 2 : i32
    %dma_start3A_259 = arith.constant 2 : i32
    %dma_start3A_260 = arith.constant 0 : i32
    %dma_start3A_261 = arith.constant 0 : i32
    %dma_start3A_262 = tpu.memref_slice %arg9[%dma_start3A_259, %dma_start3A_260, %dma_start3A_261] : memref<4x64x128xbf16, #tpu.memory_space<vmem>> -> memref<1x64x128xbf16, #tpu.memory_space<vmem>>
    %dma_start3A_263 = tpu.memref_squeeze %dma_start3A_262 : memref<1x64x128xbf16, #tpu.memory_space<vmem>> -> memref<64x128xbf16, #tpu.memory_space<vmem>>
    %dma_start3A_264 = arith.constant 0 : i32
    %dma_start3A_265 = tpu.memref_slice %arg7[%dma_start3A_258, %dma_start3A_264] : memref<160x64xi32, #tpu.memory_space<vmem>> -> memref<1x64xi32, #tpu.memory_space<vmem>>
    %dma_start3A_266 = tpu.memref_squeeze %dma_start3A_265 : memref<1x64xi32, #tpu.memory_space<vmem>> -> memref<64xi32, #tpu.memory_space<vmem>>
    %dma_start3A_267 = arith.constant 0 : i32
    %dma_start3A_268 = arith.constant 0 : i32
    %dma_start3A_269 = tpu.memref_slice %arg3[%dma_start3A_267, %dma_start3A_268] : memref<10240x128xbf16, #tpu.memory_space<hbm>> -> memref<10240x128xbf16, #tpu.memory_space<hbm>>
    tpu.enqueue_indirect_dma source(%dma_start3A_269 : memref<10240x128xbf16, #tpu.memory_space<hbm>>) target(%dma_start3A_263 : memref<64x128xbf16, #tpu.memory_space<vmem>>) offsets(%dma_start3A_266 : memref<64xi32, #tpu.memory_space<vmem>>) semaphore(%arg13 : memref<!tpu.dma_semaphore, #tpu.memory_space<semaphore_mem>>)
    %dma_start3A_270 = arith.constant 3 : i32
    %dma_start3A_271 = arith.constant 3 : i32
    %dma_start3A_272 = arith.constant 0 : i32
    %dma_start3A_273 = arith.constant 0 : i32
    %dma_start3A_274 = tpu.memref_slice %arg9[%dma_start3A_271, %dma_start3A_272, %dma_start3A_273] : memref<4x64x128xbf16, #tpu.memory_space<vmem>> -> memref<1x64x128xbf16, #tpu.memory_space<vmem>>
    %dma_start3A_275 = tpu.memref_squeeze %dma_start3A_274 : memref<1x64x128xbf16, #tpu.memory_space<vmem>> -> memref<64x128xbf16, #tpu.memory_space<vmem>>
    %dma_start3A_276 = arith.constant 0 : i32
    %dma_start3A_277 = tpu.memref_slice %arg7[%dma_start3A_270, %dma_start3A_276] : memref<160x64xi32, #tpu.memory_space<vmem>> -> memref<1x64xi32, #tpu.memory_space<vmem>>
    %dma_start3A_278 = tpu.memref_squeeze %dma_start3A_277 : memref<1x64xi32, #tpu.memory_space<vmem>> -> memref<64xi32, #tpu.memory_space<vmem>>
    %dma_start3A_279 = arith.constant 0 : i32
    %dma_start3A_280 = arith.constant 0 : i32
    %dma_start3A_281 = tpu.memref_slice %arg3[%dma_start3A_279, %dma_start3A_280] : memref<10240x128xbf16, #tpu.memory_space<hbm>> -> memref<10240x128xbf16, #tpu.memory_space<hbm>>
    tpu.enqueue_indirect_dma source(%dma_start3A_281 : memref<10240x128xbf16, #tpu.memory_space<hbm>>) target(%dma_start3A_275 : memref<64x128xbf16, #tpu.memory_space<vmem>>) offsets(%dma_start3A_278 : memref<64xi32, #tpu.memory_space<vmem>>) semaphore(%arg14 : memref<!tpu.dma_semaphore, #tpu.memory_space<semaphore_mem>>)
    %scan3A_282 = arith.constant 0 : i32
    %scan3A_283 = arith.constant 0 : i32
    %scan3A_284 = arith.constant 39 : i32
    %scan3A_285 = arith.addi %scan3A_283, %scan3A_284 : i32
    %scan3A_286 = arith.constant 1 : i32
    %scan3A_287 = scf.for %scan3A_442 = %scan3A_283 to %scan3A_285 step %scan3A_286 iter_args(%scan3A_443 = %scan3A_282) -> (i32)  : i32 {
      %mul3A_444 = arith.constant 4 : i32
      %mul3A_445 = arith.muli %mul3A_444, %scan3A_442 : i32
      %dma_wait3A_446 = arith.constant 0 : i32
      %dma_wait3A_447 = arith.constant 0 : i32
      %dma_wait3A_448 = arith.constant 0 : i32
      %dma_wait3A_449 = arith.constant 0 : i32
      %dma_wait3A_450 = tpu.memref_slice %arg9[%dma_wait3A_447, %dma_wait3A_448, %dma_wait3A_449] : memref<4x64x128xbf16, #tpu.memory_space<vmem>> -> memref<1x64x128xbf16, #tpu.memory_space<vmem>>
      %dma_wait3A_451 = tpu.memref_squeeze %dma_wait3A_450 : memref<1x64x128xbf16, #tpu.memory_space<vmem>> -> memref<64x128xbf16, #tpu.memory_space<vmem>>
      %dma_wait3A_452 = arith.constant 0 : i32
      %dma_wait3A_453 = tpu.memref_slice %arg7[%dma_wait3A_446, %dma_wait3A_452] : memref<160x64xi32, #tpu.memory_space<vmem>> -> memref<1x64xi32, #tpu.memory_space<vmem>>
      %dma_wait3A_454 = tpu.memref_squeeze %dma_wait3A_453 : memref<1x64xi32, #tpu.memory_space<vmem>> -> memref<64xi32, #tpu.memory_space<vmem>>
      %dma_wait3A_455 = arith.constant 0 : i32
      %dma_wait3A_456 = arith.constant 0 : i32
      %dma_wait3A_457 = tpu.memref_slice %arg3[%dma_wait3A_455, %dma_wait3A_456] : memref<10240x128xbf16, #tpu.memory_space<hbm>> -> memref<10240x128xbf16, #tpu.memory_space<hbm>>
      tpu.wait_indirect_dma semaphore(%arg11 : memref<!tpu.dma_semaphore, #tpu.memory_space<semaphore_mem>>) src(%dma_wait3A_457 : memref<10240x128xbf16, #tpu.memory_space<hbm>>) dst(%dma_wait3A_451 : memref<64x128xbf16, #tpu.memory_space<vmem>>)
      %add3A_458 = arith.constant 0 : i32
      %add3A_459 = arith.addi %mul3A_445, %add3A_458 : i32
      %dma_start3A_460 = arith.constant 0 : i32
      %dma_start3A_461 = arith.constant 0 : i32
      %dma_start3A_462 = arith.constant 0 : i32
      %dma_start3A_463 = tpu.memref_slice %arg9[%dma_start3A_460, %dma_start3A_461, %dma_start3A_462] : memref<4x64x128xbf16, #tpu.memory_space<vmem>> -> memref<1x64x128xbf16, #tpu.memory_space<vmem>>
      %dma_start3A_464 = tpu.memref_squeeze %dma_start3A_463 : memref<1x64x128xbf16, #tpu.memory_space<vmem>> -> memref<64x128xbf16, #tpu.memory_space<vmem>>
      %dma_start3A_465 = arith.constant 0 : i32
      %dma_start3A_466 = tpu.memref_slice %arg8[%add3A_459, %dma_start3A_465] : memref<160x64xi32, #tpu.memory_space<vmem>> -> memref<1x64xi32, #tpu.memory_space<vmem>>
      %dma_start3A_467 = tpu.memref_squeeze %dma_start3A_466 : memref<1x64xi32, #tpu.memory_space<vmem>> -> memref<64xi32, #tpu.memory_space<vmem>>
      %dma_start3A_468 = arith.constant 0 : i32
      %dma_start3A_469 = arith.constant 0 : i32
      %dma_start3A_470 = tpu.memref_slice %arg19[%dma_start3A_468, %dma_start3A_469] : memref<10240x128xbf16, #tpu.memory_space<vmem_shared>> -> memref<10240x128xbf16, #tpu.memory_space<vmem_shared>>
      tpu.enqueue_indirect_dma source(%dma_start3A_464 : memref<64x128xbf16, #tpu.memory_space<vmem>>) target(%dma_start3A_470 : memref<10240x128xbf16, #tpu.memory_space<vmem_shared>>) offsets(%dma_start3A_467 : memref<64xi32, #tpu.memory_space<vmem>>) semaphore(%arg15 : memref<!tpu.dma_semaphore, #tpu.memory_space<semaphore_mem>>) {add = true}
      %dma_wait3A_471 = arith.constant 0 : i32
      %dma_wait3A_472 = arith.constant 1 : i32
      %dma_wait3A_473 = arith.constant 0 : i32
      %dma_wait3A_474 = arith.constant 0 : i32
      %dma_wait3A_475 = tpu.memref_slice %arg9[%dma_wait3A_472, %dma_wait3A_473, %dma_wait3A_474] : memref<4x64x128xbf16, #tpu.memory_space<vmem>> -> memref<1x64x128xbf16, #tpu.memory_space<vmem>>
      %dma_wait3A_476 = tpu.memref_squeeze %dma_wait3A_475 : memref<1x64x128xbf16, #tpu.memory_space<vmem>> -> memref<64x128xbf16, #tpu.memory_space<vmem>>
      %dma_wait3A_477 = arith.constant 0 : i32
      %dma_wait3A_478 = tpu.memref_slice %arg7[%dma_wait3A_471, %dma_wait3A_477] : memref<160x64xi32, #tpu.memory_space<vmem>> -> memref<1x64xi32, #tpu.memory_space<vmem>>
      %dma_wait3A_479 = tpu.memref_squeeze %dma_wait3A_478 : memref<1x64xi32, #tpu.memory_space<vmem>> -> memref<64xi32, #tpu.memory_space<vmem>>
      %dma_wait3A_480 = arith.constant 0 : i32
      %dma_wait3A_481 = arith.constant 0 : i32
      %dma_wait3A_482 = tpu.memref_slice %arg3[%dma_wait3A_480, %dma_wait3A_481] : memref<10240x128xbf16, #tpu.memory_space<hbm>> -> memref<10240x128xbf16, #tpu.memory_space<hbm>>
      tpu.wait_indirect_dma semaphore(%arg12 : memref<!tpu.dma_semaphore, #tpu.memory_space<semaphore_mem>>) src(%dma_wait3A_482 : memref<10240x128xbf16, #tpu.memory_space<hbm>>) dst(%dma_wait3A_476 : memref<64x128xbf16, #tpu.memory_space<vmem>>)
      %add3A_483 = arith.constant 1 : i32
      %add3A_484 = arith.addi %mul3A_445, %add3A_483 : i32
      %dma_start3A_485 = arith.constant 1 : i32
      %dma_start3A_486 = arith.constant 0 : i32
      %dma_start3A_487 = arith.constant 0 : i32
      %dma_start3A_488 = tpu.memref_slice %arg9[%dma_start3A_485, %dma_start3A_486, %dma_start3A_487] : memref<4x64x128xbf16, #tpu.memory_space<vmem>> -> memref<1x64x128xbf16, #tpu.memory_space<vmem>>
      %dma_start3A_489 = tpu.memref_squeeze %dma_start3A_488 : memref<1x64x128xbf16, #tpu.memory_space<vmem>> -> memref<64x128xbf16, #tpu.memory_space<vmem>>
      %dma_start3A_490 = arith.constant 0 : i32
      %dma_start3A_491 = tpu.memref_slice %arg8[%add3A_484, %dma_start3A_490] : memref<160x64xi32, #tpu.memory_space<vmem>> -> memref<1x64xi32, #tpu.memory_space<vmem>>
      %dma_start3A_492 = tpu.memref_squeeze %dma_start3A_491 : memref<1x64xi32, #tpu.memory_space<vmem>> -> memref<64xi32, #tpu.memory_space<vmem>>
      %dma_start3A_493 = arith.constant 0 : i32
      %dma_start3A_494 = arith.constant 0 : i32
      %dma_start3A_495 = tpu.memref_slice %arg19[%dma_start3A_493, %dma_start3A_494] : memref<10240x128xbf16, #tpu.memory_space<vmem_shared>> -> memref<10240x128xbf16, #tpu.memory_space<vmem_shared>>
      tpu.enqueue_indirect_dma source(%dma_start3A_489 : memref<64x128xbf16, #tpu.memory_space<vmem>>) target(%dma_start3A_495 : memref<10240x128xbf16, #tpu.memory_space<vmem_shared>>) offsets(%dma_start3A_492 : memref<64xi32, #tpu.memory_space<vmem>>) semaphore(%arg16 : memref<!tpu.dma_semaphore, #tpu.memory_space<semaphore_mem>>) {add = true}
      %dma_wait3A_496 = arith.constant 0 : i32
      %dma_wait3A_497 = arith.constant 2 : i32
      %dma_wait3A_498 = arith.constant 0 : i32
      %dma_wait3A_499 = arith.constant 0 : i32
      %dma_wait3A_500 = tpu.memref_slice %arg9[%dma_wait3A_497, %dma_wait3A_498, %dma_wait3A_499] : memref<4x64x128xbf16, #tpu.memory_space<vmem>> -> memref<1x64x128xbf16, #tpu.memory_space<vmem>>
      %dma_wait3A_501 = tpu.memref_squeeze %dma_wait3A_500 : memref<1x64x128xbf16, #tpu.memory_space<vmem>> -> memref<64x128xbf16, #tpu.memory_space<vmem>>
      %dma_wait3A_502 = arith.constant 0 : i32
      %dma_wait3A_503 = tpu.memref_slice %arg7[%dma_wait3A_496, %dma_wait3A_502] : memref<160x64xi32, #tpu.memory_space<vmem>> -> memref<1x64xi32, #tpu.memory_space<vmem>>
      %dma_wait3A_504 = tpu.memref_squeeze %dma_wait3A_503 : memref<1x64xi32, #tpu.memory_space<vmem>> -> memref<64xi32, #tpu.memory_space<vmem>>
      %dma_wait3A_505 = arith.constant 0 : i32
      %dma_wait3A_506 = arith.constant 0 : i32
      %dma_wait3A_507 = tpu.memref_slice %arg3[%dma_wait3A_505, %dma_wait3A_506] : memref<10240x128xbf16, #tpu.memory_space<hbm>> -> memref<10240x128xbf16, #tpu.memory_space<hbm>>
      tpu.wait_indirect_dma semaphore(%arg13 : memref<!tpu.dma_semaphore, #tpu.memory_space<semaphore_mem>>) src(%dma_wait3A_507 : memref<10240x128xbf16, #tpu.memory_space<hbm>>) dst(%dma_wait3A_501 : memref<64x128xbf16, #tpu.memory_space<vmem>>)
      %add3A_508 = arith.constant 2 : i32
      %add3A_509 = arith.addi %mul3A_445, %add3A_508 : i32
      %dma_start3A_510 = arith.constant 2 : i32
      %dma_start3A_511 = arith.constant 0 : i32
      %dma_start3A_512 = arith.constant 0 : i32
      %dma_start3A_513 = tpu.memref_slice %arg9[%dma_start3A_510, %dma_start3A_511, %dma_start3A_512] : memref<4x64x128xbf16, #tpu.memory_space<vmem>> -> memref<1x64x128xbf16, #tpu.memory_space<vmem>>
      %dma_start3A_514 = tpu.memref_squeeze %dma_start3A_513 : memref<1x64x128xbf16, #tpu.memory_space<vmem>> -> memref<64x128xbf16, #tpu.memory_space<vmem>>
      %dma_start3A_515 = arith.constant 0 : i32
      %dma_start3A_516 = tpu.memref_slice %arg8[%add3A_509, %dma_start3A_515] : memref<160x64xi32, #tpu.memory_space<vmem>> -> memref<1x64xi32, #tpu.memory_space<vmem>>
      %dma_start3A_517 = tpu.memref_squeeze %dma_start3A_516 : memref<1x64xi32, #tpu.memory_space<vmem>> -> memref<64xi32, #tpu.memory_space<vmem>>
      %dma_start3A_518 = arith.constant 0 : i32
      %dma_start3A_519 = arith.constant 0 : i32
      %dma_start3A_520 = tpu.memref_slice %arg19[%dma_start3A_518, %dma_start3A_519] : memref<10240x128xbf16, #tpu.memory_space<vmem_shared>> -> memref<10240x128xbf16, #tpu.memory_space<vmem_shared>>
      tpu.enqueue_indirect_dma source(%dma_start3A_514 : memref<64x128xbf16, #tpu.memory_space<vmem>>) target(%dma_start3A_520 : memref<10240x128xbf16, #tpu.memory_space<vmem_shared>>) offsets(%dma_start3A_517 : memref<64xi32, #tpu.memory_space<vmem>>) semaphore(%arg17 : memref<!tpu.dma_semaphore, #tpu.memory_space<semaphore_mem>>) {add = true}
      %dma_wait3A_521 = arith.constant 0 : i32
      %dma_wait3A_522 = arith.constant 3 : i32
      %dma_wait3A_523 = arith.constant 0 : i32
      %dma_wait3A_524 = arith.constant 0 : i32
      %dma_wait3A_525 = tpu.memref_slice %arg9[%dma_wait3A_522, %dma_wait3A_523, %dma_wait3A_524] : memref<4x64x128xbf16, #tpu.memory_space<vmem>> -> memref<1x64x128xbf16, #tpu.memory_space<vmem>>
      %dma_wait3A_526 = tpu.memref_squeeze %dma_wait3A_525 : memref<1x64x128xbf16, #tpu.memory_space<vmem>> -> memref<64x128xbf16, #tpu.memory_space<vmem>>
      %dma_wait3A_527 = arith.constant 0 : i32
      %dma_wait3A_528 = tpu.memref_slice %arg7[%dma_wait3A_521, %dma_wait3A_527] : memref<160x64xi32, #tpu.memory_space<vmem>> -> memref<1x64xi32, #tpu.memory_space<vmem>>
      %dma_wait3A_529 = tpu.memref_squeeze %dma_wait3A_528 : memref<1x64xi32, #tpu.memory_space<vmem>> -> memref<64xi32, #tpu.memory_space<vmem>>
      %dma_wait3A_530 = arith.constant 0 : i32
      %dma_wait3A_531 = arith.constant 0 : i32
      %dma_wait3A_532 = tpu.memref_slice %arg3[%dma_wait3A_530, %dma_wait3A_531] : memref<10240x128xbf16, #tpu.memory_space<hbm>> -> memref<10240x128xbf16, #tpu.memory_space<hbm>>
      tpu.wait_indirect_dma semaphore(%arg14 : memref<!tpu.dma_semaphore, #tpu.memory_space<semaphore_mem>>) src(%dma_wait3A_532 : memref<10240x128xbf16, #tpu.memory_space<hbm>>) dst(%dma_wait3A_526 : memref<64x128xbf16, #tpu.memory_space<vmem>>)
      %add3A_533 = arith.constant 3 : i32
      %add3A_534 = arith.addi %mul3A_445, %add3A_533 : i32
      %dma_start3A_535 = arith.constant 3 : i32
      %dma_start3A_536 = arith.constant 0 : i32
      %dma_start3A_537 = arith.constant 0 : i32
      %dma_start3A_538 = tpu.memref_slice %arg9[%dma_start3A_535, %dma_start3A_536, %dma_start3A_537] : memref<4x64x128xbf16, #tpu.memory_space<vmem>> -> memref<1x64x128xbf16, #tpu.memory_space<vmem>>
      %dma_start3A_539 = tpu.memref_squeeze %dma_start3A_538 : memref<1x64x128xbf16, #tpu.memory_space<vmem>> -> memref<64x128xbf16, #tpu.memory_space<vmem>>
      %dma_start3A_540 = arith.constant 0 : i32
      %dma_start3A_541 = tpu.memref_slice %arg8[%add3A_534, %dma_start3A_540] : memref<160x64xi32, #tpu.memory_space<vmem>> -> memref<1x64xi32, #tpu.memory_space<vmem>>
      %dma_start3A_542 = tpu.memref_squeeze %dma_start3A_541 : memref<1x64xi32, #tpu.memory_space<vmem>> -> memref<64xi32, #tpu.memory_space<vmem>>
      %dma_start3A_543 = arith.constant 0 : i32
      %dma_start3A_544 = arith.constant 0 : i32
      %dma_start3A_545 = tpu.memref_slice %arg19[%dma_start3A_543, %dma_start3A_544] : memref<10240x128xbf16, #tpu.memory_space<vmem_shared>> -> memref<10240x128xbf16, #tpu.memory_space<vmem_shared>>
      tpu.enqueue_indirect_dma source(%dma_start3A_539 : memref<64x128xbf16, #tpu.memory_space<vmem>>) target(%dma_start3A_545 : memref<10240x128xbf16, #tpu.memory_space<vmem_shared>>) offsets(%dma_start3A_542 : memref<64xi32, #tpu.memory_space<vmem>>) semaphore(%arg18 : memref<!tpu.dma_semaphore, #tpu.memory_space<semaphore_mem>>) {add = true}
      %dma_wait3A_546 = arith.constant 0 : i32
      %dma_wait3A_547 = arith.constant 0 : i32
      %dma_wait3A_548 = arith.constant 0 : i32
      %dma_wait3A_549 = arith.constant 0 : i32
      %dma_wait3A_550 = tpu.memref_slice %arg9[%dma_wait3A_546, %dma_wait3A_548, %dma_wait3A_549] : memref<4x64x128xbf16, #tpu.memory_space<vmem>> -> memref<1x64x128xbf16, #tpu.memory_space<vmem>>
      %dma_wait3A_551 = tpu.memref_squeeze %dma_wait3A_550 : memref<1x64x128xbf16, #tpu.memory_space<vmem>> -> memref<64x128xbf16, #tpu.memory_space<vmem>>
      %dma_wait3A_552 = arith.constant 0 : i32
      %dma_wait3A_553 = tpu.memref_slice %arg8[%dma_wait3A_547, %dma_wait3A_552] : memref<160x64xi32, #tpu.memory_space<vmem>> -> memref<1x64xi32, #tpu.memory_space<vmem>>
      %dma_wait3A_554 = tpu.memref_squeeze %dma_wait3A_553 : memref<1x64xi32, #tpu.memory_space<vmem>> -> memref<64xi32, #tpu.memory_space<vmem>>
      %dma_wait3A_555 = arith.constant 0 : i32
      %dma_wait3A_556 = arith.constant 0 : i32
      %dma_wait3A_557 = tpu.memref_slice %arg19[%dma_wait3A_555, %dma_wait3A_556] : memref<10240x128xbf16, #tpu.memory_space<vmem_shared>> -> memref<10240x128xbf16, #tpu.memory_space<vmem_shared>>
      tpu.wait_indirect_dma semaphore(%arg15 : memref<!tpu.dma_semaphore, #tpu.memory_space<semaphore_mem>>) src(%dma_wait3A_551 : memref<64x128xbf16, #tpu.memory_space<vmem>>) dst(%dma_wait3A_557 : memref<10240x128xbf16, #tpu.memory_space<vmem_shared>>)
      %add3A_558 = arith.constant 4 : i32
      %add3A_559 = arith.addi %mul3A_445, %add3A_558 : i32
      %add3A_560 = arith.constant 0 : i32
      %add3A_561 = arith.addi %add3A_559, %add3A_560 : i32
      %dma_start3A_562 = arith.constant 0 : i32
      %dma_start3A_563 = arith.constant 0 : i32
      %dma_start3A_564 = arith.constant 0 : i32
      %dma_start3A_565 = tpu.memref_slice %arg9[%dma_start3A_562, %dma_start3A_563, %dma_start3A_564] : memref<4x64x128xbf16, #tpu.memory_space<vmem>> -> memref<1x64x128xbf16, #tpu.memory_space<vmem>>
      %dma_start3A_566 = tpu.memref_squeeze %dma_start3A_565 : memref<1x64x128xbf16, #tpu.memory_space<vmem>> -> memref<64x128xbf16, #tpu.memory_space<vmem>>
      %dma_start3A_567 = arith.constant 0 : i32
      %dma_start3A_568 = tpu.memref_slice %arg7[%add3A_561, %dma_start3A_567] : memref<160x64xi32, #tpu.memory_space<vmem>> -> memref<1x64xi32, #tpu.memory_space<vmem>>
      %dma_start3A_569 = tpu.memref_squeeze %dma_start3A_568 : memref<1x64xi32, #tpu.memory_space<vmem>> -> memref<64xi32, #tpu.memory_space<vmem>>
      %dma_start3A_570 = arith.constant 0 : i32
      %dma_start3A_571 = arith.constant 0 : i32
      %dma_start3A_572 = tpu.memref_slice %arg3[%dma_start3A_570, %dma_start3A_571] : memref<10240x128xbf16, #tpu.memory_space<hbm>> -> memref<10240x128xbf16, #tpu.memory_space<hbm>>
      tpu.enqueue_indirect_dma source(%dma_start3A_572 : memref<10240x128xbf16, #tpu.memory_space<hbm>>) target(%dma_start3A_566 : memref<64x128xbf16, #tpu.memory_space<vmem>>) offsets(%dma_start3A_569 : memref<64xi32, #tpu.memory_space<vmem>>) semaphore(%arg11 : memref<!tpu.dma_semaphore, #tpu.memory_space<semaphore_mem>>)
      %dma_wait3A_573 = arith.constant 1 : i32
      %dma_wait3A_574 = arith.constant 0 : i32
      %dma_wait3A_575 = arith.constant 0 : i32
      %dma_wait3A_576 = arith.constant 0 : i32
      %dma_wait3A_577 = tpu.memref_slice %arg9[%dma_wait3A_573, %dma_wait3A_575, %dma_wait3A_576] : memref<4x64x128xbf16, #tpu.memory_space<vmem>> -> memref<1x64x128xbf16, #tpu.memory_space<vmem>>
      %dma_wait3A_578 = tpu.memref_squeeze %dma_wait3A_577 : memref<1x64x128xbf16, #tpu.memory_space<vmem>> -> memref<64x128xbf16, #tpu.memory_space<vmem>>
      %dma_wait3A_579 = arith.constant 0 : i32
      %dma_wait3A_580 = tpu.memref_slice %arg8[%dma_wait3A_574, %dma_wait3A_579] : memref<160x64xi32, #tpu.memory_space<vmem>> -> memref<1x64xi32, #tpu.memory_space<vmem>>
      %dma_wait3A_581 = tpu.memref_squeeze %dma_wait3A_580 : memref<1x64xi32, #tpu.memory_space<vmem>> -> memref<64xi32, #tpu.memory_space<vmem>>
      %dma_wait3A_582 = arith.constant 0 : i32
      %dma_wait3A_583 = arith.constant 0 : i32
      %dma_wait3A_584 = tpu.memref_slice %arg19[%dma_wait3A_582, %dma_wait3A_583] : memref<10240x128xbf16, #tpu.memory_space<vmem_shared>> -> memref<10240x128xbf16, #tpu.memory_space<vmem_shared>>
      tpu.wait_indirect_dma semaphore(%arg16 : memref<!tpu.dma_semaphore, #tpu.memory_space<semaphore_mem>>) src(%dma_wait3A_578 : memref<64x128xbf16, #tpu.memory_space<vmem>>) dst(%dma_wait3A_584 : memref<10240x128xbf16, #tpu.memory_space<vmem_shared>>)
      %add3A_585 = arith.constant 4 : i32
      %add3A_586 = arith.addi %mul3A_445, %add3A_585 : i32
      %add3A_587 = arith.constant 1 : i32
      %add3A_588 = arith.addi %add3A_586, %add3A_587 : i32
      %dma_start3A_589 = arith.constant 1 : i32
      %dma_start3A_590 = arith.constant 0 : i32
      %dma_start3A_591 = arith.constant 0 : i32
      %dma_start3A_592 = tpu.memref_slice %arg9[%dma_start3A_589, %dma_start3A_590, %dma_start3A_591] : memref<4x64x128xbf16, #tpu.memory_space<vmem>> -> memref<1x64x128xbf16, #tpu.memory_space<vmem>>
      %dma_start3A_593 = tpu.memref_squeeze %dma_start3A_592 : memref<1x64x128xbf16, #tpu.memory_space<vmem>> -> memref<64x128xbf16, #tpu.memory_space<vmem>>
      %dma_start3A_594 = arith.constant 0 : i32
      %dma_start3A_595 = tpu.memref_slice %arg7[%add3A_588, %dma_start3A_594] : memref<160x64xi32, #tpu.memory_space<vmem>> -> memref<1x64xi32, #tpu.memory_space<vmem>>
      %dma_start3A_596 = tpu.memref_squeeze %dma_start3A_595 : memref<1x64xi32, #tpu.memory_space<vmem>> -> memref<64xi32, #tpu.memory_space<vmem>>
      %dma_start3A_597 = arith.constant 0 : i32
      %dma_start3A_598 = arith.constant 0 : i32
      %dma_start3A_599 = tpu.memref_slice %arg3[%dma_start3A_597, %dma_start3A_598] : memref<10240x128xbf16, #tpu.memory_space<hbm>> -> memref<10240x128xbf16, #tpu.memory_space<hbm>>
      tpu.enqueue_indirect_dma source(%dma_start3A_599 : memref<10240x128xbf16, #tpu.memory_space<hbm>>) target(%dma_start3A_593 : memref<64x128xbf16, #tpu.memory_space<vmem>>) offsets(%dma_start3A_596 : memref<64xi32, #tpu.memory_space<vmem>>) semaphore(%arg12 : memref<!tpu.dma_semaphore, #tpu.memory_space<semaphore_mem>>)
      %dma_wait3A_600 = arith.constant 2 : i32
      %dma_wait3A_601 = arith.constant 0 : i32
      %dma_wait3A_602 = arith.constant 0 : i32
      %dma_wait3A_603 = arith.constant 0 : i32
      %dma_wait3A_604 = tpu.memref_slice %arg9[%dma_wait3A_600, %dma_wait3A_602, %dma_wait3A_603] : memref<4x64x128xbf16, #tpu.memory_space<vmem>> -> memref<1x64x128xbf16, #tpu.memory_space<vmem>>
      %dma_wait3A_605 = tpu.memref_squeeze %dma_wait3A_604 : memref<1x64x128xbf16, #tpu.memory_space<vmem>> -> memref<64x128xbf16, #tpu.memory_space<vmem>>
      %dma_wait3A_606 = arith.constant 0 : i32
      %dma_wait3A_607 = tpu.memref_slice %arg8[%dma_wait3A_601, %dma_wait3A_606] : memref<160x64xi32, #tpu.memory_space<vmem>> -> memref<1x64xi32, #tpu.memory_space<vmem>>
      %dma_wait3A_608 = tpu.memref_squeeze %dma_wait3A_607 : memref<1x64xi32, #tpu.memory_space<vmem>> -> memref<64xi32, #tpu.memory_space<vmem>>
      %dma_wait3A_609 = arith.constant 0 : i32
      %dma_wait3A_610 = arith.constant 0 : i32
      %dma_wait3A_611 = tpu.memref_slice %arg19[%dma_wait3A_609, %dma_wait3A_610] : memref<10240x128xbf16, #tpu.memory_space<vmem_shared>> -> memref<10240x128xbf16, #tpu.memory_space<vmem_shared>>
      tpu.wait_indirect_dma semaphore(%arg17 : memref<!tpu.dma_semaphore, #tpu.memory_space<semaphore_mem>>) src(%dma_wait3A_605 : memref<64x128xbf16, #tpu.memory_space<vmem>>) dst(%dma_wait3A_611 : memref<10240x128xbf16, #tpu.memory_space<vmem_shared>>)
      %add3A_612 = arith.constant 4 : i32
      %add3A_613 = arith.addi %mul3A_445, %add3A_612 : i32
      %add3A_614 = arith.constant 2 : i32
      %add3A_615 = arith.addi %add3A_613, %add3A_614 : i32
      %dma_start3A_616 = arith.constant 2 : i32
      %dma_start3A_617 = arith.constant 0 : i32
      %dma_start3A_618 = arith.constant 0 : i32
      %dma_start3A_619 = tpu.memref_slice %arg9[%dma_start3A_616, %dma_start3A_617, %dma_start3A_618] : memref<4x64x128xbf16, #tpu.memory_space<vmem>> -> memref<1x64x128xbf16, #tpu.memory_space<vmem>>
      %dma_start3A_620 = tpu.memref_squeeze %dma_start3A_619 : memref<1x64x128xbf16, #tpu.memory_space<vmem>> -> memref<64x128xbf16, #tpu.memory_space<vmem>>
      %dma_start3A_621 = arith.constant 0 : i32
      %dma_start3A_622 = tpu.memref_slice %arg7[%add3A_615, %dma_start3A_621] : memref<160x64xi32, #tpu.memory_space<vmem>> -> memref<1x64xi32, #tpu.memory_space<vmem>>
      %dma_start3A_623 = tpu.memref_squeeze %dma_start3A_622 : memref<1x64xi32, #tpu.memory_space<vmem>> -> memref<64xi32, #tpu.memory_space<vmem>>
      %dma_start3A_624 = arith.constant 0 : i32
      %dma_start3A_625 = arith.constant 0 : i32
      %dma_start3A_626 = tpu.memref_slice %arg3[%dma_start3A_624, %dma_start3A_625] : memref<10240x128xbf16, #tpu.memory_space<hbm>> -> memref<10240x128xbf16, #tpu.memory_space<hbm>>
      tpu.enqueue_indirect_dma source(%dma_start3A_626 : memref<10240x128xbf16, #tpu.memory_space<hbm>>) target(%dma_start3A_620 : memref<64x128xbf16, #tpu.memory_space<vmem>>) offsets(%dma_start3A_623 : memref<64xi32, #tpu.memory_space<vmem>>) semaphore(%arg13 : memref<!tpu.dma_semaphore, #tpu.memory_space<semaphore_mem>>)
      %dma_wait3A_627 = arith.constant 3 : i32
      %dma_wait3A_628 = arith.constant 0 : i32
      %dma_wait3A_629 = arith.constant 0 : i32
      %dma_wait3A_630 = arith.constant 0 : i32
      %dma_wait3A_631 = tpu.memref_slice %arg9[%dma_wait3A_627, %dma_wait3A_629, %dma_wait3A_630] : memref<4x64x128xbf16, #tpu.memory_space<vmem>> -> memref<1x64x128xbf16, #tpu.memory_space<vmem>>
      %dma_wait3A_632 = tpu.memref_squeeze %dma_wait3A_631 : memref<1x64x128xbf16, #tpu.memory_space<vmem>> -> memref<64x128xbf16, #tpu.memory_space<vmem>>
      %dma_wait3A_633 = arith.constant 0 : i32
      %dma_wait3A_634 = tpu.memref_slice %arg8[%dma_wait3A_628, %dma_wait3A_633] : memref<160x64xi32, #tpu.memory_space<vmem>> -> memref<1x64xi32, #tpu.memory_space<vmem>>
      %dma_wait3A_635 = tpu.memref_squeeze %dma_wait3A_634 : memref<1x64xi32, #tpu.memory_space<vmem>> -> memref<64xi32, #tpu.memory_space<vmem>>
      %dma_wait3A_636 = arith.constant 0 : i32
      %dma_wait3A_637 = arith.constant 0 : i32
      %dma_wait3A_638 = tpu.memref_slice %arg19[%dma_wait3A_636, %dma_wait3A_637] : memref<10240x128xbf16, #tpu.memory_space<vmem_shared>> -> memref<10240x128xbf16, #tpu.memory_space<vmem_shared>>
      tpu.wait_indirect_dma semaphore(%arg18 : memref<!tpu.dma_semaphore, #tpu.memory_space<semaphore_mem>>) src(%dma_wait3A_632 : memref<64x128xbf16, #tpu.memory_space<vmem>>) dst(%dma_wait3A_638 : memref<10240x128xbf16, #tpu.memory_space<vmem_shared>>)
      %add3A_639 = arith.constant 4 : i32
      %add3A_640 = arith.addi %mul3A_445, %add3A_639 : i32
      %add3A_641 = arith.constant 3 : i32
      %add3A_642 = arith.addi %add3A_640, %add3A_641 : i32
      %dma_start3A_643 = arith.constant 3 : i32
      %dma_start3A_644 = arith.constant 0 : i32
      %dma_start3A_645 = arith.constant 0 : i32
      %dma_start3A_646 = tpu.memref_slice %arg9[%dma_start3A_643, %dma_start3A_644, %dma_start3A_645] : memref<4x64x128xbf16, #tpu.memory_space<vmem>> -> memref<1x64x128xbf16, #tpu.memory_space<vmem>>
      %dma_start3A_647 = tpu.memref_squeeze %dma_start3A_646 : memref<1x64x128xbf16, #tpu.memory_space<vmem>> -> memref<64x128xbf16, #tpu.memory_space<vmem>>
      %dma_start3A_648 = arith.constant 0 : i32
      %dma_start3A_649 = tpu.memref_slice %arg7[%add3A_642, %dma_start3A_648] : memref<160x64xi32, #tpu.memory_space<vmem>> -> memref<1x64xi32, #tpu.memory_space<vmem>>
      %dma_start3A_650 = tpu.memref_squeeze %dma_start3A_649 : memref<1x64xi32, #tpu.memory_space<vmem>> -> memref<64xi32, #tpu.memory_space<vmem>>
      %dma_start3A_651 = arith.constant 0 : i32
      %dma_start3A_652 = arith.constant 0 : i32
      %dma_start3A_653 = tpu.memref_slice %arg3[%dma_start3A_651, %dma_start3A_652] : memref<10240x128xbf16, #tpu.memory_space<hbm>> -> memref<10240x128xbf16, #tpu.memory_space<hbm>>
      tpu.enqueue_indirect_dma source(%dma_start3A_653 : memref<10240x128xbf16, #tpu.memory_space<hbm>>) target(%dma_start3A_647 : memref<64x128xbf16, #tpu.memory_space<vmem>>) offsets(%dma_start3A_650 : memref<64xi32, #tpu.memory_space<vmem>>) semaphore(%arg14 : memref<!tpu.dma_semaphore, #tpu.memory_space<semaphore_mem>>)
      %scan3A_654 = arith.constant 0 : i32
      scf.yield %scan3A_654 : i32
    }
    %scan3A_288 = arith.constant 39 : i32
    %dma_wait3A_289 = arith.constant 0 : i32
    %dma_wait3A_290 = arith.constant 0 : i32
    %dma_wait3A_291 = arith.constant 0 : i32
    %dma_wait3A_292 = arith.constant 0 : i32
    %dma_wait3A_293 = tpu.memref_slice %arg9[%dma_wait3A_290, %dma_wait3A_291, %dma_wait3A_292] : memref<4x64x128xbf16, #tpu.memory_space<vmem>> -> memref<1x64x128xbf16, #tpu.memory_space<vmem>>
    %dma_wait3A_294 = tpu.memref_squeeze %dma_wait3A_293 : memref<1x64x128xbf16, #tpu.memory_space<vmem>> -> memref<64x128xbf16, #tpu.memory_space<vmem>>
    %dma_wait3A_295 = arith.constant 0 : i32
    %dma_wait3A_296 = tpu.memref_slice %arg7[%dma_wait3A_289, %dma_wait3A_295] : memref<160x64xi32, #tpu.memory_space<vmem>> -> memref<1x64xi32, #tpu.memory_space<vmem>>
    %dma_wait3A_297 = tpu.memref_squeeze %dma_wait3A_296 : memref<1x64xi32, #tpu.memory_space<vmem>> -> memref<64xi32, #tpu.memory_space<vmem>>
    %dma_wait3A_298 = arith.constant 0 : i32
    %dma_wait3A_299 = arith.constant 0 : i32
    %dma_wait3A_300 = tpu.memref_slice %arg3[%dma_wait3A_298, %dma_wait3A_299] : memref<10240x128xbf16, #tpu.memory_space<hbm>> -> memref<10240x128xbf16, #tpu.memory_space<hbm>>
    tpu.wait_indirect_dma semaphore(%arg11 : memref<!tpu.dma_semaphore, #tpu.memory_space<semaphore_mem>>) src(%dma_wait3A_300 : memref<10240x128xbf16, #tpu.memory_space<hbm>>) dst(%dma_wait3A_294 : memref<64x128xbf16, #tpu.memory_space<vmem>>)
    %dma_start3A_301 = arith.constant 0 : i32
    %dma_start3A_302 = arith.constant 156 : i32
    %dma_start3A_303 = arith.constant 0 : i32
    %dma_start3A_304 = arith.constant 0 : i32
    %dma_start3A_305 = tpu.memref_slice %arg9[%dma_start3A_301, %dma_start3A_303, %dma_start3A_304] : memref<4x64x128xbf16, #tpu.memory_space<vmem>> -> memref<1x64x128xbf16, #tpu.memory_space<vmem>>
    %dma_start3A_306 = tpu.memref_squeeze %dma_start3A_305 : memref<1x64x128xbf16, #tpu.memory_space<vmem>> -> memref<64x128xbf16, #tpu.memory_space<vmem>>
    %dma_start3A_307 = arith.constant 0 : i32
    %dma_start3A_308 = tpu.memref_slice %arg8[%dma_start3A_302, %dma_start3A_307] : memref<160x64xi32, #tpu.memory_space<vmem>> -> memref<1x64xi32, #tpu.memory_space<vmem>>
    %dma_start3A_309 = tpu.memref_squeeze %dma_start3A_308 : memref<1x64xi32, #tpu.memory_space<vmem>> -> memref<64xi32, #tpu.memory_space<vmem>>
    %dma_start3A_310 = arith.constant 0 : i32
    %dma_start3A_311 = arith.constant 0 : i32
    %dma_start3A_312 = tpu.memref_slice %arg19[%dma_start3A_310, %dma_start3A_311] : memref<10240x128xbf16, #tpu.memory_space<vmem_shared>> -> memref<10240x128xbf16, #tpu.memory_space<vmem_shared>>
    tpu.enqueue_indirect_dma source(%dma_start3A_306 : memref<64x128xbf16, #tpu.memory_space<vmem>>) target(%dma_start3A_312 : memref<10240x128xbf16, #tpu.memory_space<vmem_shared>>) offsets(%dma_start3A_309 : memref<64xi32, #tpu.memory_space<vmem>>) semaphore(%arg15 : memref<!tpu.dma_semaphore, #tpu.memory_space<semaphore_mem>>) {add = true}
    %dma_wait3A_313 = arith.constant 0 : i32
    %dma_wait3A_314 = arith.constant 1 : i32
    %dma_wait3A_315 = arith.constant 0 : i32
    %dma_wait3A_316 = arith.constant 0 : i32
    %dma_wait3A_317 = tpu.memref_slice %arg9[%dma_wait3A_314, %dma_wait3A_315, %dma_wait3A_316] : memref<4x64x128xbf16, #tpu.memory_space<vmem>> -> memref<1x64x128xbf16, #tpu.memory_space<vmem>>
    %dma_wait3A_318 = tpu.memref_squeeze %dma_wait3A_317 : memref<1x64x128xbf16, #tpu.memory_space<vmem>> -> memref<64x128xbf16, #tpu.memory_space<vmem>>
    %dma_wait3A_319 = arith.constant 0 : i32
    %dma_wait3A_320 = tpu.memref_slice %arg7[%dma_wait3A_313, %dma_wait3A_319] : memref<160x64xi32, #tpu.memory_space<vmem>> -> memref<1x64xi32, #tpu.memory_space<vmem>>
    %dma_wait3A_321 = tpu.memref_squeeze %dma_wait3A_320 : memref<1x64xi32, #tpu.memory_space<vmem>> -> memref<64xi32, #tpu.memory_space<vmem>>
    %dma_wait3A_322 = arith.constant 0 : i32
    %dma_wait3A_323 = arith.constant 0 : i32
    %dma_wait3A_324 = tpu.memref_slice %arg3[%dma_wait3A_322, %dma_wait3A_323] : memref<10240x128xbf16, #tpu.memory_space<hbm>> -> memref<10240x128xbf16, #tpu.memory_space<hbm>>
    tpu.wait_indirect_dma semaphore(%arg12 : memref<!tpu.dma_semaphore, #tpu.memory_space<semaphore_mem>>) src(%dma_wait3A_324 : memref<10240x128xbf16, #tpu.memory_space<hbm>>) dst(%dma_wait3A_318 : memref<64x128xbf16, #tpu.memory_space<vmem>>)
    %dma_start3A_325 = arith.constant 1 : i32
    %dma_start3A_326 = arith.constant 157 : i32
    %dma_start3A_327 = arith.constant 0 : i32
    %dma_start3A_328 = arith.constant 0 : i32
    %dma_start3A_329 = tpu.memref_slice %arg9[%dma_start3A_325, %dma_start3A_327, %dma_start3A_328] : memref<4x64x128xbf16, #tpu.memory_space<vmem>> -> memref<1x64x128xbf16, #tpu.memory_space<vmem>>
    %dma_start3A_330 = tpu.memref_squeeze %dma_start3A_329 : memref<1x64x128xbf16, #tpu.memory_space<vmem>> -> memref<64x128xbf16, #tpu.memory_space<vmem>>
    %dma_start3A_331 = arith.constant 0 : i32
    %dma_start3A_332 = tpu.memref_slice %arg8[%dma_start3A_326, %dma_start3A_331] : memref<160x64xi32, #tpu.memory_space<vmem>> -> memref<1x64xi32, #tpu.memory_space<vmem>>
    %dma_start3A_333 = tpu.memref_squeeze %dma_start3A_332 : memref<1x64xi32, #tpu.memory_space<vmem>> -> memref<64xi32, #tpu.memory_space<vmem>>
    %dma_start3A_334 = arith.constant 0 : i32
    %dma_start3A_335 = arith.constant 0 : i32
    %dma_start3A_336 = tpu.memref_slice %arg19[%dma_start3A_334, %dma_start3A_335] : memref<10240x128xbf16, #tpu.memory_space<vmem_shared>> -> memref<10240x128xbf16, #tpu.memory_space<vmem_shared>>
    tpu.enqueue_indirect_dma source(%dma_start3A_330 : memref<64x128xbf16, #tpu.memory_space<vmem>>) target(%dma_start3A_336 : memref<10240x128xbf16, #tpu.memory_space<vmem_shared>>) offsets(%dma_start3A_333 : memref<64xi32, #tpu.memory_space<vmem>>) semaphore(%arg16 : memref<!tpu.dma_semaphore, #tpu.memory_space<semaphore_mem>>) {add = true}
    %dma_wait3A_337 = arith.constant 0 : i32
    %dma_wait3A_338 = arith.constant 2 : i32
    %dma_wait3A_339 = arith.constant 0 : i32
    %dma_wait3A_340 = arith.constant 0 : i32
    %dma_wait3A_341 = tpu.memref_slice %arg9[%dma_wait3A_338, %dma_wait3A_339, %dma_wait3A_340] : memref<4x64x128xbf16, #tpu.memory_space<vmem>> -> memref<1x64x128xbf16, #tpu.memory_space<vmem>>
    %dma_wait3A_342 = tpu.memref_squeeze %dma_wait3A_341 : memref<1x64x128xbf16, #tpu.memory_space<vmem>> -> memref<64x128xbf16, #tpu.memory_space<vmem>>
    %dma_wait3A_343 = arith.constant 0 : i32
    %dma_wait3A_344 = tpu.memref_slice %arg7[%dma_wait3A_337, %dma_wait3A_343] : memref<160x64xi32, #tpu.memory_space<vmem>> -> memref<1x64xi32, #tpu.memory_space<vmem>>
    %dma_wait3A_345 = tpu.memref_squeeze %dma_wait3A_344 : memref<1x64xi32, #tpu.memory_space<vmem>> -> memref<64xi32, #tpu.memory_space<vmem>>
    %dma_wait3A_346 = arith.constant 0 : i32
    %dma_wait3A_347 = arith.constant 0 : i32
    %dma_wait3A_348 = tpu.memref_slice %arg3[%dma_wait3A_346, %dma_wait3A_347] : memref<10240x128xbf16, #tpu.memory_space<hbm>> -> memref<10240x128xbf16, #tpu.memory_space<hbm>>
    tpu.wait_indirect_dma semaphore(%arg13 : memref<!tpu.dma_semaphore, #tpu.memory_space<semaphore_mem>>) src(%dma_wait3A_348 : memref<10240x128xbf16, #tpu.memory_space<hbm>>) dst(%dma_wait3A_342 : memref<64x128xbf16, #tpu.memory_space<vmem>>)
    %dma_start3A_349 = arith.constant 2 : i32
    %dma_start3A_350 = arith.constant 158 : i32
    %dma_start3A_351 = arith.constant 0 : i32
    %dma_start3A_352 = arith.constant 0 : i32
    %dma_start3A_353 = tpu.memref_slice %arg9[%dma_start3A_349, %dma_start3A_351, %dma_start3A_352] : memref<4x64x128xbf16, #tpu.memory_space<vmem>> -> memref<1x64x128xbf16, #tpu.memory_space<vmem>>
    %dma_start3A_354 = tpu.memref_squeeze %dma_start3A_353 : memref<1x64x128xbf16, #tpu.memory_space<vmem>> -> memref<64x128xbf16, #tpu.memory_space<vmem>>
    %dma_start3A_355 = arith.constant 0 : i32
    %dma_start3A_356 = tpu.memref_slice %arg8[%dma_start3A_350, %dma_start3A_355] : memref<160x64xi32, #tpu.memory_space<vmem>> -> memref<1x64xi32, #tpu.memory_space<vmem>>
    %dma_start3A_357 = tpu.memref_squeeze %dma_start3A_356 : memref<1x64xi32, #tpu.memory_space<vmem>> -> memref<64xi32, #tpu.memory_space<vmem>>
    %dma_start3A_358 = arith.constant 0 : i32
    %dma_start3A_359 = arith.constant 0 : i32
    %dma_start3A_360 = tpu.memref_slice %arg19[%dma_start3A_358, %dma_start3A_359] : memref<10240x128xbf16, #tpu.memory_space<vmem_shared>> -> memref<10240x128xbf16, #tpu.memory_space<vmem_shared>>
    tpu.enqueue_indirect_dma source(%dma_start3A_354 : memref<64x128xbf16, #tpu.memory_space<vmem>>) target(%dma_start3A_360 : memref<10240x128xbf16, #tpu.memory_space<vmem_shared>>) offsets(%dma_start3A_357 : memref<64xi32, #tpu.memory_space<vmem>>) semaphore(%arg17 : memref<!tpu.dma_semaphore, #tpu.memory_space<semaphore_mem>>) {add = true}
    %dma_wait3A_361 = arith.constant 0 : i32
    %dma_wait3A_362 = arith.constant 3 : i32
    %dma_wait3A_363 = arith.constant 0 : i32
    %dma_wait3A_364 = arith.constant 0 : i32
    %dma_wait3A_365 = tpu.memref_slice %arg9[%dma_wait3A_362, %dma_wait3A_363, %dma_wait3A_364] : memref<4x64x128xbf16, #tpu.memory_space<vmem>> -> memref<1x64x128xbf16, #tpu.memory_space<vmem>>
    %dma_wait3A_366 = tpu.memref_squeeze %dma_wait3A_365 : memref<1x64x128xbf16, #tpu.memory_space<vmem>> -> memref<64x128xbf16, #tpu.memory_space<vmem>>
    %dma_wait3A_367 = arith.constant 0 : i32
    %dma_wait3A_368 = tpu.memref_slice %arg7[%dma_wait3A_361, %dma_wait3A_367] : memref<160x64xi32, #tpu.memory_space<vmem>> -> memref<1x64xi32, #tpu.memory_space<vmem>>
    %dma_wait3A_369 = tpu.memref_squeeze %dma_wait3A_368 : memref<1x64xi32, #tpu.memory_space<vmem>> -> memref<64xi32, #tpu.memory_space<vmem>>
    %dma_wait3A_370 = arith.constant 0 : i32
    %dma_wait3A_371 = arith.constant 0 : i32
    %dma_wait3A_372 = tpu.memref_slice %arg3[%dma_wait3A_370, %dma_wait3A_371] : memref<10240x128xbf16, #tpu.memory_space<hbm>> -> memref<10240x128xbf16, #tpu.memory_space<hbm>>
    tpu.wait_indirect_dma semaphore(%arg14 : memref<!tpu.dma_semaphore, #tpu.memory_space<semaphore_mem>>) src(%dma_wait3A_372 : memref<10240x128xbf16, #tpu.memory_space<hbm>>) dst(%dma_wait3A_366 : memref<64x128xbf16, #tpu.memory_space<vmem>>)
    %dma_start3A_373 = arith.constant 3 : i32
    %dma_start3A_374 = arith.constant 159 : i32
    %dma_start3A_375 = arith.constant 0 : i32
    %dma_start3A_376 = arith.constant 0 : i32
    %dma_start3A_377 = tpu.memref_slice %arg9[%dma_start3A_373, %dma_start3A_375, %dma_start3A_376] : memref<4x64x128xbf16, #tpu.memory_space<vmem>> -> memref<1x64x128xbf16, #tpu.memory_space<vmem>>
    %dma_start3A_378 = tpu.memref_squeeze %dma_start3A_377 : memref<1x64x128xbf16, #tpu.memory_space<vmem>> -> memref<64x128xbf16, #tpu.memory_space<vmem>>
    %dma_start3A_379 = arith.constant 0 : i32
    %dma_start3A_380 = tpu.memref_slice %arg8[%dma_start3A_374, %dma_start3A_379] : memref<160x64xi32, #tpu.memory_space<vmem>> -> memref<1x64xi32, #tpu.memory_space<vmem>>
    %dma_start3A_381 = tpu.memref_squeeze %dma_start3A_380 : memref<1x64xi32, #tpu.memory_space<vmem>> -> memref<64xi32, #tpu.memory_space<vmem>>
    %dma_start3A_382 = arith.constant 0 : i32
    %dma_start3A_383 = arith.constant 0 : i32
    %dma_start3A_384 = tpu.memref_slice %arg19[%dma_start3A_382, %dma_start3A_383] : memref<10240x128xbf16, #tpu.memory_space<vmem_shared>> -> memref<10240x128xbf16, #tpu.memory_space<vmem_shared>>
    tpu.enqueue_indirect_dma source(%dma_start3A_378 : memref<64x128xbf16, #tpu.memory_space<vmem>>) target(%dma_start3A_384 : memref<10240x128xbf16, #tpu.memory_space<vmem_shared>>) offsets(%dma_start3A_381 : memref<64xi32, #tpu.memory_space<vmem>>) semaphore(%arg18 : memref<!tpu.dma_semaphore, #tpu.memory_space<semaphore_mem>>) {add = true}
    %dma_wait3A_385 = arith.constant 0 : i32
    %dma_wait3A_386 = arith.constant 0 : i32
    %dma_wait3A_387 = arith.constant 0 : i32
    %dma_wait3A_388 = arith.constant 0 : i32
    %dma_wait3A_389 = tpu.memref_slice %arg9[%dma_wait3A_385, %dma_wait3A_387, %dma_wait3A_388] : memref<4x64x128xbf16, #tpu.memory_space<vmem>> -> memref<1x64x128xbf16, #tpu.memory_space<vmem>>
    %dma_wait3A_390 = tpu.memref_squeeze %dma_wait3A_389 : memref<1x64x128xbf16, #tpu.memory_space<vmem>> -> memref<64x128xbf16, #tpu.memory_space<vmem>>
    %dma_wait3A_391 = arith.constant 0 : i32
    %dma_wait3A_392 = tpu.memref_slice %arg8[%dma_wait3A_386, %dma_wait3A_391] : memref<160x64xi32, #tpu.memory_space<vmem>> -> memref<1x64xi32, #tpu.memory_space<vmem>>
    %dma_wait3A_393 = tpu.memref_squeeze %dma_wait3A_392 : memref<1x64xi32, #tpu.memory_space<vmem>> -> memref<64xi32, #tpu.memory_space<vmem>>
    %dma_wait3A_394 = arith.constant 0 : i32
    %dma_wait3A_395 = arith.constant 0 : i32
    %dma_wait3A_396 = tpu.memref_slice %arg19[%dma_wait3A_394, %dma_wait3A_395] : memref<10240x128xbf16, #tpu.memory_space<vmem_shared>> -> memref<10240x128xbf16, #tpu.memory_space<vmem_shared>>
    tpu.wait_indirect_dma semaphore(%arg15 : memref<!tpu.dma_semaphore, #tpu.memory_space<semaphore_mem>>) src(%dma_wait3A_390 : memref<64x128xbf16, #tpu.memory_space<vmem>>) dst(%dma_wait3A_396 : memref<10240x128xbf16, #tpu.memory_space<vmem_shared>>)
    %dma_wait3A_397 = arith.constant 1 : i32
    %dma_wait3A_398 = arith.constant 0 : i32
    %dma_wait3A_399 = arith.constant 0 : i32
    %dma_wait3A_400 = arith.constant 0 : i32
    %dma_wait3A_401 = tpu.memref_slice %arg9[%dma_wait3A_397, %dma_wait3A_399, %dma_wait3A_400] : memref<4x64x128xbf16, #tpu.memory_space<vmem>> -> memref<1x64x128xbf16, #tpu.memory_space<vmem>>
    %dma_wait3A_402 = tpu.memref_squeeze %dma_wait3A_401 : memref<1x64x128xbf16, #tpu.memory_space<vmem>> -> memref<64x128xbf16, #tpu.memory_space<vmem>>
    %dma_wait3A_403 = arith.constant 0 : i32
    %dma_wait3A_404 = tpu.memref_slice %arg8[%dma_wait3A_398, %dma_wait3A_403] : memref<160x64xi32, #tpu.memory_space<vmem>> -> memref<1x64xi32, #tpu.memory_space<vmem>>
    %dma_wait3A_405 = tpu.memref_squeeze %dma_wait3A_404 : memref<1x64xi32, #tpu.memory_space<vmem>> -> memref<64xi32, #tpu.memory_space<vmem>>
    %dma_wait3A_406 = arith.constant 0 : i32
    %dma_wait3A_407 = arith.constant 0 : i32
    %dma_wait3A_408 = tpu.memref_slice %arg19[%dma_wait3A_406, %dma_wait3A_407] : memref<10240x128xbf16, #tpu.memory_space<vmem_shared>> -> memref<10240x128xbf16, #tpu.memory_space<vmem_shared>>
    tpu.wait_indirect_dma semaphore(%arg16 : memref<!tpu.dma_semaphore, #tpu.memory_space<semaphore_mem>>) src(%dma_wait3A_402 : memref<64x128xbf16, #tpu.memory_space<vmem>>) dst(%dma_wait3A_408 : memref<10240x128xbf16, #tpu.memory_space<vmem_shared>>)
    %dma_wait3A_409 = arith.constant 2 : i32
    %dma_wait3A_410 = arith.constant 0 : i32
    %dma_wait3A_411 = arith.constant 0 : i32
    %dma_wait3A_412 = arith.constant 0 : i32
    %dma_wait3A_413 = tpu.memref_slice %arg9[%dma_wait3A_409, %dma_wait3A_411, %dma_wait3A_412] : memref<4x64x128xbf16, #tpu.memory_space<vmem>> -> memref<1x64x128xbf16, #tpu.memory_space<vmem>>
    %dma_wait3A_414 = tpu.memref_squeeze %dma_wait3A_413 : memref<1x64x128xbf16, #tpu.memory_space<vmem>> -> memref<64x128xbf16, #tpu.memory_space<vmem>>
    %dma_wait3A_415 = arith.constant 0 : i32
    %dma_wait3A_416 = tpu.memref_slice %arg8[%dma_wait3A_410, %dma_wait3A_415] : memref<160x64xi32, #tpu.memory_space<vmem>> -> memref<1x64xi32, #tpu.memory_space<vmem>>
    %dma_wait3A_417 = tpu.memref_squeeze %dma_wait3A_416 : memref<1x64xi32, #tpu.memory_space<vmem>> -> memref<64xi32, #tpu.memory_space<vmem>>
    %dma_wait3A_418 = arith.constant 0 : i32
    %dma_wait3A_419 = arith.constant 0 : i32
    %dma_wait3A_420 = tpu.memref_slice %arg19[%dma_wait3A_418, %dma_wait3A_419] : memref<10240x128xbf16, #tpu.memory_space<vmem_shared>> -> memref<10240x128xbf16, #tpu.memory_space<vmem_shared>>
    tpu.wait_indirect_dma semaphore(%arg17 : memref<!tpu.dma_semaphore, #tpu.memory_space<semaphore_mem>>) src(%dma_wait3A_414 : memref<64x128xbf16, #tpu.memory_space<vmem>>) dst(%dma_wait3A_420 : memref<10240x128xbf16, #tpu.memory_space<vmem_shared>>)
    %dma_wait3A_421 = arith.constant 3 : i32
    %dma_wait3A_422 = arith.constant 0 : i32
    %dma_wait3A_423 = arith.constant 0 : i32
    %dma_wait3A_424 = arith.constant 0 : i32
    %dma_wait3A_425 = tpu.memref_slice %arg9[%dma_wait3A_421, %dma_wait3A_423, %dma_wait3A_424] : memref<4x64x128xbf16, #tpu.memory_space<vmem>> -> memref<1x64x128xbf16, #tpu.memory_space<vmem>>
    %dma_wait3A_426 = tpu.memref_squeeze %dma_wait3A_425 : memref<1x64x128xbf16, #tpu.memory_space<vmem>> -> memref<64x128xbf16, #tpu.memory_space<vmem>>
    %dma_wait3A_427 = arith.constant 0 : i32
    %dma_wait3A_428 = tpu.memref_slice %arg8[%dma_wait3A_422, %dma_wait3A_427] : memref<160x64xi32, #tpu.memory_space<vmem>> -> memref<1x64xi32, #tpu.memory_space<vmem>>
    %dma_wait3A_429 = tpu.memref_squeeze %dma_wait3A_428 : memref<1x64xi32, #tpu.memory_space<vmem>> -> memref<64xi32, #tpu.memory_space<vmem>>
    %dma_wait3A_430 = arith.constant 0 : i32
    %dma_wait3A_431 = arith.constant 0 : i32
    %dma_wait3A_432 = tpu.memref_slice %arg19[%dma_wait3A_430, %dma_wait3A_431] : memref<10240x128xbf16, #tpu.memory_space<vmem_shared>> -> memref<10240x128xbf16, #tpu.memory_space<vmem_shared>>
    tpu.wait_indirect_dma semaphore(%arg18 : memref<!tpu.dma_semaphore, #tpu.memory_space<semaphore_mem>>) src(%dma_wait3A_426 : memref<64x128xbf16, #tpu.memory_space<vmem>>) dst(%dma_wait3A_432 : memref<10240x128xbf16, #tpu.memory_space<vmem_shared>>)
    %barrier3A_433 = arith.constant 0 : index
    tpu.barrier barrier_id(%barrier3A_433)
    %scan3A_434 = arith.constant 1 : i32
    %scan3A_435 = arith.constant 0 : i32
    %scan3A_436 = arith.constant 0 : i32
    %scan3A_437 = arith.constant 10 : i32
    %scan3A_438 = arith.addi %scan3A_436, %scan3A_437 : i32
    %scan3A_439 = arith.constant 1 : i32
    %scan3A_440 = scf.for %scan3A_442 = %scan3A_436 to %scan3A_438 step %scan3A_439 iter_args(%scan3A_443 = %scan3A_435) -> (i32)  : i32 {
      %mul3A_444 = arith.constant 64 : i32
      %mul3A_445 = arith.muli %scan3A_442, %mul3A_444 : i32
      %add3A_446 = arith.addi %mul3A_225, %mul3A_445 : i32
      %run_scoped3A = arith.constant 0 : i32
      "tpu.region"() ({
        %run_scoped3A_452 = tpu.sem_alloc : memref<!tpu.dma_semaphore, #tpu.memory_space<semaphore_mem>>
        %dma_start3A_453 = arith.constant 0 : i32
        %dma_start3A_454 = arith.constant 0 : i32
        %dma_start3A_455 = tpu.memref_slice %arg9[%run_scoped3A, %dma_start3A_453, %dma_start3A_454] : memref<4x64x128xbf16, #tpu.memory_space<vmem>> -> memref<1x64x128xbf16, #tpu.memory_space<vmem>>
        %dma_start3A_456 = tpu.memref_squeeze %dma_start3A_455 : memref<1x64x128xbf16, #tpu.memory_space<vmem>> -> memref<64x128xbf16, #tpu.memory_space<vmem>>
        %dma_start3A_457 = arith.constant 0 : i32
        %dma_start3A_458 = tpu.memref_slice %arg19[%add3A_446, %dma_start3A_457] : memref<10240x128xbf16, #tpu.memory_space<vmem_shared>> -> memref<64x128xbf16, #tpu.memory_space<vmem_shared>>
        %dma_start3A_459 = arith.constant 0 : i32
        %dma_start3A_460 = arith.constant 0 : i32
        %dma_start3A_461 = tpu.memref_slice %arg9[%run_scoped3A, %dma_start3A_459, %dma_start3A_460] : memref<4x64x128xbf16, #tpu.memory_space<vmem>> -> memref<1x64x128xbf16, #tpu.memory_space<vmem>>
        %dma_start3A_462 = tpu.memref_squeeze %dma_start3A_461 : memref<1x64x128xbf16, #tpu.memory_space<vmem>> -> memref<64x128xbf16, #tpu.memory_space<vmem>>
        %dma_start3A_463 = arith.constant 0 : i32
        %dma_start3A_464 = tpu.memref_slice %arg19[%add3A_446, %dma_start3A_463] : memref<10240x128xbf16, #tpu.memory_space<vmem_shared>> -> memref<64x128xbf16, #tpu.memory_space<vmem_shared>>
        tpu.enqueue_dma source(%dma_start3A_464 : memref<64x128xbf16, #tpu.memory_space<vmem_shared>>) target(%dma_start3A_462 : memref<64x128xbf16, #tpu.memory_space<vmem>>) target_semaphore(%run_scoped3A_452 : memref<!tpu.dma_semaphore, #tpu.memory_space<semaphore_mem>>)
        %dma_wait3A_465 = arith.constant 0 : i32
        %dma_wait3A_466 = arith.constant 0 : i32
        %dma_wait3A_467 = tpu.memref_slice %arg9[%run_scoped3A, %dma_wait3A_465, %dma_wait3A_466] : memref<4x64x128xbf16, #tpu.memory_space<vmem>> -> memref<1x64x128xbf16, #tpu.memory_space<vmem>>
        %dma_wait3A_468 = tpu.memref_squeeze %dma_wait3A_467 : memref<1x64x128xbf16, #tpu.memory_space<vmem>> -> memref<64x128xbf16, #tpu.memory_space<vmem>>
        %dma_wait3A_469 = arith.constant 0 : i32
        %dma_wait3A_470 = tpu.memref_slice %arg19[%add3A_446, %dma_wait3A_469] : memref<10240x128xbf16, #tpu.memory_space<vmem_shared>> -> memref<64x128xbf16, #tpu.memory_space<vmem_shared>>
        %dma_wait3A_471 = arith.constant 0 : i32
        %dma_wait3A_472 = arith.constant 0 : i32
        %dma_wait3A_473 = tpu.memref_slice %arg9[%run_scoped3A, %dma_wait3A_471, %dma_wait3A_472] : memref<4x64x128xbf16, #tpu.memory_space<vmem>> -> memref<1x64x128xbf16, #tpu.memory_space<vmem>>
        %dma_wait3A_474 = tpu.memref_squeeze %dma_wait3A_473 : memref<1x64x128xbf16, #tpu.memory_space<vmem>> -> memref<64x128xbf16, #tpu.memory_space<vmem>>
        %dma_wait3A_475 = arith.constant 0 : i32
        %dma_wait3A_476 = tpu.memref_slice %arg19[%add3A_446, %dma_wait3A_475] : memref<10240x128xbf16, #tpu.memory_space<vmem_shared>> -> memref<64x128xbf16, #tpu.memory_space<vmem_shared>>
        tpu.wait_dma2 semaphore(%run_scoped3A_452 : memref<!tpu.dma_semaphore, #tpu.memory_space<semaphore_mem>>) src(%dma_wait3A_476 : memref<64x128xbf16, #tpu.memory_space<vmem_shared>>) dst(%dma_wait3A_474 : memref<64x128xbf16, #tpu.memory_space<vmem>>)
        tpu.yield
      }) : () -> ()
      %mul3A_447 = arith.constant 64 : i32
      %mul3A_448 = arith.muli %scan3A_442, %mul3A_447 : i32
      %add3A_449 = arith.addi %mul3A_225, %mul3A_448 : i32
      %run_scoped3A_450 = arith.constant 0 : i32
      "tpu.region"() ({
        %run_scoped3A_452 = tpu.sem_alloc : memref<!tpu.dma_semaphore, #tpu.memory_space<semaphore_mem>>
        %dma_start3A_453 = arith.constant 0 : i32
        %dma_start3A_454 = arith.constant 0 : i32
        %dma_start3A_455 = tpu.memref_slice %arg9[%run_scoped3A_450, %dma_start3A_453, %dma_start3A_454] : memref<4x64x128xbf16, #tpu.memory_space<vmem>> -> memref<1x64x128xbf16, #tpu.memory_space<vmem>>
        %dma_start3A_456 = tpu.memref_squeeze %dma_start3A_455 : memref<1x64x128xbf16, #tpu.memory_space<vmem>> -> memref<64x128xbf16, #tpu.memory_space<vmem>>
        %dma_start3A_457 = arith.constant 0 : i32
        %dma_start3A_458 = arith.constant 0 : i32
        %dma_start3A_459 = tpu.memref_slice %arg6[%arg0, %scan3A_434, %dma_start3A_457, %dma_start3A_458] : memref<2x2x10240x128xbf16, #tpu.memory_space<hbm>> -> memref<1x1x10240x128xbf16, #tpu.memory_space<hbm>>
        %dma_start3A_460 = tpu.memref_squeeze %dma_start3A_459 : memref<1x1x10240x128xbf16, #tpu.memory_space<hbm>> -> memref<10240x128xbf16, #tpu.memory_space<hbm>>
        %dma_start3A_461 = arith.constant 0 : i32
        %dma_start3A_462 = tpu.memref_slice %dma_start3A_460[%add3A_449, %dma_start3A_461] : memref<10240x128xbf16, #tpu.memory_space<hbm>> -> memref<64x128xbf16, #tpu.memory_space<hbm>>
        %dma_start3A_463 = arith.constant 0 : i32
        %dma_start3A_464 = arith.constant 0 : i32
        %dma_start3A_465 = tpu.memref_slice %arg6[%arg0, %scan3A_434, %dma_start3A_463, %dma_start3A_464] : memref<2x2x10240x128xbf16, #tpu.memory_space<hbm>> -> memref<1x1x10240x128xbf16, #tpu.memory_space<hbm>>
        %dma_start3A_466 = tpu.memref_squeeze %dma_start3A_465 : memref<1x1x10240x128xbf16, #tpu.memory_space<hbm>> -> memref<10240x128xbf16, #tpu.memory_space<hbm>>
        %dma_start3A_467 = arith.constant 0 : i32
        %dma_start3A_468 = tpu.memref_slice %dma_start3A_466[%add3A_449, %dma_start3A_467] : memref<10240x128xbf16, #tpu.memory_space<hbm>> -> memref<64x128xbf16, #tpu.memory_space<hbm>>
        %dma_start3A_469 = arith.constant 0 : i32
        %dma_start3A_470 = arith.constant 0 : i32
        %dma_start3A_471 = tpu.memref_slice %arg9[%run_scoped3A_450, %dma_start3A_469, %dma_start3A_470] : memref<4x64x128xbf16, #tpu.memory_space<vmem>> -> memref<1x64x128xbf16, #tpu.memory_space<vmem>>
        %dma_start3A_472 = tpu.memref_squeeze %dma_start3A_471 : memref<1x64x128xbf16, #tpu.memory_space<vmem>> -> memref<64x128xbf16, #tpu.memory_space<vmem>>
        tpu.enqueue_dma source(%dma_start3A_472 : memref<64x128xbf16, #tpu.memory_space<vmem>>) target(%dma_start3A_468 : memref<64x128xbf16, #tpu.memory_space<hbm>>) target_semaphore(%run_scoped3A_452 : memref<!tpu.dma_semaphore, #tpu.memory_space<semaphore_mem>>)
        %dma_wait3A_473 = arith.constant 0 : i32
        %dma_wait3A_474 = arith.constant 0 : i32
        %dma_wait3A_475 = tpu.memref_slice %arg9[%run_scoped3A_450, %dma_wait3A_473, %dma_wait3A_474] : memref<4x64x128xbf16, #tpu.memory_space<vmem>> -> memref<1x64x128xbf16, #tpu.memory_space<vmem>>
        %dma_wait3A_476 = tpu.memref_squeeze %dma_wait3A_475 : memref<1x64x128xbf16, #tpu.memory_space<vmem>> -> memref<64x128xbf16, #tpu.memory_space<vmem>>
        %dma_wait3A_477 = arith.constant 0 : i32
        %dma_wait3A_478 = arith.constant 0 : i32
        %dma_wait3A_479 = tpu.memref_slice %arg6[%arg0, %scan3A_434, %dma_wait3A_477, %dma_wait3A_478] : memref<2x2x10240x128xbf16, #tpu.memory_space<hbm>> -> memref<1x1x10240x128xbf16, #tpu.memory_space<hbm>>
        %dma_wait3A_480 = tpu.memref_squeeze %dma_wait3A_479 : memref<1x1x10240x128xbf16, #tpu.memory_space<hbm>> -> memref<10240x128xbf16, #tpu.memory_space<hbm>>
        %dma_wait3A_481 = arith.constant 0 : i32
        %dma_wait3A_482 = tpu.memref_slice %dma_wait3A_480[%add3A_449, %dma_wait3A_481] : memref<10240x128xbf16, #tpu.memory_space<hbm>> -> memref<64x128xbf16, #tpu.memory_space<hbm>>
        %dma_wait3A_483 = arith.constant 0 : i32
        %dma_wait3A_484 = arith.constant 0 : i32
        %dma_wait3A_485 = tpu.memref_slice %arg6[%arg0, %scan3A_434, %dma_wait3A_483, %dma_wait3A_484] : memref<2x2x10240x128xbf16, #tpu.memory_space<hbm>> -> memref<1x1x10240x128xbf16, #tpu.memory_space<hbm>>
        %dma_wait3A_486 = tpu.memref_squeeze %dma_wait3A_485 : memref<1x1x10240x128xbf16, #tpu.memory_space<hbm>> -> memref<10240x128xbf16, #tpu.memory_space<hbm>>
        %dma_wait3A_487 = arith.constant 0 : i32
        %dma_wait3A_488 = tpu.memref_slice %dma_wait3A_486[%add3A_449, %dma_wait3A_487] : memref<10240x128xbf16, #tpu.memory_space<hbm>> -> memref<64x128xbf16, #tpu.memory_space<hbm>>
        %dma_wait3A_489 = arith.constant 0 : i32
        %dma_wait3A_490 = arith.constant 0 : i32
        %dma_wait3A_491 = tpu.memref_slice %arg9[%run_scoped3A_450, %dma_wait3A_489, %dma_wait3A_490] : memref<4x64x128xbf16, #tpu.memory_space<vmem>> -> memref<1x64x128xbf16, #tpu.memory_space<vmem>>
        %dma_wait3A_492 = tpu.memref_squeeze %dma_wait3A_491 : memref<1x64x128xbf16, #tpu.memory_space<vmem>> -> memref<64x128xbf16, #tpu.memory_space<vmem>>
        tpu.wait_dma2 semaphore(%run_scoped3A_452 : memref<!tpu.dma_semaphore, #tpu.memory_space<semaphore_mem>>) src(%dma_wait3A_492 : memref<64x128xbf16, #tpu.memory_space<vmem>>) dst(%dma_wait3A_488 : memref<64x128xbf16, #tpu.memory_space<hbm>>)
        tpu.yield
      }) : () -> ()
      %scan3A_451 = arith.constant 0 : i32
      scf.yield %scan3A_451 : i32
    }
    %scan3A_441 = arith.constant 10 : i32
    return
  }
}

#map = affine_map<(d0, d1) -> (0, 0)>
module attributes {stable_mosaic.version = 14 : i64} {
  func.func @_sc_deg(%arg0: i32, %arg1: i32, %arg2: memref<5120x64xi32, #tpu.memory_space<hbm>>, %arg3: memref<2x10240xf32, #tpu.memory_space<hbm>>, %arg4: memref<4x64xi32, #tpu.memory_space<vmem>>, %arg5: memref<64xf32, #tpu.memory_space<vmem>>, %arg6: memref<640xf32, #tpu.memory_space<vmem>>, %arg7: memref<!tpu.dma_semaphore, #tpu.memory_space<semaphore_mem>>, %arg8: memref<!tpu.dma_semaphore, #tpu.memory_space<semaphore_mem>>, %arg9: memref<!tpu.dma_semaphore, #tpu.memory_space<semaphore_mem>>, %arg10: memref<!tpu.dma_semaphore, #tpu.memory_space<semaphore_mem>>, %arg11: memref<!tpu.dma_semaphore, #tpu.memory_space<semaphore_mem>>, %arg12: memref<!tpu.dma_semaphore, #tpu.memory_space<semaphore_mem>>, %arg13: memref<!tpu.dma_semaphore, #tpu.memory_space<semaphore_mem>>, %arg14: memref<!tpu.dma_semaphore, #tpu.memory_space<semaphore_mem>>, %arg15: memref<10240xf32, #tpu.memory_space<vmem_shared>>) attributes {dimension_semantics = [#tpu.dimension_semantics<core_parallel>, #tpu.dimension_semantics<subcore_parallel>], iteration_bounds = array<i64: 2, 16>, scalar_prefetch = 0 : i64, scratch_operands = 12 : i64, tpu.core_type = #tpu.core_type<sc_vector_subcore>, window_params = [{transform_indices = #map}, {transform_indices = #map}]} {
    %scan3A = arith.constant 0 : i32
    %scan3A_0 = arith.constant 0 : i32
    %scan3A_1 = arith.constant 4 : i32
    %scan3A_2 = arith.addi %scan3A_0, %scan3A_1 : i32
    %scan3A_3 = arith.constant 1 : i32
    %scan3A_4 = scf.for %scan3A_188 = %scan3A_0 to %scan3A_2 step %scan3A_3 iter_args(%scan3A_189 = %scan3A) -> (i32)  : i32 {
      %broadcast_in_dim3A = arith.constant 1.000000e+00 : f32
      %broadcast_in_dim3A_190 = vector.broadcast %broadcast_in_dim3A : f32 to vector<16xf32>
      %mul3A_191 = arith.constant 16 : i32
      %mul3A_192 = arith.muli %scan3A_188, %mul3A_191 : i32
      %swap3A = arith.index_cast %mul3A_192 : i32 to index
      %swap3A_193 = tpu.vector_load %arg5[%swap3A] {strides = array<i32>} : memref<64xf32, #tpu.memory_space<vmem>>, vector<16xf32>,
      %swap3A_194 = vector.shape_cast %swap3A_193 : vector<16xf32> to vector<16xf32>
      %swap3A_195 = vector.shape_cast %broadcast_in_dim3A_190 : vector<16xf32> to vector<16xf32>
      tpu.vector_store %arg5[%swap3A], %swap3A_195 {strides = array<i32>} : memref<64xf32, #tpu.memory_space<vmem>>, vector<16xf32>,
      %scan3A_196 = arith.constant 0 : i32
      scf.yield %scan3A_196 : i32
    }
    %scan3A_5 = arith.constant 4 : i32
    %scan3A_6 = arith.constant 0 : i32
    %scan3A_7 = arith.constant 0 : i32
    %scan3A_8 = arith.constant 40 : i32
    %scan3A_9 = arith.addi %scan3A_7, %scan3A_8 : i32
    %scan3A_10 = arith.constant 1 : i32
    %scan3A_11 = scf.for %scan3A_188 = %scan3A_7 to %scan3A_9 step %scan3A_10 iter_args(%scan3A_189 = %scan3A_6) -> (i32)  : i32 {
      %broadcast_in_dim3A = arith.constant 5.000000e-01 : f32
      %broadcast_in_dim3A_190 = vector.broadcast %broadcast_in_dim3A : f32 to vector<16xf32>
      %mul3A_191 = arith.constant 16 : i32
      %mul3A_192 = arith.muli %scan3A_188, %mul3A_191 : i32
      %swap3A = arith.index_cast %mul3A_192 : i32 to index
      %swap3A_193 = tpu.vector_load %arg6[%swap3A] {strides = array<i32>} : memref<640xf32, #tpu.memory_space<vmem>>, vector<16xf32>,
      %swap3A_194 = vector.shape_cast %swap3A_193 : vector<16xf32> to vector<16xf32>
      %swap3A_195 = vector.shape_cast %broadcast_in_dim3A_190 : vector<16xf32> to vector<16xf32>
      tpu.vector_store %arg6[%swap3A], %swap3A_195 {strides = array<i32>} : memref<640xf32, #tpu.memory_space<vmem>>, vector<16xf32>,
      %scan3A_196 = arith.constant 0 : i32
      scf.yield %scan3A_196 : i32
    }
    %scan3A_12 = arith.constant 40 : i32
    %mul3A = arith.constant 640 : i32
    %mul3A_13 = arith.muli %arg1, %mul3A : i32
    "tpu.region"() ({
      %run_scoped3A = tpu.sem_alloc : memref<!tpu.dma_semaphore, #tpu.memory_space<semaphore_mem>>
      %dma_start3A_188 = tpu.memref_slice %arg15[%mul3A_13] : memref<10240xf32, #tpu.memory_space<vmem_shared>> -> memref<640xf32, #tpu.memory_space<vmem_shared>>
      %dma_start3A_189 = tpu.memref_slice %arg15[%mul3A_13] : memref<10240xf32, #tpu.memory_space<vmem_shared>> -> memref<640xf32, #tpu.memory_space<vmem_shared>>
      tpu.enqueue_dma source(%arg6 : memref<640xf32, #tpu.memory_space<vmem>>) target(%dma_start3A_189 : memref<640xf32, #tpu.memory_space<vmem_shared>>) target_semaphore(%run_scoped3A : memref<!tpu.dma_semaphore, #tpu.memory_space<semaphore_mem>>)
      %dma_wait3A_190 = tpu.memref_slice %arg15[%mul3A_13] : memref<10240xf32, #tpu.memory_space<vmem_shared>> -> memref<640xf32, #tpu.memory_space<vmem_shared>>
      %dma_wait3A_191 = tpu.memref_slice %arg15[%mul3A_13] : memref<10240xf32, #tpu.memory_space<vmem_shared>> -> memref<640xf32, #tpu.memory_space<vmem_shared>>
      tpu.wait_dma2 semaphore(%run_scoped3A : memref<!tpu.dma_semaphore, #tpu.memory_space<semaphore_mem>>) src(%arg6 : memref<640xf32, #tpu.memory_space<vmem>>) dst(%dma_wait3A_191 : memref<640xf32, #tpu.memory_space<vmem_shared>>)
      tpu.yield
    }) : () -> ()
    %barrier3A = arith.constant 0 : index
    tpu.barrier barrier_id(%barrier3A)
    %mul3A_14 = arith.constant 2560 : i32
    %mul3A_15 = arith.muli %arg0, %mul3A_14 : i32
    %mul3A_16 = arith.constant 160 : i32
    %mul3A_17 = arith.muli %arg1, %mul3A_16 : i32
    %add3A = arith.addi %mul3A_15, %mul3A_17 : i32
    %add3A_18 = arith.constant 0 : i32
    %add3A_19 = arith.addi %add3A, %add3A_18 : i32
    %dma_start3A = arith.constant 0 : i32
    %dma_start3A_20 = arith.constant 0 : i32
    %dma_start3A_21 = tpu.memref_slice %arg4[%dma_start3A, %dma_start3A_20] : memref<4x64xi32, #tpu.memory_space<vmem>> -> memref<1x64xi32, #tpu.memory_space<vmem>>
    %dma_start3A_22 = tpu.memref_squeeze %dma_start3A_21 : memref<1x64xi32, #tpu.memory_space<vmem>> -> memref<64xi32, #tpu.memory_space<vmem>>
    %dma_start3A_23 = arith.constant 0 : i32
    %dma_start3A_24 = tpu.memref_slice %arg2[%add3A_19, %dma_start3A_23] : memref<5120x64xi32, #tpu.memory_space<hbm>> -> memref<1x64xi32, #tpu.memory_space<hbm>>
    %dma_start3A_25 = tpu.memref_squeeze %dma_start3A_24 : memref<1x64xi32, #tpu.memory_space<hbm>> -> memref<64xi32, #tpu.memory_space<hbm>>
    %dma_start3A_26 = arith.constant 0 : i32
    %dma_start3A_27 = tpu.memref_slice %arg4[%dma_start3A, %dma_start3A_26] : memref<4x64xi32, #tpu.memory_space<vmem>> -> memref<1x64xi32, #tpu.memory_space<vmem>>
    %dma_start3A_28 = tpu.memref_squeeze %dma_start3A_27 : memref<1x64xi32, #tpu.memory_space<vmem>> -> memref<64xi32, #tpu.memory_space<vmem>>
    %dma_start3A_29 = arith.constant 0 : i32
    %dma_start3A_30 = tpu.memref_slice %arg2[%add3A_19, %dma_start3A_29] : memref<5120x64xi32, #tpu.memory_space<hbm>> -> memref<1x64xi32, #tpu.memory_space<hbm>>
    %dma_start3A_31 = tpu.memref_squeeze %dma_start3A_30 : memref<1x64xi32, #tpu.memory_space<hbm>> -> memref<64xi32, #tpu.memory_space<hbm>>
    tpu.enqueue_dma source(%dma_start3A_31 : memref<64xi32, #tpu.memory_space<hbm>>) target(%dma_start3A_28 : memref<64xi32, #tpu.memory_space<vmem>>) target_semaphore(%arg7 : memref<!tpu.dma_semaphore, #tpu.memory_space<semaphore_mem>>)
    %add3A_32 = arith.constant 1 : i32
    %add3A_33 = arith.addi %add3A, %add3A_32 : i32
    %dma_start3A_34 = arith.constant 1 : i32
    %dma_start3A_35 = arith.constant 0 : i32
    %dma_start3A_36 = tpu.memref_slice %arg4[%dma_start3A_34, %dma_start3A_35] : memref<4x64xi32, #tpu.memory_space<vmem>> -> memref<1x64xi32, #tpu.memory_space<vmem>>
    %dma_start3A_37 = tpu.memref_squeeze %dma_start3A_36 : memref<1x64xi32, #tpu.memory_space<vmem>> -> memref<64xi32, #tpu.memory_space<vmem>>
    %dma_start3A_38 = arith.constant 0 : i32
    %dma_start3A_39 = tpu.memref_slice %arg2[%add3A_33, %dma_start3A_38] : memref<5120x64xi32, #tpu.memory_space<hbm>> -> memref<1x64xi32, #tpu.memory_space<hbm>>
    %dma_start3A_40 = tpu.memref_squeeze %dma_start3A_39 : memref<1x64xi32, #tpu.memory_space<hbm>> -> memref<64xi32, #tpu.memory_space<hbm>>
    %dma_start3A_41 = arith.constant 0 : i32
    %dma_start3A_42 = tpu.memref_slice %arg4[%dma_start3A_34, %dma_start3A_41] : memref<4x64xi32, #tpu.memory_space<vmem>> -> memref<1x64xi32, #tpu.memory_space<vmem>>
    %dma_start3A_43 = tpu.memref_squeeze %dma_start3A_42 : memref<1x64xi32, #tpu.memory_space<vmem>> -> memref<64xi32, #tpu.memory_space<vmem>>
    %dma_start3A_44 = arith.constant 0 : i32
    %dma_start3A_45 = tpu.memref_slice %arg2[%add3A_33, %dma_start3A_44] : memref<5120x64xi32, #tpu.memory_space<hbm>> -> memref<1x64xi32, #tpu.memory_space<hbm>>
    %dma_start3A_46 = tpu.memref_squeeze %dma_start3A_45 : memref<1x64xi32, #tpu.memory_space<hbm>> -> memref<64xi32, #tpu.memory_space<hbm>>
    tpu.enqueue_dma source(%dma_start3A_46 : memref<64xi32, #tpu.memory_space<hbm>>) target(%dma_start3A_43 : memref<64xi32, #tpu.memory_space<vmem>>) target_semaphore(%arg8 : memref<!tpu.dma_semaphore, #tpu.memory_space<semaphore_mem>>)
    %add3A_47 = arith.constant 2 : i32
    %add3A_48 = arith.addi %add3A, %add3A_47 : i32
    %dma_start3A_49 = arith.constant 2 : i32
    %dma_start3A_50 = arith.constant 0 : i32
    %dma_start3A_51 = tpu.memref_slice %arg4[%dma_start3A_49, %dma_start3A_50] : memref<4x64xi32, #tpu.memory_space<vmem>> -> memref<1x64xi32, #tpu.memory_space<vmem>>
    %dma_start3A_52 = tpu.memref_squeeze %dma_start3A_51 : memref<1x64xi32, #tpu.memory_space<vmem>> -> memref<64xi32, #tpu.memory_space<vmem>>
    %dma_start3A_53 = arith.constant 0 : i32
    %dma_start3A_54 = tpu.memref_slice %arg2[%add3A_48, %dma_start3A_53] : memref<5120x64xi32, #tpu.memory_space<hbm>> -> memref<1x64xi32, #tpu.memory_space<hbm>>
    %dma_start3A_55 = tpu.memref_squeeze %dma_start3A_54 : memref<1x64xi32, #tpu.memory_space<hbm>> -> memref<64xi32, #tpu.memory_space<hbm>>
    %dma_start3A_56 = arith.constant 0 : i32
    %dma_start3A_57 = tpu.memref_slice %arg4[%dma_start3A_49, %dma_start3A_56] : memref<4x64xi32, #tpu.memory_space<vmem>> -> memref<1x64xi32, #tpu.memory_space<vmem>>
    %dma_start3A_58 = tpu.memref_squeeze %dma_start3A_57 : memref<1x64xi32, #tpu.memory_space<vmem>> -> memref<64xi32, #tpu.memory_space<vmem>>
    %dma_start3A_59 = arith.constant 0 : i32
    %dma_start3A_60 = tpu.memref_slice %arg2[%add3A_48, %dma_start3A_59] : memref<5120x64xi32, #tpu.memory_space<hbm>> -> memref<1x64xi32, #tpu.memory_space<hbm>>
    %dma_start3A_61 = tpu.memref_squeeze %dma_start3A_60 : memref<1x64xi32, #tpu.memory_space<hbm>> -> memref<64xi32, #tpu.memory_space<hbm>>
    tpu.enqueue_dma source(%dma_start3A_61 : memref<64xi32, #tpu.memory_space<hbm>>) target(%dma_start3A_58 : memref<64xi32, #tpu.memory_space<vmem>>) target_semaphore(%arg9 : memref<!tpu.dma_semaphore, #tpu.memory_space<semaphore_mem>>)
    %add3A_62 = arith.constant 3 : i32
    %add3A_63 = arith.addi %add3A, %add3A_62 : i32
    %dma_start3A_64 = arith.constant 3 : i32
    %dma_start3A_65 = arith.constant 0 : i32
    %dma_start3A_66 = tpu.memref_slice %arg4[%dma_start3A_64, %dma_start3A_65] : memref<4x64xi32, #tpu.memory_space<vmem>> -> memref<1x64xi32, #tpu.memory_space<vmem>>
    %dma_start3A_67 = tpu.memref_squeeze %dma_start3A_66 : memref<1x64xi32, #tpu.memory_space<vmem>> -> memref<64xi32, #tpu.memory_space<vmem>>
    %dma_start3A_68 = arith.constant 0 : i32
    %dma_start3A_69 = tpu.memref_slice %arg2[%add3A_63, %dma_start3A_68] : memref<5120x64xi32, #tpu.memory_space<hbm>> -> memref<1x64xi32, #tpu.memory_space<hbm>>
    %dma_start3A_70 = tpu.memref_squeeze %dma_start3A_69 : memref<1x64xi32, #tpu.memory_space<hbm>> -> memref<64xi32, #tpu.memory_space<hbm>>
    %dma_start3A_71 = arith.constant 0 : i32
    %dma_start3A_72 = tpu.memref_slice %arg4[%dma_start3A_64, %dma_start3A_71] : memref<4x64xi32, #tpu.memory_space<vmem>> -> memref<1x64xi32, #tpu.memory_space<vmem>>
    %dma_start3A_73 = tpu.memref_squeeze %dma_start3A_72 : memref<1x64xi32, #tpu.memory_space<vmem>> -> memref<64xi32, #tpu.memory_space<vmem>>
    %dma_start3A_74 = arith.constant 0 : i32
    %dma_start3A_75 = tpu.memref_slice %arg2[%add3A_63, %dma_start3A_74] : memref<5120x64xi32, #tpu.memory_space<hbm>> -> memref<1x64xi32, #tpu.memory_space<hbm>>
    %dma_start3A_76 = tpu.memref_squeeze %dma_start3A_75 : memref<1x64xi32, #tpu.memory_space<hbm>> -> memref<64xi32, #tpu.memory_space<hbm>>
    tpu.enqueue_dma source(%dma_start3A_76 : memref<64xi32, #tpu.memory_space<hbm>>) target(%dma_start3A_73 : memref<64xi32, #tpu.memory_space<vmem>>) target_semaphore(%arg10 : memref<!tpu.dma_semaphore, #tpu.memory_space<semaphore_mem>>)
    %scan3A_77 = arith.constant 0 : i32
    %scan3A_78 = arith.constant 0 : i32
    %scan3A_79 = arith.constant 39 : i32
    %scan3A_80 = arith.addi %scan3A_78, %scan3A_79 : i32
    %scan3A_81 = arith.constant 1 : i32
    %scan3A_82 = scf.for %scan3A_188 = %scan3A_78 to %scan3A_80 step %scan3A_81 iter_args(%scan3A_189 = %scan3A_77) -> (i32)  : i32 {
      %mul3A_190 = arith.constant 4 : i32
      %mul3A_191 = arith.muli %mul3A_190, %scan3A_188 : i32
      %dma_wait3A_192 = arith.constant 0 : i32
      %dma_wait3A_193 = arith.constant 0 : i32
      %dma_wait3A_194 = tpu.memref_slice %arg4[%dma_wait3A_192, %dma_wait3A_193] : memref<4x64xi32, #tpu.memory_space<vmem>> -> memref<1x64xi32, #tpu.memory_space<vmem>>
      %dma_wait3A_195 = tpu.memref_squeeze %dma_wait3A_194 : memref<1x64xi32, #tpu.memory_space<vmem>> -> memref<64xi32, #tpu.memory_space<vmem>>
      %dma_wait3A_196 = arith.constant 0 : i32
      %dma_wait3A_197 = tpu.memref_slice %arg2[%add3A, %dma_wait3A_196] : memref<5120x64xi32, #tpu.memory_space<hbm>> -> memref<1x64xi32, #tpu.memory_space<hbm>>
      %dma_wait3A_198 = tpu.memref_squeeze %dma_wait3A_197 : memref<1x64xi32, #tpu.memory_space<hbm>> -> memref<64xi32, #tpu.memory_space<hbm>>
      %dma_wait3A_199 = arith.constant 0 : i32
      %dma_wait3A_200 = tpu.memref_slice %arg4[%dma_wait3A_192, %dma_wait3A_199] : memref<4x64xi32, #tpu.memory_space<vmem>> -> memref<1x64xi32, #tpu.memory_space<vmem>>
      %dma_wait3A_201 = tpu.memref_squeeze %dma_wait3A_200 : memref<1x64xi32, #tpu.memory_space<vmem>> -> memref<64xi32, #tpu.memory_space<vmem>>
      %dma_wait3A_202 = arith.constant 0 : i32
      %dma_wait3A_203 = tpu.memref_slice %arg2[%add3A, %dma_wait3A_202] : memref<5120x64xi32, #tpu.memory_space<hbm>> -> memref<1x64xi32, #tpu.memory_space<hbm>>
      %dma_wait3A_204 = tpu.memref_squeeze %dma_wait3A_203 : memref<1x64xi32, #tpu.memory_space<hbm>> -> memref<64xi32, #tpu.memory_space<hbm>>
      tpu.wait_dma2 semaphore(%arg7 : memref<!tpu.dma_semaphore, #tpu.memory_space<semaphore_mem>>) src(%dma_wait3A_204 : memref<64xi32, #tpu.memory_space<hbm>>) dst(%dma_wait3A_201 : memref<64xi32, #tpu.memory_space<vmem>>)
      %dma_start3A_205 = arith.constant 0 : i32
      %dma_start3A_206 = arith.constant 0 : i32
      %dma_start3A_207 = tpu.memref_slice %arg4[%dma_start3A_205, %dma_start3A_206] : memref<4x64xi32, #tpu.memory_space<vmem>> -> memref<1x64xi32, #tpu.memory_space<vmem>>
      %dma_start3A_208 = tpu.memref_squeeze %dma_start3A_207 : memref<1x64xi32, #tpu.memory_space<vmem>> -> memref<64xi32, #tpu.memory_space<vmem>>
      %dma_start3A_209 = arith.constant 0 : i32
      %dma_start3A_210 = tpu.memref_slice %arg15[%dma_start3A_209] : memref<10240xf32, #tpu.memory_space<vmem_shared>> -> memref<10240xf32, #tpu.memory_space<vmem_shared>>
      tpu.enqueue_indirect_dma source(%arg5 : memref<64xf32, #tpu.memory_space<vmem>>) target(%dma_start3A_210 : memref<10240xf32, #tpu.memory_space<vmem_shared>>) offsets(%dma_start3A_208 : memref<64xi32, #tpu.memory_space<vmem>>) semaphore(%arg11 : memref<!tpu.dma_semaphore, #tpu.memory_space<semaphore_mem>>) {add = true}
      %dma_wait3A_211 = arith.constant 1 : i32
      %dma_wait3A_212 = arith.constant 0 : i32
      %dma_wait3A_213 = tpu.memref_slice %arg4[%dma_wait3A_211, %dma_wait3A_212] : memref<4x64xi32, #tpu.memory_space<vmem>> -> memref<1x64xi32, #tpu.memory_space<vmem>>
      %dma_wait3A_214 = tpu.memref_squeeze %dma_wait3A_213 : memref<1x64xi32, #tpu.memory_space<vmem>> -> memref<64xi32, #tpu.memory_space<vmem>>
      %dma_wait3A_215 = arith.constant 0 : i32
      %dma_wait3A_216 = tpu.memref_slice %arg2[%add3A, %dma_wait3A_215] : memref<5120x64xi32, #tpu.memory_space<hbm>> -> memref<1x64xi32, #tpu.memory_space<hbm>>
      %dma_wait3A_217 = tpu.memref_squeeze %dma_wait3A_216 : memref<1x64xi32, #tpu.memory_space<hbm>> -> memref<64xi32, #tpu.memory_space<hbm>>
      %dma_wait3A_218 = arith.constant 0 : i32
      %dma_wait3A_219 = tpu.memref_slice %arg4[%dma_wait3A_211, %dma_wait3A_218] : memref<4x64xi32, #tpu.memory_space<vmem>> -> memref<1x64xi32, #tpu.memory_space<vmem>>
      %dma_wait3A_220 = tpu.memref_squeeze %dma_wait3A_219 : memref<1x64xi32, #tpu.memory_space<vmem>> -> memref<64xi32, #tpu.memory_space<vmem>>
      %dma_wait3A_221 = arith.constant 0 : i32
      %dma_wait3A_222 = tpu.memref_slice %arg2[%add3A, %dma_wait3A_221] : memref<5120x64xi32, #tpu.memory_space<hbm>> -> memref<1x64xi32, #tpu.memory_space<hbm>>
      %dma_wait3A_223 = tpu.memref_squeeze %dma_wait3A_222 : memref<1x64xi32, #tpu.memory_space<hbm>> -> memref<64xi32, #tpu.memory_space<hbm>>
      tpu.wait_dma2 semaphore(%arg8 : memref<!tpu.dma_semaphore, #tpu.memory_space<semaphore_mem>>) src(%dma_wait3A_223 : memref<64xi32, #tpu.memory_space<hbm>>) dst(%dma_wait3A_220 : memref<64xi32, #tpu.memory_space<vmem>>)
      %dma_start3A_224 = arith.constant 1 : i32
      %dma_start3A_225 = arith.constant 0 : i32
      %dma_start3A_226 = tpu.memref_slice %arg4[%dma_start3A_224, %dma_start3A_225] : memref<4x64xi32, #tpu.memory_space<vmem>> -> memref<1x64xi32, #tpu.memory_space<vmem>>
      %dma_start3A_227 = tpu.memref_squeeze %dma_start3A_226 : memref<1x64xi32, #tpu.memory_space<vmem>> -> memref<64xi32, #tpu.memory_space<vmem>>
      %dma_start3A_228 = arith.constant 0 : i32
      %dma_start3A_229 = tpu.memref_slice %arg15[%dma_start3A_228] : memref<10240xf32, #tpu.memory_space<vmem_shared>> -> memref<10240xf32, #tpu.memory_space<vmem_shared>>
      tpu.enqueue_indirect_dma source(%arg5 : memref<64xf32, #tpu.memory_space<vmem>>) target(%dma_start3A_229 : memref<10240xf32, #tpu.memory_space<vmem_shared>>) offsets(%dma_start3A_227 : memref<64xi32, #tpu.memory_space<vmem>>) semaphore(%arg12 : memref<!tpu.dma_semaphore, #tpu.memory_space<semaphore_mem>>) {add = true}
      %dma_wait3A_230 = arith.constant 2 : i32
      %dma_wait3A_231 = arith.constant 0 : i32
      %dma_wait3A_232 = tpu.memref_slice %arg4[%dma_wait3A_230, %dma_wait3A_231] : memref<4x64xi32, #tpu.memory_space<vmem>> -> memref<1x64xi32, #tpu.memory_space<vmem>>
      %dma_wait3A_233 = tpu.memref_squeeze %dma_wait3A_232 : memref<1x64xi32, #tpu.memory_space<vmem>> -> memref<64xi32, #tpu.memory_space<vmem>>
      %dma_wait3A_234 = arith.constant 0 : i32
      %dma_wait3A_235 = tpu.memref_slice %arg2[%add3A, %dma_wait3A_234] : memref<5120x64xi32, #tpu.memory_space<hbm>> -> memref<1x64xi32, #tpu.memory_space<hbm>>
      %dma_wait3A_236 = tpu.memref_squeeze %dma_wait3A_235 : memref<1x64xi32, #tpu.memory_space<hbm>> -> memref<64xi32, #tpu.memory_space<hbm>>
      %dma_wait3A_237 = arith.constant 0 : i32
      %dma_wait3A_238 = tpu.memref_slice %arg4[%dma_wait3A_230, %dma_wait3A_237] : memref<4x64xi32, #tpu.memory_space<vmem>> -> memref<1x64xi32, #tpu.memory_space<vmem>>
      %dma_wait3A_239 = tpu.memref_squeeze %dma_wait3A_238 : memref<1x64xi32, #tpu.memory_space<vmem>> -> memref<64xi32, #tpu.memory_space<vmem>>
      %dma_wait3A_240 = arith.constant 0 : i32
      %dma_wait3A_241 = tpu.memref_slice %arg2[%add3A, %dma_wait3A_240] : memref<5120x64xi32, #tpu.memory_space<hbm>> -> memref<1x64xi32, #tpu.memory_space<hbm>>
      %dma_wait3A_242 = tpu.memref_squeeze %dma_wait3A_241 : memref<1x64xi32, #tpu.memory_space<hbm>> -> memref<64xi32, #tpu.memory_space<hbm>>
      tpu.wait_dma2 semaphore(%arg9 : memref<!tpu.dma_semaphore, #tpu.memory_space<semaphore_mem>>) src(%dma_wait3A_242 : memref<64xi32, #tpu.memory_space<hbm>>) dst(%dma_wait3A_239 : memref<64xi32, #tpu.memory_space<vmem>>)
      %dma_start3A_243 = arith.constant 2 : i32
      %dma_start3A_244 = arith.constant 0 : i32
      %dma_start3A_245 = tpu.memref_slice %arg4[%dma_start3A_243, %dma_start3A_244] : memref<4x64xi32, #tpu.memory_space<vmem>> -> memref<1x64xi32, #tpu.memory_space<vmem>>
      %dma_start3A_246 = tpu.memref_squeeze %dma_start3A_245 : memref<1x64xi32, #tpu.memory_space<vmem>> -> memref<64xi32, #tpu.memory_space<vmem>>
      %dma_start3A_247 = arith.constant 0 : i32
      %dma_start3A_248 = tpu.memref_slice %arg15[%dma_start3A_247] : memref<10240xf32, #tpu.memory_space<vmem_shared>> -> memref<10240xf32, #tpu.memory_space<vmem_shared>>
      tpu.enqueue_indirect_dma source(%arg5 : memref<64xf32, #tpu.memory_space<vmem>>) target(%dma_start3A_248 : memref<10240xf32, #tpu.memory_space<vmem_shared>>) offsets(%dma_start3A_246 : memref<64xi32, #tpu.memory_space<vmem>>) semaphore(%arg13 : memref<!tpu.dma_semaphore, #tpu.memory_space<semaphore_mem>>) {add = true}
      %dma_wait3A_249 = arith.constant 3 : i32
      %dma_wait3A_250 = arith.constant 0 : i32
      %dma_wait3A_251 = tpu.memref_slice %arg4[%dma_wait3A_249, %dma_wait3A_250] : memref<4x64xi32, #tpu.memory_space<vmem>> -> memref<1x64xi32, #tpu.memory_space<vmem>>
      %dma_wait3A_252 = tpu.memref_squeeze %dma_wait3A_251 : memref<1x64xi32, #tpu.memory_space<vmem>> -> memref<64xi32, #tpu.memory_space<vmem>>
      %dma_wait3A_253 = arith.constant 0 : i32
      %dma_wait3A_254 = tpu.memref_slice %arg2[%add3A, %dma_wait3A_253] : memref<5120x64xi32, #tpu.memory_space<hbm>> -> memref<1x64xi32, #tpu.memory_space<hbm>>
      %dma_wait3A_255 = tpu.memref_squeeze %dma_wait3A_254 : memref<1x64xi32, #tpu.memory_space<hbm>> -> memref<64xi32, #tpu.memory_space<hbm>>
      %dma_wait3A_256 = arith.constant 0 : i32
      %dma_wait3A_257 = tpu.memref_slice %arg4[%dma_wait3A_249, %dma_wait3A_256] : memref<4x64xi32, #tpu.memory_space<vmem>> -> memref<1x64xi32, #tpu.memory_space<vmem>>
      %dma_wait3A_258 = tpu.memref_squeeze %dma_wait3A_257 : memref<1x64xi32, #tpu.memory_space<vmem>> -> memref<64xi32, #tpu.memory_space<vmem>>
      %dma_wait3A_259 = arith.constant 0 : i32
      %dma_wait3A_260 = tpu.memref_slice %arg2[%add3A, %dma_wait3A_259] : memref<5120x64xi32, #tpu.memory_space<hbm>> -> memref<1x64xi32, #tpu.memory_space<hbm>>
      %dma_wait3A_261 = tpu.memref_squeeze %dma_wait3A_260 : memref<1x64xi32, #tpu.memory_space<hbm>> -> memref<64xi32, #tpu.memory_space<hbm>>
      tpu.wait_dma2 semaphore(%arg10 : memref<!tpu.dma_semaphore, #tpu.memory_space<semaphore_mem>>) src(%dma_wait3A_261 : memref<64xi32, #tpu.memory_space<hbm>>) dst(%dma_wait3A_258 : memref<64xi32, #tpu.memory_space<vmem>>)
      %dma_start3A_262 = arith.constant 3 : i32
      %dma_start3A_263 = arith.constant 0 : i32
      %dma_start3A_264 = tpu.memref_slice %arg4[%dma_start3A_262, %dma_start3A_263] : memref<4x64xi32, #tpu.memory_space<vmem>> -> memref<1x64xi32, #tpu.memory_space<vmem>>
      %dma_start3A_265 = tpu.memref_squeeze %dma_start3A_264 : memref<1x64xi32, #tpu.memory_space<vmem>> -> memref<64xi32, #tpu.memory_space<vmem>>
      %dma_start3A_266 = arith.constant 0 : i32
      %dma_start3A_267 = tpu.memref_slice %arg15[%dma_start3A_266] : memref<10240xf32, #tpu.memory_space<vmem_shared>> -> memref<10240xf32, #tpu.memory_space<vmem_shared>>
      tpu.enqueue_indirect_dma source(%arg5 : memref<64xf32, #tpu.memory_space<vmem>>) target(%dma_start3A_267 : memref<10240xf32, #tpu.memory_space<vmem_shared>>) offsets(%dma_start3A_265 : memref<64xi32, #tpu.memory_space<vmem>>) semaphore(%arg14 : memref<!tpu.dma_semaphore, #tpu.memory_space<semaphore_mem>>) {add = true}
      %dma_wait3A_268 = arith.constant 0 : i32
      %dma_wait3A_269 = arith.constant 0 : i32
      %dma_wait3A_270 = tpu.memref_slice %arg4[%dma_wait3A_268, %dma_wait3A_269] : memref<4x64xi32, #tpu.memory_space<vmem>> -> memref<1x64xi32, #tpu.memory_space<vmem>>
      %dma_wait3A_271 = tpu.memref_squeeze %dma_wait3A_270 : memref<1x64xi32, #tpu.memory_space<vmem>> -> memref<64xi32, #tpu.memory_space<vmem>>
      %dma_wait3A_272 = arith.constant 0 : i32
      %dma_wait3A_273 = tpu.memref_slice %arg15[%dma_wait3A_272] : memref<10240xf32, #tpu.memory_space<vmem_shared>> -> memref<10240xf32, #tpu.memory_space<vmem_shared>>
      tpu.wait_indirect_dma semaphore(%arg11 : memref<!tpu.dma_semaphore, #tpu.memory_space<semaphore_mem>>) src(%arg5 : memref<64xf32, #tpu.memory_space<vmem>>) dst(%dma_wait3A_273 : memref<10240xf32, #tpu.memory_space<vmem_shared>>)
      %add3A_274 = arith.constant 4 : i32
      %add3A_275 = arith.addi %mul3A_191, %add3A_274 : i32
      %add3A_276 = arith.constant 0 : i32
      %add3A_277 = arith.addi %add3A_275, %add3A_276 : i32
      %add3A_278 = arith.addi %add3A, %add3A_277 : i32
      %dma_start3A_279 = arith.constant 0 : i32
      %dma_start3A_280 = arith.constant 0 : i32
      %dma_start3A_281 = tpu.memref_slice %arg4[%dma_start3A_279, %dma_start3A_280] : memref<4x64xi32, #tpu.memory_space<vmem>> -> memref<1x64xi32, #tpu.memory_space<vmem>>
      %dma_start3A_282 = tpu.memref_squeeze %dma_start3A_281 : memref<1x64xi32, #tpu.memory_space<vmem>> -> memref<64xi32, #tpu.memory_space<vmem>>
      %dma_start3A_283 = arith.constant 0 : i32
      %dma_start3A_284 = tpu.memref_slice %arg2[%add3A_278, %dma_start3A_283] : memref<5120x64xi32, #tpu.memory_space<hbm>> -> memref<1x64xi32, #tpu.memory_space<hbm>>
      %dma_start3A_285 = tpu.memref_squeeze %dma_start3A_284 : memref<1x64xi32, #tpu.memory_space<hbm>> -> memref<64xi32, #tpu.memory_space<hbm>>
      %dma_start3A_286 = arith.constant 0 : i32
      %dma_start3A_287 = tpu.memref_slice %arg4[%dma_start3A_279, %dma_start3A_286] : memref<4x64xi32, #tpu.memory_space<vmem>> -> memref<1x64xi32, #tpu.memory_space<vmem>>
      %dma_start3A_288 = tpu.memref_squeeze %dma_start3A_287 : memref<1x64xi32, #tpu.memory_space<vmem>> -> memref<64xi32, #tpu.memory_space<vmem>>
      %dma_start3A_289 = arith.constant 0 : i32
      %dma_start3A_290 = tpu.memref_slice %arg2[%add3A_278, %dma_start3A_289] : memref<5120x64xi32, #tpu.memory_space<hbm>> -> memref<1x64xi32, #tpu.memory_space<hbm>>
      %dma_start3A_291 = tpu.memref_squeeze %dma_start3A_290 : memref<1x64xi32, #tpu.memory_space<hbm>> -> memref<64xi32, #tpu.memory_space<hbm>>
      tpu.enqueue_dma source(%dma_start3A_291 : memref<64xi32, #tpu.memory_space<hbm>>) target(%dma_start3A_288 : memref<64xi32, #tpu.memory_space<vmem>>) target_semaphore(%arg7 : memref<!tpu.dma_semaphore, #tpu.memory_space<semaphore_mem>>)
      %dma_wait3A_292 = arith.constant 1 : i32
      %dma_wait3A_293 = arith.constant 0 : i32
      %dma_wait3A_294 = tpu.memref_slice %arg4[%dma_wait3A_292, %dma_wait3A_293] : memref<4x64xi32, #tpu.memory_space<vmem>> -> memref<1x64xi32, #tpu.memory_space<vmem>>
      %dma_wait3A_295 = tpu.memref_squeeze %dma_wait3A_294 : memref<1x64xi32, #tpu.memory_space<vmem>> -> memref<64xi32, #tpu.memory_space<vmem>>
      %dma_wait3A_296 = arith.constant 0 : i32
      %dma_wait3A_297 = tpu.memref_slice %arg15[%dma_wait3A_296] : memref<10240xf32, #tpu.memory_space<vmem_shared>> -> memref<10240xf32, #tpu.memory_space<vmem_shared>>
      tpu.wait_indirect_dma semaphore(%arg12 : memref<!tpu.dma_semaphore, #tpu.memory_space<semaphore_mem>>) src(%arg5 : memref<64xf32, #tpu.memory_space<vmem>>) dst(%dma_wait3A_297 : memref<10240xf32, #tpu.memory_space<vmem_shared>>)
      %add3A_298 = arith.constant 4 : i32
      %add3A_299 = arith.addi %mul3A_191, %add3A_298 : i32
      %add3A_300 = arith.constant 1 : i32
      %add3A_301 = arith.addi %add3A_299, %add3A_300 : i32
      %add3A_302 = arith.addi %add3A, %add3A_301 : i32
      %dma_start3A_303 = arith.constant 1 : i32
      %dma_start3A_304 = arith.constant 0 : i32
      %dma_start3A_305 = tpu.memref_slice %arg4[%dma_start3A_303, %dma_start3A_304] : memref<4x64xi32, #tpu.memory_space<vmem>> -> memref<1x64xi32, #tpu.memory_space<vmem>>
      %dma_start3A_306 = tpu.memref_squeeze %dma_start3A_305 : memref<1x64xi32, #tpu.memory_space<vmem>> -> memref<64xi32, #tpu.memory_space<vmem>>
      %dma_start3A_307 = arith.constant 0 : i32
      %dma_start3A_308 = tpu.memref_slice %arg2[%add3A_302, %dma_start3A_307] : memref<5120x64xi32, #tpu.memory_space<hbm>> -> memref<1x64xi32, #tpu.memory_space<hbm>>
      %dma_start3A_309 = tpu.memref_squeeze %dma_start3A_308 : memref<1x64xi32, #tpu.memory_space<hbm>> -> memref<64xi32, #tpu.memory_space<hbm>>
      %dma_start3A_310 = arith.constant 0 : i32
      %dma_start3A_311 = tpu.memref_slice %arg4[%dma_start3A_303, %dma_start3A_310] : memref<4x64xi32, #tpu.memory_space<vmem>> -> memref<1x64xi32, #tpu.memory_space<vmem>>
      %dma_start3A_312 = tpu.memref_squeeze %dma_start3A_311 : memref<1x64xi32, #tpu.memory_space<vmem>> -> memref<64xi32, #tpu.memory_space<vmem>>
      %dma_start3A_313 = arith.constant 0 : i32
      %dma_start3A_314 = tpu.memref_slice %arg2[%add3A_302, %dma_start3A_313] : memref<5120x64xi32, #tpu.memory_space<hbm>> -> memref<1x64xi32, #tpu.memory_space<hbm>>
      %dma_start3A_315 = tpu.memref_squeeze %dma_start3A_314 : memref<1x64xi32, #tpu.memory_space<hbm>> -> memref<64xi32, #tpu.memory_space<hbm>>
      tpu.enqueue_dma source(%dma_start3A_315 : memref<64xi32, #tpu.memory_space<hbm>>) target(%dma_start3A_312 : memref<64xi32, #tpu.memory_space<vmem>>) target_semaphore(%arg8 : memref<!tpu.dma_semaphore, #tpu.memory_space<semaphore_mem>>)
      %dma_wait3A_316 = arith.constant 2 : i32
      %dma_wait3A_317 = arith.constant 0 : i32
      %dma_wait3A_318 = tpu.memref_slice %arg4[%dma_wait3A_316, %dma_wait3A_317] : memref<4x64xi32, #tpu.memory_space<vmem>> -> memref<1x64xi32, #tpu.memory_space<vmem>>
      %dma_wait3A_319 = tpu.memref_squeeze %dma_wait3A_318 : memref<1x64xi32, #tpu.memory_space<vmem>> -> memref<64xi32, #tpu.memory_space<vmem>>
      %dma_wait3A_320 = arith.constant 0 : i32
      %dma_wait3A_321 = tpu.memref_slice %arg15[%dma_wait3A_320] : memref<10240xf32, #tpu.memory_space<vmem_shared>> -> memref<10240xf32, #tpu.memory_space<vmem_shared>>
      tpu.wait_indirect_dma semaphore(%arg13 : memref<!tpu.dma_semaphore, #tpu.memory_space<semaphore_mem>>) src(%arg5 : memref<64xf32, #tpu.memory_space<vmem>>) dst(%dma_wait3A_321 : memref<10240xf32, #tpu.memory_space<vmem_shared>>)
      %add3A_322 = arith.constant 4 : i32
      %add3A_323 = arith.addi %mul3A_191, %add3A_322 : i32
      %add3A_324 = arith.constant 2 : i32
      %add3A_325 = arith.addi %add3A_323, %add3A_324 : i32
      %add3A_326 = arith.addi %add3A, %add3A_325 : i32
      %dma_start3A_327 = arith.constant 2 : i32
      %dma_start3A_328 = arith.constant 0 : i32
      %dma_start3A_329 = tpu.memref_slice %arg4[%dma_start3A_327, %dma_start3A_328] : memref<4x64xi32, #tpu.memory_space<vmem>> -> memref<1x64xi32, #tpu.memory_space<vmem>>
      %dma_start3A_330 = tpu.memref_squeeze %dma_start3A_329 : memref<1x64xi32, #tpu.memory_space<vmem>> -> memref<64xi32, #tpu.memory_space<vmem>>
      %dma_start3A_331 = arith.constant 0 : i32
      %dma_start3A_332 = tpu.memref_slice %arg2[%add3A_326, %dma_start3A_331] : memref<5120x64xi32, #tpu.memory_space<hbm>> -> memref<1x64xi32, #tpu.memory_space<hbm>>
      %dma_start3A_333 = tpu.memref_squeeze %dma_start3A_332 : memref<1x64xi32, #tpu.memory_space<hbm>> -> memref<64xi32, #tpu.memory_space<hbm>>
      %dma_start3A_334 = arith.constant 0 : i32
      %dma_start3A_335 = tpu.memref_slice %arg4[%dma_start3A_327, %dma_start3A_334] : memref<4x64xi32, #tpu.memory_space<vmem>> -> memref<1x64xi32, #tpu.memory_space<vmem>>
      %dma_start3A_336 = tpu.memref_squeeze %dma_start3A_335 : memref<1x64xi32, #tpu.memory_space<vmem>> -> memref<64xi32, #tpu.memory_space<vmem>>
      %dma_start3A_337 = arith.constant 0 : i32
      %dma_start3A_338 = tpu.memref_slice %arg2[%add3A_326, %dma_start3A_337] : memref<5120x64xi32, #tpu.memory_space<hbm>> -> memref<1x64xi32, #tpu.memory_space<hbm>>
      %dma_start3A_339 = tpu.memref_squeeze %dma_start3A_338 : memref<1x64xi32, #tpu.memory_space<hbm>> -> memref<64xi32, #tpu.memory_space<hbm>>
      tpu.enqueue_dma source(%dma_start3A_339 : memref<64xi32, #tpu.memory_space<hbm>>) target(%dma_start3A_336 : memref<64xi32, #tpu.memory_space<vmem>>) target_semaphore(%arg9 : memref<!tpu.dma_semaphore, #tpu.memory_space<semaphore_mem>>)
      %dma_wait3A_340 = arith.constant 3 : i32
      %dma_wait3A_341 = arith.constant 0 : i32
      %dma_wait3A_342 = tpu.memref_slice %arg4[%dma_wait3A_340, %dma_wait3A_341] : memref<4x64xi32, #tpu.memory_space<vmem>> -> memref<1x64xi32, #tpu.memory_space<vmem>>
      %dma_wait3A_343 = tpu.memref_squeeze %dma_wait3A_342 : memref<1x64xi32, #tpu.memory_space<vmem>> -> memref<64xi32, #tpu.memory_space<vmem>>
      %dma_wait3A_344 = arith.constant 0 : i32
      %dma_wait3A_345 = tpu.memref_slice %arg15[%dma_wait3A_344] : memref<10240xf32, #tpu.memory_space<vmem_shared>> -> memref<10240xf32, #tpu.memory_space<vmem_shared>>
      tpu.wait_indirect_dma semaphore(%arg14 : memref<!tpu.dma_semaphore, #tpu.memory_space<semaphore_mem>>) src(%arg5 : memref<64xf32, #tpu.memory_space<vmem>>) dst(%dma_wait3A_345 : memref<10240xf32, #tpu.memory_space<vmem_shared>>)
      %add3A_346 = arith.constant 4 : i32
      %add3A_347 = arith.addi %mul3A_191, %add3A_346 : i32
      %add3A_348 = arith.constant 3 : i32
      %add3A_349 = arith.addi %add3A_347, %add3A_348 : i32
      %add3A_350 = arith.addi %add3A, %add3A_349 : i32
      %dma_start3A_351 = arith.constant 3 : i32
      %dma_start3A_352 = arith.constant 0 : i32
      %dma_start3A_353 = tpu.memref_slice %arg4[%dma_start3A_351, %dma_start3A_352] : memref<4x64xi32, #tpu.memory_space<vmem>> -> memref<1x64xi32, #tpu.memory_space<vmem>>
      %dma_start3A_354 = tpu.memref_squeeze %dma_start3A_353 : memref<1x64xi32, #tpu.memory_space<vmem>> -> memref<64xi32, #tpu.memory_space<vmem>>
      %dma_start3A_355 = arith.constant 0 : i32
      %dma_start3A_356 = tpu.memref_slice %arg2[%add3A_350, %dma_start3A_355] : memref<5120x64xi32, #tpu.memory_space<hbm>> -> memref<1x64xi32, #tpu.memory_space<hbm>>
      %dma_start3A_357 = tpu.memref_squeeze %dma_start3A_356 : memref<1x64xi32, #tpu.memory_space<hbm>> -> memref<64xi32, #tpu.memory_space<hbm>>
      %dma_start3A_358 = arith.constant 0 : i32
      %dma_start3A_359 = tpu.memref_slice %arg4[%dma_start3A_351, %dma_start3A_358] : memref<4x64xi32, #tpu.memory_space<vmem>> -> memref<1x64xi32, #tpu.memory_space<vmem>>
      %dma_start3A_360 = tpu.memref_squeeze %dma_start3A_359 : memref<1x64xi32, #tpu.memory_space<vmem>> -> memref<64xi32, #tpu.memory_space<vmem>>
      %dma_start3A_361 = arith.constant 0 : i32
      %dma_start3A_362 = tpu.memref_slice %arg2[%add3A_350, %dma_start3A_361] : memref<5120x64xi32, #tpu.memory_space<hbm>> -> memref<1x64xi32, #tpu.memory_space<hbm>>
      %dma_start3A_363 = tpu.memref_squeeze %dma_start3A_362 : memref<1x64xi32, #tpu.memory_space<hbm>> -> memref<64xi32, #tpu.memory_space<hbm>>
      tpu.enqueue_dma source(%dma_start3A_363 : memref<64xi32, #tpu.memory_space<hbm>>) target(%dma_start3A_360 : memref<64xi32, #tpu.memory_space<vmem>>) target_semaphore(%arg10 : memref<!tpu.dma_semaphore, #tpu.memory_space<semaphore_mem>>)
      %scan3A_364 = arith.constant 0 : i32
      scf.yield %scan3A_364 : i32
    }
    %scan3A_83 = arith.constant 39 : i32
    %dma_wait3A = arith.constant 0 : i32
    %dma_wait3A_84 = arith.constant 0 : i32
    %dma_wait3A_85 = tpu.memref_slice %arg4[%dma_wait3A, %dma_wait3A_84] : memref<4x64xi32, #tpu.memory_space<vmem>> -> memref<1x64xi32, #tpu.memory_space<vmem>>
    %dma_wait3A_86 = tpu.memref_squeeze %dma_wait3A_85 : memref<1x64xi32, #tpu.memory_space<vmem>> -> memref<64xi32, #tpu.memory_space<vmem>>
    %dma_wait3A_87 = arith.constant 0 : i32
    %dma_wait3A_88 = tpu.memref_slice %arg2[%add3A, %dma_wait3A_87] : memref<5120x64xi32, #tpu.memory_space<hbm>> -> memref<1x64xi32, #tpu.memory_space<hbm>>
    %dma_wait3A_89 = tpu.memref_squeeze %dma_wait3A_88 : memref<1x64xi32, #tpu.memory_space<hbm>> -> memref<64xi32, #tpu.memory_space<hbm>>
    %dma_wait3A_90 = arith.constant 0 : i32
    %dma_wait3A_91 = tpu.memref_slice %arg4[%dma_wait3A, %dma_wait3A_90] : memref<4x64xi32, #tpu.memory_space<vmem>> -> memref<1x64xi32, #tpu.memory_space<vmem>>
    %dma_wait3A_92 = tpu.memref_squeeze %dma_wait3A_91 : memref<1x64xi32, #tpu.memory_space<vmem>> -> memref<64xi32, #tpu.memory_space<vmem>>
    %dma_wait3A_93 = arith.constant 0 : i32
    %dma_wait3A_94 = tpu.memref_slice %arg2[%add3A, %dma_wait3A_93] : memref<5120x64xi32, #tpu.memory_space<hbm>> -> memref<1x64xi32, #tpu.memory_space<hbm>>
    %dma_wait3A_95 = tpu.memref_squeeze %dma_wait3A_94 : memref<1x64xi32, #tpu.memory_space<hbm>> -> memref<64xi32, #tpu.memory_space<hbm>>
    tpu.wait_dma2 semaphore(%arg7 : memref<!tpu.dma_semaphore, #tpu.memory_space<semaphore_mem>>) src(%dma_wait3A_95 : memref<64xi32, #tpu.memory_space<hbm>>) dst(%dma_wait3A_92 : memref<64xi32, #tpu.memory_space<vmem>>)
    %dma_start3A_96 = arith.constant 0 : i32
    %dma_start3A_97 = arith.constant 0 : i32
    %dma_start3A_98 = tpu.memref_slice %arg4[%dma_start3A_96, %dma_start3A_97] : memref<4x64xi32, #tpu.memory_space<vmem>> -> memref<1x64xi32, #tpu.memory_space<vmem>>
    %dma_start3A_99 = tpu.memref_squeeze %dma_start3A_98 : memref<1x64xi32, #tpu.memory_space<vmem>> -> memref<64xi32, #tpu.memory_space<vmem>>
    %dma_start3A_100 = arith.constant 0 : i32
    %dma_start3A_101 = tpu.memref_slice %arg15[%dma_start3A_100] : memref<10240xf32, #tpu.memory_space<vmem_shared>> -> memref<10240xf32, #tpu.memory_space<vmem_shared>>
    tpu.enqueue_indirect_dma source(%arg5 : memref<64xf32, #tpu.memory_space<vmem>>) target(%dma_start3A_101 : memref<10240xf32, #tpu.memory_space<vmem_shared>>) offsets(%dma_start3A_99 : memref<64xi32, #tpu.memory_space<vmem>>) semaphore(%arg11 : memref<!tpu.dma_semaphore, #tpu.memory_space<semaphore_mem>>) {add = true}
    %dma_wait3A_102 = arith.constant 1 : i32
    %dma_wait3A_103 = arith.constant 0 : i32
    %dma_wait3A_104 = tpu.memref_slice %arg4[%dma_wait3A_102, %dma_wait3A_103] : memref<4x64xi32, #tpu.memory_space<vmem>> -> memref<1x64xi32, #tpu.memory_space<vmem>>
    %dma_wait3A_105 = tpu.memref_squeeze %dma_wait3A_104 : memref<1x64xi32, #tpu.memory_space<vmem>> -> memref<64xi32, #tpu.memory_space<vmem>>
    %dma_wait3A_106 = arith.constant 0 : i32
    %dma_wait3A_107 = tpu.memref_slice %arg2[%add3A, %dma_wait3A_106] : memref<5120x64xi32, #tpu.memory_space<hbm>> -> memref<1x64xi32, #tpu.memory_space<hbm>>
    %dma_wait3A_108 = tpu.memref_squeeze %dma_wait3A_107 : memref<1x64xi32, #tpu.memory_space<hbm>> -> memref<64xi32, #tpu.memory_space<hbm>>
    %dma_wait3A_109 = arith.constant 0 : i32
    %dma_wait3A_110 = tpu.memref_slice %arg4[%dma_wait3A_102, %dma_wait3A_109] : memref<4x64xi32, #tpu.memory_space<vmem>> -> memref<1x64xi32, #tpu.memory_space<vmem>>
    %dma_wait3A_111 = tpu.memref_squeeze %dma_wait3A_110 : memref<1x64xi32, #tpu.memory_space<vmem>> -> memref<64xi32, #tpu.memory_space<vmem>>
    %dma_wait3A_112 = arith.constant 0 : i32
    %dma_wait3A_113 = tpu.memref_slice %arg2[%add3A, %dma_wait3A_112] : memref<5120x64xi32, #tpu.memory_space<hbm>> -> memref<1x64xi32, #tpu.memory_space<hbm>>
    %dma_wait3A_114 = tpu.memref_squeeze %dma_wait3A_113 : memref<1x64xi32, #tpu.memory_space<hbm>> -> memref<64xi32, #tpu.memory_space<hbm>>
    tpu.wait_dma2 semaphore(%arg8 : memref<!tpu.dma_semaphore, #tpu.memory_space<semaphore_mem>>) src(%dma_wait3A_114 : memref<64xi32, #tpu.memory_space<hbm>>) dst(%dma_wait3A_111 : memref<64xi32, #tpu.memory_space<vmem>>)
    %dma_start3A_115 = arith.constant 1 : i32
    %dma_start3A_116 = arith.constant 0 : i32
    %dma_start3A_117 = tpu.memref_slice %arg4[%dma_start3A_115, %dma_start3A_116] : memref<4x64xi32, #tpu.memory_space<vmem>> -> memref<1x64xi32, #tpu.memory_space<vmem>>
    %dma_start3A_118 = tpu.memref_squeeze %dma_start3A_117 : memref<1x64xi32, #tpu.memory_space<vmem>> -> memref<64xi32, #tpu.memory_space<vmem>>
    %dma_start3A_119 = arith.constant 0 : i32
    %dma_start3A_120 = tpu.memref_slice %arg15[%dma_start3A_119] : memref<10240xf32, #tpu.memory_space<vmem_shared>> -> memref<10240xf32, #tpu.memory_space<vmem_shared>>
    tpu.enqueue_indirect_dma source(%arg5 : memref<64xf32, #tpu.memory_space<vmem>>) target(%dma_start3A_120 : memref<10240xf32, #tpu.memory_space<vmem_shared>>) offsets(%dma_start3A_118 : memref<64xi32, #tpu.memory_space<vmem>>) semaphore(%arg12 : memref<!tpu.dma_semaphore, #tpu.memory_space<semaphore_mem>>) {add = true}
    %dma_wait3A_121 = arith.constant 2 : i32
    %dma_wait3A_122 = arith.constant 0 : i32
    %dma_wait3A_123 = tpu.memref_slice %arg4[%dma_wait3A_121, %dma_wait3A_122] : memref<4x64xi32, #tpu.memory_space<vmem>> -> memref<1x64xi32, #tpu.memory_space<vmem>>
    %dma_wait3A_124 = tpu.memref_squeeze %dma_wait3A_123 : memref<1x64xi32, #tpu.memory_space<vmem>> -> memref<64xi32, #tpu.memory_space<vmem>>
    %dma_wait3A_125 = arith.constant 0 : i32
    %dma_wait3A_126 = tpu.memref_slice %arg2[%add3A, %dma_wait3A_125] : memref<5120x64xi32, #tpu.memory_space<hbm>> -> memref<1x64xi32, #tpu.memory_space<hbm>>
    %dma_wait3A_127 = tpu.memref_squeeze %dma_wait3A_126 : memref<1x64xi32, #tpu.memory_space<hbm>> -> memref<64xi32, #tpu.memory_space<hbm>>
    %dma_wait3A_128 = arith.constant 0 : i32
    %dma_wait3A_129 = tpu.memref_slice %arg4[%dma_wait3A_121, %dma_wait3A_128] : memref<4x64xi32, #tpu.memory_space<vmem>> -> memref<1x64xi32, #tpu.memory_space<vmem>>
    %dma_wait3A_130 = tpu.memref_squeeze %dma_wait3A_129 : memref<1x64xi32, #tpu.memory_space<vmem>> -> memref<64xi32, #tpu.memory_space<vmem>>
    %dma_wait3A_131 = arith.constant 0 : i32
    %dma_wait3A_132 = tpu.memref_slice %arg2[%add3A, %dma_wait3A_131] : memref<5120x64xi32, #tpu.memory_space<hbm>> -> memref<1x64xi32, #tpu.memory_space<hbm>>
    %dma_wait3A_133 = tpu.memref_squeeze %dma_wait3A_132 : memref<1x64xi32, #tpu.memory_space<hbm>> -> memref<64xi32, #tpu.memory_space<hbm>>
    tpu.wait_dma2 semaphore(%arg9 : memref<!tpu.dma_semaphore, #tpu.memory_space<semaphore_mem>>) src(%dma_wait3A_133 : memref<64xi32, #tpu.memory_space<hbm>>) dst(%dma_wait3A_130 : memref<64xi32, #tpu.memory_space<vmem>>)
    %dma_start3A_134 = arith.constant 2 : i32
    %dma_start3A_135 = arith.constant 0 : i32
    %dma_start3A_136 = tpu.memref_slice %arg4[%dma_start3A_134, %dma_start3A_135] : memref<4x64xi32, #tpu.memory_space<vmem>> -> memref<1x64xi32, #tpu.memory_space<vmem>>
    %dma_start3A_137 = tpu.memref_squeeze %dma_start3A_136 : memref<1x64xi32, #tpu.memory_space<vmem>> -> memref<64xi32, #tpu.memory_space<vmem>>
    %dma_start3A_138 = arith.constant 0 : i32
    %dma_start3A_139 = tpu.memref_slice %arg15[%dma_start3A_138] : memref<10240xf32, #tpu.memory_space<vmem_shared>> -> memref<10240xf32, #tpu.memory_space<vmem_shared>>
    tpu.enqueue_indirect_dma source(%arg5 : memref<64xf32, #tpu.memory_space<vmem>>) target(%dma_start3A_139 : memref<10240xf32, #tpu.memory_space<vmem_shared>>) offsets(%dma_start3A_137 : memref<64xi32, #tpu.memory_space<vmem>>) semaphore(%arg13 : memref<!tpu.dma_semaphore, #tpu.memory_space<semaphore_mem>>) {add = true}
    %dma_wait3A_140 = arith.constant 3 : i32
    %dma_wait3A_141 = arith.constant 0 : i32
    %dma_wait3A_142 = tpu.memref_slice %arg4[%dma_wait3A_140, %dma_wait3A_141] : memref<4x64xi32, #tpu.memory_space<vmem>> -> memref<1x64xi32, #tpu.memory_space<vmem>>
    %dma_wait3A_143 = tpu.memref_squeeze %dma_wait3A_142 : memref<1x64xi32, #tpu.memory_space<vmem>> -> memref<64xi32, #tpu.memory_space<vmem>>
    %dma_wait3A_144 = arith.constant 0 : i32
    %dma_wait3A_145 = tpu.memref_slice %arg2[%add3A, %dma_wait3A_144] : memref<5120x64xi32, #tpu.memory_space<hbm>> -> memref<1x64xi32, #tpu.memory_space<hbm>>
    %dma_wait3A_146 = tpu.memref_squeeze %dma_wait3A_145 : memref<1x64xi32, #tpu.memory_space<hbm>> -> memref<64xi32, #tpu.memory_space<hbm>>
    %dma_wait3A_147 = arith.constant 0 : i32
    %dma_wait3A_148 = tpu.memref_slice %arg4[%dma_wait3A_140, %dma_wait3A_147] : memref<4x64xi32, #tpu.memory_space<vmem>> -> memref<1x64xi32, #tpu.memory_space<vmem>>
    %dma_wait3A_149 = tpu.memref_squeeze %dma_wait3A_148 : memref<1x64xi32, #tpu.memory_space<vmem>> -> memref<64xi32, #tpu.memory_space<vmem>>
    %dma_wait3A_150 = arith.constant 0 : i32
    %dma_wait3A_151 = tpu.memref_slice %arg2[%add3A, %dma_wait3A_150] : memref<5120x64xi32, #tpu.memory_space<hbm>> -> memref<1x64xi32, #tpu.memory_space<hbm>>
    %dma_wait3A_152 = tpu.memref_squeeze %dma_wait3A_151 : memref<1x64xi32, #tpu.memory_space<hbm>> -> memref<64xi32, #tpu.memory_space<hbm>>
    tpu.wait_dma2 semaphore(%arg10 : memref<!tpu.dma_semaphore, #tpu.memory_space<semaphore_mem>>) src(%dma_wait3A_152 : memref<64xi32, #tpu.memory_space<hbm>>) dst(%dma_wait3A_149 : memref<64xi32, #tpu.memory_space<vmem>>)
    %dma_start3A_153 = arith.constant 3 : i32
    %dma_start3A_154 = arith.constant 0 : i32
    %dma_start3A_155 = tpu.memref_slice %arg4[%dma_start3A_153, %dma_start3A_154] : memref<4x64xi32, #tpu.memory_space<vmem>> -> memref<1x64xi32, #tpu.memory_space<vmem>>
    %dma_start3A_156 = tpu.memref_squeeze %dma_start3A_155 : memref<1x64xi32, #tpu.memory_space<vmem>> -> memref<64xi32, #tpu.memory_space<vmem>>
    %dma_start3A_157 = arith.constant 0 : i32
    %dma_start3A_158 = tpu.memref_slice %arg15[%dma_start3A_157] : memref<10240xf32, #tpu.memory_space<vmem_shared>> -> memref<10240xf32, #tpu.memory_space<vmem_shared>>
    tpu.enqueue_indirect_dma source(%arg5 : memref<64xf32, #tpu.memory_space<vmem>>) target(%dma_start3A_158 : memref<10240xf32, #tpu.memory_space<vmem_shared>>) offsets(%dma_start3A_156 : memref<64xi32, #tpu.memory_space<vmem>>) semaphore(%arg14 : memref<!tpu.dma_semaphore, #tpu.memory_space<semaphore_mem>>) {add = true}
    %dma_wait3A_159 = arith.constant 0 : i32
    %dma_wait3A_160 = arith.constant 0 : i32
    %dma_wait3A_161 = tpu.memref_slice %arg4[%dma_wait3A_159, %dma_wait3A_160] : memref<4x64xi32, #tpu.memory_space<vmem>> -> memref<1x64xi32, #tpu.memory_space<vmem>>
    %dma_wait3A_162 = tpu.memref_squeeze %dma_wait3A_161 : memref<1x64xi32, #tpu.memory_space<vmem>> -> memref<64xi32, #tpu.memory_space<vmem>>
    %dma_wait3A_163 = arith.constant 0 : i32
    %dma_wait3A_164 = tpu.memref_slice %arg15[%dma_wait3A_163] : memref<10240xf32, #tpu.memory_space<vmem_shared>> -> memref<10240xf32, #tpu.memory_space<vmem_shared>>
    tpu.wait_indirect_dma semaphore(%arg11 : memref<!tpu.dma_semaphore, #tpu.memory_space<semaphore_mem>>) src(%arg5 : memref<64xf32, #tpu.memory_space<vmem>>) dst(%dma_wait3A_164 : memref<10240xf32, #tpu.memory_space<vmem_shared>>)
    %dma_wait3A_165 = arith.constant 1 : i32
    %dma_wait3A_166 = arith.constant 0 : i32
    %dma_wait3A_167 = tpu.memref_slice %arg4[%dma_wait3A_165, %dma_wait3A_166] : memref<4x64xi32, #tpu.memory_space<vmem>> -> memref<1x64xi32, #tpu.memory_space<vmem>>
    %dma_wait3A_168 = tpu.memref_squeeze %dma_wait3A_167 : memref<1x64xi32, #tpu.memory_space<vmem>> -> memref<64xi32, #tpu.memory_space<vmem>>
    %dma_wait3A_169 = arith.constant 0 : i32
    %dma_wait3A_170 = tpu.memref_slice %arg15[%dma_wait3A_169] : memref<10240xf32, #tpu.memory_space<vmem_shared>> -> memref<10240xf32, #tpu.memory_space<vmem_shared>>
    tpu.wait_indirect_dma semaphore(%arg12 : memref<!tpu.dma_semaphore, #tpu.memory_space<semaphore_mem>>) src(%arg5 : memref<64xf32, #tpu.memory_space<vmem>>) dst(%dma_wait3A_170 : memref<10240xf32, #tpu.memory_space<vmem_shared>>)
    %dma_wait3A_171 = arith.constant 2 : i32
    %dma_wait3A_172 = arith.constant 0 : i32
    %dma_wait3A_173 = tpu.memref_slice %arg4[%dma_wait3A_171, %dma_wait3A_172] : memref<4x64xi32, #tpu.memory_space<vmem>> -> memref<1x64xi32, #tpu.memory_space<vmem>>
    %dma_wait3A_174 = tpu.memref_squeeze %dma_wait3A_173 : memref<1x64xi32, #tpu.memory_space<vmem>> -> memref<64xi32, #tpu.memory_space<vmem>>
    %dma_wait3A_175 = arith.constant 0 : i32
    %dma_wait3A_176 = tpu.memref_slice %arg15[%dma_wait3A_175] : memref<10240xf32, #tpu.memory_space<vmem_shared>> -> memref<10240xf32, #tpu.memory_space<vmem_shared>>
    tpu.wait_indirect_dma semaphore(%arg13 : memref<!tpu.dma_semaphore, #tpu.memory_space<semaphore_mem>>) src(%arg5 : memref<64xf32, #tpu.memory_space<vmem>>) dst(%dma_wait3A_176 : memref<10240xf32, #tpu.memory_space<vmem_shared>>)
    %dma_wait3A_177 = arith.constant 3 : i32
    %dma_wait3A_178 = arith.constant 0 : i32
    %dma_wait3A_179 = tpu.memref_slice %arg4[%dma_wait3A_177, %dma_wait3A_178] : memref<4x64xi32, #tpu.memory_space<vmem>> -> memref<1x64xi32, #tpu.memory_space<vmem>>
    %dma_wait3A_180 = tpu.memref_squeeze %dma_wait3A_179 : memref<1x64xi32, #tpu.memory_space<vmem>> -> memref<64xi32, #tpu.memory_space<vmem>>
    %dma_wait3A_181 = arith.constant 0 : i32
    %dma_wait3A_182 = tpu.memref_slice %arg15[%dma_wait3A_181] : memref<10240xf32, #tpu.memory_space<vmem_shared>> -> memref<10240xf32, #tpu.memory_space<vmem_shared>>
    tpu.wait_indirect_dma semaphore(%arg14 : memref<!tpu.dma_semaphore, #tpu.memory_space<semaphore_mem>>) src(%arg5 : memref<64xf32, #tpu.memory_space<vmem>>) dst(%dma_wait3A_182 : memref<10240xf32, #tpu.memory_space<vmem_shared>>)
    %barrier3A_183 = arith.constant 0 : index
    tpu.barrier barrier_id(%barrier3A_183)
    %mul3A_184 = arith.constant 640 : i32
    %mul3A_185 = arith.muli %arg1, %mul3A_184 : i32
    "tpu.region"() ({
      %run_scoped3A = tpu.sem_alloc : memref<!tpu.dma_semaphore, #tpu.memory_space<semaphore_mem>>
      %dma_start3A_188 = tpu.memref_slice %arg15[%mul3A_185] : memref<10240xf32, #tpu.memory_space<vmem_shared>> -> memref<640xf32, #tpu.memory_space<vmem_shared>>
      %dma_start3A_189 = tpu.memref_slice %arg15[%mul3A_185] : memref<10240xf32, #tpu.memory_space<vmem_shared>> -> memref<640xf32, #tpu.memory_space<vmem_shared>>
      tpu.enqueue_dma source(%dma_start3A_189 : memref<640xf32, #tpu.memory_space<vmem_shared>>) target(%arg6 : memref<640xf32, #tpu.memory_space<vmem>>) target_semaphore(%run_scoped3A : memref<!tpu.dma_semaphore, #tpu.memory_space<semaphore_mem>>)
      %dma_wait3A_190 = tpu.memref_slice %arg15[%mul3A_185] : memref<10240xf32, #tpu.memory_space<vmem_shared>> -> memref<640xf32, #tpu.memory_space<vmem_shared>>
      %dma_wait3A_191 = tpu.memref_slice %arg15[%mul3A_185] : memref<10240xf32, #tpu.memory_space<vmem_shared>> -> memref<640xf32, #tpu.memory_space<vmem_shared>>
      tpu.wait_dma2 semaphore(%run_scoped3A : memref<!tpu.dma_semaphore, #tpu.memory_space<semaphore_mem>>) src(%dma_wait3A_191 : memref<640xf32, #tpu.memory_space<vmem_shared>>) dst(%arg6 : memref<640xf32, #tpu.memory_space<vmem>>)
      tpu.yield
    }) : () -> ()
    %mul3A_186 = arith.constant 640 : i32
    %mul3A_187 = arith.muli %arg1, %mul3A_186 : i32
    "tpu.region"() ({
      %run_scoped3A = tpu.sem_alloc : memref<!tpu.dma_semaphore, #tpu.memory_space<semaphore_mem>>
      %dma_start3A_188 = tpu.memref_slice %arg3[%arg0, %mul3A_187] : memref<2x10240xf32, #tpu.memory_space<hbm>> -> memref<1x640xf32, #tpu.memory_space<hbm>>
      %dma_start3A_189 = tpu.memref_squeeze %dma_start3A_188 : memref<1x640xf32, #tpu.memory_space<hbm>> -> memref<640xf32, #tpu.memory_space<hbm>>
      %dma_start3A_190 = tpu.memref_slice %arg3[%arg0, %mul3A_187] : memref<2x10240xf32, #tpu.memory_space<hbm>> -> memref<1x640xf32, #tpu.memory_space<hbm>>
      %dma_start3A_191 = tpu.memref_squeeze %dma_start3A_190 : memref<1x640xf32, #tpu.memory_space<hbm>> -> memref<640xf32, #tpu.memory_space<hbm>>
      tpu.enqueue_dma source(%arg6 : memref<640xf32, #tpu.memory_space<vmem>>) target(%dma_start3A_191 : memref<640xf32, #tpu.memory_space<hbm>>) target_semaphore(%run_scoped3A : memref<!tpu.dma_semaphore, #tpu.memory_space<semaphore_mem>>)
      %dma_wait3A_192 = tpu.memref_slice %arg3[%arg0, %mul3A_187] : memref<2x10240xf32, #tpu.memory_space<hbm>> -> memref<1x640xf32, #tpu.memory_space<hbm>>
      %dma_wait3A_193 = tpu.memref_squeeze %dma_wait3A_192 : memref<1x640xf32, #tpu.memory_space<hbm>> -> memref<640xf32, #tpu.memory_space<hbm>>
      %dma_wait3A_194 = tpu.memref_slice %arg3[%arg0, %mul3A_187] : memref<2x10240xf32, #tpu.memory_space<hbm>> -> memref<1x640xf32, #tpu.memory_space<hbm>>
      %dma_wait3A_195 = tpu.memref_squeeze %dma_wait3A_194 : memref<1x640xf32, #tpu.memory_space<hbm>> -> memref<640xf32, #tpu.memory_space<hbm>>
      tpu.wait_dma2 semaphore(%run_scoped3A : memref<!tpu.dma_semaphore, #tpu.memory_space<semaphore_mem>>) src(%arg6 : memref<640xf32, #tpu.memory_space<vmem>>) dst(%dma_wait3A_195 : memref<640xf32, #tpu.memory_space<hbm>>)
      tpu.yield
    }) : () -> ()
    return
  }
}

module attributes {stable_mosaic.version = 14 : i64} {
  func.func @_tc_prep_body(%arg0: i32, %arg1: memref<512x2xf32, #tpu.memory_space<vmem>>, %arg2: memref<512x128xf32, #tpu.memory_space<vmem>>, %arg3: memref<512x1xf32, #tpu.memory_space<vmem>>, %arg4: memref<512x128xbf16, #tpu.memory_space<vmem>>) attributes {dimension_semantics = [#tpu.dimension_semantics<arbitrary>], iteration_bounds = array<i64: 20>, scalar_prefetch = 0 : i64, scratch_operands = 0 : i64, tpu.core_type = #tpu.core_type<tc>, window_params = [{transform_indices = @transform_0, window_bounds = array<i64: 512, 2>}, {transform_indices = @transform_1, window_bounds = array<i64: 512, 128>}, {transform_indices = @transform_2, window_bounds = array<i64: 512, 1>}, {transform_indices = @transform_3, window_bounds = array<i64: 512, 128>}]} {
    %get3A = arith.constant 0 : index
    %get3A_0 = arith.constant 0 : index
    %get3A_1 = vector.load %arg1[%get3A, %get3A_0] : memref<512x2xf32, #tpu.memory_space<vmem>>, vector<512x1xf32>
    %get3A_2 = arith.constant 0 : index
    %get3A_3 = arith.constant 1 : index
    %get3A_4 = vector.load %arg1[%get3A_2, %get3A_3] : memref<512x2xf32, #tpu.memory_space<vmem>>, vector<512x1xf32>
    %add3A = arith.addf %get3A_1, %get3A_4 : vector<512x1xf32>
    %rsqrt3A = math.rsqrt %add3A : vector<512x1xf32>
    %swap3A = arith.constant 0 : index
    %swap3A_5 = arith.constant 0 : index
    %swap3A_6 = vector.load %arg3[%swap3A, %swap3A_5] : memref<512x1xf32, #tpu.memory_space<vmem>>, vector<512x1xf32>
    tpu.vector_store %arg3[%swap3A, %swap3A_5], %rsqrt3A {strides = array<i32>} : memref<512x1xf32, #tpu.memory_space<vmem>>, vector<512x1xf32>,
    %get3A_7 = arith.constant 0 : index
    %get3A_8 = arith.constant 0 : index
    %get3A_9 = vector.load %arg2[%get3A_7, %get3A_8] : memref<512x128xf32, #tpu.memory_space<vmem>>, vector<512x128xf32>
    %mul3A = vector.broadcast %rsqrt3A : vector<512x1xf32> to vector<512x128xf32>
    %mul3A_10 = arith.mulf %get3A_9, %mul3A : vector<512x128xf32>
    %convert_element_type3A = arith.truncf %mul3A_10 : vector<512x128xf32> to vector<512x128xbf16>
    %swap3A_11 = arith.constant 0 : index
    %swap3A_12 = arith.constant 0 : index
    %swap3A_13 = vector.load %arg4[%swap3A_11, %swap3A_12] : memref<512x128xbf16, #tpu.memory_space<vmem>>, vector<512x128xbf16>
    tpu.vector_store %arg4[%swap3A_11, %swap3A_12], %convert_element_type3A {strides = array<i32>} : memref<512x128xbf16, #tpu.memory_space<vmem>>, vector<512x128xbf16>,
    return
  }
  func.func @transform_0(%arg0: i32) -> (i32, i32) {
    %c0_i32 = arith.constant 0 : i32
    %c0_i32_0 = arith.constant 0 : i32
    return %arg0, %c0_i32 : i32, i32
  }
  func.func @transform_1(%arg0: i32) -> (i32, i32) {
    %c0_i32 = arith.constant 0 : i32
    %c0_i32_0 = arith.constant 0 : i32
    return %arg0, %c0_i32 : i32, i32
  }
  func.func @transform_2(%arg0: i32) -> (i32, i32) {
    %c0_i32 = arith.constant 0 : i32
    %c0_i32_0 = arith.constant 0 : i32
    return %arg0, %c0_i32 : i32, i32
  }
  func.func @transform_3(%arg0: i32) -> (i32, i32) {
    %c0_i32 = arith.constant 0 : i32
    %c0_i32_0 = arith.constant 0 : i32
    return %arg0, %c0_i32 : i32, i32
  }
}

module attributes {stable_mosaic.version = 14 : i64} {
  func.func @_tc_layer1_body(%arg0: i32, %arg1: memref<2x512x128xbf16, #tpu.memory_space<vmem>>, %arg2: memref<512x128xbf16, #tpu.memory_space<vmem>>, %arg3: memref<512x1xf32, #tpu.memory_space<vmem>>, %arg4: memref<128x256xf32, #tpu.memory_space<vmem>>, %arg5: memref<1x256xf32, #tpu.memory_space<vmem>>, %arg6: memref<512x128xbf16, #tpu.memory_space<vmem>>, %arg7: memref<512x128xbf16, #tpu.memory_space<vmem>>) attributes {dimension_semantics = [#tpu.dimension_semantics<arbitrary>], iteration_bounds = array<i64: 20>, scalar_prefetch = 0 : i64, scratch_operands = 0 : i64, tpu.core_type = #tpu.core_type<tc>, window_params = [{transform_indices = @transform_0, window_bounds = array<i64: 2, 512, 128>}, {transform_indices = @transform_1, window_bounds = array<i64: 512, 128>}, {transform_indices = @transform_2, window_bounds = array<i64: 512, 1>}, {pipeline_mode = #tpu.pipeline_mode<synchronous>, transform_indices = @transform_3, window_bounds = array<i64: 128, 256>}, {pipeline_mode = #tpu.pipeline_mode<synchronous>, transform_indices = @transform_4, window_bounds = array<i64: 1, 256>}, {transform_indices = @transform_5, window_bounds = array<i64: 512, 128>}, {transform_indices = @transform_6, window_bounds = array<i64: 512, 128>}]} {
    %get3A = arith.constant 0 : index
    %get3A_0 = arith.constant 0 : index
    %get3A_1 = vector.load %arg3[%get3A, %get3A_0] : memref<512x1xf32, #tpu.memory_space<vmem>>, vector<512x1xf32>
    %get3A_2 = arith.constant 0 : index
    %get3A_3 = arith.constant 0 : index
    %get3A_4 = arith.constant 0 : index
    %get3A_5 = vector.load %arg1[%get3A_2, %get3A_3, %get3A_4] : memref<2x512x128xbf16, #tpu.memory_space<vmem>>, vector<1x512x128xbf16>
    %get3A_6 = vector.shape_cast %get3A_5 : vector<1x512x128xbf16> to vector<512x128xbf16>
    %convert_element_type3A = arith.extf %get3A_6 : vector<512x128xbf16> to vector<512x128xf32>
    %get3A_7 = arith.constant 1 : index
    %get3A_8 = arith.constant 0 : index
    %get3A_9 = arith.constant 0 : index
    %get3A_10 = vector.load %arg1[%get3A_7, %get3A_8, %get3A_9] : memref<2x512x128xbf16, #tpu.memory_space<vmem>>, vector<1x512x128xbf16>
    %get3A_11 = vector.shape_cast %get3A_10 : vector<1x512x128xbf16> to vector<512x128xbf16>
    %convert_element_type3A_12 = arith.extf %get3A_11 : vector<512x128xbf16> to vector<512x128xf32>
    %add3A = arith.addf %convert_element_type3A, %convert_element_type3A_12 : vector<512x128xf32>
    %get3A_13 = arith.constant 0 : index
    %get3A_14 = arith.constant 0 : index
    %get3A_15 = vector.load %arg2[%get3A_13, %get3A_14] : memref<512x128xbf16, #tpu.memory_space<vmem>>, vector<512x128xbf16>
    %convert_element_type3A_16 = arith.extf %get3A_15 : vector<512x128xbf16> to vector<512x128xf32>
    %add3A_17 = arith.addf %add3A, %convert_element_type3A_16 : vector<512x128xf32>
    %mul3A = vector.broadcast %get3A_1 : vector<512x1xf32> to vector<512x128xf32>
    %mul3A_18 = arith.mulf %add3A_17, %mul3A : vector<512x128xf32>
    %get3A_19 = arith.constant 0 : index
    %get3A_20 = arith.constant 0 : index
    %get3A_21 = vector.load %arg4[%get3A_19, %get3A_20] : memref<128x256xf32, #tpu.memory_space<vmem>>, vector<128x256xf32>
    %dot_general3A = arith.constant dense<0.000000e+00> : vector<512x256xf32>
    %dot_general3A_22 = tpu.matmul %mul3A_18, %get3A_21, %dot_general3A {dimension_numbers = #tpu.dot_dimension_numbers<[1], [0], [0], [1], [0, 0, 1, 1], [], []>, transpose_lhs_hint = false} : vector<512x128xf32>, vector<128x256xf32>, vector<512x256xf32> -> vector<512x256xf32>
    %get3A_23 = arith.constant 0 : index
    %get3A_24 = arith.constant 0 : index
    %get3A_25 = vector.load %arg5[%get3A_23, %get3A_24] : memref<1x256xf32, #tpu.memory_space<vmem>>, vector<1x256xf32>
    %add3A_26 = vector.broadcast %get3A_25 : vector<1x256xf32> to vector<512x256xf32>
    %add3A_27 = arith.addf %dot_general3A_22, %add3A_26 : vector<512x256xf32>
    %max3A = arith.constant 0.000000e+00 : f32
    %max3A_28 = vector.broadcast %max3A : f32 to vector<512x256xf32>
    %max3A_29 = arith.maximumf %add3A_27, %max3A_28 : vector<512x256xf32>
    %slice3A = vector.extract_strided_slice %max3A_29 {offsets = [0, 0], sizes = [512, 128], strides = [1, 1]} : vector<512x256xf32> to vector<512x128xf32>
    %mul3A_30 = vector.broadcast %get3A_1 : vector<512x1xf32> to vector<512x128xf32>
    %mul3A_31 = arith.mulf %slice3A, %mul3A_30 : vector<512x128xf32>
    %convert_element_type3A_32 = arith.truncf %mul3A_31 : vector<512x128xf32> to vector<512x128xbf16>
    %swap3A = arith.constant 0 : index
    %swap3A_33 = arith.constant 0 : index
    %swap3A_34 = vector.load %arg6[%swap3A, %swap3A_33] : memref<512x128xbf16, #tpu.memory_space<vmem>>, vector<512x128xbf16>
    tpu.vector_store %arg6[%swap3A, %swap3A_33], %convert_element_type3A_32 {strides = array<i32>} : memref<512x128xbf16, #tpu.memory_space<vmem>>, vector<512x128xbf16>,
    %slice3A_35 = vector.extract_strided_slice %max3A_29 {offsets = [0, 128], sizes = [512, 128], strides = [1, 1]} : vector<512x256xf32> to vector<512x128xf32>
    %mul3A_36 = vector.broadcast %get3A_1 : vector<512x1xf32> to vector<512x128xf32>
    %mul3A_37 = arith.mulf %slice3A_35, %mul3A_36 : vector<512x128xf32>
    %convert_element_type3A_38 = arith.truncf %mul3A_37 : vector<512x128xf32> to vector<512x128xbf16>
    %swap3A_39 = arith.constant 0 : index
    %swap3A_40 = arith.constant 0 : index
    %swap3A_41 = vector.load %arg7[%swap3A_39, %swap3A_40] : memref<512x128xbf16, #tpu.memory_space<vmem>>, vector<512x128xbf16>
    tpu.vector_store %arg7[%swap3A_39, %swap3A_40], %convert_element_type3A_38 {strides = array<i32>} : memref<512x128xbf16, #tpu.memory_space<vmem>>, vector<512x128xbf16>,
    return
  }
  func.func @transform_0(%arg0: i32) -> (i32, i32, i32) {
    %c0_i32 = arith.constant 0 : i32
    %c0_i32_0 = arith.constant 0 : i32
    %c0_i32_1 = arith.constant 0 : i32
    return %c0_i32, %arg0, %c0_i32_0 : i32, i32, i32
  }
  func.func @transform_1(%arg0: i32) -> (i32, i32) {
    %c0_i32 = arith.constant 0 : i32
    %c0_i32_0 = arith.constant 0 : i32
    return %arg0, %c0_i32 : i32, i32
  }
  func.func @transform_2(%arg0: i32) -> (i32, i32) {
    %c0_i32 = arith.constant 0 : i32
    %c0_i32_0 = arith.constant 0 : i32
    return %arg0, %c0_i32 : i32, i32
  }
  func.func @transform_3(%arg0: i32) -> (i32, i32) {
    %c0_i32 = arith.constant 0 : i32
    %c0_i32_0 = arith.constant 0 : i32
    %c0_i32_1 = arith.constant 0 : i32
    return %c0_i32, %c0_i32_0 : i32, i32
  }
  func.func @transform_4(%arg0: i32) -> (i32, i32) {
    %c0_i32 = arith.constant 0 : i32
    %c0_i32_0 = arith.constant 0 : i32
    %c0_i32_1 = arith.constant 0 : i32
    return %c0_i32, %c0_i32_0 : i32, i32
  }
  func.func @transform_5(%arg0: i32) -> (i32, i32) {
    %c0_i32 = arith.constant 0 : i32
    %c0_i32_0 = arith.constant 0 : i32
    return %arg0, %c0_i32 : i32, i32
  }
  func.func @transform_6(%arg0: i32) -> (i32, i32) {
    %c0_i32 = arith.constant 0 : i32
    %c0_i32_0 = arith.constant 0 : i32
    return %arg0, %c0_i32 : i32, i32
  }
}

module attributes {stable_mosaic.version = 14 : i64} {
  func.func @_tc_out_body(%arg0: i32, %arg1: memref<2x2x512x128xbf16, #tpu.memory_space<vmem>>, %arg2: memref<512x128xbf16, #tpu.memory_space<vmem>>, %arg3: memref<512x128xbf16, #tpu.memory_space<vmem>>, %arg4: memref<512x1xf32, #tpu.memory_space<vmem>>, %arg5: memref<2x128x128xf32, #tpu.memory_space<vmem>>, %arg6: memref<1x128xf32, #tpu.memory_space<vmem>>, %arg7: memref<2x128x128xf32, #tpu.memory_space<vmem>>, %arg8: memref<1x128xf32, #tpu.memory_space<vmem>>, %arg9: memref<512x128xf32, #tpu.memory_space<vmem>>, %arg10: memref<512x128xf32, #tpu.memory_space<vmem>>) attributes {dimension_semantics = [#tpu.dimension_semantics<arbitrary>], iteration_bounds = array<i64: 20>, scalar_prefetch = 0 : i64, scratch_operands = 0 : i64, tpu.core_type = #tpu.core_type<tc>, window_params = [{transform_indices = @transform_0, window_bounds = array<i64: 2, 2, 512, 128>}, {transform_indices = @transform_1, window_bounds = array<i64: 512, 128>}, {transform_indices = @transform_2, window_bounds = array<i64: 512, 128>}, {transform_indices = @transform_3, window_bounds = array<i64: 512, 1>}, {pipeline_mode = #tpu.pipeline_mode<synchronous>, transform_indices = @transform_4, window_bounds = array<i64: 2, 128, 128>}, {pipeline_mode = #tpu.pipeline_mode<synchronous>, transform_indices = @transform_5, window_bounds = array<i64: 1, 128>}, {pipeline_mode = #tpu.pipeline_mode<synchronous>, transform_indices = @transform_6, window_bounds = array<i64: 2, 128, 128>}, {pipeline_mode = #tpu.pipeline_mode<synchronous>, transform_indices = @transform_7, window_bounds = array<i64: 1, 128>}, {transform_indices = @transform_8, window_bounds = array<i64: 512, 128>}, {transform_indices = @transform_9, window_bounds = array<i64: 512, 128>}]} {
    %get3A = arith.constant 0 : index
    %get3A_0 = arith.constant 0 : index
    %get3A_1 = vector.load %arg4[%get3A, %get3A_0] : memref<512x1xf32, #tpu.memory_space<vmem>>, vector<512x1xf32>
    %get3A_2 = arith.constant 0 : index
    %get3A_3 = arith.constant 0 : index
    %get3A_4 = arith.constant 0 : index
    %get3A_5 = arith.constant 0 : index
    %get3A_6 = vector.load %arg1[%get3A_2, %get3A_3, %get3A_4, %get3A_5] : memref<2x2x512x128xbf16, #tpu.memory_space<vmem>>, vector<1x1x512x128xbf16>
    %get3A_7 = vector.shape_cast %get3A_6 : vector<1x1x512x128xbf16> to vector<512x128xbf16>
    %convert_element_type3A = arith.extf %get3A_7 : vector<512x128xbf16> to vector<512x128xf32>
    %get3A_8 = arith.constant 1 : index
    %get3A_9 = arith.constant 0 : index
    %get3A_10 = arith.constant 0 : index
    %get3A_11 = arith.constant 0 : index
    %get3A_12 = vector.load %arg1[%get3A_8, %get3A_9, %get3A_10, %get3A_11] : memref<2x2x512x128xbf16, #tpu.memory_space<vmem>>, vector<1x1x512x128xbf16>
    %get3A_13 = vector.shape_cast %get3A_12 : vector<1x1x512x128xbf16> to vector<512x128xbf16>
    %convert_element_type3A_14 = arith.extf %get3A_13 : vector<512x128xbf16> to vector<512x128xf32>
    %add3A = arith.addf %convert_element_type3A, %convert_element_type3A_14 : vector<512x128xf32>
    %get3A_15 = arith.constant 0 : index
    %get3A_16 = arith.constant 0 : index
    %get3A_17 = vector.load %arg2[%get3A_15, %get3A_16] : memref<512x128xbf16, #tpu.memory_space<vmem>>, vector<512x128xbf16>
    %convert_element_type3A_18 = arith.extf %get3A_17 : vector<512x128xbf16> to vector<512x128xf32>
    %add3A_19 = arith.addf %add3A, %convert_element_type3A_18 : vector<512x128xf32>
    %mul3A = vector.broadcast %get3A_1 : vector<512x1xf32> to vector<512x128xf32>
    %mul3A_20 = arith.mulf %add3A_19, %mul3A : vector<512x128xf32>
    %get3A_21 = arith.constant 0 : index
    %get3A_22 = arith.constant 1 : index
    %get3A_23 = arith.constant 0 : index
    %get3A_24 = arith.constant 0 : index
    %get3A_25 = vector.load %arg1[%get3A_21, %get3A_22, %get3A_23, %get3A_24] : memref<2x2x512x128xbf16, #tpu.memory_space<vmem>>, vector<1x1x512x128xbf16>
    %get3A_26 = vector.shape_cast %get3A_25 : vector<1x1x512x128xbf16> to vector<512x128xbf16>
    %convert_element_type3A_27 = arith.extf %get3A_26 : vector<512x128xbf16> to vector<512x128xf32>
    %get3A_28 = arith.constant 1 : index
    %get3A_29 = arith.constant 1 : index
    %get3A_30 = arith.constant 0 : index
    %get3A_31 = arith.constant 0 : index
    %get3A_32 = vector.load %arg1[%get3A_28, %get3A_29, %get3A_30, %get3A_31] : memref<2x2x512x128xbf16, #tpu.memory_space<vmem>>, vector<1x1x512x128xbf16>
    %get3A_33 = vector.shape_cast %get3A_32 : vector<1x1x512x128xbf16> to vector<512x128xbf16>
    %convert_element_type3A_34 = arith.extf %get3A_33 : vector<512x128xbf16> to vector<512x128xf32>
    %add3A_35 = arith.addf %convert_element_type3A_27, %convert_element_type3A_34 : vector<512x128xf32>
    %get3A_36 = arith.constant 0 : index
    %get3A_37 = arith.constant 0 : index
    %get3A_38 = vector.load %arg3[%get3A_36, %get3A_37] : memref<512x128xbf16, #tpu.memory_space<vmem>>, vector<512x128xbf16>
    %convert_element_type3A_39 = arith.extf %get3A_38 : vector<512x128xbf16> to vector<512x128xf32>
    %add3A_40 = arith.addf %add3A_35, %convert_element_type3A_39 : vector<512x128xf32>
    %mul3A_41 = vector.broadcast %get3A_1 : vector<512x1xf32> to vector<512x128xf32>
    %mul3A_42 = arith.mulf %add3A_40, %mul3A_41 : vector<512x128xf32>
    %get3A_43 = arith.constant 0 : index
    %get3A_44 = arith.constant 0 : index
    %get3A_45 = arith.constant 0 : index
    %get3A_46 = vector.load %arg5[%get3A_43, %get3A_44, %get3A_45] : memref<2x128x128xf32, #tpu.memory_space<vmem>>, vector<1x128x128xf32>
    %get3A_47 = vector.shape_cast %get3A_46 : vector<1x128x128xf32> to vector<128x128xf32>
    %dot_general3A = arith.constant dense<0.000000e+00> : vector<512x128xf32>
    %dot_general3A_48 = tpu.matmul %mul3A_20, %get3A_47, %dot_general3A {dimension_numbers = #tpu.dot_dimension_numbers<[1], [0], [0], [1], [0, 0, 1, 1], [], []>, transpose_lhs_hint = false} : vector<512x128xf32>, vector<128x128xf32>, vector<512x128xf32> -> vector<512x128xf32>
    %get3A_49 = arith.constant 1 : index
    %get3A_50 = arith.constant 0 : index
    %get3A_51 = arith.constant 0 : index
    %get3A_52 = vector.load %arg5[%get3A_49, %get3A_50, %get3A_51] : memref<2x128x128xf32, #tpu.memory_space<vmem>>, vector<1x128x128xf32>
    %get3A_53 = vector.shape_cast %get3A_52 : vector<1x128x128xf32> to vector<128x128xf32>
    %dot_general3A_54 = arith.constant dense<0.000000e+00> : vector<512x128xf32>
    %dot_general3A_55 = tpu.matmul %mul3A_42, %get3A_53, %dot_general3A_54 {dimension_numbers = #tpu.dot_dimension_numbers<[1], [0], [0], [1], [0, 0, 1, 1], [], []>, transpose_lhs_hint = false} : vector<512x128xf32>, vector<128x128xf32>, vector<512x128xf32> -> vector<512x128xf32>
    %add3A_56 = arith.addf %dot_general3A_48, %dot_general3A_55 : vector<512x128xf32>
    %get3A_57 = arith.constant 0 : index
    %get3A_58 = arith.constant 0 : index
    %get3A_59 = vector.load %arg6[%get3A_57, %get3A_58] : memref<1x128xf32, #tpu.memory_space<vmem>>, vector<1x128xf32>
    %add3A_60 = vector.broadcast %get3A_59 : vector<1x128xf32> to vector<512x128xf32>
    %add3A_61 = arith.addf %add3A_56, %add3A_60 : vector<512x128xf32>
    %swap3A = arith.constant 0 : index
    %swap3A_62 = arith.constant 0 : index
    %swap3A_63 = vector.load %arg9[%swap3A, %swap3A_62] : memref<512x128xf32, #tpu.memory_space<vmem>>, vector<512x128xf32>
    tpu.vector_store %arg9[%swap3A, %swap3A_62], %add3A_61 {strides = array<i32>} : memref<512x128xf32, #tpu.memory_space<vmem>>, vector<512x128xf32>,
    %get3A_64 = arith.constant 0 : index
    %get3A_65 = arith.constant 0 : index
    %get3A_66 = arith.constant 0 : index
    %get3A_67 = vector.load %arg7[%get3A_64, %get3A_65, %get3A_66] : memref<2x128x128xf32, #tpu.memory_space<vmem>>, vector<1x128x128xf32>
    %get3A_68 = vector.shape_cast %get3A_67 : vector<1x128x128xf32> to vector<128x128xf32>
    %dot_general3A_69 = arith.constant dense<0.000000e+00> : vector<512x128xf32>
    %dot_general3A_70 = tpu.matmul %mul3A_20, %get3A_68, %dot_general3A_69 {dimension_numbers = #tpu.dot_dimension_numbers<[1], [0], [0], [1], [0, 0, 1, 1], [], []>, transpose_lhs_hint = false} : vector<512x128xf32>, vector<128x128xf32>, vector<512x128xf32> -> vector<512x128xf32>
    %get3A_71 = arith.constant 1 : index
    %get3A_72 = arith.constant 0 : index
    %get3A_73 = arith.constant 0 : index
    %get3A_74 = vector.load %arg7[%get3A_71, %get3A_72, %get3A_73] : memref<2x128x128xf32, #tpu.memory_space<vmem>>, vector<1x128x128xf32>
    %get3A_75 = vector.shape_cast %get3A_74 : vector<1x128x128xf32> to vector<128x128xf32>
    %dot_general3A_76 = arith.constant dense<0.000000e+00> : vector<512x128xf32>
    %dot_general3A_77 = tpu.matmul %mul3A_42, %get3A_75, %dot_general3A_76 {dimension_numbers = #tpu.dot_dimension_numbers<[1], [0], [0], [1], [0, 0, 1, 1], [], []>, transpose_lhs_hint = false} : vector<512x128xf32>, vector<128x128xf32>, vector<512x128xf32> -> vector<512x128xf32>
    %add3A_78 = arith.addf %dot_general3A_70, %dot_general3A_77 : vector<512x128xf32>
    %get3A_79 = arith.constant 0 : index
    %get3A_80 = arith.constant 0 : index
    %get3A_81 = vector.load %arg8[%get3A_79, %get3A_80] : memref<1x128xf32, #tpu.memory_space<vmem>>, vector<1x128xf32>
    %add3A_82 = vector.broadcast %get3A_81 : vector<1x128xf32> to vector<512x128xf32>
    %add3A_83 = arith.addf %add3A_78, %add3A_82 : vector<512x128xf32>
    %swap3A_84 = arith.constant 0 : index
    %swap3A_85 = arith.constant 0 : index
    %swap3A_86 = vector.load %arg10[%swap3A_84, %swap3A_85] : memref<512x128xf32, #tpu.memory_space<vmem>>, vector<512x128xf32>
    tpu.vector_store %arg10[%swap3A_84, %swap3A_85], %add3A_83 {strides = array<i32>} : memref<512x128xf32, #tpu.memory_space<vmem>>, vector<512x128xf32>,
    return
  }
  func.func @transform_0(%arg0: i32) -> (i32, i32, i32, i32) {
    %c0_i32 = arith.constant 0 : i32
    %c0_i32_0 = arith.constant 0 : i32
    %c0_i32_1 = arith.constant 0 : i32
    %c0_i32_2 = arith.constant 0 : i32
    return %c0_i32, %c0_i32_0, %arg0, %c0_i32_1 : i32, i32, i32, i32
  }
  func.func @transform_1(%arg0: i32) -> (i32, i32) {
    %c0_i32 = arith.constant 0 : i32
    %c0_i32_0 = arith.constant 0 : i32
    return %arg0, %c0_i32 : i32, i32
  }
  func.func @transform_2(%arg0: i32) -> (i32, i32) {
    %c0_i32 = arith.constant 0 : i32
    %c0_i32_0 = arith.constant 0 : i32
    return %arg0, %c0_i32 : i32, i32
  }
  func.func @transform_3(%arg0: i32) -> (i32, i32) {
    %c0_i32 = arith.constant 0 : i32
    %c0_i32_0 = arith.constant 0 : i32
    return %arg0, %c0_i32 : i32, i32
  }
  func.func @transform_4(%arg0: i32) -> (i32, i32, i32) {
    %c0_i32 = arith.constant 0 : i32
    %c0_i32_0 = arith.constant 0 : i32
    %c0_i32_1 = arith.constant 0 : i32
    %c0_i32_2 = arith.constant 0 : i32
    return %c0_i32, %c0_i32_0, %c0_i32_1 : i32, i32, i32
  }
  func.func @transform_5(%arg0: i32) -> (i32, i32) {
    %c0_i32 = arith.constant 0 : i32
    %c0_i32_0 = arith.constant 0 : i32
    %c0_i32_1 = arith.constant 0 : i32
    return %c0_i32, %c0_i32_0 : i32, i32
  }
  func.func @transform_6(%arg0: i32) -> (i32, i32, i32) {
    %c0_i32 = arith.constant 0 : i32
    %c0_i32_0 = arith.constant 0 : i32
    %c0_i32_1 = arith.constant 0 : i32
    %c0_i32_2 = arith.constant 0 : i32
    return %c0_i32, %c0_i32_0, %c0_i32_1 : i32, i32, i32
  }
  func.func @transform_7(%arg0: i32) -> (i32, i32) {
    %c0_i32 = arith.constant 0 : i32
    %c0_i32_0 = arith.constant 0 : i32
    %c0_i32_1 = arith.constant 0 : i32
    return %c0_i32, %c0_i32_0 : i32, i32
  }
  func.func @transform_8(%arg0: i32) -> (i32, i32) {
    %c0_i32 = arith.constant 0 : i32
    %c0_i32_0 = arith.constant 0 : i32
    return %arg0, %c0_i32 : i32, i32
  }
  func.func @transform_9(%arg0: i32) -> (i32, i32) {
    %c0_i32 = arith.constant 0 : i32
    %c0_i32_0 = arith.constant 0 : i32
    return %arg0, %c0_i32 : i32, i32
  }
}

</mosaic_0001>

<sc_bundles>
// kernel: kernel.11.cloned.1.call-start
scs
__scs_entry_jumppad:
0x0: {  	(pc) =	sbr.rel $0x88, $3  }
0x1: {  	(tag) =	ssettag $0x0;
	lr =	simm.s32 $0x1  }
0x2: {  	[smem:$0x3F99] =	sst lr;
	_ =	strace $0xD0000000  }
0x3: {  	_ = 	snop  }
0x4: {  	_ = 	snop  }
0x5: {  	_ = 	snop  }
0x6: {  	_ = 	snop  }
0x7: {  	_ = 	snop  }
__scs_overlays_trampoline_lowered:
0x8: {  	[smem:$0x3FA8] =	sst s0  }
0x9: {  	[smem:$0x3FA9] =	sst s1  }
0xa: {  	[smem:$0x3FAA] =	sst s2  }
0xb: {  	[smem:$0x3FAB] =	sst s3  }
0xc: {  	[smem:$0x3FAC] =	sst s4  }
0xd: {  	[smem:$0x3FAD] =	sst s5  }
0xe: {  	[smem:$0x3FAE] =	sst s6  }
0xf: {  	[smem:$0x3FAF] =	sst s7  }
0x10: {  	[smem:$0x3FB0] =	sst s8  }
0x11: {  	[smem:$0x3FB1] =	sst s9;
	s0 =	simm.s32 @!p0 $0x0  }
0x12: {  	s1 =	sld [smem:$0x3F97];
	s0 =	simm.s32 @p0 $0x1  }
0x13: {  	[smem:$0x3FB2] =	sst s0;
	s0 =	simm.s32 @!p1 $0x0  }
0x14: {  	s2 =	sld [smem:$0x3F96];
	s0 =	simm.s32 @p1 $0x1  }
0x15: {  	[smem:$0x3FB3] =	sst s0;
	s0 =	simm.s32 @!p2 $0x0  }
0x16: {  	s3 =	sld [smem:$0x3FDB];
	s0 =	simm.s32 @p2 $0x1  }
0x17: {  	s4 =	simm.s32 $0x1BF5;
	[smem:$0x3FB5] =	sst s0  }
0x18: {  	s0 =	sld [smem:$0x3F98];
	_ =	swait.ge [sflag:s4], $0x0  }
0x19: {  	s7 =	sld [smem:$0x3F99]  }
0x1a: {  	s8 =	sadd.s32 $0xFFFFE003, lr  }
0x1b: {  	s9 =	sadd.s32 $0xFFFFFEF7, lr;
	s5 =	simm.s32 $0xFFFFFFFF;
	p2 =	slt.u32 s8, $0xFFFFF086  }
0x1c: {  	p1 =	slt.u32 s9, $0xF7A;
	s5 =	simm.s32 @!p2 $0x0  }
0x1d: {  	s5 =	simm.s32 @p1 $0x1;
	p0 =	seq.s32 s7, s2  }
0x1e: {  	s7 =	smul.u32 @!p0 $0xF7A, s2;
	p2 =	seq.s32 @!p0 s5, $0x0  }
0x1f: {  	s9 =	smul.u32 $0xF7A, s1;
	s8 =	simm.s32 @!p0 $0x1BF5;
	p2 =	por !p2, p0  }
0x20: {  	[sflag:s8] =	ssyncset.s32 @!p0 $0xFFFFF086;
	s6 =	sadd.s32 @!p0 s3, s7;
	s7 =	simm.s32 @!p0 $0x108  }
0x21: {  	s3 =	sadd.s32 s3, s9;
	s6 =	sadd.s32 @!p0 $0x88, s6;
	s7 =	simm.s32 @p2 $0x1082  }
0x22: {  	[simem:s7], [sflag:s8] =	dma.local @!p0 [hbm:s6], $0xF7A  }
0x23: {  	s9 =	sor.u32 $0xD0000000, s2;
	s6 =	simm.s32 $0x108;
	_ =	swait.ge @!p0 [sflag:s8], $0x0  }
0x24: {  	s3 =	sadd.s32 $0x88, s3;
	s6 =	simm.s32 @!p1 $0x1082;
	[sflag:s4] =	ssyncset.s32 $0xFFFFF086  }
0x25: {  	[simem:s6], [sflag:s4] =	dma.local [hbm:s3], $0xF7A  }
0x26: {  	[smem:$0x3F99] =	sst s1;
	(tag) =	ssettag s2;
	_ =	strace s9  }
0x27: {  	s1 =	sld [smem:$0x3FA9]  }
0x28: {  	s2 =	sld [smem:$0x3FAA]  }
0x29: {  	s4 =	sld [smem:$0x3FAC]  }
0x2a: {  	p0 =	seq.s32 s5, $0x0;
	s5 =	sld [smem:$0x3FAD]  }
0x2b: {  	s6 =	sld [smem:$0x3FAE]  }
0x2c: {  	s7 =	sld [smem:$0x3FAF]  }
0x2d: {  	s3 =	simm.s32 $0x108;
	s8 =	sld [smem:$0x3FB0]  }
0x2e: {  	s3 =	simm.s32 @!p0 $0x1082;
	s9 =	sld [smem:$0x3FB1]  }
0x2f: {  	lr =	sadd.s32 s0, s3;
	s0 =	sld [smem:$0x3FA8]  }
0x30: {  	s3 =	sld [smem:$0x3FAB]  }
0x31: {  	[smem:$0x3FB4] =	sst s10  }
0x32: {  	s10 =	sld [smem:$0x3FB2];
	_ =	sdelay $0x3  }
0x33: {  	p0 =	seq.s32 s10, $0x1;
	s10 =	sld [smem:$0x3FB4];
	_ =	sdelay $0x3  }
0x34: {  	[smem:$0x3FB4] =	sst s10  }
0x35: {  	s10 =	sld [smem:$0x3FB3];
	_ =	sdelay $0x3  }
0x36: {  	p1 =	seq.s32 s10, $0x1;
	s10 =	sld [smem:$0x3FB4];
	_ =	sdelay $0x3  }
0x37: {  	[smem:$0x3FB4] =	sst s10  }
0x38: {  	s10 =	sld [smem:$0x3FB5]  }
0x39: {  	_ = 	snop;
	(pc) =	sbr.ind lr, $3  }
0x3a: {  	_ = 	snop  }
0x3b: {  	_ = 	snop  }
0x3c: {  	p2 =	seq.s32 s10, $0x1;
	s10 =	sld [smem:$0x3FB4]  }
0x3d: {  	_ =	shalt  }
0x3e: {  	_ =	shalt  }
0x3f: {  	_ =	shalt  }
0x40: {  	_ =	shalt  }
0x41: {  	_ =	shalt  }
0x42: {  	_ =	shalt  }
0x43: {  	_ =	shalt  }
0x44: {  	_ =	shalt  }
0x45: {  	_ =	shalt  }
0x46: {  	_ =	shalt  }
0x47: {  	_ =	shalt  }
0x48: {  	_ =	shalt  }
0x49: {  	_ =	shalt  }
0x4a: {  	_ =	shalt  }
0x4b: {  	_ =	shalt  }
0x4c: {  	_ =	shalt  }
0x4d: {  	_ =	shalt  }
0x4e: {  	_ =	shalt  }
0x4f: {  	_ =	shalt  }
0x50: {  	_ =	shalt  }
0x51: {  	_ =	shalt  }
0x52: {  	_ =	shalt  }
0x53: {  	_ =	shalt  }
0x54: {  	_ =	shalt  }
0x55: {  	_ =	shalt  }
0x56: {  	_ =	shalt  }
0x57: {  	_ =	shalt  }
0x58: {  	_ =	shalt  }
0x59: {  	_ =	shalt  }
0x5a: {  	_ =	shalt  }
0x5b: {  	_ =	shalt  }
0x5c: {  	_ =	shalt  }
0x5d: {  	_ =	shalt  }
0x5e: {  	_ =	shalt  }
0x5f: {  	_ =	shalt  }
0x60: {  	_ =	shalt  }
0x61: {  	_ =	shalt  }
0x62: {  	_ =	shalt  }
0x63: {  	_ =	shalt  }
0x64: {  	_ =	shalt  }
0x65: {  	_ =	shalt  }
0x66: {  	_ =	shalt  }
0x67: {  	_ =	shalt  }
0x68: {  	_ =	shalt  }
0x69: {  	_ =	shalt  }
0x6a: {  	_ =	shalt  }
0x6b: {  	_ =	shalt  }
0x6c: {  	_ =	shalt  }
0x6d: {  	_ =	shalt  }
0x6e: {  	_ =	shalt  }
0x6f: {  	_ =	shalt  }
0x70: {  	_ =	shalt  }
0x71: {  	_ =	shalt  }
0x72: {  	_ =	shalt  }
0x73: {  	_ =	shalt  }
0x74: {  	_ =	shalt  }
0x75: {  	_ =	shalt  }
0x76: {  	_ =	shalt  }
0x77: {  	_ =	shalt  }
0x78: {  	_ =	shalt  }
0x79: {  	_ =	shalt  }
0x7a: {  	_ =	shalt  }
0x7b: {  	_ =	shalt  }
0x7c: {  	_ =	shalt  }
0x7d: {  	_ =	shalt  }
0x7e: {  	_ =	shalt  }
0x7f: {  	_ =	shalt  }
0x80: {  	_ =	shalt  }
0x81: {  	_ =	shalt  }
0x82: {  	_ =	shalt  }
0x83: {  	_ =	shalt  }
0x84: {  	_ =	shalt  }
0x85: {  	_ =	shalt  }
0x86: {  	_ =	shalt  }
0x87: {  	_ =	shalt  }
.Lfunc_end0:
.L_simem_size_0:
called_computation.1_lowered:
.L_overlay_start_0:
0x88: {  	s2 =	sld [smem:$0x3FD9]  }
0x89: {  	s3 =	sld [smem:$0x3FFE];
	_ =	sdelay $0x1  }
0x8a: {  	s1 =	srdreg.scid  }
0x8b: {  	s0 =	sand.u32 $0x1, s1  }
0x8c: {  	s14 =	sshll.u32 s0, $0xA;
	s2 =	sadd.s32 s3, s2  }
0x8d: {  	s2 =	sadd.s32 s2, s14  }
0x8e: {  	[smem:$0x3FC0] =	sst s2  }
0x8f: {  	_ = 	snop  }
0x90: {  	s2 =	sld [smem:$0x3FD0];
	_ =	sdelay $0x2  }
0x91: {  	s15 =	simm.s32 $0xA;
	s4 =	simm.s32 $0x10  }
0x92: {  	[smem:s4], [sflag:s15] =	dma.local [hbm:s2], $0x1  }
0x93: {  	_ =	swait.eq [sflag:s15], $0x1  }
0x94: {  	[sflag:s15] =	ssyncset.done $0x0  }
0x95: {  	[sflag:s15] =	ssyncadd.s32 $0xFFFFFFFF  }
0x96: {  	s16 =	sld [smem:$0x11];
	(tm) =	ssettm $0x1  }
0x97: {  	s17 =	sld [smem:$0x3FFB];
	_ =	sdelay $0x3  }
0x98: {  	_ =	strace s17  }
0x99: {  	s3 =	sld [smem:$0x3FFC];
	_ =	sdelay $0x3  }
0x9a: {  	_ =	strace s3  }
0x9b: {  	s3 =	sld [smem:$0x3FFD];
	_ =	sdelay $0x3  }
0x9c: {  	_ =	strace s3  }
0x9d: {  	_ =	strace $0x8FFFFFFF  }
0x9e: {  	s18 =	sld [smem:$0x3FDB];
	_ =	sdelay $0x1  }
0x9f: {  	s19 =	simm.s32 $_scs_section_size  }
0xa0: {  	s5 =	simm.s32 $_size__tile_overlayer_lowered;
	s6 =	simm.s32 $_tile_overlayer_lowered  }
0xa1: {  	s22 =	simm.s32 $0x1BFF;
	s21 =	sshll.u32 s6, $0x1;
	s3 =	sadd.s32 s19, s18  }
0xa2: {  	s7 =	simm.s32 $0x0;
	s20 =	sshll.u32 s5, $0x1;
	s5 =	sadd.s32 s21, s3  }
0xa3: {  	[timem:s7], [sflag:s22] =	dma.local [hbm:s5], s20  }
0xa4: {  	_ =	swait.ge [sflag:s22], s20  }
0xa5: {  	s4 =	ssub.s32 $0x0, s20;
	[sflag:s22] =	ssyncset.done $0x0  }
0xa6: {  	[sflag:s22] =	ssyncadd.s32 s4;
	_ =	sdelay $0x1  }
0xa7: {  	s23 =	simm.s32 $0x1B8B  }
0xa8: {  	_ =	swait.ge [sflag:s23], $0x1  }
0xa9: {  	[sflag:s23] =	ssyncset.done $0x0  }
0xaa: {  	s25 =	simm.s32 $0x1B8E;
	s24 =	sld [smem:$0x3FFE];
	[sflag:s23] =	ssyncadd.s32 $0xFFFFFFFF  }
0xab: {  	s26 =	simm.s32 $execute0_lowered;
	[smem:$0x3FD2] =	sst s25  }
0xac: {  	s5 =	sshll.u32 s26, $0x1;
	_ =	strace $0x80000049;
	[dreg:$0x1] =	wrdreg $0xFFFFFFFF  }
0xad: {  	s28 =	simm.s32 $_size_execute0_lowered;
	s3 =	sadd.s32 s3, s5;
	[dreg:$0x0] =	wrdreg $0x0  }
0xae: {  	s5 =	sshll.u32 s28, $0x1;
	[dreg:$0x2] =	wrdreg s3  }
0xaf: {  	[dreg:$0x3] =	wrdreg s5  }
0xb0: {  	[dreg:$0x4] =	wrdreg $0xC0  }
0xb1: {  	_ =	task [dreg:s7], $0x5FFFF  }
0xb2: {  	[dreg:$0x1] =	wrdreg $0xFFFFFFFF  }
0xb3: {  	[dreg:$0x0] =	wrdreg $0x60  }
0xb4: {  	[dreg:$0x2] =	wrdreg s16  }
0xb5: {  	[dreg:$0x3] =	wrdreg s24  }
0xb6: {  	[dreg:$0x4] =	wrdreg $0xB0000  }
0xb7: {  	[dreg:$0x5] =	wrdreg $0x9  }
0xb8: {  	_ =	task.clear_ibuf [dreg:s7], $0x6FFFF;
	_ =	strace $0x90000049  }
0xb9: {  	s29 =	simm.s32 $0x9;
	_ =	strace $0x8000004B  }
0xba: {  	_ =	swait.ge [sflag:s29], $0x1  }
0xbb: {  	[sflag:s29] =	ssyncadd.s32 $0xFFFFFFFF  }
0xbc: {  	_ =	strace $0x9000004B  }
0xbd: {  	_ =	sfence  }
0xbe: {  	s30 =	sld [smem:$0x0];
	_ =	sdelay $0x2  }
0xbf: {  	s31 =	sshll.u32 s1, $0xD;
	s1 =	sshrl.u32 s1, $0x2  }
0xc0: {  	s3 =	sand.u32 $0x4000, s31;
	s1 =	sadd.s32 s1, s30  }
0xc1: {  	s0 =	sor.u32 s3, s0;
	s1 =	sshll.u32 s1, $0x11  }
0xc2: {  	s0 =	sor.u32 s1, s0  }
0xc3: {  	s0 =	sadd.s32 $0x8F2B, s0  }
0xc4: {  	[sflag:s0] =	ssyncadd.remote.s32 $0x1  }
0xc5: {  	_ =	sfence.sel $0xFFFF  }
0xc6: {  	[dreg:$0x0] =	wrdreg $0xFFFFFFFF;
	(pc) =	sbr.abs _section_cstart, $3  }
0xc7: {  	[dreg:$0x1] =	wrdreg $0xFFFFFFFF  }
0xc8: {  	_ =	task.clear_ibuf [dreg:s7], $0x2FFFF;
	_ =	strace $0x9FFFFFFF  }
0xc9: {  	(tm) =	ssettm $0x7FFFFFFF  }
tec
execute0_lowered:
.L_overlay_start_1:
0x0: {  	(tag) =	ssettag $0x1  }
0x1: {  	s0 =	srdreg.scid;
	s24 =	stileid.u32  }
0x2: {  	s1 =	rddreg [dreg:$0x0];
	s6 =	smul.u32 $0xA0, s24  }
0x3: {  	s5 =	rddreg [dreg:$0x1];
	s0 =	sand.u32 $0x1, s0;
	s8 =	smul.u32 $0x14000, s24  }
0x4: {  	s2 =	rddreg [dreg:$0x2];
	s3 =	simm.s32 $0x0;
	s4 =	smul.u32 $0xA00, s0  }
0x5: {  	[smem:$0x7FF] =	sst s3;
	s23 =	smul.u32 $0x14000, s0;
	s0 =	ssub.s32 $0x2, s0  }
0x6: {  	s7 =	sshrl.u32 s0, $0x1;
	s25 =	sshrl.u32 s8, $0x4;
	s9 =	sadd.s32 $0x4000, s8  }
0x7: {  	s12 =	sadd.s32 $0x6000, s8;
	s14 =	sadd.s32 $0x8000, s8;
	s15 =	sadd.s32 $0xA000, s8  }
0x8: {  	s18 =	sadd.s32 $0xC000, s8;
	s20 =	sadd.s32 $0xE000, s8;
	s21 =	sadd.s32 $0x10000, s8  }
0x9: {  	s26 =	sadd.s32 $0x12000, s8;
	s4 =	sadd.s32 s6, s4;
	s6 =	sadd.s32 s23, s5  }
0xa: {  	s0 =	ssub.s32 s0, s7;
	s7 =	sor.u32 $0x2000, s8;
	s11 =	sshrl.u32 s9, $0x4  }
0xb: {  	s13 =	sshrl.u32 s12, $0x4;
	s16 =	sshrl.u32 s14, $0x4;
	s17 =	sshrl.u32 s15, $0x4  }
0xc: {  	s19 =	sshrl.u32 s18, $0x4;
	s22 =	sshrl.u32 s20, $0x4;
	s4 =	sshll.u32 s4, $0x3  }
0xd: {  	s23 =	sshrl.u32 s21, $0x4;
	s4 =	sadd.s32 s4, s5;
	s5 =	sadd.s32 $0x15E00, s6  }
0xe: {  	s14 =	sshrl.u32 s14, $0x1;
	s10 =	sshrl.u32 s7, $0x4;
	s6 =	sadd.s32 s25, s5  }
0xf: {  	s18 =	sshrl.u32 s18, $0x1;
	s10 =	sadd.s32 s10, s5;
	[dreg:$0x4] =	wrdreg s6  }
0x10: {  	s0 =	smax.u32 s0, $0x1;
	s11 =	sadd.s32 s11, s5;
	[dreg:$0x5] =	wrdreg s10  }
0x11: {  	s25 =	sadd.s32 s13, s5;
	s13 =	sadd.s32 s19, s5;
	[dreg:$0x6] =	wrdreg s11  }
0x12: {  	s19 =	smul.u32 $0x28000, s24;
	[dreg:$0x7] =	wrdreg s25;
	s10 =	sadd.s32 s16, s5  }
0x13: {  	s11 =	sadd.s32 s17, s5;
	[dreg:$0xa] =	wrdreg s13;
	s16 =	sadd.s32 s22, s5  }
0x14: {  	s17 =	sadd.s32 s23, s5;
	s22 =	sshrl.u32 s26, $0x4;
	[dreg:$0x8] =	wrdreg s10  }
0x15: {  	s23 =	sadd.s32 $0xBE00, s4;
	s4 =	sadd.s32 $0x1E00, s4;
	[dreg:$0x9] =	wrdreg s11  }
0x16: {  	s25 =	sshrl.u32 s8, $0x1;
	s8 =	sshrl.u32 s7, $0x1;
	[dreg:$0xb] =	wrdreg s16  }
0x17: {  	[dreg:$0xc] =	wrdreg s17;
	s5 =	sadd.s32 s22, s5;
	s24 =	sshrl.u32 s19, $0x2  }
0x18: {  	s6 =	sadd.s32 s25, s2;
	s10 =	sshrl.u32 s9, $0x1;
	s11 =	sshrl.u32 s12, $0x1  }
0x19: {  	s16 =	sshrl.u32 s15, $0x1;
	s25 =	sadd.s32 s18, s2;
	s22 =	sshrl.u32 s20, $0x1  }
0x1a: {  	s9 =	simm.s32 $0x6000;
	s15 =	simm.s32 $0x4;
	[dreg:$0xd] =	wrdreg s5  }
0x1b: {  	s18 =	simm.s32 $0x6;
	_ =	strace $0x8000004A;
	[dreg:$0xe] =	wrdreg s23  }
0x1c: {  	s20 =	simm.s32 $0x8;
	s17 =	sadd.s32 s24, s2;
	[dreg:$0xf] =	wrdreg s4  }
0x1d: {  	s12 =	sadd.s32 s10, s2;
	s13 =	sadd.s32 s11, s2;
	[dreg:$0x10] =	wrdreg s6  }
0x1e: {  	s19 =	sadd.s32 s16, s2;
	s24 =	sshrl.u32 s26, $0x1;
	[dreg:$0x11] =	wrdreg s0  }
0x1f: {  	s26 =	sadd.s32 s22, s2;
	s5 =	simm.s32 $0x9000;
	[dreg:$0x13] =	wrdreg s12  }
0x20: {  	s10 =	simm.s32 $0x7000;
	s11 =	simm.s32 $0x8000;
	[dreg:$0x14] =	wrdreg s13  }
0x21: {  	s16 =	simm.s32 $0x5;
	s0 =	sadd.s32 s8, s2;
	[dreg:$0x16] =	wrdreg s19  }
0x22: {  	s23 =	sshrl.u32 s21, $0x1;
	s29 =	sadd.s32 s24, s2;
	s30 =	sadd.s32 $0x2000, s17  }
0x23: {  	s31 =	sadd.s32 $0x4000, s17;
	s7 =	sadd.s32 $0x6000, s17;
	s4 =	simm.s32 $0x9  }
0x24: {  	s6 =	simm.s32 $0x40;
	s8 =	simm.s32 $0x5000;
	s12 =	simm.s32 $0x1  }
0x25: {  	s13 =	simm.s32 $0x2;
	s19 =	simm.s32 $0x7;
	s21 =	simm.s32 $0x0  }
0x26: {  	[dreg:$0x12] =	wrdreg s0;
	s0 =	sadd.s32 s14, s2;
	s28 =	sadd.s32 s23, s2  }
0x27: {  	v0 =	vimm.bf16 $0.0e+00;
	s14 =	simm.s32 $0x3;
	[dreg:$0x15] =	wrdreg s0;
	s0 =	sadd.s32 $0x8000, s17  }
.LBB2_1:
0x28: {  	s23 =	simm.s32 $0x100;
	s22 =	simm.s32 $0x0  }
.LBB2_2:
0x29: {  	p0 =	sne.s32 s23, $0x7F00;
	[tilespmem:s22+$0x9030] =	vst v0;
	s24 =	smov.u32 s23;
	s23 =	sadd.s32 $0x100, s23  }
.Ltmp0:
0x2a: {  	[tilespmem:s22+$0x9020] =	vst v0;
	(pc) =	sbr.rel @p0 .LBB2_2-.Ltmp0, $3  }
0x2b: {  	[tilespmem:s22+$0x9000] =	vst v0  }
0x2c: {  	[tilespmem:s22+$0x9010] =	vst v0;
	_ =	sdelay $0x1  }
0x2d: {  	s22 =	sshra.s32 s24, $0x2  }
0x2e: {  	[tilespmem:s22+$0x9030] =	vst v0  }
0x2f: {  	[tilespmem:s22+$0x9020] =	vst v0  }
0x30: {  	[tilespmem:s22+$0x9000] =	vst v0  }
0x31: {  	[tilespmem:s22+$0x9010] =	vst v0;
	s22 =	simm.s32 $0x0;
	s23 =	rddreg [dreg:$0xe]  }
0x32: {  	[tilespmem:s22], [sflag:$0x9] =	stream.linear.gather [hbm4b:s23+s22], $0x2800, $0x38;
	[tilespmem:$0x15000] =	vst v63  }
0x33: {  	_ =	swait.ge [sflag:s4], $0x2800  }
0x34: {  	[sflag:s4] =	ssyncset.done $0x0  }
0x35: {  	s24 =	simm.s32 $0x2800;
	s23 =	rddreg [dreg:$0xf];
	[sflag:s4] =	ssyncadd.s32 $0xFFFFD800  }
0x36: {  	[tilespmem:s24], [sflag:$0x9] =	stream.linear.gather [hbm4b:s23+s22], $0x2800, $0x38;
	[tilespmem:$0x15000] =	vst v63  }
0x37: {  	_ =	swait.ge [sflag:s4], $0x2800  }
0x38: {  	[sflag:s4] =	ssyncset.done $0x0  }
0x39: {  	[sflag:s4] =	ssyncadd.s32 $0xFFFFD800  }
0x3a: {  	[spmem:s17] =	stream.linear.scatter [tilespmem:s5], [sflag:$0x9], $0x2000, $0x38;
	[tilespmem:$0x15000] =	vst v63  }
0x3b: {  	_ =	swait.ge [sflag:s4], $0x2000  }
0x3c: {  	[sflag:s4] =	ssyncset.done $0x0  }
0x3d: {  	[sflag:s4] =	ssyncadd.s32 $0xFFFFE000  }
0x3e: {  	[spmem:s30] =	stream.linear.scatter [tilespmem:s5], [sflag:$0x9], $0x2000, $0x38;
	[tilespmem:$0x15000] =	vst v63  }
0x3f: {  	_ =	swait.ge [sflag:s4], $0x2000  }
0x40: {  	[sflag:s4] =	ssyncset.done $0x0  }
0x41: {  	[sflag:s4] =	ssyncadd.s32 $0xFFFFE000  }
0x42: {  	[spmem:s31] =	stream.linear.scatter [tilespmem:s5], [sflag:$0x9], $0x2000, $0x38;
	[tilespmem:$0x15000] =	vst v63  }
0x43: {  	_ =	swait.ge [sflag:s4], $0x2000  }
0x44: {  	[sflag:s4] =	ssyncset.done $0x0  }
0x45: {  	[sflag:s4] =	ssyncadd.s32 $0xFFFFE000  }
0x46: {  	[spmem:s7] =	stream.linear.scatter [tilespmem:s5], [sflag:$0x9], $0x2000, $0x38;
	[tilespmem:$0x15000] =	vst v63  }
0x47: {  	_ =	swait.ge [sflag:s4], $0x2000  }
0x48: {  	[sflag:s4] =	ssyncset.done $0x0  }
0x49: {  	[sflag:s4] =	ssyncadd.s32 $0xFFFFE000  }
0x4a: {  	[spmem:s0] =	stream.linear.scatter [tilespmem:s5], [sflag:$0x9], $0x2000, $0x38;
	[tilespmem:$0x15000] =	vst v63  }
0x4b: {  	_ =	swait.ge [sflag:s4], $0x2000  }
0x4c: {  	[sflag:s4] =	ssyncset.done $0x0  }
0x4d: {  	[sflag:s4] =	ssyncadd.s32 $0xFFFFE000  }
0x4e: {  	[bflag:$0x0] =	sbarrier.arrive $0xFFFF  }
0x4f: {  	[tilespmem:s8], [sflag:$0x1] =	stream.indirect.gather [hbm4b:s1+s6], $0x40, s22, s6, $0xb8;
	[tilespmem:$0x15000] =	vst v63  }
0x50: {  	_ = 	snop  }
0x51: {  	[tilespmem:s9], [sflag:$0x2] =	stream.indirect.gather [hbm4b:s1+s6], $0x40, s6, s6, $0xb8;
	[tilespmem:$0x15000] =	vst v63  }
0x52: {  	s24 =	simm.s32 $0x80  }
0x53: {  	[tilespmem:s10], [sflag:$0x3] =	stream.indirect.gather [hbm4b:s1+s6], $0x40, s24, s6, $0xb8;
	[tilespmem:$0x15000] =	vst v63  }
0x54: {  	s23 =	simm.s32 $0xC0  }
0x55: {  	[tilespmem:s11], [sflag:$0x4] =	stream.indirect.gather [hbm4b:s1+s6], $0x40, s23, s6, $0xb8;
	[tilespmem:$0x15000] =	vst v63  }
0x56: {  	_ =	swait.ge [sflag:s12], $0x1000  }
0x57: {  	[sflag:s12] =	ssyncset.done $0x0  }
0x58: {  	s24 =	simm.s32 $0x2800;
	[sflag:s12] =	ssyncadd.s32 $0xFFFFF000  }
0x59: {  	[spmem:s2] =	stream.indirect.scatter.add.bf16 [tilespmem:s8], [sflag:$0x5], $0x40, s24, s6, $0xb8;
	[tilespmem:$0x15000] =	vst v63  }
0x5a: {  	_ =	swait.ge [sflag:s13], $0x1000  }
0x5b: {  	[sflag:s13] =	ssyncset.done $0x0  }
0x5c: {  	s23 =	simm.s32 $0x2840;
	[sflag:s13] =	ssyncadd.s32 $0xFFFFF000  }
0x5d: {  	[spmem:s2] =	stream.indirect.scatter.add.bf16 [tilespmem:s9], [sflag:$0x6], $0x40, s23, s6, $0xb8;
	[tilespmem:$0x15000] =	vst v63  }
0x5e: {  	_ =	swait.ge [sflag:s14], $0x1000  }
0x5f: {  	[sflag:s14] =	ssyncset.done $0x0  }
0x60: {  	s24 =	simm.s32 $0x2880;
	[sflag:s14] =	ssyncadd.s32 $0xFFFFF000  }
0x61: {  	[spmem:s2] =	stream.indirect.scatter.add.bf16 [tilespmem:s10], [sflag:$0x7], $0x40, s24, s6, $0xb8;
	[tilespmem:$0x15000] =	vst v63  }
0x62: {  	_ =	swait.ge [sflag:s15], $0x1000  }
0x63: {  	[sflag:s15] =	ssyncset.done $0x0  }
0x64: {  	s23 =	simm.s32 $0x28C0;
	[sflag:s15] =	ssyncadd.s32 $0xFFFFF000  }
0x65: {  	[spmem:s2] =	stream.indirect.scatter.add.bf16 [tilespmem:s11], [sflag:$0x8], $0x40, s23, s6, $0xb8;
	[tilespmem:$0x15000] =	vst v63  }
0x66: {  	_ =	swait.ge [sflag:s16], $0x1000  }
0x67: {  	[sflag:s16] =	ssyncset.done $0x0  }
0x68: {  	s24 =	simm.s32 $0x100;
	[sflag:s16] =	ssyncadd.s32 $0xFFFFF000  }
0x69: {  	[tilespmem:s8], [sflag:$0x1] =	stream.indirect.gather [hbm4b:s1+s6], $0x40, s24, s6, $0xb8;
	[tilespmem:$0x15000] =	vst v63  }
0x6a: {  	_ =	swait.ge [sflag:s18], $0x1000  }
0x6b: {  	[sflag:s18] =	ssyncset.done $0x0  }
0x6c: {  	s23 =	simm.s32 $0x140;
	[sflag:s18] =	ssyncadd.s32 $0xFFFFF000  }
0x6d: {  	[tilespmem:s9], [sflag:$0x2] =	stream.indirect.gather [hbm4b:s1+s6], $0x40, s23, s6, $0xb8;
	[tilespmem:$0x15000] =	vst v63  }
0x6e: {  	_ =	swait.ge [sflag:s19], $0x1000  }
0x6f: {  	[sflag:s19] =	ssyncset.done $0x0  }
0x70: {  	s24 =	simm.s32 $0x180;
	[sflag:s19] =	ssyncadd.s32 $0xFFFFF000  }
0x71: {  	[tilespmem:s10], [sflag:$0x3] =	stream.indirect.gather [hbm4b:s1+s6], $0x40, s24, s6, $0xb8;
	[tilespmem:$0x15000] =	vst v63  }
0x72: {  	_ =	swait.ge [sflag:s20], $0x1000  }
0x73: {  	[sflag:s20] =	ssyncset.done $0x0  }
0x74: {  	s22 =	simm.s32 $0x400;
	s23 =	simm.s32 $0x1C0;
	[sflag:s20] =	ssyncadd.s32 $0xFFFFF000  }
.LBB2_4:
0x75: {  	[tilespmem:s11], [sflag:$0x4] =	stream.indirect.gather [hbm4b:s1+s6], $0x40, s23, s6, $0xb8;
	[tilespmem:$0x15000] =	vst v63  }
0x76: {  	s23 =	smov.u32 s22  }
0x77: {  	p0 =	sne.s32 s22, $0x9800;
	s22 =	sadd.s32 $0x400, s22;
	_ =	swait.ge [sflag:s12], $0x1000  }
0x78: {  	s23 =	sshra.s32 s23, $0x2;
	[sflag:s12] =	ssyncset.done $0x0  }
0x79: {  	s24 =	sadd.s32 $0x2800, s23;
	[sflag:s12] =	ssyncadd.s32 $0xFFFFF000  }
0x7a: {  	[spmem:s2] =	stream.indirect.scatter.add.bf16 [tilespmem:s8], [sflag:$0x5], $0x40, s24, s6, $0xb8;
	[tilespmem:$0x15000] =	vst v63  }
0x7b: {  	_ =	swait.ge [sflag:s13], $0x1000  }
0x7c: {  	[sflag:s13] =	ssyncset.done $0x0  }
0x7d: {  	s24 =	sadd.s32 $0x2840, s23;
	[sflag:s13] =	ssyncadd.s32 $0xFFFFF000  }
0x7e: {  	[spmem:s2] =	stream.indirect.scatter.add.bf16 [tilespmem:s9], [sflag:$0x6], $0x40, s24, s6, $0xb8;
	[tilespmem:$0x15000] =	vst v63  }
0x7f: {  	_ =	swait.ge [sflag:s14], $0x1000  }
0x80: {  	[sflag:s14] =	ssyncset.done $0x0  }
0x81: {  	s24 =	sadd.s32 $0x2880, s23;
	[sflag:s14] =	ssyncadd.s32 $0xFFFFF000  }
0x82: {  	[spmem:s2] =	stream.indirect.scatter.add.bf16 [tilespmem:s10], [sflag:$0x7], $0x40, s24, s6, $0xb8;
	[tilespmem:$0x15000] =	vst v63  }
0x83: {  	_ =	swait.ge [sflag:s15], $0x1000  }
0x84: {  	[sflag:s15] =	ssyncset.done $0x0  }
0x85: {  	s24 =	sadd.s32 $0x28C0, s23;
	[sflag:s15] =	ssyncadd.s32 $0xFFFFF000  }
0x86: {  	[spmem:s2] =	stream.indirect.scatter.add.bf16 [tilespmem:s11], [sflag:$0x8], $0x40, s24, s6, $0xb8;
	[tilespmem:$0x15000] =	vst v63  }
0x87: {  	_ =	swait.ge [sflag:s16], $0x1000  }
0x88: {  	[sflag:s16] =	ssyncset.done $0x0  }
0x89: {  	s24 =	sadd.s32 $0x100, s23;
	[sflag:s16] =	ssyncadd.s32 $0xFFFFF000  }
0x8a: {  	[tilespmem:s8], [sflag:$0x1] =	stream.indirect.gather [hbm4b:s1+s6], $0x40, s24, s6, $0xb8;
	[tilespmem:$0x15000] =	vst v63  }
0x8b: {  	_ =	swait.ge [sflag:s18], $0x1000  }
0x8c: {  	[sflag:s18] =	ssyncset.done $0x0  }
0x8d: {  	s24 =	sadd.s32 $0x140, s23;
	[sflag:s18] =	ssyncadd.s32 $0xFFFFF000  }
0x8e: {  	[tilespmem:s9], [sflag:$0x2] =	stream.indirect.gather [hbm4b:s1+s6], $0x40, s24, s6, $0xb8;
	[tilespmem:$0x15000] =	vst v63  }
0x8f: {  	_ =	swait.ge [sflag:s19], $0x1000  }
0x90: {  	[sflag:s19] =	ssyncset.done $0x0  }
.Ltmp1:
0x91: {  	s24 =	sadd.s32 $0x180, s23;
	[sflag:s19] =	ssyncadd.s32 $0xFFFFF000;
	(pc) =	sbr.rel @p0 .LBB2_4-.Ltmp1, $4  }
0x92: {  	[tilespmem:s10], [sflag:$0x3] =	stream.indirect.gather [hbm4b:s1+s6], $0x40, s24, s6, $0xb8;
	[tilespmem:$0x15000] =	vst v63  }
0x93: {  	_ =	swait.ge [sflag:s20], $0x1000  }
0x94: {  	[sflag:s20] =	ssyncset.done $0x0  }
0x95: {  	s23 =	sadd.s32 $0x1C0, s23;
	[sflag:s20] =	ssyncadd.s32 $0xFFFFF000  }
0x96: {  	[tilespmem:s11], [sflag:$0x4] =	stream.indirect.gather [hbm4b:s1+s6], $0x40, s23, s6, $0xb8;
	[tilespmem:$0x15000] =	vst v63  }
0x97: {  	_ =	swait.ge [sflag:s12], $0x1000  }
0x98: {  	[sflag:s12] =	ssyncset.done $0x0  }
0x99: {  	s22 =	simm.s32 $0x4F00;
	[sflag:s12] =	ssyncadd.s32 $0xFFFFF000  }
0x9a: {  	[spmem:s2] =	stream.indirect.scatter.add.bf16 [tilespmem:s8], [sflag:$0x5], $0x40, s22, s6, $0xb8;
	[tilespmem:$0x15000] =	vst v63  }
0x9b: {  	_ =	swait.ge [sflag:s13], $0x1000  }
0x9c: {  	[sflag:s13] =	ssyncset.done $0x0  }
0x9d: {  	s23 =	simm.s32 $0x4F40;
	[sflag:s13] =	ssyncadd.s32 $0xFFFFF000  }
0x9e: {  	[spmem:s2] =	stream.indirect.scatter.add.bf16 [tilespmem:s9], [sflag:$0x6], $0x40, s23, s6, $0xb8;
	[tilespmem:$0x15000] =	vst v63  }
0x9f: {  	_ =	swait.ge [sflag:s14], $0x1000  }
0xa0: {  	[sflag:s14] =	ssyncset.done $0x0  }
0xa1: {  	s24 =	simm.s32 $0x4F80;
	[sflag:s14] =	ssyncadd.s32 $0xFFFFF000  }
0xa2: {  	[spmem:s2] =	stream.indirect.scatter.add.bf16 [tilespmem:s10], [sflag:$0x7], $0x40, s24, s6, $0xb8;
	[tilespmem:$0x15000] =	vst v63  }
0xa3: {  	_ =	swait.ge [sflag:s15], $0x1000  }
0xa4: {  	[sflag:s15] =	ssyncset.done $0x0  }
0xa5: {  	s23 =	simm.s32 $0x4FC0;
	[sflag:s15] =	ssyncadd.s32 $0xFFFFF000  }
0xa6: {  	[spmem:s2] =	stream.indirect.scatter.add.bf16 [tilespmem:s11], [sflag:$0x8], $0x40, s23, s6, $0xb8;
	[tilespmem:$0x15000] =	vst v63  }
0xa7: {  	_ =	swait.ge [sflag:s16], $0x1000  }
0xa8: {  	[sflag:s16] =	ssyncset.done $0x0  }
0xa9: {  	[sflag:s16] =	ssyncadd.s32 $0xFFFFF000  }
0xaa: {  	_ =	swait.ge [sflag:s18], $0x1000  }
0xab: {  	[sflag:s18] =	ssyncset.done $0x0  }
0xac: {  	[sflag:s18] =	ssyncadd.s32 $0xFFFFF000  }
0xad: {  	_ =	swait.ge [sflag:s19], $0x1000  }
0xae: {  	[sflag:s19] =	ssyncset.done $0x0  }
0xaf: {  	[sflag:s19] =	ssyncadd.s32 $0xFFFFF000  }
0xb0: {  	_ =	swait.ge [sflag:s20], $0x1000  }
0xb1: {  	[sflag:s20] =	ssyncset.done $0x0  }
0xb2: {  	[sflag:s20] =	ssyncadd.s32 $0xFFFFF000  }
0xb3: {  	[bflag:$0x0] =	sbarrier.arrive $0xFFFF  }
0xb4: {  	s24 =	rddreg [dreg:$0x10]  }
0xb5: {  	[tilespmem:s8], [sflag:$0x9] =	stream.linear.gather [spmem:s24], $0x1000, $0x38;
	[tilespmem:$0x15000] =	vst v63  }
0xb6: {  	_ =	swait.ge [sflag:s4], $0x1000  }
0xb7: {  	[sflag:s4] =	ssyncset.done $0x0  }
0xb8: {  	s23 =	rddreg [dreg:$0x4];
	[sflag:s4] =	ssyncadd.s32 $0xFFFFF000  }
0xb9: {  	[hbm4b:s23+s3] =	stream.linear.scatter [tilespmem:s8], [sflag:$0x9], $0x1000, $0x38;
	[tilespmem:$0x15000] =	vst v63  }
0xba: {  	_ =	swait.ge [sflag:s4], $0x1000  }
0xbb: {  	[sflag:s4] =	ssyncset.done $0x0  }
0xbc: {  	s24 =	rddreg [dreg:$0x12];
	[sflag:s4] =	ssyncadd.s32 $0xFFFFF000  }
0xbd: {  	[tilespmem:s8], [sflag:$0x9] =	stream.linear.gather [spmem:s24], $0x1000, $0x38;
	[tilespmem:$0x15000] =	vst v63  }
0xbe: {  	_ =	swait.ge [sflag:s4], $0x1000  }
0xbf: {  	[sflag:s4] =	ssyncset.done $0x0  }
0xc0: {  	s23 =	rddreg [dreg:$0x5];
	[sflag:s4] =	ssyncadd.s32 $0xFFFFF000  }
0xc1: {  	[hbm4b:s23+s3] =	stream.linear.scatter [tilespmem:s8], [sflag:$0x9], $0x1000, $0x38;
	[tilespmem:$0x15000] =	vst v63  }
0xc2: {  	_ =	swait.ge [sflag:s4], $0x1000  }
0xc3: {  	[sflag:s4] =	ssyncset.done $0x0  }
0xc4: {  	s24 =	rddreg [dreg:$0x13];
	[sflag:s4] =	ssyncadd.s32 $0xFFFFF000  }
0xc5: {  	[tilespmem:s8], [sflag:$0x9] =	stream.linear.gather [spmem:s24], $0x1000, $0x38;
	[tilespmem:$0x15000] =	vst v63  }
0xc6: {  	_ =	swait.ge [sflag:s4], $0x1000  }
0xc7: {  	[sflag:s4] =	ssyncset.done $0x0  }
0xc8: {  	s23 =	rddreg [dreg:$0x6];
	[sflag:s4] =	ssyncadd.s32 $0xFFFFF000  }
0xc9: {  	[hbm4b:s23+s3] =	stream.linear.scatter [tilespmem:s8], [sflag:$0x9], $0x1000, $0x38;
	[tilespmem:$0x15000] =	vst v63  }
0xca: {  	_ =	swait.ge [sflag:s4], $0x1000  }
0xcb: {  	[sflag:s4] =	ssyncset.done $0x0  }
0xcc: {  	s24 =	rddreg [dreg:$0x14];
	[sflag:s4] =	ssyncadd.s32 $0xFFFFF000  }
0xcd: {  	[tilespmem:s8], [sflag:$0x9] =	stream.linear.gather [spmem:s24], $0x1000, $0x38;
	[tilespmem:$0x15000] =	vst v63  }
0xce: {  	_ =	swait.ge [sflag:s4], $0x1000  }
0xcf: {  	[sflag:s4] =	ssyncset.done $0x0  }
0xd0: {  	s23 =	rddreg [dreg:$0x7];
	[sflag:s4] =	ssyncadd.s32 $0xFFFFF000  }
0xd1: {  	[hbm4b:s23+s3] =	stream.linear.scatter [tilespmem:s8], [sflag:$0x9], $0x1000, $0x38;
	[tilespmem:$0x15000] =	vst v63  }
0xd2: {  	_ =	swait.ge [sflag:s4], $0x1000  }
0xd3: {  	[sflag:s4] =	ssyncset.done $0x0  }
0xd4: {  	s24 =	rddreg [dreg:$0x15];
	[sflag:s4] =	ssyncadd.s32 $0xFFFFF000  }
0xd5: {  	[tilespmem:s8], [sflag:$0x9] =	stream.linear.gather [spmem:s24], $0x1000, $0x38;
	[tilespmem:$0x15000] =	vst v63  }
0xd6: {  	_ =	swait.ge [sflag:s4], $0x1000  }
0xd7: {  	[sflag:s4] =	ssyncset.done $0x0  }
0xd8: {  	s23 =	rddreg [dreg:$0x8];
	[sflag:s4] =	ssyncadd.s32 $0xFFFFF000  }
0xd9: {  	[hbm4b:s23+s3] =	stream.linear.scatter [tilespmem:s8], [sflag:$0x9], $0x1000, $0x38;
	[tilespmem:$0x15000] =	vst v63  }
0xda: {  	_ =	swait.ge [sflag:s4], $0x1000  }
0xdb: {  	[sflag:s4] =	ssyncset.done $0x0  }
0xdc: {  	s24 =	rddreg [dreg:$0x16];
	[sflag:s4] =	ssyncadd.s32 $0xFFFFF000  }
0xdd: {  	[tilespmem:s8], [sflag:$0x9] =	stream.linear.gather [spmem:s24], $0x1000, $0x38;
	[tilespmem:$0x15000] =	vst v63  }
0xde: {  	_ =	swait.ge [sflag:s4], $0x1000  }
0xdf: {  	[sflag:s4] =	ssyncset.done $0x0  }
0xe0: {  	s23 =	rddreg [dreg:$0x9];
	[sflag:s4] =	ssyncadd.s32 $0xFFFFF000  }
0xe1: {  	[hbm4b:s23+s3] =	stream.linear.scatter [tilespmem:s8], [sflag:$0x9], $0x1000, $0x38;
	[tilespmem:$0x15000] =	vst v63  }
0xe2: {  	_ =	swait.ge [sflag:s4], $0x1000  }
0xe3: {  	[sflag:s4] =	ssyncset.done $0x0  }
0xe4: {  	[sflag:s4] =	ssyncadd.s32 $0xFFFFF000  }
0xe5: {  	[tilespmem:s8], [sflag:$0x9] =	stream.linear.gather [spmem:s25], $0x1000, $0x38;
	[tilespmem:$0x15000] =	vst v63  }
0xe6: {  	_ =	swait.ge [sflag:s4], $0x1000  }
0xe7: {  	[sflag:s4] =	ssyncset.done $0x0  }
0xe8: {  	s24 =	rddreg [dreg:$0xa];
	[sflag:s4] =	ssyncadd.s32 $0xFFFFF000  }
0xe9: {  	[hbm4b:s24+s3] =	stream.linear.scatter [tilespmem:s8], [sflag:$0x9], $0x1000, $0x38;
	[tilespmem:$0x15000] =	vst v63  }
0xea: {  	_ =	swait.ge [sflag:s4], $0x1000  }
0xeb: {  	[sflag:s4] =	ssyncset.done $0x0  }
0xec: {  	[sflag:s4] =	ssyncadd.s32 $0xFFFFF000  }
0xed: {  	[tilespmem:s8], [sflag:$0x9] =	stream.linear.gather [spmem:s26], $0x1000, $0x38;
	[tilespmem:$0x15000] =	vst v63  }
0xee: {  	_ =	swait.ge [sflag:s4], $0x1000  }
0xef: {  	[sflag:s4] =	ssyncset.done $0x0  }
0xf0: {  	s23 =	rddreg [dreg:$0xb];
	[sflag:s4] =	ssyncadd.s32 $0xFFFFF000  }
0xf1: {  	[hbm4b:s23+s3] =	stream.linear.scatter [tilespmem:s8], [sflag:$0x9], $0x1000, $0x38;
	[tilespmem:$0x15000] =	vst v63  }
0xf2: {  	_ =	swait.ge [sflag:s4], $0x1000  }
0xf3: {  	[sflag:s4] =	ssyncset.done $0x0  }
0xf4: {  	[sflag:s4] =	ssyncadd.s32 $0xFFFFF000  }
0xf5: {  	[tilespmem:s8], [sflag:$0x9] =	stream.linear.gather [spmem:s28], $0x1000, $0x38;
	[tilespmem:$0x15000] =	vst v63  }
0xf6: {  	_ =	swait.ge [sflag:s4], $0x1000  }
0xf7: {  	[sflag:s4] =	ssyncset.done $0x0  }
0xf8: {  	s24 =	rddreg [dreg:$0xc];
	[sflag:s4] =	ssyncadd.s32 $0xFFFFF000  }
0xf9: {  	[hbm4b:s24+s3] =	stream.linear.scatter [tilespmem:s8], [sflag:$0x9], $0x1000, $0x38;
	[tilespmem:$0x15000] =	vst v63  }
0xfa: {  	_ =	swait.ge [sflag:s4], $0x1000  }
0xfb: {  	[sflag:s4] =	ssyncset.done $0x0  }
0xfc: {  	[sflag:s4] =	ssyncadd.s32 $0xFFFFF000  }
0xfd: {  	[tilespmem:s8], [sflag:$0x9] =	stream.linear.gather [spmem:s29], $0x1000, $0x38;
	[tilespmem:$0x15000] =	vst v63  }
0xfe: {  	_ =	swait.ge [sflag:s4], $0x1000  }
0xff: {  	[sflag:s4] =	ssyncset.done $0x0  }
0x100: {  	s23 =	rddreg [dreg:$0xd];
	[sflag:s4] =	ssyncadd.s32 $0xFFFFF000  }
0x101: {  	[hbm4b:s23+s3] =	stream.linear.scatter [tilespmem:s8], [sflag:$0x9], $0x1000, $0x38;
	[tilespmem:$0x15000] =	vst v63  }
0x102: {  	_ =	swait.ge [sflag:s4], $0x1000  }
0x103: {  	s21 =	sadd.s32 $0x1, s21;
	s24 =	rddreg [dreg:$0x11]  }
0x104: {  	p0 =	sne.s32 s21, s24  }
.Ltmp2:
0x105: {  	_ = 	snop;
	(pc) =	sbr.rel @p0 .LBB2_1-.Ltmp2, $3  }
0x106: {  	_ =	sdelay $0x1  }
0x107: {  	[sflag:s4] =	ssyncset.done $0x0  }
0x108: {  	[sflag:s4] =	ssyncadd.s32 $0xFFFFF000  }
0x109: {  	_ =	sfence.sel $0x180000  }
0x10a: {  	[bflag:$0x0] =	sbarrier.arrive $0xFFFF  }
0x10b: {  	_ =	strace $0x9000004A  }
0x10c: {  	s0 =	stileid.u32;
	[bflag:$0x2] =	sbarrier.arrive $0xFFFF  }
0x10d: {  	p0 =	sne.s32 s0, $0x0;
	s0 =	rddreg [dreg:$0x3]  }
0x10e: {  	s0 =	sadd.s32 @!p0 $0x100000, s0  }
0x10f: {  	[sflag:s0] =	ssyncadd.tile.s32 @!p0 $0x1;
	_ =	shalt  }
.Lfunc_end2:
_tile_overlayer_lowered:
.L_overlay_start_2:
0x110: {  	(tag) =	ssettag $0x2  }
0x111: {  	s0 =	rddreg [dreg:$0x0];
	s2 =	stileid.u32  }
0x112: {  	s1 =	rddreg [dreg:$0x1];
	p0 =	sne.s32 s2, $0x0  }
0x113: {  	s3 =	rddreg [dreg:$0x2];
	[bflag:$0x3] =	sbarrier.arrive $0xFFFF;
	s2 =	simm.s32 @!p0 $0x1C09  }
0x114: {  	[timem:s3], [sflag:s2] =	dma.local @!p0 [hbm:s0], s1  }
0x115: {  	s0 =	simm.s32 @!p0 $0x9  }
0x116: {  	_ =	swait.ge @!p0 [sflag:s0], s1  }
0x117: {  	s1 =	ssub.s32 @!p0 $0x0, s1;
	[sflag:s0] =	ssyncset.done @!p0 $0x0  }
0x118: {  	[sflag:s0] =	ssyncadd.s32 @!p0 s1  }
0x119: {  	[bflag:$0x3] =	sbarrier.arrive $0xFFFF  }
0x11a: {  	_ =	shalt  }

// kernel: kernel.14.cloned.1.call-start
scs
__scs_entry_jumppad:
0x0: {  	(pc) =	sbr.rel $0x88, $3  }
0x1: {  	(tag) =	ssettag $0x0;
	lr =	simm.s32 $0x1  }
0x2: {  	[smem:$0x3F99] =	sst lr;
	_ =	strace $0xD0000000  }
0x3: {  	_ = 	snop  }
0x4: {  	_ = 	snop  }
0x5: {  	_ = 	snop  }
0x6: {  	_ = 	snop  }
0x7: {  	_ = 	snop  }
__scs_overlays_trampoline_lowered:
0x8: {  	[smem:$0x3FA8] =	sst s0  }
0x9: {  	[smem:$0x3FA9] =	sst s1  }
0xa: {  	[smem:$0x3FAA] =	sst s2  }
0xb: {  	[smem:$0x3FAB] =	sst s3  }
0xc: {  	[smem:$0x3FAC] =	sst s4  }
0xd: {  	[smem:$0x3FAD] =	sst s5  }
0xe: {  	[smem:$0x3FAE] =	sst s6  }
0xf: {  	[smem:$0x3FAF] =	sst s7  }
0x10: {  	[smem:$0x3FB0] =	sst s8  }
0x11: {  	[smem:$0x3FB1] =	sst s9;
	s0 =	simm.s32 @!p0 $0x0  }
0x12: {  	s1 =	sld [smem:$0x3F97];
	s0 =	simm.s32 @p0 $0x1  }
0x13: {  	[smem:$0x3FB2] =	sst s0;
	s0 =	simm.s32 @!p1 $0x0  }
0x14: {  	s2 =	sld [smem:$0x3F96];
	s0 =	simm.s32 @p1 $0x1  }
0x15: {  	[smem:$0x3FB3] =	sst s0;
	s0 =	simm.s32 @!p2 $0x0  }
0x16: {  	s3 =	sld [smem:$0x3FDB];
	s0 =	simm.s32 @p2 $0x1  }
0x17: {  	s4 =	simm.s32 $0x1BF5;
	[smem:$0x3FB5] =	sst s0  }
0x18: {  	s0 =	sld [smem:$0x3F98];
	_ =	swait.ge [sflag:s4], $0x0  }
0x19: {  	s7 =	sld [smem:$0x3F99]  }
0x1a: {  	s8 =	sadd.s32 $0xFFFFE003, lr  }
0x1b: {  	s9 =	sadd.s32 $0xFFFFFEF7, lr;
	s5 =	simm.s32 $0xFFFFFFFF;
	p2 =	slt.u32 s8, $0xFFFFF086  }
0x1c: {  	p1 =	slt.u32 s9, $0xF7A;
	s5 =	simm.s32 @!p2 $0x0  }
0x1d: {  	s5 =	simm.s32 @p1 $0x1;
	p0 =	seq.s32 s7, s2  }
0x1e: {  	s7 =	smul.u32 @!p0 $0xF7A, s2;
	p2 =	seq.s32 @!p0 s5, $0x0  }
0x1f: {  	s9 =	smul.u32 $0xF7A, s1;
	s8 =	simm.s32 @!p0 $0x1BF5;
	p2 =	por !p2, p0  }
0x20: {  	[sflag:s8] =	ssyncset.s32 @!p0 $0xFFFFF086;
	s6 =	sadd.s32 @!p0 s3, s7;
	s7 =	simm.s32 @!p0 $0x108  }
0x21: {  	s3 =	sadd.s32 s3, s9;
	s6 =	sadd.s32 @!p0 $0x88, s6;
	s7 =	simm.s32 @p2 $0x1082  }
0x22: {  	[simem:s7], [sflag:s8] =	dma.local @!p0 [hbm:s6], $0xF7A  }
0x23: {  	s9 =	sor.u32 $0xD0000000, s2;
	s6 =	simm.s32 $0x108;
	_ =	swait.ge @!p0 [sflag:s8], $0x0  }
0x24: {  	s3 =	sadd.s32 $0x88, s3;
	s6 =	simm.s32 @!p1 $0x1082;
	[sflag:s4] =	ssyncset.s32 $0xFFFFF086  }
0x25: {  	[simem:s6], [sflag:s4] =	dma.local [hbm:s3], $0xF7A  }
0x26: {  	[smem:$0x3F99] =	sst s1;
	(tag) =	ssettag s2;
	_ =	strace s9  }
0x27: {  	s1 =	sld [smem:$0x3FA9]  }
0x28: {  	s2 =	sld [smem:$0x3FAA]  }
0x29: {  	s4 =	sld [smem:$0x3FAC]  }
0x2a: {  	p0 =	seq.s32 s5, $0x0;
	s5 =	sld [smem:$0x3FAD]  }
0x2b: {  	s6 =	sld [smem:$0x3FAE]  }
0x2c: {  	s7 =	sld [smem:$0x3FAF]  }
0x2d: {  	s3 =	simm.s32 $0x108;
	s8 =	sld [smem:$0x3FB0]  }
0x2e: {  	s3 =	simm.s32 @!p0 $0x1082;
	s9 =	sld [smem:$0x3FB1]  }
0x2f: {  	lr =	sadd.s32 s0, s3;
	s0 =	sld [smem:$0x3FA8]  }
0x30: {  	s3 =	sld [smem:$0x3FAB]  }
0x31: {  	[smem:$0x3FB4] =	sst s10  }
0x32: {  	s10 =	sld [smem:$0x3FB2];
	_ =	sdelay $0x3  }
0x33: {  	p0 =	seq.s32 s10, $0x1;
	s10 =	sld [smem:$0x3FB4];
	_ =	sdelay $0x3  }
0x34: {  	[smem:$0x3FB4] =	sst s10  }
0x35: {  	s10 =	sld [smem:$0x3FB3];
	_ =	sdelay $0x3  }
0x36: {  	p1 =	seq.s32 s10, $0x1;
	s10 =	sld [smem:$0x3FB4];
	_ =	sdelay $0x3  }
0x37: {  	[smem:$0x3FB4] =	sst s10  }
0x38: {  	s10 =	sld [smem:$0x3FB5]  }
0x39: {  	_ = 	snop;
	(pc) =	sbr.ind lr, $3  }
0x3a: {  	_ = 	snop  }
0x3b: {  	_ = 	snop  }
0x3c: {  	p2 =	seq.s32 s10, $0x1;
	s10 =	sld [smem:$0x3FB4]  }
0x3d: {  	_ =	shalt  }
0x3e: {  	_ =	shalt  }
0x3f: {  	_ =	shalt  }
0x40: {  	_ =	shalt  }
0x41: {  	_ =	shalt  }
0x42: {  	_ =	shalt  }
0x43: {  	_ =	shalt  }
0x44: {  	_ =	shalt  }
0x45: {  	_ =	shalt  }
0x46: {  	_ =	shalt  }
0x47: {  	_ =	shalt  }
0x48: {  	_ =	shalt  }
0x49: {  	_ =	shalt  }
0x4a: {  	_ =	shalt  }
0x4b: {  	_ =	shalt  }
0x4c: {  	_ =	shalt  }
0x4d: {  	_ =	shalt  }
0x4e: {  	_ =	shalt  }
0x4f: {  	_ =	shalt  }
0x50: {  	_ =	shalt  }
0x51: {  	_ =	shalt  }
0x52: {  	_ =	shalt  }
0x53: {  	_ =	shalt  }
0x54: {  	_ =	shalt  }
0x55: {  	_ =	shalt  }
0x56: {  	_ =	shalt  }
0x57: {  	_ =	shalt  }
0x58: {  	_ =	shalt  }
0x59: {  	_ =	shalt  }
0x5a: {  	_ =	shalt  }
0x5b: {  	_ =	shalt  }
0x5c: {  	_ =	shalt  }
0x5d: {  	_ =	shalt  }
0x5e: {  	_ =	shalt  }
0x5f: {  	_ =	shalt  }
0x60: {  	_ =	shalt  }
0x61: {  	_ =	shalt  }
0x62: {  	_ =	shalt  }
0x63: {  	_ =	shalt  }
0x64: {  	_ =	shalt  }
0x65: {  	_ =	shalt  }
0x66: {  	_ =	shalt  }
0x67: {  	_ =	shalt  }
0x68: {  	_ =	shalt  }
0x69: {  	_ =	shalt  }
0x6a: {  	_ =	shalt  }
0x6b: {  	_ =	shalt  }
0x6c: {  	_ =	shalt  }
0x6d: {  	_ =	shalt  }
0x6e: {  	_ =	shalt  }
0x6f: {  	_ =	shalt  }
0x70: {  	_ =	shalt  }
0x71: {  	_ =	shalt  }
0x72: {  	_ =	shalt  }
0x73: {  	_ =	shalt  }
0x74: {  	_ =	shalt  }
0x75: {  	_ =	shalt  }
0x76: {  	_ =	shalt  }
0x77: {  	_ =	shalt  }
0x78: {  	_ =	shalt  }
0x79: {  	_ =	shalt  }
0x7a: {  	_ =	shalt  }
0x7b: {  	_ =	shalt  }
0x7c: {  	_ =	shalt  }
0x7d: {  	_ =	shalt  }
0x7e: {  	_ =	shalt  }
0x7f: {  	_ =	shalt  }
0x80: {  	_ =	shalt  }
0x81: {  	_ =	shalt  }
0x82: {  	_ =	shalt  }
0x83: {  	_ =	shalt  }
0x84: {  	_ =	shalt  }
0x85: {  	_ =	shalt  }
0x86: {  	_ =	shalt  }
0x87: {  	_ =	shalt  }
.Lfunc_end0:
.L_simem_size_0:
called_computation.2_lowered:
.L_overlay_start_0:
0x88: {  	s2 =	sld [smem:$0x3FD9]  }
0x89: {  	s3 =	sld [smem:$0x3FFE];
	_ =	sdelay $0x1  }
0x8a: {  	s1 =	srdreg.scid  }
0x8b: {  	s0 =	sand.u32 $0x1, s1  }
0x8c: {  	s14 =	sshll.u32 s0, $0xA;
	s2 =	sadd.s32 s3, s2  }
0x8d: {  	s2 =	sadd.s32 s2, s14  }
0x8e: {  	[smem:$0x3FC0] =	sst s2  }
0x8f: {  	_ = 	snop  }
0x90: {  	s2 =	sld [smem:$0x3FD0];
	_ =	sdelay $0x2  }
0x91: {  	s15 =	simm.s32 $0xA;
	s4 =	simm.s32 $0x10  }
0x92: {  	[smem:s4], [sflag:s15] =	dma.local [hbm:s2], $0x1  }
0x93: {  	_ =	swait.eq [sflag:s15], $0x1  }
0x94: {  	[sflag:s15] =	ssyncset.done $0x0  }
0x95: {  	s16 =	sld [smem:$0x10];
	[sflag:s15] =	ssyncadd.s32 $0xFFFFFFFF  }
0x96: {  	s17 =	sld [smem:$0x11];
	(tm) =	ssettm $0x1  }
0x97: {  	s18 =	sld [smem:$0x3FFB];
	_ =	sdelay $0x3  }
0x98: {  	_ =	strace s18  }
0x99: {  	s4 =	sld [smem:$0x3FFC];
	_ =	sdelay $0x3  }
0x9a: {  	_ =	strace s4  }
0x9b: {  	s4 =	sld [smem:$0x3FFD];
	_ =	sdelay $0x3  }
0x9c: {  	_ =	strace s4  }
0x9d: {  	_ =	strace $0x8FFFFFFF  }
0x9e: {  	s19 =	sld [smem:$0x3FDB];
	_ =	sdelay $0x1  }
0x9f: {  	s5 =	simm.s32 $_scs_section_size  }
0xa0: {  	s6 =	simm.s32 $_size__tile_overlayer_lowered;
	s7 =	simm.s32 $_tile_overlayer_lowered  }
0xa1: {  	s22 =	simm.s32 $0x1BFF;
	s21 =	sshll.u32 s7, $0x1;
	s4 =	sadd.s32 s5, s19  }
0xa2: {  	s8 =	simm.s32 $0x0;
	s20 =	sshll.u32 s6, $0x1;
	s6 =	sadd.s32 s21, s4  }
0xa3: {  	[timem:s8], [sflag:s22] =	dma.local [hbm:s6], s20  }
0xa4: {  	_ =	swait.ge [sflag:s22], s20  }
0xa5: {  	s5 =	ssub.s32 $0x0, s20;
	[sflag:s22] =	ssyncset.done $0x0  }
0xa6: {  	[sflag:s22] =	ssyncadd.s32 s5;
	_ =	sdelay $0x1  }
0xa7: {  	s23 =	simm.s32 $0x1B8B  }
0xa8: {  	_ =	swait.ge [sflag:s23], $0x1  }
0xa9: {  	[sflag:s23] =	ssyncset.done $0x0  }
0xaa: {  	s25 =	simm.s32 $0x1B8E;
	s24 =	sld [smem:$0x3FFE];
	[sflag:s23] =	ssyncadd.s32 $0xFFFFFFFF  }
0xab: {  	s26 =	simm.s32 $execute0_lowered;
	[smem:$0x3FD2] =	sst s25  }
0xac: {  	s6 =	sshll.u32 s26, $0x1;
	_ =	strace $0x8000004C;
	[dreg:$0x1] =	wrdreg $0xFFFFFFFF  }
0xad: {  	s28 =	simm.s32 $_size_execute0_lowered;
	s4 =	sadd.s32 s4, s6;
	[dreg:$0x0] =	wrdreg $0x0  }
0xae: {  	s6 =	sshll.u32 s28, $0x1;
	[dreg:$0x2] =	wrdreg s4  }
0xaf: {  	[dreg:$0x3] =	wrdreg s6  }
0xb0: {  	[dreg:$0x4] =	wrdreg $0xC0  }
0xb1: {  	_ =	task [dreg:s8], $0x5FFFF  }
0xb2: {  	[dreg:$0x1] =	wrdreg $0xFFFFFFFF  }
0xb3: {  	[dreg:$0x0] =	wrdreg $0x60  }
0xb4: {  	[dreg:$0x2] =	wrdreg s17  }
0xb5: {  	[dreg:$0x3] =	wrdreg s16  }
0xb6: {  	[dreg:$0x4] =	wrdreg s24  }
0xb7: {  	[dreg:$0x5] =	wrdreg $0xB0000  }
0xb8: {  	[dreg:$0x6] =	wrdreg $0x9  }
0xb9: {  	_ =	task.clear_ibuf [dreg:s8], $0x7FFFF;
	_ =	strace $0x9000004C  }
0xba: {  	s29 =	simm.s32 $0x9;
	_ =	strace $0x8000004E  }
0xbb: {  	_ =	swait.ge [sflag:s29], $0x1  }
0xbc: {  	[sflag:s29] =	ssyncadd.s32 $0xFFFFFFFF  }
0xbd: {  	_ =	strace $0x9000004E  }
0xbe: {  	_ =	sfence  }
0xbf: {  	s30 =	sld [smem:$0x0];
	_ =	sdelay $0x2  }
0xc0: {  	s31 =	sshll.u32 s1, $0xD;
	s1 =	sshrl.u32 s1, $0x2  }
0xc1: {  	s3 =	sand.u32 $0x4000, s31;
	s1 =	sadd.s32 s1, s30  }
0xc2: {  	s0 =	sor.u32 s3, s0;
	s1 =	sshll.u32 s1, $0x11  }
0xc3: {  	s0 =	sor.u32 s1, s0  }
0xc4: {  	s0 =	sadd.s32 $0x8F2B, s0  }
0xc5: {  	[sflag:s0] =	ssyncadd.remote.s32 $0x1  }
0xc6: {  	_ =	sfence.sel $0xFFFF  }
0xc7: {  	[dreg:$0x0] =	wrdreg $0xFFFFFFFF;
	(pc) =	sbr.abs _section_cstart, $3  }
0xc8: {  	[dreg:$0x1] =	wrdreg $0xFFFFFFFF  }
0xc9: {  	_ =	task.clear_ibuf [dreg:s8], $0x2FFFF;
	_ =	strace $0x9FFFFFFF  }
0xca: {  	(tm) =	ssettm $0x7FFFFFFF  }
0xcb: {  	_ =	shalt  }
tec
execute0_lowered:
.L_overlay_start_1:
0x0: {  	(tag) =	ssettag $0x1  }
0x1: {  	s0 =	rddreg [dreg:$0x0]  }
0x2: {  	s2 =	rddreg [dreg:$0x1];
	s1 =	srdreg.scid  }
0x3: {  	s3 =	rddreg [dreg:$0x2];
	s11 =	stileid.u32  }
0x4: {  	s4 =	rddreg [dreg:$0x3];
	s7 =	smul.u32 $0xA0, s11  }
0x5: {  	s5 =	simm.s32 $0x0;
	s1 =	sand.u32 $0x1, s1;
	s8 =	smul.u32 $0x28000, s11  }
0x6: {  	[smem:$0x7FF] =	sst s5;
	s6 =	smul.u32 $0xA00, s1  }
0x7: {  	_ =	strace $0x8000004D;
	s16 =	ssub.s32 $0x2, s1;
	s10 =	smul.u32 $0x28000, s1  }
0x8: {  	s1 =	smul.u32 $0x280000, s1;
	s9 =	sshrl.u32 s16, $0x1;
	s18 =	sshrl.u32 s8, $0x2  }
0x9: {  	s8 =	smul.u32 $0x14000, s11;
	s6 =	sadd.s32 s7, s6;
	s7 =	ssub.s32 s16, s9  }
0xa: {  	s11 =	sadd.s32 s18, s4;
	s1 =	sshrl.u32 s1, $0x4;
	s6 =	sshll.u32 s6, $0x3  }
0xb: {  	s19 =	sshrl.u32 s8, $0x1;
	s20 =	sor.u32 $0x2000, s8;
	s23 =	smax.u32 s7, $0x1  }
0xc: {  	s24 =	sadd.s32 $0x4000, s8;
	s28 =	sadd.s32 $0x6000, s8;
	s30 =	sadd.s32 $0x8000, s8  }
0xd: {  	s15 =	sadd.s32 $0xA000, s8;
	s18 =	sadd.s32 $0xC000, s8;
	s31 =	smov.u32 s11  }
0xe: {  	s6 =	sadd.s32 s6, s3;
	s3 =	sadd.s32 $0x15E00, s3;
	s21 =	sadd.s32 s19, s4  }
0xf: {  	s22 =	sshrl.u32 s20, $0x1;
	[dreg:$0x8] =	wrdreg s23;
	s25 =	sshrl.u32 s20, $0x4  }
0x10: {  	s26 =	sshrl.u32 s24, $0x1;
	s29 =	sshrl.u32 s28, $0x1;
	s13 =	sshrl.u32 s30, $0x1  }
0x11: {  	s14 =	sshrl.u32 s28, $0x4;
	s16 =	sshrl.u32 s30, $0x4;
	[dreg:$0x7] =	wrdreg s21  }
0x12: {  	s19 =	sshrl.u32 s18, $0x1;
	s20 =	sadd.s32 $0xE000, s8;
	[dreg:$0xa] =	wrdreg s25  }
0x13: {  	s23 =	sshrl.u32 s18, $0x4;
	s18 =	simm.s32 $0x8000;
	[dreg:$0xe] =	wrdreg s14  }
0x14: {  	s17 =	sadd.s32 $0xBE00, s6;
	s6 =	sadd.s32 $0x1E00, s6;
	[dreg:$0x10] =	wrdreg s16  }
0x15: {  	s9 =	sadd.s32 s3, s10;
	s1 =	sadd.s32 s3, s1;
	[dreg:$0x14] =	wrdreg s23  }
0x16: {  	s3 =	sadd.s32 s26, s4;
	s12 =	sadd.s32 s29, s4;
	[dreg:$0x5] =	wrdreg s17  }
0x17: {  	s21 =	sadd.s32 s19, s4;
	s25 =	sshrl.u32 s8, $0x4;
	[dreg:$0x6] =	wrdreg s6  }
0x18: {  	s26 =	sadd.s32 $0x12000, s8;
	s7 =	sshrl.u32 s20, $0x4;
	[dreg:$0xb] =	wrdreg s3  }
0x19: {  	s14 =	simm.s32 $0x40;
	s16 =	simm.s32 $0x6000;
	[dreg:$0xd] =	wrdreg s12  }
0x1a: {  	s19 =	simm.s32 $0x1;
	s23 =	simm.s32 $0x5;
	[dreg:$0x13] =	wrdreg s21  }
0x1b: {  	s10 =	sadd.s32 $0x14000, s1;
	s1 =	sadd.s32 s22, s4;
	[dreg:$0x16] =	wrdreg s25  }
0x1c: {  	s17 =	sshrl.u32 s15, $0x1;
	s22 =	sshrl.u32 s20, $0x1;
	[dreg:$0x17] =	wrdreg s7  }
0x1d: {  	s29 =	sshrl.u32 s26, $0x1;
	s7 =	sadd.s32 $0x6000, s11;
	s12 =	sadd.s32 $0x8000, s11  }
0x1e: {  	s20 =	simm.s32 $0x2;
	s21 =	simm.s32 $0x3;
	s25 =	simm.s32 $0x7  }
0x1f: {  	[dreg:$0x9] =	wrdreg s1;
	s1 =	sshrl.u32 s24, $0x4;
	s3 =	sadd.s32 s17, s4  }
0x20: {  	s24 =	sadd.s32 $0x10000, s8;
	s30 =	sadd.s32 s29, s4;
	[dreg:$0xc] =	wrdreg s1  }
0x21: {  	s17 =	simm.s32 $0x7000;
	s8 =	simm.s32 $0x0;
	[dreg:$0x11] =	wrdreg s3  }
0x22: {  	s1 =	sadd.s32 s13, s4;
	s28 =	sshrl.u32 s24, $0x1;
	[dreg:$0x1a] =	wrdreg s30  }
0x23: {  	s3 =	sshrl.u32 s26, $0x4;
	s13 =	simm.s32 $0x9000;
	s26 =	simm.s32 $0x8  }
0x24: {  	[dreg:$0xf] =	wrdreg s1;
	s1 =	sshrl.u32 s15, $0x4;
	s6 =	sadd.s32 s28, s4  }
0x25: {  	s15 =	simm.s32 $0x5000;
	[dreg:$0x12] =	wrdreg s1;
	s1 =	sadd.s32 s22, s4  }
0x26: {  	[dreg:$0x18] =	wrdreg s6;
	s6 =	sadd.s32 $0x4000, s11;
	s22 =	simm.s32 $0x4  }
0x27: {  	[dreg:$0x15] =	wrdreg s1;
	s1 =	sshrl.u32 s24, $0x4;
	s24 =	simm.s32 $0x6  }
0x28: {  	v0 =	vimm.bf16 $0.0e+00;
	[dreg:$0x19] =	wrdreg s1;
	s1 =	sadd.s32 $0x2000, s11;
	s11 =	simm.s32 $0x9  }
.LBB2_1:
0x29: {  	s29 =	simm.s32 $0x100;
	s28 =	simm.s32 $0x0  }
.LBB2_2:
0x2a: {  	p0 =	sne.s32 s29, $0x7F00;
	[tilespmem:s28+$0x9030] =	vst v0;
	s30 =	smov.u32 s29;
	s29 =	sadd.s32 $0x100, s29  }
.Ltmp0:
0x2b: {  	[tilespmem:s28+$0x9020] =	vst v0;
	(pc) =	sbr.rel @p0 .LBB2_2-.Ltmp0, $3  }
0x2c: {  	[tilespmem:s28+$0x9000] =	vst v0  }
0x2d: {  	[tilespmem:s28+$0x9010] =	vst v0;
	_ =	sdelay $0x1  }
0x2e: {  	s28 =	sshra.s32 s30, $0x2  }
0x2f: {  	[tilespmem:s28+$0x9030] =	vst v0  }
0x30: {  	[tilespmem:s28+$0x9020] =	vst v0  }
0x31: {  	[tilespmem:s28+$0x9000] =	vst v0  }
0x32: {  	[tilespmem:s28+$0x9010] =	vst v0;
	s28 =	simm.s32 $0x0;
	s29 =	rddreg [dreg:$0x5]  }
0x33: {  	[tilespmem:s28], [sflag:$0x9] =	stream.linear.gather [hbm4b:s29+s28], $0x2800, $0x38;
	[tilespmem:$0x15000] =	vst v63  }
0x34: {  	_ =	swait.ge [sflag:s11], $0x2800  }
0x35: {  	[sflag:s11] =	ssyncset.done $0x0  }
0x36: {  	s30 =	simm.s32 $0x2800;
	s29 =	rddreg [dreg:$0x6];
	[sflag:s11] =	ssyncadd.s32 $0xFFFFD800  }
0x37: {  	[tilespmem:s30], [sflag:$0x9] =	stream.linear.gather [hbm4b:s29+s28], $0x2800, $0x38;
	[tilespmem:$0x15000] =	vst v63  }
0x38: {  	_ =	swait.ge [sflag:s11], $0x2800  }
0x39: {  	[sflag:s11] =	ssyncset.done $0x0  }
0x3a: {  	[sflag:s11] =	ssyncadd.s32 $0xFFFFD800  }
0x3b: {  	[spmem:s31] =	stream.linear.scatter [tilespmem:s13], [sflag:$0x9], $0x2000, $0x38;
	[tilespmem:$0x15000] =	vst v63  }
0x3c: {  	_ =	swait.ge [sflag:s11], $0x2000  }
0x3d: {  	[sflag:s11] =	ssyncset.done $0x0  }
0x3e: {  	[sflag:s11] =	ssyncadd.s32 $0xFFFFE000  }
0x3f: {  	[spmem:s1] =	stream.linear.scatter [tilespmem:s13], [sflag:$0x9], $0x2000, $0x38;
	[tilespmem:$0x15000] =	vst v63  }
0x40: {  	_ =	swait.ge [sflag:s11], $0x2000  }
0x41: {  	[sflag:s11] =	ssyncset.done $0x0  }
0x42: {  	[sflag:s11] =	ssyncadd.s32 $0xFFFFE000  }
0x43: {  	[spmem:s6] =	stream.linear.scatter [tilespmem:s13], [sflag:$0x9], $0x2000, $0x38;
	[tilespmem:$0x15000] =	vst v63  }
0x44: {  	_ =	swait.ge [sflag:s11], $0x2000  }
0x45: {  	[sflag:s11] =	ssyncset.done $0x0  }
0x46: {  	[sflag:s11] =	ssyncadd.s32 $0xFFFFE000  }
0x47: {  	[spmem:s7] =	stream.linear.scatter [tilespmem:s13], [sflag:$0x9], $0x2000, $0x38;
	[tilespmem:$0x15000] =	vst v63  }
0x48: {  	_ =	swait.ge [sflag:s11], $0x2000  }
0x49: {  	[sflag:s11] =	ssyncset.done $0x0  }
0x4a: {  	[sflag:s11] =	ssyncadd.s32 $0xFFFFE000  }
0x4b: {  	[spmem:s12] =	stream.linear.scatter [tilespmem:s13], [sflag:$0x9], $0x2000, $0x38;
	[tilespmem:$0x15000] =	vst v63  }
0x4c: {  	_ =	swait.ge [sflag:s11], $0x2000  }
0x4d: {  	[sflag:s11] =	ssyncset.done $0x0  }
0x4e: {  	[sflag:s11] =	ssyncadd.s32 $0xFFFFE000  }
0x4f: {  	[bflag:$0x0] =	sbarrier.arrive $0xFFFF  }
0x50: {  	[tilespmem:s15], [sflag:$0x1] =	stream.indirect.gather [hbm4b:s0+s14], $0x40, s28, s14, $0xb8;
	[tilespmem:$0x15000] =	vst v63  }
0x51: {  	_ = 	snop  }
0x52: {  	[tilespmem:s16], [sflag:$0x2] =	stream.indirect.gather [hbm4b:s0+s14], $0x40, s14, s14, $0xb8;
	[tilespmem:$0x15000] =	vst v63  }
0x53: {  	s28 =	simm.s32 $0x80  }
0x54: {  	[tilespmem:s17], [sflag:$0x3] =	stream.indirect.gather [hbm4b:s0+s14], $0x40, s28, s14, $0xb8;
	[tilespmem:$0x15000] =	vst v63  }
0x55: {  	s28 =	simm.s32 $0xC0  }
0x56: {  	[tilespmem:s18], [sflag:$0x4] =	stream.indirect.gather [hbm4b:s0+s14], $0x40, s28, s14, $0xb8;
	[tilespmem:$0x15000] =	vst v63  }
0x57: {  	_ =	swait.ge [sflag:s19], $0x1000  }
0x58: {  	[sflag:s19] =	ssyncset.done $0x0  }
0x59: {  	s28 =	simm.s32 $0x2800;
	[sflag:s19] =	ssyncadd.s32 $0xFFFFF000  }
0x5a: {  	[spmem:s4] =	stream.indirect.scatter.add.bf16 [tilespmem:s15], [sflag:$0x5], $0x40, s28, s14, $0xb8;
	[tilespmem:$0x15000] =	vst v63  }
0x5b: {  	_ =	swait.ge [sflag:s20], $0x1000  }
0x5c: {  	[sflag:s20] =	ssyncset.done $0x0  }
0x5d: {  	s28 =	simm.s32 $0x2840;
	[sflag:s20] =	ssyncadd.s32 $0xFFFFF000  }
0x5e: {  	[spmem:s4] =	stream.indirect.scatter.add.bf16 [tilespmem:s16], [sflag:$0x6], $0x40, s28, s14, $0xb8;
	[tilespmem:$0x15000] =	vst v63  }
0x5f: {  	_ =	swait.ge [sflag:s21], $0x1000  }
0x60: {  	[sflag:s21] =	ssyncset.done $0x0  }
0x61: {  	s28 =	simm.s32 $0x2880;
	[sflag:s21] =	ssyncadd.s32 $0xFFFFF000  }
0x62: {  	[spmem:s4] =	stream.indirect.scatter.add.bf16 [tilespmem:s17], [sflag:$0x7], $0x40, s28, s14, $0xb8;
	[tilespmem:$0x15000] =	vst v63  }
0x63: {  	_ =	swait.ge [sflag:s22], $0x1000  }
0x64: {  	[sflag:s22] =	ssyncset.done $0x0  }
0x65: {  	s28 =	simm.s32 $0x28C0;
	[sflag:s22] =	ssyncadd.s32 $0xFFFFF000  }
0x66: {  	[spmem:s4] =	stream.indirect.scatter.add.bf16 [tilespmem:s18], [sflag:$0x8], $0x40, s28, s14, $0xb8;
	[tilespmem:$0x15000] =	vst v63  }
0x67: {  	_ =	swait.ge [sflag:s23], $0x1000  }
0x68: {  	[sflag:s23] =	ssyncset.done $0x0  }
0x69: {  	s28 =	simm.s32 $0x100;
	[sflag:s23] =	ssyncadd.s32 $0xFFFFF000  }
0x6a: {  	[tilespmem:s15], [sflag:$0x1] =	stream.indirect.gather [hbm4b:s0+s14], $0x40, s28, s14, $0xb8;
	[tilespmem:$0x15000] =	vst v63  }
0x6b: {  	_ =	swait.ge [sflag:s24], $0x1000  }
0x6c: {  	[sflag:s24] =	ssyncset.done $0x0  }
0x6d: {  	s28 =	simm.s32 $0x140;
	[sflag:s24] =	ssyncadd.s32 $0xFFFFF000  }
0x6e: {  	[tilespmem:s16], [sflag:$0x2] =	stream.indirect.gather [hbm4b:s0+s14], $0x40, s28, s14, $0xb8;
	[tilespmem:$0x15000] =	vst v63  }
0x6f: {  	_ =	swait.ge [sflag:s25], $0x1000  }
0x70: {  	[sflag:s25] =	ssyncset.done $0x0  }
0x71: {  	s28 =	simm.s32 $0x180;
	[sflag:s25] =	ssyncadd.s32 $0xFFFFF000  }
0x72: {  	[tilespmem:s17], [sflag:$0x3] =	stream.indirect.gather [hbm4b:s0+s14], $0x40, s28, s14, $0xb8;
	[tilespmem:$0x15000] =	vst v63  }
0x73: {  	_ =	swait.ge [sflag:s26], $0x1000  }
0x74: {  	[sflag:s26] =	ssyncset.done $0x0  }
0x75: {  	s29 =	simm.s32 $0x1C0;
	s28 =	simm.s32 $0x400;
	[sflag:s26] =	ssyncadd.s32 $0xFFFFF000  }
.LBB2_4:
0x76: {  	[tilespmem:s18], [sflag:$0x4] =	stream.indirect.gather [hbm4b:s0+s14], $0x40, s29, s14, $0xb8;
	[tilespmem:$0x15000] =	vst v63  }
0x77: {  	s29 =	smov.u32 s28  }
0x78: {  	p0 =	sne.s32 s28, $0x9800;
	s28 =	sadd.s32 $0x400, s28;
	_ =	swait.ge [sflag:s19], $0x1000  }
0x79: {  	s29 =	sshra.s32 s29, $0x2;
	[sflag:s19] =	ssyncset.done $0x0  }
0x7a: {  	s30 =	sadd.s32 $0x2800, s29;
	[sflag:s19] =	ssyncadd.s32 $0xFFFFF000  }
0x7b: {  	[spmem:s4] =	stream.indirect.scatter.add.bf16 [tilespmem:s15], [sflag:$0x5], $0x40, s30, s14, $0xb8;
	[tilespmem:$0x15000] =	vst v63  }
0x7c: {  	_ =	swait.ge [sflag:s20], $0x1000  }
0x7d: {  	[sflag:s20] =	ssyncset.done $0x0  }
0x7e: {  	s30 =	sadd.s32 $0x2840, s29;
	[sflag:s20] =	ssyncadd.s32 $0xFFFFF000  }
0x7f: {  	[spmem:s4] =	stream.indirect.scatter.add.bf16 [tilespmem:s16], [sflag:$0x6], $0x40, s30, s14, $0xb8;
	[tilespmem:$0x15000] =	vst v63  }
0x80: {  	_ =	swait.ge [sflag:s21], $0x1000  }
0x81: {  	[sflag:s21] =	ssyncset.done $0x0  }
0x82: {  	s30 =	sadd.s32 $0x2880, s29;
	[sflag:s21] =	ssyncadd.s32 $0xFFFFF000  }
0x83: {  	[spmem:s4] =	stream.indirect.scatter.add.bf16 [tilespmem:s17], [sflag:$0x7], $0x40, s30, s14, $0xb8;
	[tilespmem:$0x15000] =	vst v63  }
0x84: {  	_ =	swait.ge [sflag:s22], $0x1000  }
0x85: {  	[sflag:s22] =	ssyncset.done $0x0  }
0x86: {  	s30 =	sadd.s32 $0x28C0, s29;
	[sflag:s22] =	ssyncadd.s32 $0xFFFFF000  }
0x87: {  	[spmem:s4] =	stream.indirect.scatter.add.bf16 [tilespmem:s18], [sflag:$0x8], $0x40, s30, s14, $0xb8;
	[tilespmem:$0x15000] =	vst v63  }
0x88: {  	_ =	swait.ge [sflag:s23], $0x1000  }
0x89: {  	[sflag:s23] =	ssyncset.done $0x0  }
0x8a: {  	s30 =	sadd.s32 $0x100, s29;
	[sflag:s23] =	ssyncadd.s32 $0xFFFFF000  }
0x8b: {  	[tilespmem:s15], [sflag:$0x1] =	stream.indirect.gather [hbm4b:s0+s14], $0x40, s30, s14, $0xb8;
	[tilespmem:$0x15000] =	vst v63  }
0x8c: {  	_ =	swait.ge [sflag:s24], $0x1000  }
0x8d: {  	[sflag:s24] =	ssyncset.done $0x0  }
0x8e: {  	s30 =	sadd.s32 $0x140, s29;
	[sflag:s24] =	ssyncadd.s32 $0xFFFFF000  }
0x8f: {  	[tilespmem:s16], [sflag:$0x2] =	stream.indirect.gather [hbm4b:s0+s14], $0x40, s30, s14, $0xb8;
	[tilespmem:$0x15000] =	vst v63  }
0x90: {  	_ =	swait.ge [sflag:s25], $0x1000  }
0x91: {  	[sflag:s25] =	ssyncset.done $0x0  }
.Ltmp1:
0x92: {  	s30 =	sadd.s32 $0x180, s29;
	[sflag:s25] =	ssyncadd.s32 $0xFFFFF000;
	(pc) =	sbr.rel @p0 .LBB2_4-.Ltmp1, $4  }
0x93: {  	[tilespmem:s17], [sflag:$0x3] =	stream.indirect.gather [hbm4b:s0+s14], $0x40, s30, s14, $0xb8;
	[tilespmem:$0x15000] =	vst v63  }
0x94: {  	_ =	swait.ge [sflag:s26], $0x1000  }
0x95: {  	[sflag:s26] =	ssyncset.done $0x0  }
0x96: {  	s29 =	sadd.s32 $0x1C0, s29;
	[sflag:s26] =	ssyncadd.s32 $0xFFFFF000  }
0x97: {  	[tilespmem:s18], [sflag:$0x4] =	stream.indirect.gather [hbm4b:s0+s14], $0x40, s29, s14, $0xb8;
	[tilespmem:$0x15000] =	vst v63  }
0x98: {  	_ =	swait.ge [sflag:s19], $0x1000  }
0x99: {  	[sflag:s19] =	ssyncset.done $0x0  }
0x9a: {  	s28 =	simm.s32 $0x4F00;
	[sflag:s19] =	ssyncadd.s32 $0xFFFFF000  }
0x9b: {  	[spmem:s4] =	stream.indirect.scatter.add.bf16 [tilespmem:s15], [sflag:$0x5], $0x40, s28, s14, $0xb8;
	[tilespmem:$0x15000] =	vst v63  }
0x9c: {  	_ =	swait.ge [sflag:s20], $0x1000  }
0x9d: {  	[sflag:s20] =	ssyncset.done $0x0  }
0x9e: {  	s28 =	simm.s32 $0x4F40;
	[sflag:s20] =	ssyncadd.s32 $0xFFFFF000  }
0x9f: {  	[spmem:s4] =	stream.indirect.scatter.add.bf16 [tilespmem:s16], [sflag:$0x6], $0x40, s28, s14, $0xb8;
	[tilespmem:$0x15000] =	vst v63  }
0xa0: {  	_ =	swait.ge [sflag:s21], $0x1000  }
0xa1: {  	[sflag:s21] =	ssyncset.done $0x0  }
0xa2: {  	s28 =	simm.s32 $0x4F80;
	[sflag:s21] =	ssyncadd.s32 $0xFFFFF000  }
0xa3: {  	[spmem:s4] =	stream.indirect.scatter.add.bf16 [tilespmem:s17], [sflag:$0x7], $0x40, s28, s14, $0xb8;
	[tilespmem:$0x15000] =	vst v63  }
0xa4: {  	_ =	swait.ge [sflag:s22], $0x1000  }
0xa5: {  	[sflag:s22] =	ssyncset.done $0x0  }
0xa6: {  	s28 =	simm.s32 $0x4FC0;
	[sflag:s22] =	ssyncadd.s32 $0xFFFFF000  }
0xa7: {  	[spmem:s4] =	stream.indirect.scatter.add.bf16 [tilespmem:s18], [sflag:$0x8], $0x40, s28, s14, $0xb8;
	[tilespmem:$0x15000] =	vst v63  }
0xa8: {  	_ =	swait.ge [sflag:s23], $0x1000  }
0xa9: {  	[sflag:s23] =	ssyncset.done $0x0  }
0xaa: {  	[sflag:s23] =	ssyncadd.s32 $0xFFFFF000  }
0xab: {  	_ =	swait.ge [sflag:s24], $0x1000  }
0xac: {  	[sflag:s24] =	ssyncset.done $0x0  }
0xad: {  	[sflag:s24] =	ssyncadd.s32 $0xFFFFF000  }
0xae: {  	_ =	swait.ge [sflag:s25], $0x1000  }
0xaf: {  	[sflag:s25] =	ssyncset.done $0x0  }
0xb0: {  	[sflag:s25] =	ssyncadd.s32 $0xFFFFF000  }
0xb1: {  	_ =	swait.ge [sflag:s26], $0x1000  }
0xb2: {  	[sflag:s26] =	ssyncset.done $0x0  }
0xb3: {  	[sflag:s26] =	ssyncadd.s32 $0xFFFFF000  }
0xb4: {  	[bflag:$0x0] =	sbarrier.arrive $0xFFFF  }
0xb5: {  	s28 =	rddreg [dreg:$0x7]  }
0xb6: {  	[tilespmem:s15], [sflag:$0x9] =	stream.linear.gather [spmem:s28], $0x1000, $0x38;
	[tilespmem:$0x15000] =	vst v63  }
0xb7: {  	_ =	swait.ge [sflag:s11], $0x1000  }
0xb8: {  	[sflag:s11] =	ssyncset.done $0x0;
	s28 =	rddreg [dreg:$0x16]  }
0xb9: {  	[sflag:s11] =	ssyncadd.s32 $0xFFFFF000;
	s29 =	sadd.s32 s28, s9;
	s28 =	simm.s32 $0x0  }
0xba: {  	[hbm4b:s29+s28] =	stream.linear.scatter [tilespmem:s15], [sflag:$0x9], $0x1000, $0x38;
	[tilespmem:$0x15000] =	vst v63  }
0xbb: {  	_ =	swait.ge [sflag:s11], $0x1000  }
0xbc: {  	[sflag:s11] =	ssyncset.done $0x0  }
0xbd: {  	s29 =	rddreg [dreg:$0x9];
	[sflag:s11] =	ssyncadd.s32 $0xFFFFF000  }
0xbe: {  	[tilespmem:s15], [sflag:$0x9] =	stream.linear.gather [spmem:s29], $0x1000, $0x38;
	[tilespmem:$0x15000] =	vst v63  }
0xbf: {  	_ =	swait.ge [sflag:s11], $0x1000  }
0xc0: {  	[sflag:s11] =	ssyncset.done $0x0;
	s29 =	rddreg [dreg:$0xa]  }
0xc1: {  	[sflag:s11] =	ssyncadd.s32 $0xFFFFF000;
	s29 =	sadd.s32 s29, s9  }
0xc2: {  	[hbm4b:s29+s28] =	stream.linear.scatter [tilespmem:s15], [sflag:$0x9], $0x1000, $0x38;
	[tilespmem:$0x15000] =	vst v63  }
0xc3: {  	_ =	swait.ge [sflag:s11], $0x1000  }
0xc4: {  	[sflag:s11] =	ssyncset.done $0x0  }
0xc5: {  	s29 =	rddreg [dreg:$0xb];
	[sflag:s11] =	ssyncadd.s32 $0xFFFFF000  }
0xc6: {  	[tilespmem:s15], [sflag:$0x9] =	stream.linear.gather [spmem:s29], $0x1000, $0x38;
	[tilespmem:$0x15000] =	vst v63  }
0xc7: {  	_ =	swait.ge [sflag:s11], $0x1000  }
0xc8: {  	[sflag:s11] =	ssyncset.done $0x0;
	s29 =	rddreg [dreg:$0xc]  }
0xc9: {  	[sflag:s11] =	ssyncadd.s32 $0xFFFFF000;
	s29 =	sadd.s32 s29, s9  }
0xca: {  	[hbm4b:s29+s28] =	stream.linear.scatter [tilespmem:s15], [sflag:$0x9], $0x1000, $0x38;
	[tilespmem:$0x15000] =	vst v63  }
0xcb: {  	_ =	swait.ge [sflag:s11], $0x1000  }
0xcc: {  	[sflag:s11] =	ssyncset.done $0x0  }
0xcd: {  	s29 =	rddreg [dreg:$0xd];
	[sflag:s11] =	ssyncadd.s32 $0xFFFFF000  }
0xce: {  	[tilespmem:s15], [sflag:$0x9] =	stream.linear.gather [spmem:s29], $0x1000, $0x38;
	[tilespmem:$0x15000] =	vst v63  }
0xcf: {  	_ =	swait.ge [sflag:s11], $0x1000  }
0xd0: {  	[sflag:s11] =	ssyncset.done $0x0;
	s29 =	rddreg [dreg:$0xe]  }
0xd1: {  	[sflag:s11] =	ssyncadd.s32 $0xFFFFF000;
	s29 =	sadd.s32 s29, s9  }
0xd2: {  	[hbm4b:s29+s28] =	stream.linear.scatter [tilespmem:s15], [sflag:$0x9], $0x1000, $0x38;
	[tilespmem:$0x15000] =	vst v63  }
0xd3: {  	_ =	swait.ge [sflag:s11], $0x1000  }
0xd4: {  	[sflag:s11] =	ssyncset.done $0x0  }
0xd5: {  	s29 =	rddreg [dreg:$0xf];
	[sflag:s11] =	ssyncadd.s32 $0xFFFFF000  }
0xd6: {  	[tilespmem:s15], [sflag:$0x9] =	stream.linear.gather [spmem:s29], $0x1000, $0x38;
	[tilespmem:$0x15000] =	vst v63  }
0xd7: {  	_ =	swait.ge [sflag:s11], $0x1000  }
0xd8: {  	[sflag:s11] =	ssyncset.done $0x0;
	s29 =	rddreg [dreg:$0x10]  }
0xd9: {  	[sflag:s11] =	ssyncadd.s32 $0xFFFFF000;
	s29 =	sadd.s32 s29, s9  }
0xda: {  	[hbm4b:s29+s28] =	stream.linear.scatter [tilespmem:s15], [sflag:$0x9], $0x1000, $0x38;
	[tilespmem:$0x15000] =	vst v63  }
0xdb: {  	_ =	swait.ge [sflag:s11], $0x1000  }
0xdc: {  	[sflag:s11] =	ssyncset.done $0x0  }
0xdd: {  	s29 =	rddreg [dreg:$0x11];
	[sflag:s11] =	ssyncadd.s32 $0xFFFFF000  }
0xde: {  	[tilespmem:s15], [sflag:$0x9] =	stream.linear.gather [spmem:s29], $0x1000, $0x38;
	[tilespmem:$0x15000] =	vst v63  }
0xdf: {  	_ =	swait.ge [sflag:s11], $0x1000  }
0xe0: {  	[sflag:s11] =	ssyncset.done $0x0;
	s29 =	rddreg [dreg:$0x12]  }
0xe1: {  	[sflag:s11] =	ssyncadd.s32 $0xFFFFF000;
	s29 =	sadd.s32 s29, s9  }
0xe2: {  	[hbm4b:s29+s28] =	stream.linear.scatter [tilespmem:s15], [sflag:$0x9], $0x1000, $0x38;
	[tilespmem:$0x15000] =	vst v63  }
0xe3: {  	_ =	swait.ge [sflag:s11], $0x1000  }
0xe4: {  	[sflag:s11] =	ssyncset.done $0x0  }
0xe5: {  	s29 =	rddreg [dreg:$0x13];
	[sflag:s11] =	ssyncadd.s32 $0xFFFFF000  }
0xe6: {  	[tilespmem:s15], [sflag:$0x9] =	stream.linear.gather [spmem:s29], $0x1000, $0x38;
	[tilespmem:$0x15000] =	vst v63  }
0xe7: {  	_ =	swait.ge [sflag:s11], $0x1000  }
0xe8: {  	[sflag:s11] =	ssyncset.done $0x0;
	s29 =	rddreg [dreg:$0x14]  }
0xe9: {  	[sflag:s11] =	ssyncadd.s32 $0xFFFFF000;
	s29 =	sadd.s32 s29, s9  }
0xea: {  	[hbm4b:s29+s28] =	stream.linear.scatter [tilespmem:s15], [sflag:$0x9], $0x1000, $0x38;
	[tilespmem:$0x15000] =	vst v63  }
0xeb: {  	_ =	swait.ge [sflag:s11], $0x1000  }
0xec: {  	[sflag:s11] =	ssyncset.done $0x0  }
0xed: {  	s29 =	rddreg [dreg:$0x15];
	[sflag:s11] =	ssyncadd.s32 $0xFFFFF000  }
0xee: {  	[tilespmem:s15], [sflag:$0x9] =	stream.linear.gather [spmem:s29], $0x1000, $0x38;
	[tilespmem:$0x15000] =	vst v63  }
0xef: {  	_ =	swait.ge [sflag:s11], $0x1000  }
0xf0: {  	[sflag:s11] =	ssyncset.done $0x0;
	s29 =	rddreg [dreg:$0x17]  }
0xf1: {  	[sflag:s11] =	ssyncadd.s32 $0xFFFFF000;
	s29 =	sadd.s32 s29, s9  }
0xf2: {  	[hbm4b:s29+s28] =	stream.linear.scatter [tilespmem:s15], [sflag:$0x9], $0x1000, $0x38;
	[tilespmem:$0x15000] =	vst v63  }
0xf3: {  	_ =	swait.ge [sflag:s11], $0x1000  }
0xf4: {  	[sflag:s11] =	ssyncset.done $0x0  }
0xf5: {  	s29 =	rddreg [dreg:$0x18];
	[sflag:s11] =	ssyncadd.s32 $0xFFFFF000  }
0xf6: {  	[tilespmem:s15], [sflag:$0x9] =	stream.linear.gather [spmem:s29], $0x1000, $0x38;
	[tilespmem:$0x15000] =	vst v63  }
0xf7: {  	_ =	swait.ge [sflag:s11], $0x1000  }
0xf8: {  	[sflag:s11] =	ssyncset.done $0x0;
	s29 =	rddreg [dreg:$0x19]  }
0xf9: {  	[sflag:s11] =	ssyncadd.s32 $0xFFFFF000;
	s29 =	sadd.s32 s29, s9  }
0xfa: {  	[hbm4b:s29+s28] =	stream.linear.scatter [tilespmem:s15], [sflag:$0x9], $0x1000, $0x38;
	[tilespmem:$0x15000] =	vst v63  }
0xfb: {  	_ =	swait.ge [sflag:s11], $0x1000  }
0xfc: {  	[sflag:s11] =	ssyncset.done $0x0  }
0xfd: {  	s29 =	rddreg [dreg:$0x1a];
	[sflag:s11] =	ssyncadd.s32 $0xFFFFF000  }
0xfe: {  	[tilespmem:s15], [sflag:$0x9] =	stream.linear.gather [spmem:s29], $0x1000, $0x38;
	[tilespmem:$0x15000] =	vst v63  }
0xff: {  	_ =	swait.ge [sflag:s11], $0x1000  }
0x100: {  	[sflag:s11] =	ssyncset.done $0x0  }
0x101: {  	s29 =	sadd.s32 s3, s9;
	[sflag:s11] =	ssyncadd.s32 $0xFFFFF000  }
0x102: {  	[hbm4b:s29+s28] =	stream.linear.scatter [tilespmem:s15], [sflag:$0x9], $0x1000, $0x38;
	[tilespmem:$0x15000] =	vst v63  }
0x103: {  	_ =	swait.ge [sflag:s11], $0x1000  }
0x104: {  	[sflag:s11] =	ssyncset.done $0x0  }
0x105: {  	[sflag:s11] =	ssyncadd.s32 $0xFFFFF000  }
0x106: {  	[spmem:s31] =	stream.linear.scatter [tilespmem:s13], [sflag:$0x9], $0x2000, $0x38;
	[tilespmem:$0x15000] =	vst v63  }
0x107: {  	_ =	swait.ge [sflag:s11], $0x2000  }
0x108: {  	[sflag:s11] =	ssyncset.done $0x0  }
0x109: {  	[sflag:s11] =	ssyncadd.s32 $0xFFFFE000  }
0x10a: {  	[spmem:s1] =	stream.linear.scatter [tilespmem:s13], [sflag:$0x9], $0x2000, $0x38;
	[tilespmem:$0x15000] =	vst v63  }
0x10b: {  	_ =	swait.ge [sflag:s11], $0x2000  }
0x10c: {  	[sflag:s11] =	ssyncset.done $0x0  }
0x10d: {  	[sflag:s11] =	ssyncadd.s32 $0xFFFFE000  }
0x10e: {  	[spmem:s6] =	stream.linear.scatter [tilespmem:s13], [sflag:$0x9], $0x2000, $0x38;
	[tilespmem:$0x15000] =	vst v63  }
0x10f: {  	_ =	swait.ge [sflag:s11], $0x2000  }
0x110: {  	[sflag:s11] =	ssyncset.done $0x0  }
0x111: {  	[sflag:s11] =	ssyncadd.s32 $0xFFFFE000  }
0x112: {  	[spmem:s7] =	stream.linear.scatter [tilespmem:s13], [sflag:$0x9], $0x2000, $0x38;
	[tilespmem:$0x15000] =	vst v63  }
0x113: {  	_ =	swait.ge [sflag:s11], $0x2000  }
0x114: {  	[sflag:s11] =	ssyncset.done $0x0  }
0x115: {  	[sflag:s11] =	ssyncadd.s32 $0xFFFFE000  }
0x116: {  	[spmem:s12] =	stream.linear.scatter [tilespmem:s13], [sflag:$0x9], $0x2000, $0x38;
	[tilespmem:$0x15000] =	vst v63  }
0x117: {  	_ =	swait.ge [sflag:s11], $0x2000  }
0x118: {  	[sflag:s11] =	ssyncset.done $0x0  }
0x119: {  	[sflag:s11] =	ssyncadd.s32 $0xFFFFE000  }
0x11a: {  	[bflag:$0x0] =	sbarrier.arrive $0xFFFF  }
0x11b: {  	[tilespmem:s15], [sflag:$0x1] =	stream.indirect.gather [hbm4b:s2+s14], $0x40, s28, s14, $0xb8;
	[tilespmem:$0x15000] =	vst v63  }
0x11c: {  	_ = 	snop  }
0x11d: {  	[tilespmem:s16], [sflag:$0x2] =	stream.indirect.gather [hbm4b:s2+s14], $0x40, s14, s14, $0xb8;
	[tilespmem:$0x15000] =	vst v63  }
0x11e: {  	s28 =	simm.s32 $0x80  }
0x11f: {  	[tilespmem:s17], [sflag:$0x3] =	stream.indirect.gather [hbm4b:s2+s14], $0x40, s28, s14, $0xb8;
	[tilespmem:$0x15000] =	vst v63  }
0x120: {  	s28 =	simm.s32 $0xC0  }
0x121: {  	[tilespmem:s18], [sflag:$0x4] =	stream.indirect.gather [hbm4b:s2+s14], $0x40, s28, s14, $0xb8;
	[tilespmem:$0x15000] =	vst v63  }
0x122: {  	_ =	swait.ge [sflag:s19], $0x1000  }
0x123: {  	[sflag:s19] =	ssyncset.done $0x0  }
0x124: {  	s28 =	simm.s32 $0x2800;
	[sflag:s19] =	ssyncadd.s32 $0xFFFFF000  }
0x125: {  	[spmem:s4] =	stream.indirect.scatter.add.bf16 [tilespmem:s15], [sflag:$0x5], $0x40, s28, s14, $0xb8;
	[tilespmem:$0x15000] =	vst v63  }
0x126: {  	_ =	swait.ge [sflag:s20], $0x1000  }
0x127: {  	[sflag:s20] =	ssyncset.done $0x0  }
0x128: {  	s28 =	simm.s32 $0x2840;
	[sflag:s20] =	ssyncadd.s32 $0xFFFFF000  }
0x129: {  	[spmem:s4] =	stream.indirect.scatter.add.bf16 [tilespmem:s16], [sflag:$0x6], $0x40, s28, s14, $0xb8;
	[tilespmem:$0x15000] =	vst v63  }
0x12a: {  	_ =	swait.ge [sflag:s21], $0x1000  }
0x12b: {  	[sflag:s21] =	ssyncset.done $0x0  }
0x12c: {  	s28 =	simm.s32 $0x2880;
	[sflag:s21] =	ssyncadd.s32 $0xFFFFF000  }
0x12d: {  	[spmem:s4] =	stream.indirect.scatter.add.bf16 [tilespmem:s17], [sflag:$0x7], $0x40, s28, s14, $0xb8;
	[tilespmem:$0x15000] =	vst v63  }
0x12e: {  	_ =	swait.ge [sflag:s22], $0x1000  }
0x12f: {  	[sflag:s22] =	ssyncset.done $0x0  }
0x130: {  	s28 =	simm.s32 $0x28C0;
	[sflag:s22] =	ssyncadd.s32 $0xFFFFF000  }
0x131: {  	[spmem:s4] =	stream.indirect.scatter.add.bf16 [tilespmem:s18], [sflag:$0x8], $0x40, s28, s14, $0xb8;
	[tilespmem:$0x15000] =	vst v63  }
0x132: {  	_ =	swait.ge [sflag:s23], $0x1000  }
0x133: {  	[sflag:s23] =	ssyncset.done $0x0  }
0x134: {  	s28 =	simm.s32 $0x100;
	[sflag:s23] =	ssyncadd.s32 $0xFFFFF000  }
0x135: {  	[tilespmem:s15], [sflag:$0x1] =	stream.indirect.gather [hbm4b:s2+s14], $0x40, s28, s14, $0xb8;
	[tilespmem:$0x15000] =	vst v63  }
0x136: {  	_ =	swait.ge [sflag:s24], $0x1000  }
0x137: {  	[sflag:s24] =	ssyncset.done $0x0  }
0x138: {  	s28 =	simm.s32 $0x140;
	[sflag:s24] =	ssyncadd.s32 $0xFFFFF000  }
0x139: {  	[tilespmem:s16], [sflag:$0x2] =	stream.indirect.gather [hbm4b:s2+s14], $0x40, s28, s14, $0xb8;
	[tilespmem:$0x15000] =	vst v63  }
0x13a: {  	_ =	swait.ge [sflag:s25], $0x1000  }
0x13b: {  	[sflag:s25] =	ssyncset.done $0x0  }
0x13c: {  	s28 =	simm.s32 $0x180;
	[sflag:s25] =	ssyncadd.s32 $0xFFFFF000  }
0x13d: {  	[tilespmem:s17], [sflag:$0x3] =	stream.indirect.gather [hbm4b:s2+s14], $0x40, s28, s14, $0xb8;
	[tilespmem:$0x15000] =	vst v63  }
0x13e: {  	_ =	swait.ge [sflag:s26], $0x1000  }
0x13f: {  	[sflag:s26] =	ssyncset.done $0x0  }
0x140: {  	s29 =	simm.s32 $0x1C0;
	s28 =	simm.s32 $0x400;
	[sflag:s26] =	ssyncadd.s32 $0xFFFFF000  }
.LBB2_6:
0x141: {  	[tilespmem:s18], [sflag:$0x4] =	stream.indirect.gather [hbm4b:s2+s14], $0x40, s29, s14, $0xb8;
	[tilespmem:$0x15000] =	vst v63  }
0x142: {  	s29 =	smov.u32 s28  }
0x143: {  	p0 =	sne.s32 s28, $0x9800;
	s28 =	sadd.s32 $0x400, s28;
	_ =	swait.ge [sflag:s19], $0x1000  }
0x144: {  	s29 =	sshra.s32 s29, $0x2;
	[sflag:s19] =	ssyncset.done $0x0  }
0x145: {  	s30 =	sadd.s32 $0x2800, s29;
	[sflag:s19] =	ssyncadd.s32 $0xFFFFF000  }
0x146: {  	[spmem:s4] =	stream.indirect.scatter.add.bf16 [tilespmem:s15], [sflag:$0x5], $0x40, s30, s14, $0xb8;
	[tilespmem:$0x15000] =	vst v63  }
0x147: {  	_ =	swait.ge [sflag:s20], $0x1000  }
0x148: {  	[sflag:s20] =	ssyncset.done $0x0  }
0x149: {  	s30 =	sadd.s32 $0x2840, s29;
	[sflag:s20] =	ssyncadd.s32 $0xFFFFF000  }
0x14a: {  	[spmem:s4] =	stream.indirect.scatter.add.bf16 [tilespmem:s16], [sflag:$0x6], $0x40, s30, s14, $0xb8;
	[tilespmem:$0x15000] =	vst v63  }
0x14b: {  	_ =	swait.ge [sflag:s21], $0x1000  }
0x14c: {  	[sflag:s21] =	ssyncset.done $0x0  }
0x14d: {  	s30 =	sadd.s32 $0x2880, s29;
	[sflag:s21] =	ssyncadd.s32 $0xFFFFF000  }
0x14e: {  	[spmem:s4] =	stream.indirect.scatter.add.bf16 [tilespmem:s17], [sflag:$0x7], $0x40, s30, s14, $0xb8;
	[tilespmem:$0x15000] =	vst v63  }
0x14f: {  	_ =	swait.ge [sflag:s22], $0x1000  }
0x150: {  	[sflag:s22] =	ssyncset.done $0x0  }
0x151: {  	s30 =	sadd.s32 $0x28C0, s29;
	[sflag:s22] =	ssyncadd.s32 $0xFFFFF000  }
0x152: {  	[spmem:s4] =	stream.indirect.scatter.add.bf16 [tilespmem:s18], [sflag:$0x8], $0x40, s30, s14, $0xb8;
	[tilespmem:$0x15000] =	vst v63  }
0x153: {  	_ =	swait.ge [sflag:s23], $0x1000  }
0x154: {  	[sflag:s23] =	ssyncset.done $0x0  }
0x155: {  	s30 =	sadd.s32 $0x100, s29;
	[sflag:s23] =	ssyncadd.s32 $0xFFFFF000  }
0x156: {  	[tilespmem:s15], [sflag:$0x1] =	stream.indirect.gather [hbm4b:s2+s14], $0x40, s30, s14, $0xb8;
	[tilespmem:$0x15000] =	vst v63  }
0x157: {  	_ =	swait.ge [sflag:s24], $0x1000  }
0x158: {  	[sflag:s24] =	ssyncset.done $0x0  }
0x159: {  	s30 =	sadd.s32 $0x140, s29;
	[sflag:s24] =	ssyncadd.s32 $0xFFFFF000  }
0x15a: {  	[tilespmem:s16], [sflag:$0x2] =	stream.indirect.gather [hbm4b:s2+s14], $0x40, s30, s14, $0xb8;
	[tilespmem:$0x15000] =	vst v63  }
0x15b: {  	_ =	swait.ge [sflag:s25], $0x1000  }
0x15c: {  	[sflag:s25] =	ssyncset.done $0x0  }
.Ltmp2:
0x15d: {  	s30 =	sadd.s32 $0x180, s29;
	[sflag:s25] =	ssyncadd.s32 $0xFFFFF000;
	(pc) =	sbr.rel @p0 .LBB2_6-.Ltmp2, $4  }
0x15e: {  	[tilespmem:s17], [sflag:$0x3] =	stream.indirect.gather [hbm4b:s2+s14], $0x40, s30, s14, $0xb8;
	[tilespmem:$0x15000] =	vst v63  }
0x15f: {  	_ =	swait.ge [sflag:s26], $0x1000  }
0x160: {  	[sflag:s26] =	ssyncset.done $0x0  }
0x161: {  	s29 =	sadd.s32 $0x1C0, s29;
	[sflag:s26] =	ssyncadd.s32 $0xFFFFF000  }
0x162: {  	[tilespmem:s18], [sflag:$0x4] =	stream.indirect.gather [hbm4b:s2+s14], $0x40, s29, s14, $0xb8;
	[tilespmem:$0x15000] =	vst v63  }
0x163: {  	_ =	swait.ge [sflag:s19], $0x1000  }
0x164: {  	[sflag:s19] =	ssyncset.done $0x0  }
0x165: {  	s28 =	simm.s32 $0x4F00;
	[sflag:s19] =	ssyncadd.s32 $0xFFFFF000  }
0x166: {  	[spmem:s4] =	stream.indirect.scatter.add.bf16 [tilespmem:s15], [sflag:$0x5], $0x40, s28, s14, $0xb8;
	[tilespmem:$0x15000] =	vst v63  }
0x167: {  	_ =	swait.ge [sflag:s20], $0x1000  }
0x168: {  	[sflag:s20] =	ssyncset.done $0x0  }
0x169: {  	s29 =	simm.s32 $0x4F40;
	[sflag:s20] =	ssyncadd.s32 $0xFFFFF000  }
0x16a: {  	[spmem:s4] =	stream.indirect.scatter.add.bf16 [tilespmem:s16], [sflag:$0x6], $0x40, s29, s14, $0xb8;
	[tilespmem:$0x15000] =	vst v63  }
0x16b: {  	_ =	swait.ge [sflag:s21], $0x1000  }
0x16c: {  	[sflag:s21] =	ssyncset.done $0x0  }
0x16d: {  	s30 =	simm.s32 $0x4F80;
	[sflag:s21] =	ssyncadd.s32 $0xFFFFF000  }
0x16e: {  	[spmem:s4] =	stream.indirect.scatter.add.bf16 [tilespmem:s17], [sflag:$0x7], $0x40, s30, s14, $0xb8;
	[tilespmem:$0x15000] =	vst v63  }
0x16f: {  	_ =	swait.ge [sflag:s22], $0x1000  }
0x170: {  	[sflag:s22] =	ssyncset.done $0x0  }
0x171: {  	s29 =	simm.s32 $0x4FC0;
	[sflag:s22] =	ssyncadd.s32 $0xFFFFF000  }
0x172: {  	[spmem:s4] =	stream.indirect.scatter.add.bf16 [tilespmem:s18], [sflag:$0x8], $0x40, s29, s14, $0xb8;
	[tilespmem:$0x15000] =	vst v63  }
0x173: {  	_ =	swait.ge [sflag:s23], $0x1000  }
0x174: {  	[sflag:s23] =	ssyncset.done $0x0  }
0x175: {  	[sflag:s23] =	ssyncadd.s32 $0xFFFFF000  }
0x176: {  	_ =	swait.ge [sflag:s24], $0x1000  }
0x177: {  	[sflag:s24] =	ssyncset.done $0x0  }
0x178: {  	[sflag:s24] =	ssyncadd.s32 $0xFFFFF000  }
0x179: {  	_ =	swait.ge [sflag:s25], $0x1000  }
0x17a: {  	[sflag:s25] =	ssyncset.done $0x0  }
0x17b: {  	[sflag:s25] =	ssyncadd.s32 $0xFFFFF000  }
0x17c: {  	_ =	swait.ge [sflag:s26], $0x1000  }
0x17d: {  	[sflag:s26] =	ssyncset.done $0x0  }
0x17e: {  	[sflag:s26] =	ssyncadd.s32 $0xFFFFF000  }
0x17f: {  	[bflag:$0x0] =	sbarrier.arrive $0xFFFF  }
0x180: {  	s30 =	rddreg [dreg:$0x7]  }
0x181: {  	[tilespmem:s15], [sflag:$0x9] =	stream.linear.gather [spmem:s30], $0x1000, $0x38;
	[tilespmem:$0x15000] =	vst v63  }
0x182: {  	_ =	swait.ge [sflag:s11], $0x1000  }
0x183: {  	[sflag:s11] =	ssyncset.done $0x0;
	s29 =	rddreg [dreg:$0x16]  }
0x184: {  	[sflag:s11] =	ssyncadd.s32 $0xFFFFF000;
	s28 =	sadd.s32 s29, s10  }
0x185: {  	[hbm4b:s28+s5] =	stream.linear.scatter [tilespmem:s15], [sflag:$0x9], $0x1000, $0x38;
	[tilespmem:$0x15000] =	vst v63  }
0x186: {  	_ =	swait.ge [sflag:s11], $0x1000  }
0x187: {  	[sflag:s11] =	ssyncset.done $0x0  }
0x188: {  	s30 =	rddreg [dreg:$0x9];
	[sflag:s11] =	ssyncadd.s32 $0xFFFFF000  }
0x189: {  	[tilespmem:s15], [sflag:$0x9] =	stream.linear.gather [spmem:s30], $0x1000, $0x38;
	[tilespmem:$0x15000] =	vst v63  }
0x18a: {  	_ =	swait.ge [sflag:s11], $0x1000  }
0x18b: {  	[sflag:s11] =	ssyncset.done $0x0;
	s29 =	rddreg [dreg:$0xa]  }
0x18c: {  	[sflag:s11] =	ssyncadd.s32 $0xFFFFF000;
	s28 =	sadd.s32 s29, s10  }
0x18d: {  	[hbm4b:s28+s5] =	stream.linear.scatter [tilespmem:s15], [sflag:$0x9], $0x1000, $0x38;
	[tilespmem:$0x15000] =	vst v63  }
0x18e: {  	_ =	swait.ge [sflag:s11], $0x1000  }
0x18f: {  	[sflag:s11] =	ssyncset.done $0x0  }
0x190: {  	s30 =	rddreg [dreg:$0xb];
	[sflag:s11] =	ssyncadd.s32 $0xFFFFF000  }
0x191: {  	[tilespmem:s15], [sflag:$0x9] =	stream.linear.gather [spmem:s30], $0x1000, $0x38;
	[tilespmem:$0x15000] =	vst v63  }
0x192: {  	_ =	swait.ge [sflag:s11], $0x1000  }
0x193: {  	[sflag:s11] =	ssyncset.done $0x0;
	s29 =	rddreg [dreg:$0xc]  }
0x194: {  	[sflag:s11] =	ssyncadd.s32 $0xFFFFF000;
	s28 =	sadd.s32 s29, s10  }
0x195: {  	[hbm4b:s28+s5] =	stream.linear.scatter [tilespmem:s15], [sflag:$0x9], $0x1000, $0x38;
	[tilespmem:$0x15000] =	vst v63  }
0x196: {  	_ =	swait.ge [sflag:s11], $0x1000  }
0x197: {  	[sflag:s11] =	ssyncset.done $0x0  }
0x198: {  	s30 =	rddreg [dreg:$0xd];
	[sflag:s11] =	ssyncadd.s32 $0xFFFFF000  }
0x199: {  	[tilespmem:s15], [sflag:$0x9] =	stream.linear.gather [spmem:s30], $0x1000, $0x38;
	[tilespmem:$0x15000] =	vst v63  }
0x19a: {  	_ =	swait.ge [sflag:s11], $0x1000  }
0x19b: {  	[sflag:s11] =	ssyncset.done $0x0;
	s29 =	rddreg [dreg:$0xe]  }
0x19c: {  	[sflag:s11] =	ssyncadd.s32 $0xFFFFF000;
	s28 =	sadd.s32 s29, s10  }
0x19d: {  	[hbm4b:s28+s5] =	stream.linear.scatter [tilespmem:s15], [sflag:$0x9], $0x1000, $0x38;
	[tilespmem:$0x15000] =	vst v63  }
0x19e: {  	_ =	swait.ge [sflag:s11], $0x1000  }
0x19f: {  	[sflag:s11] =	ssyncset.done $0x0  }
0x1a0: {  	s30 =	rddreg [dreg:$0xf];
	[sflag:s11] =	ssyncadd.s32 $0xFFFFF000  }
0x1a1: {  	[tilespmem:s15], [sflag:$0x9] =	stream.linear.gather [spmem:s30], $0x1000, $0x38;
	[tilespmem:$0x15000] =	vst v63  }
0x1a2: {  	_ =	swait.ge [sflag:s11], $0x1000  }
0x1a3: {  	[sflag:s11] =	ssyncset.done $0x0;
	s29 =	rddreg [dreg:$0x10]  }
0x1a4: {  	[sflag:s11] =	ssyncadd.s32 $0xFFFFF000;
	s28 =	sadd.s32 s29, s10  }
0x1a5: {  	[hbm4b:s28+s5] =	stream.linear.scatter [tilespmem:s15], [sflag:$0x9], $0x1000, $0x38;
	[tilespmem:$0x15000] =	vst v63  }
0x1a6: {  	_ =	swait.ge [sflag:s11], $0x1000  }
0x1a7: {  	[sflag:s11] =	ssyncset.done $0x0  }
0x1a8: {  	s30 =	rddreg [dreg:$0x11];
	[sflag:s11] =	ssyncadd.s32 $0xFFFFF000  }
0x1a9: {  	[tilespmem:s15], [sflag:$0x9] =	stream.linear.gather [spmem:s30], $0x1000, $0x38;
	[tilespmem:$0x15000] =	vst v63  }
0x1aa: {  	_ =	swait.ge [sflag:s11], $0x1000  }
0x1ab: {  	[sflag:s11] =	ssyncset.done $0x0;
	s29 =	rddreg [dreg:$0x12]  }
0x1ac: {  	[sflag:s11] =	ssyncadd.s32 $0xFFFFF000;
	s28 =	sadd.s32 s29, s10  }
0x1ad: {  	[hbm4b:s28+s5] =	stream.linear.scatter [tilespmem:s15], [sflag:$0x9], $0x1000, $0x38;
	[tilespmem:$0x15000] =	vst v63  }
0x1ae: {  	_ =	swait.ge [sflag:s11], $0x1000  }
0x1af: {  	[sflag:s11] =	ssyncset.done $0x0  }
0x1b0: {  	s30 =	rddreg [dreg:$0x13];
	[sflag:s11] =	ssyncadd.s32 $0xFFFFF000  }
0x1b1: {  	[tilespmem:s15], [sflag:$0x9] =	stream.linear.gather [spmem:s30], $0x1000, $0x38;
	[tilespmem:$0x15000] =	vst v63  }
0x1b2: {  	_ =	swait.ge [sflag:s11], $0x1000  }
0x1b3: {  	[sflag:s11] =	ssyncset.done $0x0;
	s29 =	rddreg [dreg:$0x14]  }
0x1b4: {  	[sflag:s11] =	ssyncadd.s32 $0xFFFFF000;
	s28 =	sadd.s32 s29, s10  }
0x1b5: {  	[hbm4b:s28+s5] =	stream.linear.scatter [tilespmem:s15], [sflag:$0x9], $0x1000, $0x38;
	[tilespmem:$0x15000] =	vst v63  }
0x1b6: {  	_ =	swait.ge [sflag:s11], $0x1000  }
0x1b7: {  	[sflag:s11] =	ssyncset.done $0x0  }
0x1b8: {  	s30 =	rddreg [dreg:$0x15];
	[sflag:s11] =	ssyncadd.s32 $0xFFFFF000  }
0x1b9: {  	[tilespmem:s15], [sflag:$0x9] =	stream.linear.gather [spmem:s30], $0x1000, $0x38;
	[tilespmem:$0x15000] =	vst v63  }
0x1ba: {  	_ =	swait.ge [sflag:s11], $0x1000  }
0x1bb: {  	[sflag:s11] =	ssyncset.done $0x0;
	s29 =	rddreg [dreg:$0x17]  }
0x1bc: {  	[sflag:s11] =	ssyncadd.s32 $0xFFFFF000;
	s28 =	sadd.s32 s29, s10  }
0x1bd: {  	[hbm4b:s28+s5] =	stream.linear.scatter [tilespmem:s15], [sflag:$0x9], $0x1000, $0x38;
	[tilespmem:$0x15000] =	vst v63  }
0x1be: {  	_ =	swait.ge [sflag:s11], $0x1000  }
0x1bf: {  	[sflag:s11] =	ssyncset.done $0x0  }
0x1c0: {  	s30 =	rddreg [dreg:$0x18];
	[sflag:s11] =	ssyncadd.s32 $0xFFFFF000  }
0x1c1: {  	[tilespmem:s15], [sflag:$0x9] =	stream.linear.gather [spmem:s30], $0x1000, $0x38;
	[tilespmem:$0x15000] =	vst v63  }
0x1c2: {  	_ =	swait.ge [sflag:s11], $0x1000  }
0x1c3: {  	[sflag:s11] =	ssyncset.done $0x0;
	s29 =	rddreg [dreg:$0x19]  }
0x1c4: {  	[sflag:s11] =	ssyncadd.s32 $0xFFFFF000;
	s28 =	sadd.s32 s29, s10  }
0x1c5: {  	[hbm4b:s28+s5] =	stream.linear.scatter [tilespmem:s15], [sflag:$0x9], $0x1000, $0x38;
	[tilespmem:$0x15000] =	vst v63  }
0x1c6: {  	_ =	swait.ge [sflag:s11], $0x1000  }
0x1c7: {  	[sflag:s11] =	ssyncset.done $0x0  }
0x1c8: {  	s30 =	rddreg [dreg:$0x1a];
	[sflag:s11] =	ssyncadd.s32 $0xFFFFF000  }
0x1c9: {  	[tilespmem:s15], [sflag:$0x9] =	stream.linear.gather [spmem:s30], $0x1000, $0x38;
	[tilespmem:$0x15000] =	vst v63  }
0x1ca: {  	_ =	swait.ge [sflag:s11], $0x1000  }
0x1cb: {  	[sflag:s11] =	ssyncset.done $0x0  }
0x1cc: {  	s29 =	sadd.s32 s3, s10;
	[sflag:s11] =	ssyncadd.s32 $0xFFFFF000  }
0x1cd: {  	[hbm4b:s29+s5] =	stream.linear.scatter [tilespmem:s15], [sflag:$0x9], $0x1000, $0x38;
	[tilespmem:$0x15000] =	vst v63  }
0x1ce: {  	_ =	swait.ge [sflag:s11], $0x1000  }
0x1cf: {  	s8 =	sadd.s32 $0x1, s8;
	s30 =	rddreg [dreg:$0x8]  }
0x1d0: {  	p0 =	sne.s32 s8, s30  }
.Ltmp3:
0x1d1: {  	_ = 	snop;
	(pc) =	sbr.rel @p0 .LBB2_1-.Ltmp3, $3  }
0x1d2: {  	_ =	sdelay $0x1  }
0x1d3: {  	[sflag:s11] =	ssyncset.done $0x0  }
0x1d4: {  	[sflag:s11] =	ssyncadd.s32 $0xFFFFF000  }
0x1d5: {  	_ =	sfence.sel $0x180000  }
0x1d6: {  	[bflag:$0x0] =	sbarrier.arrive $0xFFFF  }
0x1d7: {  	_ =	strace $0x9000004D  }
0x1d8: {  	s0 =	stileid.u32;
	[bflag:$0x2] =	sbarrier.arrive $0xFFFF  }
0x1d9: {  	p0 =	sne.s32 s0, $0x0;
	s0 =	rddreg [dreg:$0x4]  }
0x1da: {  	s0 =	sadd.s32 @!p0 $0x100000, s0  }
0x1db: {  	[sflag:s0] =	ssyncadd.tile.s32 @!p0 $0x1;
	_ =	shalt  }
.Lfunc_end2:
_tile_overlayer_lowered:
.L_overlay_start_2:
0x1dc: {  	(tag) =	ssettag $0x2  }
0x1dd: {  	s0 =	rddreg [dreg:$0x0];
	s2 =	stileid.u32  }
0x1de: {  	s1 =	rddreg [dreg:$0x1];
	p0 =	sne.s32 s2, $0x0  }
0x1df: {  	s3 =	rddreg [dreg:$0x2];
	[bflag:$0x3] =	sbarrier.arrive $0xFFFF;
	s2 =	simm.s32 @!p0 $0x1C09  }
0x1e0: {  	[timem:s3], [sflag:s2] =	dma.local @!p0 [hbm:s0], s1  }
0x1e1: {  	s0 =	simm.s32 @!p0 $0x9  }
0x1e2: {  	_ =	swait.ge @!p0 [sflag:s0], s1  }
0x1e3: {  	s1 =	ssub.s32 @!p0 $0x0, s1;
	[sflag:s0] =	ssyncset.done @!p0 $0x0  }
0x1e4: {  	[sflag:s0] =	ssyncadd.s32 @!p0 s1  }
0x1e5: {  	[bflag:$0x3] =	sbarrier.arrive $0xFFFF  }
0x1e6: {  	_ =	shalt  }

// kernel: kernel.8.cloned.1.call-start
scs
__scs_entry_jumppad:
0x0: {  	(pc) =	sbr.rel $0x88, $3  }
0x1: {  	(tag) =	ssettag $0x0;
	lr =	simm.s32 $0x1  }
0x2: {  	[smem:$0x3F99] =	sst lr;
	_ =	strace $0xD0000000  }
0x3: {  	_ = 	snop  }
0x4: {  	_ = 	snop  }
0x5: {  	_ = 	snop  }
0x6: {  	_ = 	snop  }
0x7: {  	_ = 	snop  }
__scs_overlays_trampoline_lowered:
0x8: {  	[smem:$0x3FA8] =	sst s0  }
0x9: {  	[smem:$0x3FA9] =	sst s1  }
0xa: {  	[smem:$0x3FAA] =	sst s2  }
0xb: {  	[smem:$0x3FAB] =	sst s3  }
0xc: {  	[smem:$0x3FAC] =	sst s4  }
0xd: {  	[smem:$0x3FAD] =	sst s5  }
0xe: {  	[smem:$0x3FAE] =	sst s6  }
0xf: {  	[smem:$0x3FAF] =	sst s7  }
0x10: {  	[smem:$0x3FB0] =	sst s8  }
0x11: {  	[smem:$0x3FB1] =	sst s9;
	s0 =	simm.s32 @!p0 $0x0  }
0x12: {  	s1 =	sld [smem:$0x3F97];
	s0 =	simm.s32 @p0 $0x1  }
0x13: {  	[smem:$0x3FB2] =	sst s0;
	s0 =	simm.s32 @!p1 $0x0  }
0x14: {  	s2 =	sld [smem:$0x3F96];
	s0 =	simm.s32 @p1 $0x1  }
0x15: {  	[smem:$0x3FB3] =	sst s0;
	s0 =	simm.s32 @!p2 $0x0  }
0x16: {  	s3 =	sld [smem:$0x3FDB];
	s0 =	simm.s32 @p2 $0x1  }
0x17: {  	s4 =	simm.s32 $0x1BF5;
	[smem:$0x3FB5] =	sst s0  }
0x18: {  	s0 =	sld [smem:$0x3F98];
	_ =	swait.ge [sflag:s4], $0x0  }
0x19: {  	s7 =	sld [smem:$0x3F99]  }
0x1a: {  	s8 =	sadd.s32 $0xFFFFE003, lr  }
0x1b: {  	s9 =	sadd.s32 $0xFFFFFEF7, lr;
	s5 =	simm.s32 $0xFFFFFFFF;
	p2 =	slt.u32 s8, $0xFFFFF086  }
0x1c: {  	p1 =	slt.u32 s9, $0xF7A;
	s5 =	simm.s32 @!p2 $0x0  }
0x1d: {  	s5 =	simm.s32 @p1 $0x1;
	p0 =	seq.s32 s7, s2  }
0x1e: {  	s7 =	smul.u32 @!p0 $0xF7A, s2;
	p2 =	seq.s32 @!p0 s5, $0x0  }
0x1f: {  	s9 =	smul.u32 $0xF7A, s1;
	s8 =	simm.s32 @!p0 $0x1BF5;
	p2 =	por !p2, p0  }
0x20: {  	[sflag:s8] =	ssyncset.s32 @!p0 $0xFFFFF086;
	s6 =	sadd.s32 @!p0 s3, s7;
	s7 =	simm.s32 @!p0 $0x108  }
0x21: {  	s3 =	sadd.s32 s3, s9;
	s6 =	sadd.s32 @!p0 $0x88, s6;
	s7 =	simm.s32 @p2 $0x1082  }
0x22: {  	[simem:s7], [sflag:s8] =	dma.local @!p0 [hbm:s6], $0xF7A  }
0x23: {  	s9 =	sor.u32 $0xD0000000, s2;
	s6 =	simm.s32 $0x108;
	_ =	swait.ge @!p0 [sflag:s8], $0x0  }
0x24: {  	s3 =	sadd.s32 $0x88, s3;
	s6 =	simm.s32 @!p1 $0x1082;
	[sflag:s4] =	ssyncset.s32 $0xFFFFF086  }
0x25: {  	[simem:s6], [sflag:s4] =	dma.local [hbm:s3], $0xF7A  }
0x26: {  	[smem:$0x3F99] =	sst s1;
	(tag) =	ssettag s2;
	_ =	strace s9  }
0x27: {  	s1 =	sld [smem:$0x3FA9]  }
0x28: {  	s2 =	sld [smem:$0x3FAA]  }
0x29: {  	s4 =	sld [smem:$0x3FAC]  }
0x2a: {  	p0 =	seq.s32 s5, $0x0;
	s5 =	sld [smem:$0x3FAD]  }
0x2b: {  	s6 =	sld [smem:$0x3FAE]  }
0x2c: {  	s7 =	sld [smem:$0x3FAF]  }
0x2d: {  	s3 =	simm.s32 $0x108;
	s8 =	sld [smem:$0x3FB0]  }
0x2e: {  	s3 =	simm.s32 @!p0 $0x1082;
	s9 =	sld [smem:$0x3FB1]  }
0x2f: {  	lr =	sadd.s32 s0, s3;
	s0 =	sld [smem:$0x3FA8]  }
0x30: {  	s3 =	sld [smem:$0x3FAB]  }
0x31: {  	[smem:$0x3FB4] =	sst s10  }
0x32: {  	s10 =	sld [smem:$0x3FB2];
	_ =	sdelay $0x3  }
0x33: {  	p0 =	seq.s32 s10, $0x1;
	s10 =	sld [smem:$0x3FB4];
	_ =	sdelay $0x3  }
0x34: {  	[smem:$0x3FB4] =	sst s10  }
0x35: {  	s10 =	sld [smem:$0x3FB3];
	_ =	sdelay $0x3  }
0x36: {  	p1 =	seq.s32 s10, $0x1;
	s10 =	sld [smem:$0x3FB4];
	_ =	sdelay $0x3  }
0x37: {  	[smem:$0x3FB4] =	sst s10  }
0x38: {  	s10 =	sld [smem:$0x3FB5]  }
0x39: {  	_ = 	snop;
	(pc) =	sbr.ind lr, $3  }
0x3a: {  	_ = 	snop  }
0x3b: {  	_ = 	snop  }
0x3c: {  	p2 =	seq.s32 s10, $0x1;
	s10 =	sld [smem:$0x3FB4]  }
0x3d: {  	_ =	shalt  }
0x3e: {  	_ =	shalt  }
0x3f: {  	_ =	shalt  }
0x40: {  	_ =	shalt  }
0x41: {  	_ =	shalt  }
0x42: {  	_ =	shalt  }
0x43: {  	_ =	shalt  }
0x44: {  	_ =	shalt  }
0x45: {  	_ =	shalt  }
0x46: {  	_ =	shalt  }
0x47: {  	_ =	shalt  }
0x48: {  	_ =	shalt  }
0x49: {  	_ =	shalt  }
0x4a: {  	_ =	shalt  }
0x4b: {  	_ =	shalt  }
0x4c: {  	_ =	shalt  }
0x4d: {  	_ =	shalt  }
0x4e: {  	_ =	shalt  }
0x4f: {  	_ =	shalt  }
0x50: {  	_ =	shalt  }
0x51: {  	_ =	shalt  }
0x52: {  	_ =	shalt  }
0x53: {  	_ =	shalt  }
0x54: {  	_ =	shalt  }
0x55: {  	_ =	shalt  }
0x56: {  	_ =	shalt  }
0x57: {  	_ =	shalt  }
0x58: {  	_ =	shalt  }
0x59: {  	_ =	shalt  }
0x5a: {  	_ =	shalt  }
0x5b: {  	_ =	shalt  }
0x5c: {  	_ =	shalt  }
0x5d: {  	_ =	shalt  }
0x5e: {  	_ =	shalt  }
0x5f: {  	_ =	shalt  }
0x60: {  	_ =	shalt  }
0x61: {  	_ =	shalt  }
0x62: {  	_ =	shalt  }
0x63: {  	_ =	shalt  }
0x64: {  	_ =	shalt  }
0x65: {  	_ =	shalt  }
0x66: {  	_ =	shalt  }
0x67: {  	_ =	shalt  }
0x68: {  	_ =	shalt  }
0x69: {  	_ =	shalt  }
0x6a: {  	_ =	shalt  }
0x6b: {  	_ =	shalt  }
0x6c: {  	_ =	shalt  }
0x6d: {  	_ =	shalt  }
0x6e: {  	_ =	shalt  }
0x6f: {  	_ =	shalt  }
0x70: {  	_ =	shalt  }
0x71: {  	_ =	shalt  }
0x72: {  	_ =	shalt  }
0x73: {  	_ =	shalt  }
0x74: {  	_ =	shalt  }
0x75: {  	_ =	shalt  }
0x76: {  	_ =	shalt  }
0x77: {  	_ =	shalt  }
0x78: {  	_ =	shalt  }
0x79: {  	_ =	shalt  }
0x7a: {  	_ =	shalt  }
0x7b: {  	_ =	shalt  }
0x7c: {  	_ =	shalt  }
0x7d: {  	_ =	shalt  }
0x7e: {  	_ =	shalt  }
0x7f: {  	_ =	shalt  }
0x80: {  	_ =	shalt  }
0x81: {  	_ =	shalt  }
0x82: {  	_ =	shalt  }
0x83: {  	_ =	shalt  }
0x84: {  	_ =	shalt  }
0x85: {  	_ =	shalt  }
0x86: {  	_ =	shalt  }
0x87: {  	_ =	shalt  }
.Lfunc_end0:
.L_simem_size_0:
called_computation_lowered:
.L_overlay_start_0:
0x88: {  	s2 =	sld [smem:$0x3FD9]  }
0x89: {  	s3 =	sld [smem:$0x3FFE];
	_ =	sdelay $0x1  }
0x8a: {  	s1 =	srdreg.scid  }
0x8b: {  	s0 =	sand.u32 $0x1, s1  }
0x8c: {  	s14 =	sshll.u32 s0, $0xA;
	s2 =	sadd.s32 s3, s2  }
0x8d: {  	s2 =	sadd.s32 s2, s14  }
0x8e: {  	[smem:$0x3FC0] =	sst s2  }
0x8f: {  	_ = 	snop  }
0x90: {  	s2 =	sld [smem:$0x3FD0];
	_ =	sdelay $0x2  }
0x91: {  	s15 =	simm.s32 $0xA;
	s4 =	simm.s32 $0x10  }
0x92: {  	[smem:s4], [sflag:s15] =	dma.local [hbm:s2], $0x1  }
0x93: {  	_ =	swait.eq [sflag:s15], $0x1  }
0x94: {  	[sflag:s15] =	ssyncset.done $0x0  }
0x95: {  	[sflag:s15] =	ssyncadd.s32 $0xFFFFFFFF  }
0x96: {  	s16 =	sld [smem:$0x11];
	(tm) =	ssettm $0x1  }
0x97: {  	s17 =	sld [smem:$0x3FFB];
	_ =	sdelay $0x3  }
0x98: {  	_ =	strace s17  }
0x99: {  	s3 =	sld [smem:$0x3FFC];
	_ =	sdelay $0x3  }
0x9a: {  	_ =	strace s3  }
0x9b: {  	s3 =	sld [smem:$0x3FFD];
	_ =	sdelay $0x3  }
0x9c: {  	_ =	strace s3  }
0x9d: {  	_ =	strace $0x8FFFFFFF  }
0x9e: {  	s18 =	sld [smem:$0x3FDB];
	_ =	sdelay $0x1  }
0x9f: {  	s19 =	simm.s32 $_scs_section_size  }
0xa0: {  	s5 =	simm.s32 $_size__tile_overlayer_lowered;
	s6 =	simm.s32 $_tile_overlayer_lowered  }
0xa1: {  	s22 =	simm.s32 $0x1BFF;
	s21 =	sshll.u32 s6, $0x1;
	s3 =	sadd.s32 s19, s18  }
0xa2: {  	s7 =	simm.s32 $0x0;
	s20 =	sshll.u32 s5, $0x1;
	s5 =	sadd.s32 s21, s3  }
0xa3: {  	[timem:s7], [sflag:s22] =	dma.local [hbm:s5], s20  }
0xa4: {  	_ =	swait.ge [sflag:s22], s20  }
0xa5: {  	s4 =	ssub.s32 $0x0, s20;
	[sflag:s22] =	ssyncset.done $0x0  }
0xa6: {  	[sflag:s22] =	ssyncadd.s32 s4;
	_ =	sdelay $0x1  }
0xa7: {  	s23 =	simm.s32 $0x1B8B  }
0xa8: {  	_ =	swait.ge [sflag:s23], $0x1  }
0xa9: {  	[sflag:s23] =	ssyncset.done $0x0  }
0xaa: {  	s25 =	simm.s32 $0x1B8E;
	s24 =	sld [smem:$0x3FFE];
	[sflag:s23] =	ssyncadd.s32 $0xFFFFFFFF  }
0xab: {  	s26 =	simm.s32 $execute0_lowered;
	[smem:$0x3FD2] =	sst s25  }
0xac: {  	s5 =	sshll.u32 s26, $0x1;
	_ =	strace $0x80000046;
	[dreg:$0x1] =	wrdreg $0xFFFFFFFF  }
0xad: {  	s28 =	simm.s32 $_size_execute0_lowered;
	s3 =	sadd.s32 s3, s5;
	[dreg:$0x0] =	wrdreg $0x0  }
0xae: {  	s5 =	sshll.u32 s28, $0x1;
	[dreg:$0x2] =	wrdreg s3  }
0xaf: {  	[dreg:$0x3] =	wrdreg s5  }
0xb0: {  	[dreg:$0x4] =	wrdreg $0xC0  }
0xb1: {  	_ =	task [dreg:s7], $0x5FFFF  }
0xb2: {  	[dreg:$0x1] =	wrdreg $0xFFFFFFFF  }
0xb3: {  	[dreg:$0x0] =	wrdreg $0x60  }
0xb4: {  	[dreg:$0x2] =	wrdreg s24  }
0xb5: {  	[dreg:$0x3] =	wrdreg s16  }
0xb6: {  	[dreg:$0x4] =	wrdreg $0x3C00  }
0xb7: {  	[dreg:$0x5] =	wrdreg $0x9  }
0xb8: {  	_ =	task.clear_ibuf [dreg:s7], $0x6FFFF;
	_ =	strace $0x90000046  }
0xb9: {  	s29 =	simm.s32 $0x9;
	_ =	strace $0x80000048  }
0xba: {  	_ =	swait.ge [sflag:s29], $0x1  }
0xbb: {  	[sflag:s29] =	ssyncadd.s32 $0xFFFFFFFF  }
0xbc: {  	_ =	strace $0x90000048  }
0xbd: {  	_ =	sfence  }
0xbe: {  	s30 =	sld [smem:$0x0];
	_ =	sdelay $0x2  }
0xbf: {  	s31 =	sshll.u32 s1, $0xD;
	s1 =	sshrl.u32 s1, $0x2  }
0xc0: {  	s3 =	sand.u32 $0x4000, s31;
	s1 =	sadd.s32 s1, s30  }
0xc1: {  	s0 =	sor.u32 s3, s0;
	s1 =	sshll.u32 s1, $0x11  }
0xc2: {  	s0 =	sor.u32 s1, s0  }
0xc3: {  	s0 =	sadd.s32 $0x8F2B, s0  }
0xc4: {  	[sflag:s0] =	ssyncadd.remote.s32 $0x1  }
0xc5: {  	_ =	sfence.sel $0xFFFF  }
0xc6: {  	[dreg:$0x0] =	wrdreg $0xFFFFFFFF;
	(pc) =	sbr.abs _section_cstart, $3  }
0xc7: {  	[dreg:$0x1] =	wrdreg $0xFFFFFFFF  }
0xc8: {  	_ =	task.clear_ibuf [dreg:s7], $0x2FFFF;
	_ =	strace $0x9FFFFFFF  }
0xc9: {  	(tm) =	ssettm $0x7FFFFFFF  }
tec
execute0_lowered:
.L_overlay_start_1:
0x0: {  	(tag) =	ssettag $0x1  }
0x1: {  	s4 =	rddreg [dreg:$0x0]  }
0x2: {  	s9 =	rddreg [dreg:$0x1]  }
0x3: {  	s1 =	rddreg [dreg:$0x2]  }
0x4: {  	s2 =	srdreg.scid;
	s0 =	rddreg [dreg:$0x3];
	s3 =	simm.s32 $0x0  }
0x5: {  	s15 =	simm.s32 $0x80;
	s16 =	simm.s32 $0xC0;
	s17 =	simm.s32 $0x1  }
0x6: {  	s18 =	simm.s32 $0x100;
	s19 =	simm.s32 $0x2;
	s20 =	simm.s32 $0x3  }
0x7: {  	s21 =	simm.s32 $0x4;
	s22 =	simm.s32 $0x5;
	s7 =	sand.u32 $0x1, s2  }
0x8: {  	s23 =	simm.s32 $0x6;
	s2 =	stileid.u32;
	s5 =	smul.u32 $0xA00, s7  }
0x9: {  	s24 =	simm.s32 $0x7;
	s25 =	simm.s32 $0x8;
	s6 =	smul.u32 $0xA0, s2  }
0xa: {  	s26 =	simm.s32 $0x0;
	[smem:$0x7FF] =	sst s3;
	s8 =	smul.u32 $0x280, s2  }
0xb: {  	s10 =	sadd.s32 $0x1E00, s4;
	s30 =	ssub.s32 $0x2, s7;
	s12 =	smul.u32 $0x2800, s7  }
0xc: {  	_ =	strace $0x80000047;
	s13 =	smul.u32 $0x5000, s7;
	s31 =	sshrl.u32 s30, $0x1  }
0xd: {  	s14 =	smul.u32 $0x500, s2;
	s5 =	sadd.s32 s6, s5;
	s11 =	ssub.s32 s30, s31  }
0xe: {  	s12 =	sadd.s32 s8, s12;
	s13 =	sadd.s32 s13, s10;
	s5 =	sshll.u32 s5, $0x3  }
0xf: {  	s12 =	sshrl.u32 s12, $0x3;
	s4 =	sadd.s32 s10, s5;
	s5 =	sadd.s32 s8, s1  }
0x10: {  	s9 =	sadd.s32 s9, s12;
	s10 =	smax.u32 s11, $0x1;
	s11 =	sadd.s32 s14, s13  }
0x11: {  	s12 =	simm.s32 $0x140;
	s13 =	simm.s32 $0x9;
	s14 =	simm.s32 $0x40  }
0x12: {  	v0 =	vimm.f32 $1.000000000e+00;
	v1 =	vimm.f32 $5.000000000e-01;
	s6 =	sadd.s32 $0x8, s4;
	s7 =	sadd.s32 $0x10, s4;
	s8 =	sadd.s32 $0x18, s4  }
.LBB2_1:
0x13: {  	[tilespmem:$0x100] =	vst v0  }
0x14: {  	[tilespmem:$0x110] =	vst v0  }
0x15: {  	[tilespmem:$0x120] =	vst v0  }
0x16: {  	[tilespmem:$0x130] =	vst v0  }
0x17: {  	[tilespmem:$0x140] =	vst v1  }
0x18: {  	[tilespmem:$0x150] =	vst v1  }
0x19: {  	[tilespmem:$0x160] =	vst v1  }
0x1a: {  	[tilespmem:$0x170] =	vst v1  }
0x1b: {  	[tilespmem:$0x180] =	vst v1  }
0x1c: {  	[tilespmem:$0x190] =	vst v1  }
0x1d: {  	[tilespmem:$0x1A0] =	vst v1  }
0x1e: {  	[tilespmem:$0x1B0] =	vst v1  }
0x1f: {  	[tilespmem:$0x1C0] =	vst v1  }
0x20: {  	[tilespmem:$0x1D0] =	vst v1  }
0x21: {  	[tilespmem:$0x1E0] =	vst v1  }
0x22: {  	[tilespmem:$0x1F0] =	vst v1  }
0x23: {  	[tilespmem:$0x200] =	vst v1  }
0x24: {  	[tilespmem:$0x210] =	vst v1  }
0x25: {  	[tilespmem:$0x220] =	vst v1  }
0x26: {  	[tilespmem:$0x230] =	vst v1  }
0x27: {  	[tilespmem:$0x240] =	vst v1  }
0x28: {  	[tilespmem:$0x250] =	vst v1  }
0x29: {  	[tilespmem:$0x260] =	vst v1  }
0x2a: {  	[tilespmem:$0x270] =	vst v1  }
0x2b: {  	[tilespmem:$0x280] =	vst v1  }
0x2c: {  	[tilespmem:$0x290] =	vst v1  }
0x2d: {  	[tilespmem:$0x2A0] =	vst v1  }
0x2e: {  	[tilespmem:$0x2B0] =	vst v1  }
0x2f: {  	[tilespmem:$0x2C0] =	vst v1  }
0x30: {  	[tilespmem:$0x2D0] =	vst v1  }
0x31: {  	[tilespmem:$0x2E0] =	vst v1  }
0x32: {  	[tilespmem:$0x2F0] =	vst v1  }
0x33: {  	[tilespmem:$0x300] =	vst v1  }
0x34: {  	[tilespmem:$0x310] =	vst v1  }
0x35: {  	[tilespmem:$0x320] =	vst v1  }
0x36: {  	[tilespmem:$0x330] =	vst v1  }
0x37: {  	[tilespmem:$0x340] =	vst v1  }
0x38: {  	[tilespmem:$0x350] =	vst v1  }
0x39: {  	[tilespmem:$0x360] =	vst v1  }
0x3a: {  	[tilespmem:$0x370] =	vst v1  }
0x3b: {  	[tilespmem:$0x380] =	vst v1  }
0x3c: {  	[tilespmem:$0x390] =	vst v1  }
0x3d: {  	[tilespmem:$0x3A0] =	vst v1  }
0x3e: {  	[tilespmem:$0x3B0] =	vst v1  }
0x3f: {  	[spmem:s5] =	stream.linear.scatter [tilespmem:s12], [sflag:$0x9], $0x280, $0x38;
	[tilespmem:$0x640] =	vst v63  }
0x40: {  	_ =	swait.ge [sflag:s13], $0x280  }
0x41: {  	[sflag:s13] =	ssyncset.done $0x0  }
0x42: {  	[sflag:s13] =	ssyncadd.s32 $0xFFFFFD80  }
0x43: {  	[bflag:$0x0] =	sbarrier.arrive $0xFFFF  }
0x44: {  	[tilespmem:s3], [sflag:$0x1] =	stream.linear.gather [hbm4b:s4+s3], $0x40, $0x38;
	[tilespmem:$0x640] =	vst v63  }
0x45: {  	_ = 	snop  }
0x46: {  	[tilespmem:s14], [sflag:$0x2] =	stream.linear.gather [hbm4b:s6+s3], $0x40, $0x38;
	[tilespmem:$0x640] =	vst v63  }
0x47: {  	_ = 	snop  }
0x48: {  	[tilespmem:s15], [sflag:$0x3] =	stream.linear.gather [hbm4b:s7+s3], $0x40, $0x38;
	[tilespmem:$0x640] =	vst v63  }
0x49: {  	_ = 	snop  }
0x4a: {  	[tilespmem:s16], [sflag:$0x4] =	stream.linear.gather [hbm4b:s8+s3], $0x40, $0x38;
	[tilespmem:$0x640] =	vst v63  }
0x4b: {  	_ =	swait.ge [sflag:s17], $0x40  }
0x4c: {  	[sflag:s17] =	ssyncset.done $0x0  }
0x4d: {  	[sflag:s17] =	ssyncadd.s32 $0xFFFFFFC0  }
0x4e: {  	[spmem:s1] =	stream.indirect.scatter.add.f32 [tilespmem:s18], [sflag:$0x5], $0x1, s3, s14, $0xb8;
	[tilespmem:$0x640] =	vst v63  }
0x4f: {  	_ =	swait.ge [sflag:s19], $0x40  }
0x50: {  	[sflag:s19] =	ssyncset.done $0x0  }
0x51: {  	[sflag:s19] =	ssyncadd.s32 $0xFFFFFFC0  }
0x52: {  	[spmem:s1] =	stream.indirect.scatter.add.f32 [tilespmem:s18], [sflag:$0x6], $0x1, s14, s14, $0xb8;
	[tilespmem:$0x640] =	vst v63  }
0x53: {  	_ =	swait.ge [sflag:s20], $0x40  }
0x54: {  	[sflag:s20] =	ssyncset.done $0x0  }
0x55: {  	[sflag:s20] =	ssyncadd.s32 $0xFFFFFFC0  }
0x56: {  	[spmem:s1] =	stream.indirect.scatter.add.f32 [tilespmem:s18], [sflag:$0x7], $0x1, s15, s14, $0xb8;
	[tilespmem:$0x640] =	vst v63  }
0x57: {  	_ =	swait.ge [sflag:s21], $0x40  }
0x58: {  	[sflag:s21] =	ssyncset.done $0x0  }
0x59: {  	[sflag:s21] =	ssyncadd.s32 $0xFFFFFFC0  }
0x5a: {  	[spmem:s1] =	stream.indirect.scatter.add.f32 [tilespmem:s18], [sflag:$0x8], $0x1, s16, s14, $0xb8;
	[tilespmem:$0x640] =	vst v63  }
0x5b: {  	_ =	swait.ge [sflag:s22], $0x40  }
0x5c: {  	s29 =	sadd.s32 $0x0, s11;
	[sflag:s22] =	ssyncset.done $0x0  }
0x5d: {  	s28 =	sadd.s32 $0x20, s29;
	[sflag:s22] =	ssyncadd.s32 $0xFFFFFFC0  }
0x5e: {  	[tilespmem:s3], [sflag:$0x1] =	stream.linear.gather [hbm4b:s28+s3], $0x40, $0x38;
	[tilespmem:$0x640] =	vst v63  }
0x5f: {  	_ =	swait.ge [sflag:s23], $0x40  }
0x60: {  	[sflag:s23] =	ssyncset.done $0x0  }
0x61: {  	s28 =	sadd.s32 $0x28, s29;
	[sflag:s23] =	ssyncadd.s32 $0xFFFFFFC0  }
0x62: {  	[tilespmem:s14], [sflag:$0x2] =	stream.linear.gather [hbm4b:s28+s3], $0x40, $0x38;
	[tilespmem:$0x640] =	vst v63  }
0x63: {  	_ =	swait.ge [sflag:s24], $0x40  }
0x64: {  	[sflag:s24] =	ssyncset.done $0x0  }
0x65: {  	s28 =	sadd.s32 $0x30, s29;
	[sflag:s24] =	ssyncadd.s32 $0xFFFFFFC0  }
0x66: {  	[tilespmem:s15], [sflag:$0x3] =	stream.linear.gather [hbm4b:s28+s3], $0x40, $0x38;
	[tilespmem:$0x640] =	vst v63  }
0x67: {  	_ =	swait.ge [sflag:s25], $0x40  }
0x68: {  	[sflag:s25] =	ssyncset.done $0x0  }
0x69: {  	s29 =	sadd.s32 $0x38, s29;
	s28 =	simm.s32 $0x20;
	[sflag:s25] =	ssyncadd.s32 $0xFFFFFFC0  }
.LBB2_2:
0x6a: {  	[tilespmem:s16], [sflag:$0x4] =	stream.linear.gather [hbm4b:s29+s3], $0x40, $0x38;
	[tilespmem:$0x640] =	vst v63  }
0x6b: {  	s29 =	smov.u32 s28  }
0x6c: {  	p0 =	sne.s32 s28, $0x4C0;
	s28 =	sadd.s32 $0x20, s28;
	_ =	swait.ge [sflag:s17], $0x40  }
0x6d: {  	[sflag:s17] =	ssyncset.done $0x0  }
0x6e: {  	[sflag:s17] =	ssyncadd.s32 $0xFFFFFFC0  }
0x6f: {  	[spmem:s1] =	stream.indirect.scatter.add.f32 [tilespmem:s18], [sflag:$0x5], $0x1, s3, s14, $0xb8;
	[tilespmem:$0x640] =	vst v63  }
0x70: {  	_ =	swait.ge [sflag:s19], $0x40  }
0x71: {  	[sflag:s19] =	ssyncset.done $0x0  }
0x72: {  	[sflag:s19] =	ssyncadd.s32 $0xFFFFFFC0  }
0x73: {  	[spmem:s1] =	stream.indirect.scatter.add.f32 [tilespmem:s18], [sflag:$0x6], $0x1, s14, s14, $0xb8;
	[tilespmem:$0x640] =	vst v63  }
0x74: {  	_ =	swait.ge [sflag:s20], $0x40  }
0x75: {  	[sflag:s20] =	ssyncset.done $0x0  }
0x76: {  	[sflag:s20] =	ssyncadd.s32 $0xFFFFFFC0  }
0x77: {  	[spmem:s1] =	stream.indirect.scatter.add.f32 [tilespmem:s18], [sflag:$0x7], $0x1, s15, s14, $0xb8;
	[tilespmem:$0x640] =	vst v63  }
0x78: {  	_ =	swait.ge [sflag:s21], $0x40  }
0x79: {  	[sflag:s21] =	ssyncset.done $0x0  }
0x7a: {  	[sflag:s21] =	ssyncadd.s32 $0xFFFFFFC0  }
0x7b: {  	[spmem:s1] =	stream.indirect.scatter.add.f32 [tilespmem:s18], [sflag:$0x8], $0x1, s16, s14, $0xb8;
	[tilespmem:$0x640] =	vst v63  }
0x7c: {  	_ =	swait.ge [sflag:s22], $0x40  }
0x7d: {  	s29 =	sadd.s32 s29, s11;
	[sflag:s22] =	ssyncset.done $0x0  }
0x7e: {  	s30 =	sadd.s32 $0x20, s29;
	[sflag:s22] =	ssyncadd.s32 $0xFFFFFFC0  }
0x7f: {  	[tilespmem:s3], [sflag:$0x1] =	stream.linear.gather [hbm4b:s30+s3], $0x40, $0x38;
	[tilespmem:$0x640] =	vst v63  }
0x80: {  	_ =	swait.ge [sflag:s23], $0x40  }
0x81: {  	[sflag:s23] =	ssyncset.done $0x0  }
0x82: {  	s30 =	sadd.s32 $0x28, s29;
	[sflag:s23] =	ssyncadd.s32 $0xFFFFFFC0  }
0x83: {  	[tilespmem:s14], [sflag:$0x2] =	stream.linear.gather [hbm4b:s30+s3], $0x40, $0x38;
	[tilespmem:$0x640] =	vst v63  }
0x84: {  	_ =	swait.ge [sflag:s24], $0x40  }
0x85: {  	[sflag:s24] =	ssyncset.done $0x0  }
.Ltmp0:
0x86: {  	s30 =	sadd.s32 $0x30, s29;
	[sflag:s24] =	ssyncadd.s32 $0xFFFFFFC0;
	(pc) =	sbr.rel @p0 .LBB2_2-.Ltmp0, $4  }
0x87: {  	[tilespmem:s15], [sflag:$0x3] =	stream.linear.gather [hbm4b:s30+s3], $0x40, $0x38;
	[tilespmem:$0x640] =	vst v63  }
0x88: {  	_ =	swait.ge [sflag:s25], $0x40  }
0x89: {  	[sflag:s25] =	ssyncset.done $0x0  }
0x8a: {  	s29 =	sadd.s32 $0x38, s29;
	[sflag:s25] =	ssyncadd.s32 $0xFFFFFFC0  }
0x8b: {  	[tilespmem:s16], [sflag:$0x4] =	stream.linear.gather [hbm4b:s29+s3], $0x40, $0x38;
	[tilespmem:$0x640] =	vst v63  }
0x8c: {  	_ =	swait.ge [sflag:s17], $0x40  }
0x8d: {  	[sflag:s17] =	ssyncset.done $0x0  }
0x8e: {  	[sflag:s17] =	ssyncadd.s32 $0xFFFFFFC0  }
0x8f: {  	[spmem:s1] =	stream.indirect.scatter.add.f32 [tilespmem:s18], [sflag:$0x5], $0x1, s3, s14, $0xb8;
	[tilespmem:$0x640] =	vst v63  }
0x90: {  	_ =	swait.ge [sflag:s19], $0x40  }
0x91: {  	[sflag:s19] =	ssyncset.done $0x0  }
0x92: {  	[sflag:s19] =	ssyncadd.s32 $0xFFFFFFC0  }
0x93: {  	[spmem:s1] =	stream.indirect.scatter.add.f32 [tilespmem:s18], [sflag:$0x6], $0x1, s14, s14, $0xb8;
	[tilespmem:$0x640] =	vst v63  }
0x94: {  	_ =	swait.ge [sflag:s20], $0x40  }
0x95: {  	[sflag:s20] =	ssyncset.done $0x0  }
0x96: {  	[sflag:s20] =	ssyncadd.s32 $0xFFFFFFC0  }
0x97: {  	[spmem:s1] =	stream.indirect.scatter.add.f32 [tilespmem:s18], [sflag:$0x7], $0x1, s15, s14, $0xb8;
	[tilespmem:$0x640] =	vst v63  }
0x98: {  	_ =	swait.ge [sflag:s21], $0x40  }
0x99: {  	[sflag:s21] =	ssyncset.done $0x0  }
0x9a: {  	[sflag:s21] =	ssyncadd.s32 $0xFFFFFFC0  }
0x9b: {  	[spmem:s1] =	stream.indirect.scatter.add.f32 [tilespmem:s18], [sflag:$0x8], $0x1, s16, s14, $0xb8;
	[tilespmem:$0x640] =	vst v63  }
0x9c: {  	_ =	swait.ge [sflag:s22], $0x40  }
0x9d: {  	[sflag:s22] =	ssyncset.done $0x0  }
0x9e: {  	[sflag:s22] =	ssyncadd.s32 $0xFFFFFFC0  }
0x9f: {  	_ =	swait.ge [sflag:s23], $0x40  }
0xa0: {  	[sflag:s23] =	ssyncset.done $0x0  }
0xa1: {  	[sflag:s23] =	ssyncadd.s32 $0xFFFFFFC0  }
0xa2: {  	_ =	swait.ge [sflag:s24], $0x40  }
0xa3: {  	[sflag:s24] =	ssyncset.done $0x0  }
0xa4: {  	[sflag:s24] =	ssyncadd.s32 $0xFFFFFFC0  }
0xa5: {  	_ =	swait.ge [sflag:s25], $0x40  }
0xa6: {  	[sflag:s25] =	ssyncset.done $0x0  }
0xa7: {  	[sflag:s25] =	ssyncadd.s32 $0xFFFFFFC0  }
0xa8: {  	[bflag:$0x0] =	sbarrier.arrive $0xFFFF  }
0xa9: {  	[tilespmem:s12], [sflag:$0x9] =	stream.linear.gather [spmem:s5], $0x280, $0x38;
	[tilespmem:$0x640] =	vst v63  }
0xaa: {  	s26 =	sadd.s32 $0x1, s26;
	_ =	swait.ge [sflag:s13], $0x280  }
0xab: {  	p0 =	sne.s32 s26, s10;
	[sflag:s13] =	ssyncset.done $0x0  }
.Ltmp1:
0xac: {  	[sflag:s13] =	ssyncadd.s32 $0xFFFFFD80;
	(pc) =	sbr.rel @p0 .LBB2_1-.Ltmp1, $4  }
0xad: {  	[hbm4b:s9+s3] =	stream.linear.scatter [tilespmem:s12], [sflag:$0x9], $0x280, $0x38;
	[tilespmem:$0x640] =	vst v63  }
0xae: {  	_ =	swait.ge [sflag:s13], $0x280  }
0xaf: {  	[sflag:s13] =	ssyncset.done $0x0  }
0xb0: {  	[sflag:s13] =	ssyncadd.s32 $0xFFFFFD80  }
0xb1: {  	_ =	sfence.sel $0x180000  }
0xb2: {  	[bflag:$0x0] =	sbarrier.arrive $0xFFFF  }
0xb3: {  	p0 =	sne.s32 s2, $0x0;
	_ =	strace $0x90000047  }
0xb4: {  	s0 =	sadd.s32 @!p0 $0x100000, s0;
	[bflag:$0x2] =	sbarrier.arrive $0xFFFF  }
0xb5: {  	[sflag:s0] =	ssyncadd.tile.s32 @!p0 $0x1;
	_ =	shalt  }
.Lfunc_end2:
_tile_overlayer_lowered:
.L_overlay_start_2:
0xb6: {  	(tag) =	ssettag $0x2  }
0xb7: {  	s0 =	rddreg [dreg:$0x0];
	s2 =	stileid.u32  }
0xb8: {  	s1 =	rddreg [dreg:$0x1];
	p0 =	sne.s32 s2, $0x0  }
0xb9: {  	s3 =	rddreg [dreg:$0x2];
	[bflag:$0x3] =	sbarrier.arrive $0xFFFF;
	s2 =	simm.s32 @!p0 $0x1C09  }
0xba: {  	[timem:s3], [sflag:s2] =	dma.local @!p0 [hbm:s0], s1  }
0xbb: {  	s0 =	simm.s32 @!p0 $0x9  }
0xbc: {  	_ =	swait.ge @!p0 [sflag:s0], s1  }
0xbd: {  	s1 =	ssub.s32 @!p0 $0x0, s1;
	[sflag:s0] =	ssyncset.done @!p0 $0x0  }
0xbe: {  	[sflag:s0] =	ssyncadd.s32 @!p0 s1  }
0xbf: {  	[bflag:$0x3] =	sbarrier.arrive $0xFFFF  }
0xc0: {  	_ =	shalt  }

</sc_bundles>
